<compile_context>
chip_gen: v7x
topology: tpu7x:2x2x1
jax: 0.10.2.dev20260603
libtpu: 0.0.44.dev20260713+nightly
codegen_flags: <defaults>
</compile_context>

<pallas_src>
import jax
import jax.numpy as jnp
from jax import lax
from jax.experimental import pallas as pl
from jax.experimental.pallas import tpu as pltpu
from jax.experimental.pallas import tpu_sc as plsc

N_PROT = 1512
NODES = 100
EDGES = 1600
HID = 64
DIN = 7
PPI = 16384
N = N_PROT * NODES
E = N_PROT * EDGES
TILE_P = 56
TILE_N = TILE_P * NODES
N_TILES = N_PROT // TILE_P
K_SEL = NODES // 2
N_STEPS = 11

_HX = jax.lax.Precision.HIGHEST
_LO = jax.lax.Precision.DEFAULT
_MM = (((1,), (0,)), ((), ()))


def _split(a):
    ah = a.astype(jnp.bfloat16)
    al = (a - ah.astype(jnp.float32)).astype(jnp.bfloat16)
    return ah, al


def _mm2(a_bf, b, dn=_MM):
    bh, bl = _split(b)
    f = lambda u, v: lax.dot_general(u, v, dn,
                                     preferred_element_type=jnp.float32)
    return f(a_bf, bh) + f(a_bf, bl)


def _sel3(sel_bf, v, dn=_MM):
    vh = v.astype(jnp.bfloat16)
    r1 = v - vh.astype(jnp.float32)
    vl = r1.astype(jnp.bfloat16)
    vll = (r1 - vl.astype(jnp.float32)).astype(jnp.bfloat16)
    f = lambda u, w: lax.dot_general(u, w, dn,
                                     preferred_element_type=jnp.float32)
    return f(sel_bf, vh) + f(sel_bf, vl) + f(sel_bf, vll)


def _edge_slice(ref, pid):
    return ref.at[pl.ds(pid * EDGES, EDGES)]


def _a_slice(ref, pid):
    return ref.at[pl.ds(pid * NODES * NODES, NODES * NODES)]


def _adjacency_body(src_ref, dst_ref, a_ref,
                    es0, ed0, es1, ed1, es2, ed2, es3, ed3,
                    idx0, idx1, a0, a1,
                    sme0, sme1, sme2, sme3, smo0, smo1):
    info = plsc.get_sparse_core_info()
    nc = info.num_cores
    wid = lax.axis_index("s") * nc + lax.axis_index("c")
    base = wid * 48
    zeros16 = jnp.zeros((16,), jnp.float32)
    ones16 = jnp.ones((16,), jnp.float32)
    e_bufs = [(es0, ed0, sme0), (es1, ed1, sme1),
              (es2, ed2, sme2), (es3, ed3, sme3)]
    a_bufs = [(a0, idx0, smo0), (a1, idx1, smo1)]

    def zero_body(i, c):
        sl = pl.ds(i * 16, 16)
        a0[sl] = zeros16
        a1[sl] = zeros16
        return c

    lax.fori_loop(0, (NODES * NODES) // 16, zero_body, 0)

    for m in range(2):
        pid = base + m
        es, ed, sme = e_bufs[m]

        @pl.when(pid < N_PROT)
        def _():
            pltpu.async_copy(_edge_slice(src_ref, pid), es, sme)
            pltpu.async_copy(_edge_slice(dst_ref, pid), ed, sme)

    def outer(k, c):
        for m in range(4):
            pid = base + k * 4 + m
            es, ed, sme = e_bufs[m]
            esn, edn, smen = e_bufs[(m + 2) % 4]
            abuf, idxb, smo = a_bufs[m % 2]

            @pl.when(pid < N_PROT)
            def _():
                pltpu.make_async_copy(_edge_slice(src_ref, pid), es, sme).wait()
                pltpu.make_async_copy(_edge_slice(dst_ref, pid), ed, sme).wait()
                @pl.when(pid + 2 < jnp.minimum(base + 48, N_PROT))
                def _():
                    pltpu.async_copy(_edge_slice(src_ref, pid + 2), esn, smen)
                    pltpu.async_copy(_edge_slice(dst_ref, pid + 2), edn, smen)

                @pl.when(pid >= base + 2)
                def _():
                    pltpu.make_async_copy(abuf, _a_slice(a_ref, pid - 2),
                                          smo).wait()

                    def clean_body(v, c2):
                        fl = idxb[pl.ds(v * 32, 16)]
                        fl2 = idxb[pl.ds(v * 32 + 16, 16)]
                        plsc.store_scatter(abuf, [fl], zeros16)
                        plsc.store_scatter(abuf, [fl2], zeros16)
                        return c2

                    lax.fori_loop(0, EDGES // 32, clean_body, 0)

                off = pid * (NODES * 101)

                def scat_body(v, c2):
                    for u in range(2):
                        sl = pl.ds(v * 32 + u * 16, 16)
                        fl = ed[sl] * NODES + es[sl] - off
                        idxb[sl] = fl
                        plsc.addupdate_scatter(abuf, [fl], ones16)
                    return c2

                lax.fori_loop(0, EDGES // 32, scat_body, 0)
                pltpu.async_copy(abuf, _a_slice(a_ref, pid), smo)

        return c

    lax.fori_loop(0, 12, outer, 0)

    nprot = jnp.minimum(48, N_PROT - base)
    for j in range(2):
        abuf, idxb, smo = a_bufs[j]
        last = base + nprot - 2 + j
        pltpu.make_async_copy(abuf, _a_slice(a_ref, last), smo).wait()


def _build_adjacency(edge_index):
    mesh = plsc.VectorSubcoreMesh(core_axis_name="c", subcore_axis_name="s")
    ei = pltpu.VMEM((EDGES,), jnp.int32)
    return pl.kernel(
        _adjacency_body,
        mesh=mesh,
        compiler_params=pltpu.CompilerParams(needs_layout_passes=False),
        out_type=jax.ShapeDtypeStruct((N * NODES,), jnp.float32),
        scratch_types=[
            ei, ei, ei, ei, ei, ei, ei, ei,
            pltpu.VMEM((EDGES,), jnp.int32),
            pltpu.VMEM((EDGES,), jnp.int32),
            pltpu.VMEM((NODES * NODES,), jnp.float32),
            pltpu.VMEM((NODES * NODES,), jnp.float32),
            pltpu.SemaphoreType.DMA,
            pltpu.SemaphoreType.DMA,
            pltpu.SemaphoreType.DMA,
            pltpu.SemaphoreType.DMA,
            pltpu.SemaphoreType.DMA,
            pltpu.SemaphoreType.DMA,
        ],
    )(edge_index[0], edge_index[1])


def _gather_body(x_ref, idx_ref, out_ref, idx_v, rows_v, sem):
    info = plsc.get_sparse_core_info()
    nc = info.num_cores
    wid = lax.axis_index("s") * nc + lax.axis_index("c")
    pltpu.sync_copy(idx_ref.at[pl.ds(wid * 8, 8), :], idx_v)
    for j in range(8):
        buf = rows_v.at[j % 2]
        pltpu.async_copy(x_ref.at[idx_v.at[j]], buf, sem).wait()
        pltpu.sync_copy(buf, out_ref.at[pl.ds(wid * 1024 + j * 128, 128), :])


def _gather_rows(xpad, idx2d):
    mesh = plsc.VectorSubcoreMesh(core_axis_name="c", subcore_axis_name="s")
    return pl.kernel(
        _gather_body,
        mesh=mesh,
        compiler_params=pltpu.CompilerParams(needs_layout_passes=False),
        out_type=jax.ShapeDtypeStruct((2 * PPI, 2 * HID), jnp.float32),
        scratch_types=[
            pltpu.VMEM((8, 128), jnp.int32),
            pltpu.VMEM((2, 128, 2 * HID), jnp.float32),
            pltpu.SemaphoreType.DMA,
        ],
    )(xpad, idx2d)


def _f(u, v):
    return lax.dot_general(u, v, _MM, preferred_element_type=jnp.float32)


def _split3cat(a):
    ah = a.astype(jnp.bfloat16)
    r1 = a - ah.astype(jnp.float32)
    al = r1.astype(jnp.bfloat16)
    all_ = (r1 - al.astype(jnp.float32)).astype(jnp.bfloat16)
    return ah, jnp.concatenate([ah, al, all_], axis=1)


def _compute_h2(X, Abf, wl_bf, wr_bf, bl, fc1w_bf, fc1b):
    xh, xcat = _split3cat(X)
    aggs = []
    for p in range(TILE_P):
        sl = slice(p * NODES, (p + 1) * NODES)
        aggs.append(_f(Abf[sl], xcat[sl]))
    agg3 = jnp.concatenate(aggs, axis=0)
    agg = (agg3[:, :DIN] + agg3[:, DIN:2 * DIN] + agg3[:, 2 * DIN:])
    h1 = (_f(agg.astype(jnp.bfloat16), wl_bf) + bl) + _f(xh, wr_bf)
    return jax.nn.relu(_f(h1.astype(jnp.bfloat16), fc1w_bf) + fc1b)


def _stats_kernel(x_ref, a_ref, psum_ref, wl_ref, wr_ref, bl_ref,
                  f1w_ref, f1b_ref, s1_ref, s2_ref, h2_ref):
    h2 = _compute_h2(x_ref[...], a_ref[...].astype(jnp.bfloat16),
                     wl_ref[...].astype(jnp.bfloat16),
                     wr_ref[...].astype(jnp.bfloat16),
                     bl_ref[...],
                     f1w_ref[...].astype(jnp.bfloat16), f1b_ref[...])
    psum = psum_ref[...]
    s12 = _mm2(psum, jnp.concatenate([h2, h2 * h2], axis=1))
    s1_ref[...] = s12[:, :HID]
    s2_ref[...] = s12[:, HID:]
    h2_ref[...] = h2


def _stats_pass(X, A, psum, wl, wr, bl, fc1w, fc1b):
    full = lambda shp: pl.BlockSpec(shp, lambda i: (0,) * len(shp))
    return pl.pallas_call(
        _stats_kernel,
        grid=(N_TILES,),
        in_specs=[
            pl.BlockSpec((TILE_N, DIN), lambda i: (i, 0)),
            pl.BlockSpec((TILE_N, NODES), lambda i: (i, 0)),
            full((TILE_P, TILE_N)),
            full((DIN, HID)), full((DIN, HID)), full((1, HID)),
            full((HID, HID)), full((1, HID)),
        ],
        out_specs=[
            pl.BlockSpec((TILE_P, HID), lambda i: (i, 0)),
            pl.BlockSpec((TILE_P, HID), lambda i: (i, 0)),
            pl.BlockSpec((TILE_N, HID), lambda i: (i, 0)),
        ],
        out_shape=[
            jax.ShapeDtypeStruct((N_PROT, HID), jnp.float32),
            jax.ShapeDtypeStruct((N_PROT, HID), jnp.float32),
            jax.ShapeDtypeStruct((N, HID), jnp.float32),
        ],
    )(X, A, psum, wl, wr, bl, fc1w, fc1b)


def _bn_stats_kernel(s1_ref, s2_ref, mu_ref, sv_ref):
    s1 = s1_ref[...]
    s2 = s2_ref[...]
    srow = lax.broadcasted_iota(jnp.int32, (16, N_PROT), 0)
    pcol = lax.broadcasted_iota(jnp.int32, (16, N_PROT), 1)
    pstep = jnp.minimum(pcol // 128, N_STEPS - 1)
    m = (pstep == srow).astype(jnp.float32)
    cnt = jnp.where(lax.broadcasted_iota(jnp.int32, (16, 1), 0) < N_STEPS - 1,
                    128.0 * NODES, 232.0 * NODES)
    mu = jnp.dot(m, s1, precision=_HX) / cnt
    msq = jnp.dot(m, s2, precision=_HX) / cnt
    var = msq - mu * mu
    sv = jnp.sqrt(var + 1e-5)
    prow = lax.broadcasted_iota(jnp.int32, (N_PROT, 16), 0)
    scol = lax.broadcasted_iota(jnp.int32, (N_PROT, 16), 1)
    sel = (jnp.minimum(prow // 128, N_STEPS - 1) == scol).astype(jnp.float32)
    mu_ref[...] = jnp.dot(sel, mu, precision=_HX)
    sv_ref[...] = jnp.dot(sel, sv, precision=_HX)


def _bn_stats(s1, s2):
    return pl.pallas_call(
        _bn_stats_kernel,
        out_shape=[
            jax.ShapeDtypeStruct((N_PROT, HID), jnp.float32),
            jax.ShapeDtypeStruct((N_PROT, HID), jnp.float32),
        ],
    )(s1, s2)


def _main_kernel(h2_ref, a_ref, mu_ref, sv_ref, psum_ref, rrep_ref,
                 cmask_ref, tri_ref, g_ref, b_ref, wrel_ref, wroot_ref,
                 brel_ref, o_ref):
    Abf = a_ref[...].astype(jnp.bfloat16)
    h2 = h2_ref[...]
    rrep = rrep_ref[...]
    mu_t = mu_ref[...]
    sv_t = sv_ref[...]
    g = g_ref[...]
    b = b_ref[...]
    hns = []
    for p in range(TILE_P):
        sl = slice(p * NODES, (p + 1) * NODES)
        hns.append((h2[sl] - mu_t[p:p + 1]) / sv_t[p:p + 1] * g + b)
    hn = jnp.concatenate(hns, axis=0)

    hn_h, hncat = _split3cat(hn)
    saggs = []
    for p in range(TILE_P):
        sl = slice(p * NODES, (p + 1) * NODES)
        saggs.append(_f(Abf[sl], hncat[sl]))
    sagg3 = jnp.concatenate(saggs, axis=0)
    sagg = (sagg3[:, :HID] + sagg3[:, HID:2 * HID] + sagg3[:, 2 * HID:])
    sc = ((_f(sagg.astype(jnp.bfloat16), wrel_ref[...].astype(jnp.bfloat16))
           + brel_ref[...])
          + _f(hn_h, wroot_ref[...].astype(jnp.bfloat16)))

    psum = psum_ref[...]
    sc_mat = _sel3(psum, sc * cmask_ref[...])
    s_b = _sel3(rrep, sc_mat)
    gt = (s_b > sc).astype(jnp.float32)
    eq = jnp.where(s_b == sc, tri_ref[...], 0.0)
    ones_col = jnp.ones((NODES, 1), jnp.bfloat16)
    rank = _f((gt + eq).astype(jnp.bfloat16), ones_col)
    gate = jnp.where(rank < float(K_SEL), jnp.tanh(sc), 0.0) / K_SEL
    xo = _mm2(psum, gate * hn)
    o_ref[...] = jnp.concatenate(
        [xo, jnp.zeros((TILE_P, HID), jnp.float32)], axis=1)


def _main_pass(h2full, A, mu_n, sv_n, psum, rrep, cmask, tri,
               g, b, wrel, wroot, brel):
    full = lambda shp: pl.BlockSpec(shp, lambda i: (0,) * len(shp))
    return pl.pallas_call(
        _main_kernel,
        grid=(N_TILES,),
        in_specs=[
            pl.BlockSpec((TILE_N, HID), lambda i: (i, 0)),
            pl.BlockSpec((TILE_N, NODES), lambda i: (i, 0)),
            pl.BlockSpec((TILE_P, HID), lambda i: (i, 0)),
            pl.BlockSpec((TILE_P, HID), lambda i: (i, 0)),
            full((TILE_P, TILE_N)), full((TILE_N, TILE_P)),
            full((TILE_N, NODES)), full((TILE_N, NODES)),
            full((1, HID)), full((1, HID)),
            full((HID, 1)), full((HID, 1)), full((1, 1)),
        ],
        out_specs=pl.BlockSpec((TILE_P, 2 * HID), lambda i: (i, 0)),
        out_shape=jax.ShapeDtypeStruct((N_PROT, 2 * HID), jnp.float32),
    )(h2full, A, mu_n, sv_n, psum, rrep, cmask, tri,
      g, b, wrel, wroot, brel)


def _decoder_kernel(x1_ref, x2_ref, ck_ref, cb_ref, l1w_ref, l1b_ref,
                    l2w_ref, l2b_ref, o_ref):
    hh = jnp.concatenate(
        [x1_ref[...][:, :HID], x2_ref[...][:, :HID]], axis=1)
    u_in = lax.broadcasted_iota(jnp.int32, (2 * HID, 4 * HID), 0)
    col = lax.broadcasted_iota(jnp.int32, (2 * HID, 4 * HID), 1)
    c_out = col // HID
    u_out = col - c_out * HID
    oc4 = lax.broadcasted_iota(jnp.int32, (4, 4 * HID), 0)
    oc = (oc4 == c_out[:1, :]).astype(jnp.float32)
    ck = ck_ref[...]
    dn = (((0,), (0,)), ((), ()))
    kv = [lax.dot_general(ck[:, d:d + 1], oc, dn, precision=_HX)
          for d in range(3)]
    bias = lax.dot_general(cb_ref[...], oc, dn, precision=_HX)
    pos = [None, None]
    for par in (0, 1):
        bmat = jnp.zeros((2 * HID, 4 * HID), jnp.float32)
        for d in range(3):
            mask = (u_in == 2 * u_out + d - 1 + par).astype(jnp.float32)
            bmat = bmat + mask * kv[d]
        pos[par] = jnp.dot(hh, bmat, precision=_LO)
    po = jnp.maximum(pos[0], pos[1]) + bias
    o1 = jax.nn.relu(jnp.dot(po, l1w_ref[...], precision=_LO) + l1b_ref[...])
    o = jnp.dot(o1, l2w_ref[...], precision=_LO) + l2b_ref[...]
    o_ref[...] = 1.0 / (1.0 + jnp.exp(-o))


def _decoder(gathered, ck, cb, l1w, l1b, l2w, l2b):
    t = 2048
    full = lambda shp: pl.BlockSpec(shp, lambda i: (0,) * len(shp))
    return pl.pallas_call(
        _decoder_kernel,
        grid=(PPI // t,),
        in_specs=[
            pl.BlockSpec((t, 2 * HID), lambda i: (i, 0)),
            pl.BlockSpec((t, 2 * HID), lambda i: (i + PPI // 2048, 0)),
            full((4, 3)), full((4, 1)),
            full((4 * HID, HID)), full((1, HID)),
            full((HID, 1)), full((1, 1)),
        ],
        out_specs=pl.BlockSpec((t, 1), lambda i: (i, 0)),
        out_shape=jax.ShapeDtypeStruct((PPI, 1), jnp.float32),
    )(gathered, gathered, ck, cb, l1w, l1b, l2w, l2b)


def kernel(protein_x, node_counts, edge_index, edge_counts, ppi_index,
           Wl, bl, Wr, fc1_W, fc1_b, bn_g, bn_b,
           sag_Wrel, sag_brel, sag_Wroot, conv_k, conv_b,
           lin1_W, lin1_b, lin2_W, lin2_b):
    a_flat = _build_adjacency(edge_index)
    A = a_flat.reshape(N, NODES)
    bl1 = bl.reshape(1, HID)
    fc1b1 = fc1_b.reshape(1, HID)
    g1 = bn_g.reshape(1, HID)
    b1 = bn_b.reshape(1, HID)
    brel1 = sag_brel.reshape(1, 1)
    rloc = jnp.arange(TILE_N, dtype=jnp.int32) % NODES
    prot = jnp.arange(TILE_N, dtype=jnp.int32) // NODES
    lane = jnp.arange(NODES, dtype=jnp.int32)[None, :]
    tri = (lane < rloc[:, None]).astype(jnp.float32)
    cmask = (lane == rloc[:, None]).astype(jnp.float32)
    psum = (jnp.arange(TILE_P, dtype=jnp.int32)[:, None]
            == prot[None, :]).astype(jnp.bfloat16)
    rrep = (prot[:, None]
            == jnp.arange(TILE_P, dtype=jnp.int32)[None, :]).astype(jnp.bfloat16)
    s1, s2, h2full = _stats_pass(protein_x, A, psum, Wl, Wr, bl1,
                                 fc1_W, fc1b1)
    mu_n, sv_n = _bn_stats(s1, s2)
    xpad = _main_pass(h2full, A, mu_n, sv_n, psum, rrep, cmask, tri,
                      g1, b1, sag_Wrel, sag_Wroot, brel1)
    x = xpad[:, :HID]
    idx2d = ppi_index.reshape(256, 128)
    gathered = _gather_rows(xpad, idx2d)
    o = _decoder(gathered, conv_k.reshape(4, 3), conv_b.reshape(4, 1),
                 lin1_W, lin1_b.reshape(1, HID), lin2_W, lin2_b.reshape(1, 1))
    return x, o.reshape(-1)

# --- scband reference (transcript-rebuilt; emitter-appended) ---
"""Pipeline reference for scband-protein-graph-60876866454166 (READ-ONLY COPY).

The authoritative reference and input builder live on the scoring server;
editing this copy changes nothing except your own understanding.
"""

import jax, jax.numpy as jnp
import numpy as np

N_PROT = 1512
NODES_PER = 100
EDGES_PER = 1600
HID = 64
DIN = 7
PPI = 16384


def setup_inputs(seed: int = 0):
    key = jax.random.key(seed)
    ks = jax.random.split(key, 16)
    N = N_PROT * NODES_PER
    E = N_PROT * EDGES_PER
    protein_x = jax.random.normal(ks[0], (N, DIN), dtype=jnp.float32)
    node_counts = jnp.full((N_PROT,), NODES_PER, dtype=jnp.int32)
    edge_counts = jnp.full((N_PROT,), EDGES_PER, dtype=jnp.int32)
    # intra-protein edges: local endpoints in [0,100) shifted by per-protein node offset
    src = jax.random.randint(ks[1], (E,), 0, NODES_PER)
    dst = jax.random.randint(ks[2], (E,), 0, NODES_PER)
    off = jnp.repeat(jnp.arange(N_PROT) * NODES_PER, EDGES_PER)
    edge_index = jnp.stack([src + off, dst + off]).astype(jnp.int32)
    ppi_index = jax.random.randint(ks[3], (2, PPI), 0, N_PROT).astype(jnp.int32)
    s = 0.1
    Wl = jax.random.normal(ks[4], (DIN, HID)) * s
    bl = jnp.zeros((HID,))
    Wr = jax.random.normal(ks[5], (DIN, HID)) * s
    fc1_W = jax.random.normal(ks[6], (HID, HID)) * s
    fc1_b = jnp.zeros((HID,))
    bn_g = jnp.ones((HID,))
    bn_b = jnp.zeros((HID,))
    sag_Wrel = jax.random.normal(ks[7], (HID, 1)) * s
    sag_brel = jnp.zeros((1,))
    sag_Wroot = jax.random.normal(ks[8], (HID, 1)) * s
    conv_k = jax.random.normal(ks[9], (4, 1, 3)) * s
    conv_b = jnp.zeros((4,))
    lin1_W = jax.random.normal(ks[10], (4 * HID, HID)) * s
    lin1_b = jnp.zeros((HID,))
    lin2_W = jax.random.normal(ks[11], (HID, 1)) * s
    lin2_b = jnp.zeros((1,))
    return dict(protein_x=protein_x, node_counts=node_counts, edge_index=edge_index,
                edge_counts=edge_counts, ppi_index=ppi_index,
                Wl=Wl, bl=bl, Wr=Wr, fc1_W=fc1_W, fc1_b=fc1_b, bn_g=bn_g, bn_b=bn_b,
                sag_Wrel=sag_Wrel, sag_brel=sag_brel, sag_Wroot=sag_Wroot,
                conv_k=conv_k, conv_b=conv_b, lin1_W=lin1_W, lin1_b=lin1_b,
                lin2_W=lin2_W, lin2_b=lin2_b)


def _forward(protein_x, Wl, bl, Wr, fc1_W, fc1_b, bn_g, bn_b,
             sag_Wrel, sag_brel, sag_Wroot, conv_k, conv_b,
             lin1_W, lin1_b, lin2_W, lin2_b,
             node_counts, edge_counts, edge_index, ppi_index):
    zero = jnp.zeros((1,), dtype=jnp.int32)
    ncum = jnp.concatenate([zero, jnp.cumsum(node_counts)])
    ecum = jnp.concatenate([zero, jnp.cumsum(edge_counts)])
    batch_size = 128
    steps = int(N_PROT / batch_size)  # 11, last step takes remainder
    xs = []
    for step in range(steps):
        sp = batch_size * step
        ep = N_PROT if step == steps - 1 else batch_size * (step + 1)
        ng = ep - sp
        nb = ng * NODES_PER
        neb = ng * EDGES_PER
        n_start = ncum[sp]
        e_start = ecum[sp]
        xb = jax.lax.dynamic_slice(protein_x, (n_start, jnp.int32(0)), (nb, DIN))
        eb = jax.lax.dynamic_slice(edge_index, (jnp.int32(0), e_start), (2, neb)) - n_start
        # SAGEConv with sum aggregation: lin_l(sum_j x_j) + lin_r(x)
        agg = jax.ops.segment_sum(xb[eb[0]], eb[1], num_segments=nb)
        h = agg @ Wl + bl + xb @ Wr
        # fc1 + relu + BatchNorm1d (training-mode batch stats)
        h = jax.nn.relu(h @ fc1_W + fc1_b)
        mu = jnp.mean(h, axis=0)
        var = jnp.var(h, axis=0)
        h = (h - mu) / jnp.sqrt(var + 1e-5) * bn_g + bn_b
        # SAGPooling(hidden, 0.5): GraphConv score, per-graph top-k, tanh gating
        sagg = jax.ops.segment_sum(h[eb[0]], eb[1], num_segments=nb)
        score = (sagg @ sag_Wrel + sag_brel + h @ sag_Wroot)[:, 0]
        k = NODES_PER // 2
        sc2 = score.reshape(ng, NODES_PER)  # uniform 100 nodes/protein
        _, idx = jax.lax.top_k(sc2, k)
        perm = (idx + (jnp.arange(ng) * NODES_PER)[:, None]).reshape(-1)
        xp = h[perm] * jnp.tanh(score[perm])[:, None]
        bp = jnp.repeat(jnp.arange(ng), k)
        sums = jax.ops.segment_sum(xp, bp, num_segments=ng)
        cnts = jax.ops.segment_sum(jnp.ones((xp.shape[0],)), bp, num_segments=ng)
        xs.append(sums / cnts[:, None])
    x = jnp.concatenate(xs, axis=0)  # [1512, 64]
    # graph_pre_decoder
    x1 = x[ppi_index[0]]
    x2 = x[ppi_index[1]]
    hh = jnp.concatenate([x1, x2], axis=-1)[:, None, :]  # [P,1,128]
    hh = jax.lax.conv_general_dilated(hh, conv_k, window_strides=(1,), padding=[(1, 1)],
                                      dimension_numbers=('NCH', 'OIH', 'NCH')) + conv_b[None, :, None]
    hh = jax.lax.reduce_window(hh, -jnp.inf, jax.lax.max, (1, 1, 2), (1, 1, 2), 'VALID')
    hh = hh.reshape(hh.shape[0], -1)  # [P,256]
    o = jax.nn.relu(hh @ lin1_W + lin1_b)
    o = (o @ lin2_W + lin2_b).reshape(-1)
    return x, jax.nn.sigmoid(o)


def reference(protein_x, node_counts, edge_index, edge_counts, ppi_index,
              Wl, bl, Wr, fc1_W, fc1_b, bn_g, bn_b,
              sag_Wrel, sag_brel, sag_Wroot, conv_k, conv_b,
              lin1_W, lin1_b, lin2_W, lin2_b):
    return _forward(protein_x, Wl, bl, Wr, fc1_W, fc1_b, bn_g, bn_b,
                    sag_Wrel, sag_brel, sag_Wroot, conv_k, conv_b,
                    lin1_W, lin1_b, lin2_W, lin2_b,
                    node_counts, edge_counts, edge_index, ppi_index)

if __name__ == "__main__":
    import jax
    _d = setup_inputs()
    print(jax.jit(kernel)(*tuple(_d.values())))

</pallas_src>

<mosaic_0001>
#map = affine_map<(d0, d1) -> (0, 0)>
module attributes {stable_mosaic.version = 14 : i64} {
  func.func @_gather_body(%arg0: i32, %arg1: i32, %arg2: memref<1512x128xf32, #tpu.memory_space<hbm>>, %arg3: memref<256x128xi32, #tpu.memory_space<hbm>>, %arg4: memref<32768x128xf32, #tpu.memory_space<hbm>>, %arg5: memref<8x128xi32, #tpu.memory_space<vmem>>, %arg6: memref<2x128x128xf32, #tpu.memory_space<vmem>>, %arg7: memref<!tpu.dma_semaphore, #tpu.memory_space<semaphore_mem>>) attributes {dimension_semantics = [#tpu.dimension_semantics<core_parallel>, #tpu.dimension_semantics<subcore_parallel>], iteration_bounds = array<i64: 2, 16>, scalar_prefetch = 0 : i64, scratch_operands = 3 : i64, tpu.core_type = #tpu.core_type<sc_vector_subcore>, window_params = [{transform_indices = #map}, {transform_indices = #map}, {transform_indices = #map}]} {
    %mul3A = arith.constant 2 : i32
    %mul3A_0 = arith.muli %arg1, %mul3A : i32
    %add3A = arith.addi %mul3A_0, %arg0 : i32
    %mul3A_1 = arith.constant 8 : i32
    %mul3A_2 = arith.muli %add3A, %mul3A_1 : i32
    "tpu.region"() ({
      %run_scoped3A_232 = tpu.sem_alloc : memref<!tpu.dma_semaphore, #tpu.memory_space<semaphore_mem>>
      %dma_start3A_233 = arith.constant 0 : i32
      %dma_start3A_234 = tpu.memref_slice %arg3[%mul3A_2, %dma_start3A_233] : memref<256x128xi32, #tpu.memory_space<hbm>> -> memref<8x128xi32, #tpu.memory_space<hbm>>
      %dma_start3A_235 = arith.constant 0 : i32
      %dma_start3A_236 = tpu.memref_slice %arg3[%mul3A_2, %dma_start3A_235] : memref<256x128xi32, #tpu.memory_space<hbm>> -> memref<8x128xi32, #tpu.memory_space<hbm>>
      tpu.enqueue_dma source(%dma_start3A_236 : memref<8x128xi32, #tpu.memory_space<hbm>>) target(%arg5 : memref<8x128xi32, #tpu.memory_space<vmem>>) target_semaphore(%run_scoped3A_232 : memref<!tpu.dma_semaphore, #tpu.memory_space<semaphore_mem>>)
      %dma_wait3A_237 = arith.constant 0 : i32
      %dma_wait3A_238 = tpu.memref_slice %arg3[%mul3A_2, %dma_wait3A_237] : memref<256x128xi32, #tpu.memory_space<hbm>> -> memref<8x128xi32, #tpu.memory_space<hbm>>
      %dma_wait3A_239 = arith.constant 0 : i32
      %dma_wait3A_240 = tpu.memref_slice %arg3[%mul3A_2, %dma_wait3A_239] : memref<256x128xi32, #tpu.memory_space<hbm>> -> memref<8x128xi32, #tpu.memory_space<hbm>>
      tpu.wait_dma2 semaphore(%run_scoped3A_232 : memref<!tpu.dma_semaphore, #tpu.memory_space<semaphore_mem>>) src(%dma_wait3A_240 : memref<8x128xi32, #tpu.memory_space<hbm>>) dst(%arg5 : memref<8x128xi32, #tpu.memory_space<vmem>>)
      tpu.yield
    }) : () -> ()
    %dma_start3A = arith.constant 0 : i32
    %dma_start3A_3 = arith.constant 0 : i32
    %dma_start3A_4 = arith.constant 0 : i32
    %dma_start3A_5 = arith.constant 0 : i32
    %dma_start3A_6 = tpu.memref_slice %arg6[%dma_start3A_3, %dma_start3A_4, %dma_start3A_5] : memref<2x128x128xf32, #tpu.memory_space<vmem>> -> memref<1x128x128xf32, #tpu.memory_space<vmem>>
    %dma_start3A_7 = tpu.memref_squeeze %dma_start3A_6 : memref<1x128x128xf32, #tpu.memory_space<vmem>> -> memref<128x128xf32, #tpu.memory_space<vmem>>
    %dma_start3A_8 = arith.constant 0 : i32
    %dma_start3A_9 = tpu.memref_slice %arg5[%dma_start3A, %dma_start3A_8] : memref<8x128xi32, #tpu.memory_space<vmem>> -> memref<1x128xi32, #tpu.memory_space<vmem>>
    %dma_start3A_10 = tpu.memref_squeeze %dma_start3A_9 : memref<1x128xi32, #tpu.memory_space<vmem>> -> memref<128xi32, #tpu.memory_space<vmem>>
    %dma_start3A_11 = arith.constant 0 : i32
    %dma_start3A_12 = arith.constant 0 : i32
    %dma_start3A_13 = tpu.memref_slice %arg2[%dma_start3A_11, %dma_start3A_12] : memref<1512x128xf32, #tpu.memory_space<hbm>> -> memref<1512x128xf32, #tpu.memory_space<hbm>>
    tpu.enqueue_indirect_dma source(%dma_start3A_13 : memref<1512x128xf32, #tpu.memory_space<hbm>>) target(%dma_start3A_7 : memref<128x128xf32, #tpu.memory_space<vmem>>) offsets(%dma_start3A_10 : memref<128xi32, #tpu.memory_space<vmem>>) semaphore(%arg7 : memref<!tpu.dma_semaphore, #tpu.memory_space<semaphore_mem>>)
    %dma_wait3A = arith.constant 0 : i32
    %dma_wait3A_14 = arith.constant 0 : i32
    %dma_wait3A_15 = arith.constant 0 : i32
    %dma_wait3A_16 = arith.constant 0 : i32
    %dma_wait3A_17 = tpu.memref_slice %arg6[%dma_wait3A_14, %dma_wait3A_15, %dma_wait3A_16] : memref<2x128x128xf32, #tpu.memory_space<vmem>> -> memref<1x128x128xf32, #tpu.memory_space<vmem>>
    %dma_wait3A_18 = tpu.memref_squeeze %dma_wait3A_17 : memref<1x128x128xf32, #tpu.memory_space<vmem>> -> memref<128x128xf32, #tpu.memory_space<vmem>>
    %dma_wait3A_19 = arith.constant 0 : i32
    %dma_wait3A_20 = tpu.memref_slice %arg5[%dma_wait3A, %dma_wait3A_19] : memref<8x128xi32, #tpu.memory_space<vmem>> -> memref<1x128xi32, #tpu.memory_space<vmem>>
    %dma_wait3A_21 = tpu.memref_squeeze %dma_wait3A_20 : memref<1x128xi32, #tpu.memory_space<vmem>> -> memref<128xi32, #tpu.memory_space<vmem>>
    %dma_wait3A_22 = arith.constant 0 : i32
    %dma_wait3A_23 = arith.constant 0 : i32
    %dma_wait3A_24 = tpu.memref_slice %arg2[%dma_wait3A_22, %dma_wait3A_23] : memref<1512x128xf32, #tpu.memory_space<hbm>> -> memref<1512x128xf32, #tpu.memory_space<hbm>>
    tpu.wait_indirect_dma semaphore(%arg7 : memref<!tpu.dma_semaphore, #tpu.memory_space<semaphore_mem>>) src(%dma_wait3A_24 : memref<1512x128xf32, #tpu.memory_space<hbm>>) dst(%dma_wait3A_18 : memref<128x128xf32, #tpu.memory_space<vmem>>)
    %mul3A_25 = arith.constant 1024 : i32
    %mul3A_26 = arith.muli %add3A, %mul3A_25 : i32
    %add3A_27 = arith.constant 0 : i32
    %add3A_28 = arith.addi %mul3A_26, %add3A_27 : i32
    %run_scoped3A = arith.constant 0 : i32
    "tpu.region"() ({
      %run_scoped3A_232 = tpu.sem_alloc : memref<!tpu.dma_semaphore, #tpu.memory_space<semaphore_mem>>
      %dma_start3A_233 = arith.constant 0 : i32
      %dma_start3A_234 = arith.constant 0 : i32
      %dma_start3A_235 = tpu.memref_slice %arg6[%run_scoped3A, %dma_start3A_233, %dma_start3A_234] : memref<2x128x128xf32, #tpu.memory_space<vmem>> -> memref<1x128x128xf32, #tpu.memory_space<vmem>>
      %dma_start3A_236 = tpu.memref_squeeze %dma_start3A_235 : memref<1x128x128xf32, #tpu.memory_space<vmem>> -> memref<128x128xf32, #tpu.memory_space<vmem>>
      %dma_start3A_237 = arith.constant 0 : i32
      %dma_start3A_238 = tpu.memref_slice %arg4[%add3A_28, %dma_start3A_237] : memref<32768x128xf32, #tpu.memory_space<hbm>> -> memref<128x128xf32, #tpu.memory_space<hbm>>
      %dma_start3A_239 = arith.constant 0 : i32
      %dma_start3A_240 = tpu.memref_slice %arg4[%add3A_28, %dma_start3A_239] : memref<32768x128xf32, #tpu.memory_space<hbm>> -> memref<128x128xf32, #tpu.memory_space<hbm>>
      %dma_start3A_241 = arith.constant 0 : i32
      %dma_start3A_242 = arith.constant 0 : i32
      %dma_start3A_243 = tpu.memref_slice %arg6[%run_scoped3A, %dma_start3A_241, %dma_start3A_242] : memref<2x128x128xf32, #tpu.memory_space<vmem>> -> memref<1x128x128xf32, #tpu.memory_space<vmem>>
      %dma_start3A_244 = tpu.memref_squeeze %dma_start3A_243 : memref<1x128x128xf32, #tpu.memory_space<vmem>> -> memref<128x128xf32, #tpu.memory_space<vmem>>
      tpu.enqueue_dma source(%dma_start3A_244 : memref<128x128xf32, #tpu.memory_space<vmem>>) target(%dma_start3A_240 : memref<128x128xf32, #tpu.memory_space<hbm>>) target_semaphore(%run_scoped3A_232 : memref<!tpu.dma_semaphore, #tpu.memory_space<semaphore_mem>>)
      %dma_wait3A_245 = arith.constant 0 : i32
      %dma_wait3A_246 = arith.constant 0 : i32
      %dma_wait3A_247 = tpu.memref_slice %arg6[%run_scoped3A, %dma_wait3A_245, %dma_wait3A_246] : memref<2x128x128xf32, #tpu.memory_space<vmem>> -> memref<1x128x128xf32, #tpu.memory_space<vmem>>
      %dma_wait3A_248 = tpu.memref_squeeze %dma_wait3A_247 : memref<1x128x128xf32, #tpu.memory_space<vmem>> -> memref<128x128xf32, #tpu.memory_space<vmem>>
      %dma_wait3A_249 = arith.constant 0 : i32
      %dma_wait3A_250 = tpu.memref_slice %arg4[%add3A_28, %dma_wait3A_249] : memref<32768x128xf32, #tpu.memory_space<hbm>> -> memref<128x128xf32, #tpu.memory_space<hbm>>
      %dma_wait3A_251 = arith.constant 0 : i32
      %dma_wait3A_252 = tpu.memref_slice %arg4[%add3A_28, %dma_wait3A_251] : memref<32768x128xf32, #tpu.memory_space<hbm>> -> memref<128x128xf32, #tpu.memory_space<hbm>>
      %dma_wait3A_253 = arith.constant 0 : i32
      %dma_wait3A_254 = arith.constant 0 : i32
      %dma_wait3A_255 = tpu.memref_slice %arg6[%run_scoped3A, %dma_wait3A_253, %dma_wait3A_254] : memref<2x128x128xf32, #tpu.memory_space<vmem>> -> memref<1x128x128xf32, #tpu.memory_space<vmem>>
      %dma_wait3A_256 = tpu.memref_squeeze %dma_wait3A_255 : memref<1x128x128xf32, #tpu.memory_space<vmem>> -> memref<128x128xf32, #tpu.memory_space<vmem>>
      tpu.wait_dma2 semaphore(%run_scoped3A_232 : memref<!tpu.dma_semaphore, #tpu.memory_space<semaphore_mem>>) src(%dma_wait3A_256 : memref<128x128xf32, #tpu.memory_space<vmem>>) dst(%dma_wait3A_252 : memref<128x128xf32, #tpu.memory_space<hbm>>)
      tpu.yield
    }) : () -> ()
    %dma_start3A_29 = arith.constant 1 : i32
    %dma_start3A_30 = arith.constant 1 : i32
    %dma_start3A_31 = arith.constant 0 : i32
    %dma_start3A_32 = arith.constant 0 : i32
    %dma_start3A_33 = tpu.memref_slice %arg6[%dma_start3A_30, %dma_start3A_31, %dma_start3A_32] : memref<2x128x128xf32, #tpu.memory_space<vmem>> -> memref<1x128x128xf32, #tpu.memory_space<vmem>>
    %dma_start3A_34 = tpu.memref_squeeze %dma_start3A_33 : memref<1x128x128xf32, #tpu.memory_space<vmem>> -> memref<128x128xf32, #tpu.memory_space<vmem>>
    %dma_start3A_35 = arith.constant 0 : i32
    %dma_start3A_36 = tpu.memref_slice %arg5[%dma_start3A_29, %dma_start3A_35] : memref<8x128xi32, #tpu.memory_space<vmem>> -> memref<1x128xi32, #tpu.memory_space<vmem>>
    %dma_start3A_37 = tpu.memref_squeeze %dma_start3A_36 : memref<1x128xi32, #tpu.memory_space<vmem>> -> memref<128xi32, #tpu.memory_space<vmem>>
    %dma_start3A_38 = arith.constant 0 : i32
    %dma_start3A_39 = arith.constant 0 : i32
    %dma_start3A_40 = tpu.memref_slice %arg2[%dma_start3A_38, %dma_start3A_39] : memref<1512x128xf32, #tpu.memory_space<hbm>> -> memref<1512x128xf32, #tpu.memory_space<hbm>>
    tpu.enqueue_indirect_dma source(%dma_start3A_40 : memref<1512x128xf32, #tpu.memory_space<hbm>>) target(%dma_start3A_34 : memref<128x128xf32, #tpu.memory_space<vmem>>) offsets(%dma_start3A_37 : memref<128xi32, #tpu.memory_space<vmem>>) semaphore(%arg7 : memref<!tpu.dma_semaphore, #tpu.memory_space<semaphore_mem>>)
    %dma_wait3A_41 = arith.constant 1 : i32
    %dma_wait3A_42 = arith.constant 1 : i32
    %dma_wait3A_43 = arith.constant 0 : i32
    %dma_wait3A_44 = arith.constant 0 : i32
    %dma_wait3A_45 = tpu.memref_slice %arg6[%dma_wait3A_42, %dma_wait3A_43, %dma_wait3A_44] : memref<2x128x128xf32, #tpu.memory_space<vmem>> -> memref<1x128x128xf32, #tpu.memory_space<vmem>>
    %dma_wait3A_46 = tpu.memref_squeeze %dma_wait3A_45 : memref<1x128x128xf32, #tpu.memory_space<vmem>> -> memref<128x128xf32, #tpu.memory_space<vmem>>
    %dma_wait3A_47 = arith.constant 0 : i32
    %dma_wait3A_48 = tpu.memref_slice %arg5[%dma_wait3A_41, %dma_wait3A_47] : memref<8x128xi32, #tpu.memory_space<vmem>> -> memref<1x128xi32, #tpu.memory_space<vmem>>
    %dma_wait3A_49 = tpu.memref_squeeze %dma_wait3A_48 : memref<1x128xi32, #tpu.memory_space<vmem>> -> memref<128xi32, #tpu.memory_space<vmem>>
    %dma_wait3A_50 = arith.constant 0 : i32
    %dma_wait3A_51 = arith.constant 0 : i32
    %dma_wait3A_52 = tpu.memref_slice %arg2[%dma_wait3A_50, %dma_wait3A_51] : memref<1512x128xf32, #tpu.memory_space<hbm>> -> memref<1512x128xf32, #tpu.memory_space<hbm>>
    tpu.wait_indirect_dma semaphore(%arg7 : memref<!tpu.dma_semaphore, #tpu.memory_space<semaphore_mem>>) src(%dma_wait3A_52 : memref<1512x128xf32, #tpu.memory_space<hbm>>) dst(%dma_wait3A_46 : memref<128x128xf32, #tpu.memory_space<vmem>>)
    %mul3A_53 = arith.constant 1024 : i32
    %mul3A_54 = arith.muli %add3A, %mul3A_53 : i32
    %add3A_55 = arith.constant 128 : i32
    %add3A_56 = arith.addi %mul3A_54, %add3A_55 : i32
    %run_scoped3A_57 = arith.constant 1 : i32
    "tpu.region"() ({
      %run_scoped3A_232 = tpu.sem_alloc : memref<!tpu.dma_semaphore, #tpu.memory_space<semaphore_mem>>
      %dma_start3A_233 = arith.constant 0 : i32
      %dma_start3A_234 = arith.constant 0 : i32
      %dma_start3A_235 = tpu.memref_slice %arg6[%run_scoped3A_57, %dma_start3A_233, %dma_start3A_234] : memref<2x128x128xf32, #tpu.memory_space<vmem>> -> memref<1x128x128xf32, #tpu.memory_space<vmem>>
      %dma_start3A_236 = tpu.memref_squeeze %dma_start3A_235 : memref<1x128x128xf32, #tpu.memory_space<vmem>> -> memref<128x128xf32, #tpu.memory_space<vmem>>
      %dma_start3A_237 = arith.constant 0 : i32
      %dma_start3A_238 = tpu.memref_slice %arg4[%add3A_56, %dma_start3A_237] : memref<32768x128xf32, #tpu.memory_space<hbm>> -> memref<128x128xf32, #tpu.memory_space<hbm>>
      %dma_start3A_239 = arith.constant 0 : i32
      %dma_start3A_240 = tpu.memref_slice %arg4[%add3A_56, %dma_start3A_239] : memref<32768x128xf32, #tpu.memory_space<hbm>> -> memref<128x128xf32, #tpu.memory_space<hbm>>
      %dma_start3A_241 = arith.constant 0 : i32
      %dma_start3A_242 = arith.constant 0 : i32
      %dma_start3A_243 = tpu.memref_slice %arg6[%run_scoped3A_57, %dma_start3A_241, %dma_start3A_242] : memref<2x128x128xf32, #tpu.memory_space<vmem>> -> memref<1x128x128xf32, #tpu.memory_space<vmem>>
      %dma_start3A_244 = tpu.memref_squeeze %dma_start3A_243 : memref<1x128x128xf32, #tpu.memory_space<vmem>> -> memref<128x128xf32, #tpu.memory_space<vmem>>
      tpu.enqueue_dma source(%dma_start3A_244 : memref<128x128xf32, #tpu.memory_space<vmem>>) target(%dma_start3A_240 : memref<128x128xf32, #tpu.memory_space<hbm>>) target_semaphore(%run_scoped3A_232 : memref<!tpu.dma_semaphore, #tpu.memory_space<semaphore_mem>>)
      %dma_wait3A_245 = arith.constant 0 : i32
      %dma_wait3A_246 = arith.constant 0 : i32
      %dma_wait3A_247 = tpu.memref_slice %arg6[%run_scoped3A_57, %dma_wait3A_245, %dma_wait3A_246] : memref<2x128x128xf32, #tpu.memory_space<vmem>> -> memref<1x128x128xf32, #tpu.memory_space<vmem>>
      %dma_wait3A_248 = tpu.memref_squeeze %dma_wait3A_247 : memref<1x128x128xf32, #tpu.memory_space<vmem>> -> memref<128x128xf32, #tpu.memory_space<vmem>>
      %dma_wait3A_249 = arith.constant 0 : i32
      %dma_wait3A_250 = tpu.memref_slice %arg4[%add3A_56, %dma_wait3A_249] : memref<32768x128xf32, #tpu.memory_space<hbm>> -> memref<128x128xf32, #tpu.memory_space<hbm>>
      %dma_wait3A_251 = arith.constant 0 : i32
      %dma_wait3A_252 = tpu.memref_slice %arg4[%add3A_56, %dma_wait3A_251] : memref<32768x128xf32, #tpu.memory_space<hbm>> -> memref<128x128xf32, #tpu.memory_space<hbm>>
      %dma_wait3A_253 = arith.constant 0 : i32
      %dma_wait3A_254 = arith.constant 0 : i32
      %dma_wait3A_255 = tpu.memref_slice %arg6[%run_scoped3A_57, %dma_wait3A_253, %dma_wait3A_254] : memref<2x128x128xf32, #tpu.memory_space<vmem>> -> memref<1x128x128xf32, #tpu.memory_space<vmem>>
      %dma_wait3A_256 = tpu.memref_squeeze %dma_wait3A_255 : memref<1x128x128xf32, #tpu.memory_space<vmem>> -> memref<128x128xf32, #tpu.memory_space<vmem>>
      tpu.wait_dma2 semaphore(%run_scoped3A_232 : memref<!tpu.dma_semaphore, #tpu.memory_space<semaphore_mem>>) src(%dma_wait3A_256 : memref<128x128xf32, #tpu.memory_space<vmem>>) dst(%dma_wait3A_252 : memref<128x128xf32, #tpu.memory_space<hbm>>)
      tpu.yield
    }) : () -> ()
    %dma_start3A_58 = arith.constant 2 : i32
    %dma_start3A_59 = arith.constant 0 : i32
    %dma_start3A_60 = arith.constant 0 : i32
    %dma_start3A_61 = arith.constant 0 : i32
    %dma_start3A_62 = tpu.memref_slice %arg6[%dma_start3A_59, %dma_start3A_60, %dma_start3A_61] : memref<2x128x128xf32, #tpu.memory_space<vmem>> -> memref<1x128x128xf32, #tpu.memory_space<vmem>>
    %dma_start3A_63 = tpu.memref_squeeze %dma_start3A_62 : memref<1x128x128xf32, #tpu.memory_space<vmem>> -> memref<128x128xf32, #tpu.memory_space<vmem>>
    %dma_start3A_64 = arith.constant 0 : i32
    %dma_start3A_65 = tpu.memref_slice %arg5[%dma_start3A_58, %dma_start3A_64] : memref<8x128xi32, #tpu.memory_space<vmem>> -> memref<1x128xi32, #tpu.memory_space<vmem>>
    %dma_start3A_66 = tpu.memref_squeeze %dma_start3A_65 : memref<1x128xi32, #tpu.memory_space<vmem>> -> memref<128xi32, #tpu.memory_space<vmem>>
    %dma_start3A_67 = arith.constant 0 : i32
    %dma_start3A_68 = arith.constant 0 : i32
    %dma_start3A_69 = tpu.memref_slice %arg2[%dma_start3A_67, %dma_start3A_68] : memref<1512x128xf32, #tpu.memory_space<hbm>> -> memref<1512x128xf32, #tpu.memory_space<hbm>>
    tpu.enqueue_indirect_dma source(%dma_start3A_69 : memref<1512x128xf32, #tpu.memory_space<hbm>>) target(%dma_start3A_63 : memref<128x128xf32, #tpu.memory_space<vmem>>) offsets(%dma_start3A_66 : memref<128xi32, #tpu.memory_space<vmem>>) semaphore(%arg7 : memref<!tpu.dma_semaphore, #tpu.memory_space<semaphore_mem>>)
    %dma_wait3A_70 = arith.constant 2 : i32
    %dma_wait3A_71 = arith.constant 0 : i32
    %dma_wait3A_72 = arith.constant 0 : i32
    %dma_wait3A_73 = arith.constant 0 : i32
    %dma_wait3A_74 = tpu.memref_slice %arg6[%dma_wait3A_71, %dma_wait3A_72, %dma_wait3A_73] : memref<2x128x128xf32, #tpu.memory_space<vmem>> -> memref<1x128x128xf32, #tpu.memory_space<vmem>>
    %dma_wait3A_75 = tpu.memref_squeeze %dma_wait3A_74 : memref<1x128x128xf32, #tpu.memory_space<vmem>> -> memref<128x128xf32, #tpu.memory_space<vmem>>
    %dma_wait3A_76 = arith.constant 0 : i32
    %dma_wait3A_77 = tpu.memref_slice %arg5[%dma_wait3A_70, %dma_wait3A_76] : memref<8x128xi32, #tpu.memory_space<vmem>> -> memref<1x128xi32, #tpu.memory_space<vmem>>
    %dma_wait3A_78 = tpu.memref_squeeze %dma_wait3A_77 : memref<1x128xi32, #tpu.memory_space<vmem>> -> memref<128xi32, #tpu.memory_space<vmem>>
    %dma_wait3A_79 = arith.constant 0 : i32
    %dma_wait3A_80 = arith.constant 0 : i32
    %dma_wait3A_81 = tpu.memref_slice %arg2[%dma_wait3A_79, %dma_wait3A_80] : memref<1512x128xf32, #tpu.memory_space<hbm>> -> memref<1512x128xf32, #tpu.memory_space<hbm>>
    tpu.wait_indirect_dma semaphore(%arg7 : memref<!tpu.dma_semaphore, #tpu.memory_space<semaphore_mem>>) src(%dma_wait3A_81 : memref<1512x128xf32, #tpu.memory_space<hbm>>) dst(%dma_wait3A_75 : memref<128x128xf32, #tpu.memory_space<vmem>>)
    %mul3A_82 = arith.constant 1024 : i32
    %mul3A_83 = arith.muli %add3A, %mul3A_82 : i32
    %add3A_84 = arith.constant 256 : i32
    %add3A_85 = arith.addi %mul3A_83, %add3A_84 : i32
    %run_scoped3A_86 = arith.constant 0 : i32
    "tpu.region"() ({
      %run_scoped3A_232 = tpu.sem_alloc : memref<!tpu.dma_semaphore, #tpu.memory_space<semaphore_mem>>
      %dma_start3A_233 = arith.constant 0 : i32
      %dma_start3A_234 = arith.constant 0 : i32
      %dma_start3A_235 = tpu.memref_slice %arg6[%run_scoped3A_86, %dma_start3A_233, %dma_start3A_234] : memref<2x128x128xf32, #tpu.memory_space<vmem>> -> memref<1x128x128xf32, #tpu.memory_space<vmem>>
      %dma_start3A_236 = tpu.memref_squeeze %dma_start3A_235 : memref<1x128x128xf32, #tpu.memory_space<vmem>> -> memref<128x128xf32, #tpu.memory_space<vmem>>
      %dma_start3A_237 = arith.constant 0 : i32
      %dma_start3A_238 = tpu.memref_slice %arg4[%add3A_85, %dma_start3A_237] : memref<32768x128xf32, #tpu.memory_space<hbm>> -> memref<128x128xf32, #tpu.memory_space<hbm>>
      %dma_start3A_239 = arith.constant 0 : i32
      %dma_start3A_240 = tpu.memref_slice %arg4[%add3A_85, %dma_start3A_239] : memref<32768x128xf32, #tpu.memory_space<hbm>> -> memref<128x128xf32, #tpu.memory_space<hbm>>
      %dma_start3A_241 = arith.constant 0 : i32
      %dma_start3A_242 = arith.constant 0 : i32
      %dma_start3A_243 = tpu.memref_slice %arg6[%run_scoped3A_86, %dma_start3A_241, %dma_start3A_242] : memref<2x128x128xf32, #tpu.memory_space<vmem>> -> memref<1x128x128xf32, #tpu.memory_space<vmem>>
      %dma_start3A_244 = tpu.memref_squeeze %dma_start3A_243 : memref<1x128x128xf32, #tpu.memory_space<vmem>> -> memref<128x128xf32, #tpu.memory_space<vmem>>
      tpu.enqueue_dma source(%dma_start3A_244 : memref<128x128xf32, #tpu.memory_space<vmem>>) target(%dma_start3A_240 : memref<128x128xf32, #tpu.memory_space<hbm>>) target_semaphore(%run_scoped3A_232 : memref<!tpu.dma_semaphore, #tpu.memory_space<semaphore_mem>>)
      %dma_wait3A_245 = arith.constant 0 : i32
      %dma_wait3A_246 = arith.constant 0 : i32
      %dma_wait3A_247 = tpu.memref_slice %arg6[%run_scoped3A_86, %dma_wait3A_245, %dma_wait3A_246] : memref<2x128x128xf32, #tpu.memory_space<vmem>> -> memref<1x128x128xf32, #tpu.memory_space<vmem>>
      %dma_wait3A_248 = tpu.memref_squeeze %dma_wait3A_247 : memref<1x128x128xf32, #tpu.memory_space<vmem>> -> memref<128x128xf32, #tpu.memory_space<vmem>>
      %dma_wait3A_249 = arith.constant 0 : i32
      %dma_wait3A_250 = tpu.memref_slice %arg4[%add3A_85, %dma_wait3A_249] : memref<32768x128xf32, #tpu.memory_space<hbm>> -> memref<128x128xf32, #tpu.memory_space<hbm>>
      %dma_wait3A_251 = arith.constant 0 : i32
      %dma_wait3A_252 = tpu.memref_slice %arg4[%add3A_85, %dma_wait3A_251] : memref<32768x128xf32, #tpu.memory_space<hbm>> -> memref<128x128xf32, #tpu.memory_space<hbm>>
      %dma_wait3A_253 = arith.constant 0 : i32
      %dma_wait3A_254 = arith.constant 0 : i32
      %dma_wait3A_255 = tpu.memref_slice %arg6[%run_scoped3A_86, %dma_wait3A_253, %dma_wait3A_254] : memref<2x128x128xf32, #tpu.memory_space<vmem>> -> memref<1x128x128xf32, #tpu.memory_space<vmem>>
      %dma_wait3A_256 = tpu.memref_squeeze %dma_wait3A_255 : memref<1x128x128xf32, #tpu.memory_space<vmem>> -> memref<128x128xf32, #tpu.memory_space<vmem>>
      tpu.wait_dma2 semaphore(%run_scoped3A_232 : memref<!tpu.dma_semaphore, #tpu.memory_space<semaphore_mem>>) src(%dma_wait3A_256 : memref<128x128xf32, #tpu.memory_space<vmem>>) dst(%dma_wait3A_252 : memref<128x128xf32, #tpu.memory_space<hbm>>)
      tpu.yield
    }) : () -> ()
    %dma_start3A_87 = arith.constant 3 : i32
    %dma_start3A_88 = arith.constant 1 : i32
    %dma_start3A_89 = arith.constant 0 : i32
    %dma_start3A_90 = arith.constant 0 : i32
    %dma_start3A_91 = tpu.memref_slice %arg6[%dma_start3A_88, %dma_start3A_89, %dma_start3A_90] : memref<2x128x128xf32, #tpu.memory_space<vmem>> -> memref<1x128x128xf32, #tpu.memory_space<vmem>>
    %dma_start3A_92 = tpu.memref_squeeze %dma_start3A_91 : memref<1x128x128xf32, #tpu.memory_space<vmem>> -> memref<128x128xf32, #tpu.memory_space<vmem>>
    %dma_start3A_93 = arith.constant 0 : i32
    %dma_start3A_94 = tpu.memref_slice %arg5[%dma_start3A_87, %dma_start3A_93] : memref<8x128xi32, #tpu.memory_space<vmem>> -> memref<1x128xi32, #tpu.memory_space<vmem>>
    %dma_start3A_95 = tpu.memref_squeeze %dma_start3A_94 : memref<1x128xi32, #tpu.memory_space<vmem>> -> memref<128xi32, #tpu.memory_space<vmem>>
    %dma_start3A_96 = arith.constant 0 : i32
    %dma_start3A_97 = arith.constant 0 : i32
    %dma_start3A_98 = tpu.memref_slice %arg2[%dma_start3A_96, %dma_start3A_97] : memref<1512x128xf32, #tpu.memory_space<hbm>> -> memref<1512x128xf32, #tpu.memory_space<hbm>>
    tpu.enqueue_indirect_dma source(%dma_start3A_98 : memref<1512x128xf32, #tpu.memory_space<hbm>>) target(%dma_start3A_92 : memref<128x128xf32, #tpu.memory_space<vmem>>) offsets(%dma_start3A_95 : memref<128xi32, #tpu.memory_space<vmem>>) semaphore(%arg7 : memref<!tpu.dma_semaphore, #tpu.memory_space<semaphore_mem>>)
    %dma_wait3A_99 = arith.constant 3 : i32
    %dma_wait3A_100 = arith.constant 1 : i32
    %dma_wait3A_101 = arith.constant 0 : i32
    %dma_wait3A_102 = arith.constant 0 : i32
    %dma_wait3A_103 = tpu.memref_slice %arg6[%dma_wait3A_100, %dma_wait3A_101, %dma_wait3A_102] : memref<2x128x128xf32, #tpu.memory_space<vmem>> -> memref<1x128x128xf32, #tpu.memory_space<vmem>>
    %dma_wait3A_104 = tpu.memref_squeeze %dma_wait3A_103 : memref<1x128x128xf32, #tpu.memory_space<vmem>> -> memref<128x128xf32, #tpu.memory_space<vmem>>
    %dma_wait3A_105 = arith.constant 0 : i32
    %dma_wait3A_106 = tpu.memref_slice %arg5[%dma_wait3A_99, %dma_wait3A_105] : memref<8x128xi32, #tpu.memory_space<vmem>> -> memref<1x128xi32, #tpu.memory_space<vmem>>
    %dma_wait3A_107 = tpu.memref_squeeze %dma_wait3A_106 : memref<1x128xi32, #tpu.memory_space<vmem>> -> memref<128xi32, #tpu.memory_space<vmem>>
    %dma_wait3A_108 = arith.constant 0 : i32
    %dma_wait3A_109 = arith.constant 0 : i32
    %dma_wait3A_110 = tpu.memref_slice %arg2[%dma_wait3A_108, %dma_wait3A_109] : memref<1512x128xf32, #tpu.memory_space<hbm>> -> memref<1512x128xf32, #tpu.memory_space<hbm>>
    tpu.wait_indirect_dma semaphore(%arg7 : memref<!tpu.dma_semaphore, #tpu.memory_space<semaphore_mem>>) src(%dma_wait3A_110 : memref<1512x128xf32, #tpu.memory_space<hbm>>) dst(%dma_wait3A_104 : memref<128x128xf32, #tpu.memory_space<vmem>>)
    %mul3A_111 = arith.constant 1024 : i32
    %mul3A_112 = arith.muli %add3A, %mul3A_111 : i32
    %add3A_113 = arith.constant 384 : i32
    %add3A_114 = arith.addi %mul3A_112, %add3A_113 : i32
    %run_scoped3A_115 = arith.constant 1 : i32
    "tpu.region"() ({
      %run_scoped3A_232 = tpu.sem_alloc : memref<!tpu.dma_semaphore, #tpu.memory_space<semaphore_mem>>
      %dma_start3A_233 = arith.constant 0 : i32
      %dma_start3A_234 = arith.constant 0 : i32
      %dma_start3A_235 = tpu.memref_slice %arg6[%run_scoped3A_115, %dma_start3A_233, %dma_start3A_234] : memref<2x128x128xf32, #tpu.memory_space<vmem>> -> memref<1x128x128xf32, #tpu.memory_space<vmem>>
      %dma_start3A_236 = tpu.memref_squeeze %dma_start3A_235 : memref<1x128x128xf32, #tpu.memory_space<vmem>> -> memref<128x128xf32, #tpu.memory_space<vmem>>
      %dma_start3A_237 = arith.constant 0 : i32
      %dma_start3A_238 = tpu.memref_slice %arg4[%add3A_114, %dma_start3A_237] : memref<32768x128xf32, #tpu.memory_space<hbm>> -> memref<128x128xf32, #tpu.memory_space<hbm>>
      %dma_start3A_239 = arith.constant 0 : i32
      %dma_start3A_240 = tpu.memref_slice %arg4[%add3A_114, %dma_start3A_239] : memref<32768x128xf32, #tpu.memory_space<hbm>> -> memref<128x128xf32, #tpu.memory_space<hbm>>
      %dma_start3A_241 = arith.constant 0 : i32
      %dma_start3A_242 = arith.constant 0 : i32
      %dma_start3A_243 = tpu.memref_slice %arg6[%run_scoped3A_115, %dma_start3A_241, %dma_start3A_242] : memref<2x128x128xf32, #tpu.memory_space<vmem>> -> memref<1x128x128xf32, #tpu.memory_space<vmem>>
      %dma_start3A_244 = tpu.memref_squeeze %dma_start3A_243 : memref<1x128x128xf32, #tpu.memory_space<vmem>> -> memref<128x128xf32, #tpu.memory_space<vmem>>
      tpu.enqueue_dma source(%dma_start3A_244 : memref<128x128xf32, #tpu.memory_space<vmem>>) target(%dma_start3A_240 : memref<128x128xf32, #tpu.memory_space<hbm>>) target_semaphore(%run_scoped3A_232 : memref<!tpu.dma_semaphore, #tpu.memory_space<semaphore_mem>>)
      %dma_wait3A_245 = arith.constant 0 : i32
      %dma_wait3A_246 = arith.constant 0 : i32
      %dma_wait3A_247 = tpu.memref_slice %arg6[%run_scoped3A_115, %dma_wait3A_245, %dma_wait3A_246] : memref<2x128x128xf32, #tpu.memory_space<vmem>> -> memref<1x128x128xf32, #tpu.memory_space<vmem>>
      %dma_wait3A_248 = tpu.memref_squeeze %dma_wait3A_247 : memref<1x128x128xf32, #tpu.memory_space<vmem>> -> memref<128x128xf32, #tpu.memory_space<vmem>>
      %dma_wait3A_249 = arith.constant 0 : i32
      %dma_wait3A_250 = tpu.memref_slice %arg4[%add3A_114, %dma_wait3A_249] : memref<32768x128xf32, #tpu.memory_space<hbm>> -> memref<128x128xf32, #tpu.memory_space<hbm>>
      %dma_wait3A_251 = arith.constant 0 : i32
      %dma_wait3A_252 = tpu.memref_slice %arg4[%add3A_114, %dma_wait3A_251] : memref<32768x128xf32, #tpu.memory_space<hbm>> -> memref<128x128xf32, #tpu.memory_space<hbm>>
      %dma_wait3A_253 = arith.constant 0 : i32
      %dma_wait3A_254 = arith.constant 0 : i32
      %dma_wait3A_255 = tpu.memref_slice %arg6[%run_scoped3A_115, %dma_wait3A_253, %dma_wait3A_254] : memref<2x128x128xf32, #tpu.memory_space<vmem>> -> memref<1x128x128xf32, #tpu.memory_space<vmem>>
      %dma_wait3A_256 = tpu.memref_squeeze %dma_wait3A_255 : memref<1x128x128xf32, #tpu.memory_space<vmem>> -> memref<128x128xf32, #tpu.memory_space<vmem>>
      tpu.wait_dma2 semaphore(%run_scoped3A_232 : memref<!tpu.dma_semaphore, #tpu.memory_space<semaphore_mem>>) src(%dma_wait3A_256 : memref<128x128xf32, #tpu.memory_space<vmem>>) dst(%dma_wait3A_252 : memref<128x128xf32, #tpu.memory_space<hbm>>)
      tpu.yield
    }) : () -> ()
    %dma_start3A_116 = arith.constant 4 : i32
    %dma_start3A_117 = arith.constant 0 : i32
    %dma_start3A_118 = arith.constant 0 : i32
    %dma_start3A_119 = arith.constant 0 : i32
    %dma_start3A_120 = tpu.memref_slice %arg6[%dma_start3A_117, %dma_start3A_118, %dma_start3A_119] : memref<2x128x128xf32, #tpu.memory_space<vmem>> -> memref<1x128x128xf32, #tpu.memory_space<vmem>>
    %dma_start3A_121 = tpu.memref_squeeze %dma_start3A_120 : memref<1x128x128xf32, #tpu.memory_space<vmem>> -> memref<128x128xf32, #tpu.memory_space<vmem>>
    %dma_start3A_122 = arith.constant 0 : i32
    %dma_start3A_123 = tpu.memref_slice %arg5[%dma_start3A_116, %dma_start3A_122] : memref<8x128xi32, #tpu.memory_space<vmem>> -> memref<1x128xi32, #tpu.memory_space<vmem>>
    %dma_start3A_124 = tpu.memref_squeeze %dma_start3A_123 : memref<1x128xi32, #tpu.memory_space<vmem>> -> memref<128xi32, #tpu.memory_space<vmem>>
    %dma_start3A_125 = arith.constant 0 : i32
    %dma_start3A_126 = arith.constant 0 : i32
    %dma_start3A_127 = tpu.memref_slice %arg2[%dma_start3A_125, %dma_start3A_126] : memref<1512x128xf32, #tpu.memory_space<hbm>> -> memref<1512x128xf32, #tpu.memory_space<hbm>>
    tpu.enqueue_indirect_dma source(%dma_start3A_127 : memref<1512x128xf32, #tpu.memory_space<hbm>>) target(%dma_start3A_121 : memref<128x128xf32, #tpu.memory_space<vmem>>) offsets(%dma_start3A_124 : memref<128xi32, #tpu.memory_space<vmem>>) semaphore(%arg7 : memref<!tpu.dma_semaphore, #tpu.memory_space<semaphore_mem>>)
    %dma_wait3A_128 = arith.constant 4 : i32
    %dma_wait3A_129 = arith.constant 0 : i32
    %dma_wait3A_130 = arith.constant 0 : i32
    %dma_wait3A_131 = arith.constant 0 : i32
    %dma_wait3A_132 = tpu.memref_slice %arg6[%dma_wait3A_129, %dma_wait3A_130, %dma_wait3A_131] : memref<2x128x128xf32, #tpu.memory_space<vmem>> -> memref<1x128x128xf32, #tpu.memory_space<vmem>>
    %dma_wait3A_133 = tpu.memref_squeeze %dma_wait3A_132 : memref<1x128x128xf32, #tpu.memory_space<vmem>> -> memref<128x128xf32, #tpu.memory_space<vmem>>
    %dma_wait3A_134 = arith.constant 0 : i32
    %dma_wait3A_135 = tpu.memref_slice %arg5[%dma_wait3A_128, %dma_wait3A_134] : memref<8x128xi32, #tpu.memory_space<vmem>> -> memref<1x128xi32, #tpu.memory_space<vmem>>
    %dma_wait3A_136 = tpu.memref_squeeze %dma_wait3A_135 : memref<1x128xi32, #tpu.memory_space<vmem>> -> memref<128xi32, #tpu.memory_space<vmem>>
    %dma_wait3A_137 = arith.constant 0 : i32
    %dma_wait3A_138 = arith.constant 0 : i32
    %dma_wait3A_139 = tpu.memref_slice %arg2[%dma_wait3A_137, %dma_wait3A_138] : memref<1512x128xf32, #tpu.memory_space<hbm>> -> memref<1512x128xf32, #tpu.memory_space<hbm>>
    tpu.wait_indirect_dma semaphore(%arg7 : memref<!tpu.dma_semaphore, #tpu.memory_space<semaphore_mem>>) src(%dma_wait3A_139 : memref<1512x128xf32, #tpu.memory_space<hbm>>) dst(%dma_wait3A_133 : memref<128x128xf32, #tpu.memory_space<vmem>>)
    %mul3A_140 = arith.constant 1024 : i32
    %mul3A_141 = arith.muli %add3A, %mul3A_140 : i32
    %add3A_142 = arith.constant 512 : i32
    %add3A_143 = arith.addi %mul3A_141, %add3A_142 : i32
    %run_scoped3A_144 = arith.constant 0 : i32
    "tpu.region"() ({
      %run_scoped3A_232 = tpu.sem_alloc : memref<!tpu.dma_semaphore, #tpu.memory_space<semaphore_mem>>
      %dma_start3A_233 = arith.constant 0 : i32
      %dma_start3A_234 = arith.constant 0 : i32
      %dma_start3A_235 = tpu.memref_slice %arg6[%run_scoped3A_144, %dma_start3A_233, %dma_start3A_234] : memref<2x128x128xf32, #tpu.memory_space<vmem>> -> memref<1x128x128xf32, #tpu.memory_space<vmem>>
      %dma_start3A_236 = tpu.memref_squeeze %dma_start3A_235 : memref<1x128x128xf32, #tpu.memory_space<vmem>> -> memref<128x128xf32, #tpu.memory_space<vmem>>
      %dma_start3A_237 = arith.constant 0 : i32
      %dma_start3A_238 = tpu.memref_slice %arg4[%add3A_143, %dma_start3A_237] : memref<32768x128xf32, #tpu.memory_space<hbm>> -> memref<128x128xf32, #tpu.memory_space<hbm>>
      %dma_start3A_239 = arith.constant 0 : i32
      %dma_start3A_240 = tpu.memref_slice %arg4[%add3A_143, %dma_start3A_239] : memref<32768x128xf32, #tpu.memory_space<hbm>> -> memref<128x128xf32, #tpu.memory_space<hbm>>
      %dma_start3A_241 = arith.constant 0 : i32
      %dma_start3A_242 = arith.constant 0 : i32
      %dma_start3A_243 = tpu.memref_slice %arg6[%run_scoped3A_144, %dma_start3A_241, %dma_start3A_242] : memref<2x128x128xf32, #tpu.memory_space<vmem>> -> memref<1x128x128xf32, #tpu.memory_space<vmem>>
      %dma_start3A_244 = tpu.memref_squeeze %dma_start3A_243 : memref<1x128x128xf32, #tpu.memory_space<vmem>> -> memref<128x128xf32, #tpu.memory_space<vmem>>
      tpu.enqueue_dma source(%dma_start3A_244 : memref<128x128xf32, #tpu.memory_space<vmem>>) target(%dma_start3A_240 : memref<128x128xf32, #tpu.memory_space<hbm>>) target_semaphore(%run_scoped3A_232 : memref<!tpu.dma_semaphore, #tpu.memory_space<semaphore_mem>>)
      %dma_wait3A_245 = arith.constant 0 : i32
      %dma_wait3A_246 = arith.constant 0 : i32
      %dma_wait3A_247 = tpu.memref_slice %arg6[%run_scoped3A_144, %dma_wait3A_245, %dma_wait3A_246] : memref<2x128x128xf32, #tpu.memory_space<vmem>> -> memref<1x128x128xf32, #tpu.memory_space<vmem>>
      %dma_wait3A_248 = tpu.memref_squeeze %dma_wait3A_247 : memref<1x128x128xf32, #tpu.memory_space<vmem>> -> memref<128x128xf32, #tpu.memory_space<vmem>>
      %dma_wait3A_249 = arith.constant 0 : i32
      %dma_wait3A_250 = tpu.memref_slice %arg4[%add3A_143, %dma_wait3A_249] : memref<32768x128xf32, #tpu.memory_space<hbm>> -> memref<128x128xf32, #tpu.memory_space<hbm>>
      %dma_wait3A_251 = arith.constant 0 : i32
      %dma_wait3A_252 = tpu.memref_slice %arg4[%add3A_143, %dma_wait3A_251] : memref<32768x128xf32, #tpu.memory_space<hbm>> -> memref<128x128xf32, #tpu.memory_space<hbm>>
      %dma_wait3A_253 = arith.constant 0 : i32
      %dma_wait3A_254 = arith.constant 0 : i32
      %dma_wait3A_255 = tpu.memref_slice %arg6[%run_scoped3A_144, %dma_wait3A_253, %dma_wait3A_254] : memref<2x128x128xf32, #tpu.memory_space<vmem>> -> memref<1x128x128xf32, #tpu.memory_space<vmem>>
      %dma_wait3A_256 = tpu.memref_squeeze %dma_wait3A_255 : memref<1x128x128xf32, #tpu.memory_space<vmem>> -> memref<128x128xf32, #tpu.memory_space<vmem>>
      tpu.wait_dma2 semaphore(%run_scoped3A_232 : memref<!tpu.dma_semaphore, #tpu.memory_space<semaphore_mem>>) src(%dma_wait3A_256 : memref<128x128xf32, #tpu.memory_space<vmem>>) dst(%dma_wait3A_252 : memref<128x128xf32, #tpu.memory_space<hbm>>)
      tpu.yield
    }) : () -> ()
    %dma_start3A_145 = arith.constant 5 : i32
    %dma_start3A_146 = arith.constant 1 : i32
    %dma_start3A_147 = arith.constant 0 : i32
    %dma_start3A_148 = arith.constant 0 : i32
    %dma_start3A_149 = tpu.memref_slice %arg6[%dma_start3A_146, %dma_start3A_147, %dma_start3A_148] : memref<2x128x128xf32, #tpu.memory_space<vmem>> -> memref<1x128x128xf32, #tpu.memory_space<vmem>>
    %dma_start3A_150 = tpu.memref_squeeze %dma_start3A_149 : memref<1x128x128xf32, #tpu.memory_space<vmem>> -> memref<128x128xf32, #tpu.memory_space<vmem>>
    %dma_start3A_151 = arith.constant 0 : i32
    %dma_start3A_152 = tpu.memref_slice %arg5[%dma_start3A_145, %dma_start3A_151] : memref<8x128xi32, #tpu.memory_space<vmem>> -> memref<1x128xi32, #tpu.memory_space<vmem>>
    %dma_start3A_153 = tpu.memref_squeeze %dma_start3A_152 : memref<1x128xi32, #tpu.memory_space<vmem>> -> memref<128xi32, #tpu.memory_space<vmem>>
    %dma_start3A_154 = arith.constant 0 : i32
    %dma_start3A_155 = arith.constant 0 : i32
    %dma_start3A_156 = tpu.memref_slice %arg2[%dma_start3A_154, %dma_start3A_155] : memref<1512x128xf32, #tpu.memory_space<hbm>> -> memref<1512x128xf32, #tpu.memory_space<hbm>>
    tpu.enqueue_indirect_dma source(%dma_start3A_156 : memref<1512x128xf32, #tpu.memory_space<hbm>>) target(%dma_start3A_150 : memref<128x128xf32, #tpu.memory_space<vmem>>) offsets(%dma_start3A_153 : memref<128xi32, #tpu.memory_space<vmem>>) semaphore(%arg7 : memref<!tpu.dma_semaphore, #tpu.memory_space<semaphore_mem>>)
    %dma_wait3A_157 = arith.constant 5 : i32
    %dma_wait3A_158 = arith.constant 1 : i32
    %dma_wait3A_159 = arith.constant 0 : i32
    %dma_wait3A_160 = arith.constant 0 : i32
    %dma_wait3A_161 = tpu.memref_slice %arg6[%dma_wait3A_158, %dma_wait3A_159, %dma_wait3A_160] : memref<2x128x128xf32, #tpu.memory_space<vmem>> -> memref<1x128x128xf32, #tpu.memory_space<vmem>>
    %dma_wait3A_162 = tpu.memref_squeeze %dma_wait3A_161 : memref<1x128x128xf32, #tpu.memory_space<vmem>> -> memref<128x128xf32, #tpu.memory_space<vmem>>
    %dma_wait3A_163 = arith.constant 0 : i32
    %dma_wait3A_164 = tpu.memref_slice %arg5[%dma_wait3A_157, %dma_wait3A_163] : memref<8x128xi32, #tpu.memory_space<vmem>> -> memref<1x128xi32, #tpu.memory_space<vmem>>
    %dma_wait3A_165 = tpu.memref_squeeze %dma_wait3A_164 : memref<1x128xi32, #tpu.memory_space<vmem>> -> memref<128xi32, #tpu.memory_space<vmem>>
    %dma_wait3A_166 = arith.constant 0 : i32
    %dma_wait3A_167 = arith.constant 0 : i32
    %dma_wait3A_168 = tpu.memref_slice %arg2[%dma_wait3A_166, %dma_wait3A_167] : memref<1512x128xf32, #tpu.memory_space<hbm>> -> memref<1512x128xf32, #tpu.memory_space<hbm>>
    tpu.wait_indirect_dma semaphore(%arg7 : memref<!tpu.dma_semaphore, #tpu.memory_space<semaphore_mem>>) src(%dma_wait3A_168 : memref<1512x128xf32, #tpu.memory_space<hbm>>) dst(%dma_wait3A_162 : memref<128x128xf32, #tpu.memory_space<vmem>>)
    %mul3A_169 = arith.constant 1024 : i32
    %mul3A_170 = arith.muli %add3A, %mul3A_169 : i32
    %add3A_171 = arith.constant 640 : i32
    %add3A_172 = arith.addi %mul3A_170, %add3A_171 : i32
    %run_scoped3A_173 = arith.constant 1 : i32
    "tpu.region"() ({
      %run_scoped3A_232 = tpu.sem_alloc : memref<!tpu.dma_semaphore, #tpu.memory_space<semaphore_mem>>
      %dma_start3A_233 = arith.constant 0 : i32
      %dma_start3A_234 = arith.constant 0 : i32
      %dma_start3A_235 = tpu.memref_slice %arg6[%run_scoped3A_173, %dma_start3A_233, %dma_start3A_234] : memref<2x128x128xf32, #tpu.memory_space<vmem>> -> memref<1x128x128xf32, #tpu.memory_space<vmem>>
      %dma_start3A_236 = tpu.memref_squeeze %dma_start3A_235 : memref<1x128x128xf32, #tpu.memory_space<vmem>> -> memref<128x128xf32, #tpu.memory_space<vmem>>
      %dma_start3A_237 = arith.constant 0 : i32
      %dma_start3A_238 = tpu.memref_slice %arg4[%add3A_172, %dma_start3A_237] : memref<32768x128xf32, #tpu.memory_space<hbm>> -> memref<128x128xf32, #tpu.memory_space<hbm>>
      %dma_start3A_239 = arith.constant 0 : i32
      %dma_start3A_240 = tpu.memref_slice %arg4[%add3A_172, %dma_start3A_239] : memref<32768x128xf32, #tpu.memory_space<hbm>> -> memref<128x128xf32, #tpu.memory_space<hbm>>
      %dma_start3A_241 = arith.constant 0 : i32
      %dma_start3A_242 = arith.constant 0 : i32
      %dma_start3A_243 = tpu.memref_slice %arg6[%run_scoped3A_173, %dma_start3A_241, %dma_start3A_242] : memref<2x128x128xf32, #tpu.memory_space<vmem>> -> memref<1x128x128xf32, #tpu.memory_space<vmem>>
      %dma_start3A_244 = tpu.memref_squeeze %dma_start3A_243 : memref<1x128x128xf32, #tpu.memory_space<vmem>> -> memref<128x128xf32, #tpu.memory_space<vmem>>
      tpu.enqueue_dma source(%dma_start3A_244 : memref<128x128xf32, #tpu.memory_space<vmem>>) target(%dma_start3A_240 : memref<128x128xf32, #tpu.memory_space<hbm>>) target_semaphore(%run_scoped3A_232 : memref<!tpu.dma_semaphore, #tpu.memory_space<semaphore_mem>>)
      %dma_wait3A_245 = arith.constant 0 : i32
      %dma_wait3A_246 = arith.constant 0 : i32
      %dma_wait3A_247 = tpu.memref_slice %arg6[%run_scoped3A_173, %dma_wait3A_245, %dma_wait3A_246] : memref<2x128x128xf32, #tpu.memory_space<vmem>> -> memref<1x128x128xf32, #tpu.memory_space<vmem>>
      %dma_wait3A_248 = tpu.memref_squeeze %dma_wait3A_247 : memref<1x128x128xf32, #tpu.memory_space<vmem>> -> memref<128x128xf32, #tpu.memory_space<vmem>>
      %dma_wait3A_249 = arith.constant 0 : i32
      %dma_wait3A_250 = tpu.memref_slice %arg4[%add3A_172, %dma_wait3A_249] : memref<32768x128xf32, #tpu.memory_space<hbm>> -> memref<128x128xf32, #tpu.memory_space<hbm>>
      %dma_wait3A_251 = arith.constant 0 : i32
      %dma_wait3A_252 = tpu.memref_slice %arg4[%add3A_172, %dma_wait3A_251] : memref<32768x128xf32, #tpu.memory_space<hbm>> -> memref<128x128xf32, #tpu.memory_space<hbm>>
      %dma_wait3A_253 = arith.constant 0 : i32
      %dma_wait3A_254 = arith.constant 0 : i32
      %dma_wait3A_255 = tpu.memref_slice %arg6[%run_scoped3A_173, %dma_wait3A_253, %dma_wait3A_254] : memref<2x128x128xf32, #tpu.memory_space<vmem>> -> memref<1x128x128xf32, #tpu.memory_space<vmem>>
      %dma_wait3A_256 = tpu.memref_squeeze %dma_wait3A_255 : memref<1x128x128xf32, #tpu.memory_space<vmem>> -> memref<128x128xf32, #tpu.memory_space<vmem>>
      tpu.wait_dma2 semaphore(%run_scoped3A_232 : memref<!tpu.dma_semaphore, #tpu.memory_space<semaphore_mem>>) src(%dma_wait3A_256 : memref<128x128xf32, #tpu.memory_space<vmem>>) dst(%dma_wait3A_252 : memref<128x128xf32, #tpu.memory_space<hbm>>)
      tpu.yield
    }) : () -> ()
    %dma_start3A_174 = arith.constant 6 : i32
    %dma_start3A_175 = arith.constant 0 : i32
    %dma_start3A_176 = arith.constant 0 : i32
    %dma_start3A_177 = arith.constant 0 : i32
    %dma_start3A_178 = tpu.memref_slice %arg6[%dma_start3A_175, %dma_start3A_176, %dma_start3A_177] : memref<2x128x128xf32, #tpu.memory_space<vmem>> -> memref<1x128x128xf32, #tpu.memory_space<vmem>>
    %dma_start3A_179 = tpu.memref_squeeze %dma_start3A_178 : memref<1x128x128xf32, #tpu.memory_space<vmem>> -> memref<128x128xf32, #tpu.memory_space<vmem>>
    %dma_start3A_180 = arith.constant 0 : i32
    %dma_start3A_181 = tpu.memref_slice %arg5[%dma_start3A_174, %dma_start3A_180] : memref<8x128xi32, #tpu.memory_space<vmem>> -> memref<1x128xi32, #tpu.memory_space<vmem>>
    %dma_start3A_182 = tpu.memref_squeeze %dma_start3A_181 : memref<1x128xi32, #tpu.memory_space<vmem>> -> memref<128xi32, #tpu.memory_space<vmem>>
    %dma_start3A_183 = arith.constant 0 : i32
    %dma_start3A_184 = arith.constant 0 : i32
    %dma_start3A_185 = tpu.memref_slice %arg2[%dma_start3A_183, %dma_start3A_184] : memref<1512x128xf32, #tpu.memory_space<hbm>> -> memref<1512x128xf32, #tpu.memory_space<hbm>>
    tpu.enqueue_indirect_dma source(%dma_start3A_185 : memref<1512x128xf32, #tpu.memory_space<hbm>>) target(%dma_start3A_179 : memref<128x128xf32, #tpu.memory_space<vmem>>) offsets(%dma_start3A_182 : memref<128xi32, #tpu.memory_space<vmem>>) semaphore(%arg7 : memref<!tpu.dma_semaphore, #tpu.memory_space<semaphore_mem>>)
    %dma_wait3A_186 = arith.constant 6 : i32
    %dma_wait3A_187 = arith.constant 0 : i32
    %dma_wait3A_188 = arith.constant 0 : i32
    %dma_wait3A_189 = arith.constant 0 : i32
    %dma_wait3A_190 = tpu.memref_slice %arg6[%dma_wait3A_187, %dma_wait3A_188, %dma_wait3A_189] : memref<2x128x128xf32, #tpu.memory_space<vmem>> -> memref<1x128x128xf32, #tpu.memory_space<vmem>>
    %dma_wait3A_191 = tpu.memref_squeeze %dma_wait3A_190 : memref<1x128x128xf32, #tpu.memory_space<vmem>> -> memref<128x128xf32, #tpu.memory_space<vmem>>
    %dma_wait3A_192 = arith.constant 0 : i32
    %dma_wait3A_193 = tpu.memref_slice %arg5[%dma_wait3A_186, %dma_wait3A_192] : memref<8x128xi32, #tpu.memory_space<vmem>> -> memref<1x128xi32, #tpu.memory_space<vmem>>
    %dma_wait3A_194 = tpu.memref_squeeze %dma_wait3A_193 : memref<1x128xi32, #tpu.memory_space<vmem>> -> memref<128xi32, #tpu.memory_space<vmem>>
    %dma_wait3A_195 = arith.constant 0 : i32
    %dma_wait3A_196 = arith.constant 0 : i32
    %dma_wait3A_197 = tpu.memref_slice %arg2[%dma_wait3A_195, %dma_wait3A_196] : memref<1512x128xf32, #tpu.memory_space<hbm>> -> memref<1512x128xf32, #tpu.memory_space<hbm>>
    tpu.wait_indirect_dma semaphore(%arg7 : memref<!tpu.dma_semaphore, #tpu.memory_space<semaphore_mem>>) src(%dma_wait3A_197 : memref<1512x128xf32, #tpu.memory_space<hbm>>) dst(%dma_wait3A_191 : memref<128x128xf32, #tpu.memory_space<vmem>>)
    %mul3A_198 = arith.constant 1024 : i32
    %mul3A_199 = arith.muli %add3A, %mul3A_198 : i32
    %add3A_200 = arith.constant 768 : i32
    %add3A_201 = arith.addi %mul3A_199, %add3A_200 : i32
    %run_scoped3A_202 = arith.constant 0 : i32
    "tpu.region"() ({
      %run_scoped3A_232 = tpu.sem_alloc : memref<!tpu.dma_semaphore, #tpu.memory_space<semaphore_mem>>
      %dma_start3A_233 = arith.constant 0 : i32
      %dma_start3A_234 = arith.constant 0 : i32
      %dma_start3A_235 = tpu.memref_slice %arg6[%run_scoped3A_202, %dma_start3A_233, %dma_start3A_234] : memref<2x128x128xf32, #tpu.memory_space<vmem>> -> memref<1x128x128xf32, #tpu.memory_space<vmem>>
      %dma_start3A_236 = tpu.memref_squeeze %dma_start3A_235 : memref<1x128x128xf32, #tpu.memory_space<vmem>> -> memref<128x128xf32, #tpu.memory_space<vmem>>
      %dma_start3A_237 = arith.constant 0 : i32
      %dma_start3A_238 = tpu.memref_slice %arg4[%add3A_201, %dma_start3A_237] : memref<32768x128xf32, #tpu.memory_space<hbm>> -> memref<128x128xf32, #tpu.memory_space<hbm>>
      %dma_start3A_239 = arith.constant 0 : i32
      %dma_start3A_240 = tpu.memref_slice %arg4[%add3A_201, %dma_start3A_239] : memref<32768x128xf32, #tpu.memory_space<hbm>> -> memref<128x128xf32, #tpu.memory_space<hbm>>
      %dma_start3A_241 = arith.constant 0 : i32
      %dma_start3A_242 = arith.constant 0 : i32
      %dma_start3A_243 = tpu.memref_slice %arg6[%run_scoped3A_202, %dma_start3A_241, %dma_start3A_242] : memref<2x128x128xf32, #tpu.memory_space<vmem>> -> memref<1x128x128xf32, #tpu.memory_space<vmem>>
      %dma_start3A_244 = tpu.memref_squeeze %dma_start3A_243 : memref<1x128x128xf32, #tpu.memory_space<vmem>> -> memref<128x128xf32, #tpu.memory_space<vmem>>
      tpu.enqueue_dma source(%dma_start3A_244 : memref<128x128xf32, #tpu.memory_space<vmem>>) target(%dma_start3A_240 : memref<128x128xf32, #tpu.memory_space<hbm>>) target_semaphore(%run_scoped3A_232 : memref<!tpu.dma_semaphore, #tpu.memory_space<semaphore_mem>>)
      %dma_wait3A_245 = arith.constant 0 : i32
      %dma_wait3A_246 = arith.constant 0 : i32
      %dma_wait3A_247 = tpu.memref_slice %arg6[%run_scoped3A_202, %dma_wait3A_245, %dma_wait3A_246] : memref<2x128x128xf32, #tpu.memory_space<vmem>> -> memref<1x128x128xf32, #tpu.memory_space<vmem>>
      %dma_wait3A_248 = tpu.memref_squeeze %dma_wait3A_247 : memref<1x128x128xf32, #tpu.memory_space<vmem>> -> memref<128x128xf32, #tpu.memory_space<vmem>>
      %dma_wait3A_249 = arith.constant 0 : i32
      %dma_wait3A_250 = tpu.memref_slice %arg4[%add3A_201, %dma_wait3A_249] : memref<32768x128xf32, #tpu.memory_space<hbm>> -> memref<128x128xf32, #tpu.memory_space<hbm>>
      %dma_wait3A_251 = arith.constant 0 : i32
      %dma_wait3A_252 = tpu.memref_slice %arg4[%add3A_201, %dma_wait3A_251] : memref<32768x128xf32, #tpu.memory_space<hbm>> -> memref<128x128xf32, #tpu.memory_space<hbm>>
      %dma_wait3A_253 = arith.constant 0 : i32
      %dma_wait3A_254 = arith.constant 0 : i32
      %dma_wait3A_255 = tpu.memref_slice %arg6[%run_scoped3A_202, %dma_wait3A_253, %dma_wait3A_254] : memref<2x128x128xf32, #tpu.memory_space<vmem>> -> memref<1x128x128xf32, #tpu.memory_space<vmem>>
      %dma_wait3A_256 = tpu.memref_squeeze %dma_wait3A_255 : memref<1x128x128xf32, #tpu.memory_space<vmem>> -> memref<128x128xf32, #tpu.memory_space<vmem>>
      tpu.wait_dma2 semaphore(%run_scoped3A_232 : memref<!tpu.dma_semaphore, #tpu.memory_space<semaphore_mem>>) src(%dma_wait3A_256 : memref<128x128xf32, #tpu.memory_space<vmem>>) dst(%dma_wait3A_252 : memref<128x128xf32, #tpu.memory_space<hbm>>)
      tpu.yield
    }) : () -> ()
    %dma_start3A_203 = arith.constant 7 : i32
    %dma_start3A_204 = arith.constant 1 : i32
    %dma_start3A_205 = arith.constant 0 : i32
    %dma_start3A_206 = arith.constant 0 : i32
    %dma_start3A_207 = tpu.memref_slice %arg6[%dma_start3A_204, %dma_start3A_205, %dma_start3A_206] : memref<2x128x128xf32, #tpu.memory_space<vmem>> -> memref<1x128x128xf32, #tpu.memory_space<vmem>>
    %dma_start3A_208 = tpu.memref_squeeze %dma_start3A_207 : memref<1x128x128xf32, #tpu.memory_space<vmem>> -> memref<128x128xf32, #tpu.memory_space<vmem>>
    %dma_start3A_209 = arith.constant 0 : i32
    %dma_start3A_210 = tpu.memref_slice %arg5[%dma_start3A_203, %dma_start3A_209] : memref<8x128xi32, #tpu.memory_space<vmem>> -> memref<1x128xi32, #tpu.memory_space<vmem>>
    %dma_start3A_211 = tpu.memref_squeeze %dma_start3A_210 : memref<1x128xi32, #tpu.memory_space<vmem>> -> memref<128xi32, #tpu.memory_space<vmem>>
    %dma_start3A_212 = arith.constant 0 : i32
    %dma_start3A_213 = arith.constant 0 : i32
    %dma_start3A_214 = tpu.memref_slice %arg2[%dma_start3A_212, %dma_start3A_213] : memref<1512x128xf32, #tpu.memory_space<hbm>> -> memref<1512x128xf32, #tpu.memory_space<hbm>>
    tpu.enqueue_indirect_dma source(%dma_start3A_214 : memref<1512x128xf32, #tpu.memory_space<hbm>>) target(%dma_start3A_208 : memref<128x128xf32, #tpu.memory_space<vmem>>) offsets(%dma_start3A_211 : memref<128xi32, #tpu.memory_space<vmem>>) semaphore(%arg7 : memref<!tpu.dma_semaphore, #tpu.memory_space<semaphore_mem>>)
    %dma_wait3A_215 = arith.constant 7 : i32
    %dma_wait3A_216 = arith.constant 1 : i32
    %dma_wait3A_217 = arith.constant 0 : i32
    %dma_wait3A_218 = arith.constant 0 : i32
    %dma_wait3A_219 = tpu.memref_slice %arg6[%dma_wait3A_216, %dma_wait3A_217, %dma_wait3A_218] : memref<2x128x128xf32, #tpu.memory_space<vmem>> -> memref<1x128x128xf32, #tpu.memory_space<vmem>>
    %dma_wait3A_220 = tpu.memref_squeeze %dma_wait3A_219 : memref<1x128x128xf32, #tpu.memory_space<vmem>> -> memref<128x128xf32, #tpu.memory_space<vmem>>
    %dma_wait3A_221 = arith.constant 0 : i32
    %dma_wait3A_222 = tpu.memref_slice %arg5[%dma_wait3A_215, %dma_wait3A_221] : memref<8x128xi32, #tpu.memory_space<vmem>> -> memref<1x128xi32, #tpu.memory_space<vmem>>
    %dma_wait3A_223 = tpu.memref_squeeze %dma_wait3A_222 : memref<1x128xi32, #tpu.memory_space<vmem>> -> memref<128xi32, #tpu.memory_space<vmem>>
    %dma_wait3A_224 = arith.constant 0 : i32
    %dma_wait3A_225 = arith.constant 0 : i32
    %dma_wait3A_226 = tpu.memref_slice %arg2[%dma_wait3A_224, %dma_wait3A_225] : memref<1512x128xf32, #tpu.memory_space<hbm>> -> memref<1512x128xf32, #tpu.memory_space<hbm>>
    tpu.wait_indirect_dma semaphore(%arg7 : memref<!tpu.dma_semaphore, #tpu.memory_space<semaphore_mem>>) src(%dma_wait3A_226 : memref<1512x128xf32, #tpu.memory_space<hbm>>) dst(%dma_wait3A_220 : memref<128x128xf32, #tpu.memory_space<vmem>>)
    %mul3A_227 = arith.constant 1024 : i32
    %mul3A_228 = arith.muli %add3A, %mul3A_227 : i32
    %add3A_229 = arith.constant 896 : i32
    %add3A_230 = arith.addi %mul3A_228, %add3A_229 : i32
    %run_scoped3A_231 = arith.constant 1 : i32
    "tpu.region"() ({
      %run_scoped3A_232 = tpu.sem_alloc : memref<!tpu.dma_semaphore, #tpu.memory_space<semaphore_mem>>
      %dma_start3A_233 = arith.constant 0 : i32
      %dma_start3A_234 = arith.constant 0 : i32
      %dma_start3A_235 = tpu.memref_slice %arg6[%run_scoped3A_231, %dma_start3A_233, %dma_start3A_234] : memref<2x128x128xf32, #tpu.memory_space<vmem>> -> memref<1x128x128xf32, #tpu.memory_space<vmem>>
      %dma_start3A_236 = tpu.memref_squeeze %dma_start3A_235 : memref<1x128x128xf32, #tpu.memory_space<vmem>> -> memref<128x128xf32, #tpu.memory_space<vmem>>
      %dma_start3A_237 = arith.constant 0 : i32
      %dma_start3A_238 = tpu.memref_slice %arg4[%add3A_230, %dma_start3A_237] : memref<32768x128xf32, #tpu.memory_space<hbm>> -> memref<128x128xf32, #tpu.memory_space<hbm>>
      %dma_start3A_239 = arith.constant 0 : i32
      %dma_start3A_240 = tpu.memref_slice %arg4[%add3A_230, %dma_start3A_239] : memref<32768x128xf32, #tpu.memory_space<hbm>> -> memref<128x128xf32, #tpu.memory_space<hbm>>
      %dma_start3A_241 = arith.constant 0 : i32
      %dma_start3A_242 = arith.constant 0 : i32
      %dma_start3A_243 = tpu.memref_slice %arg6[%run_scoped3A_231, %dma_start3A_241, %dma_start3A_242] : memref<2x128x128xf32, #tpu.memory_space<vmem>> -> memref<1x128x128xf32, #tpu.memory_space<vmem>>
      %dma_start3A_244 = tpu.memref_squeeze %dma_start3A_243 : memref<1x128x128xf32, #tpu.memory_space<vmem>> -> memref<128x128xf32, #tpu.memory_space<vmem>>
      tpu.enqueue_dma source(%dma_start3A_244 : memref<128x128xf32, #tpu.memory_space<vmem>>) target(%dma_start3A_240 : memref<128x128xf32, #tpu.memory_space<hbm>>) target_semaphore(%run_scoped3A_232 : memref<!tpu.dma_semaphore, #tpu.memory_space<semaphore_mem>>)
      %dma_wait3A_245 = arith.constant 0 : i32
      %dma_wait3A_246 = arith.constant 0 : i32
      %dma_wait3A_247 = tpu.memref_slice %arg6[%run_scoped3A_231, %dma_wait3A_245, %dma_wait3A_246] : memref<2x128x128xf32, #tpu.memory_space<vmem>> -> memref<1x128x128xf32, #tpu.memory_space<vmem>>
      %dma_wait3A_248 = tpu.memref_squeeze %dma_wait3A_247 : memref<1x128x128xf32, #tpu.memory_space<vmem>> -> memref<128x128xf32, #tpu.memory_space<vmem>>
      %dma_wait3A_249 = arith.constant 0 : i32
      %dma_wait3A_250 = tpu.memref_slice %arg4[%add3A_230, %dma_wait3A_249] : memref<32768x128xf32, #tpu.memory_space<hbm>> -> memref<128x128xf32, #tpu.memory_space<hbm>>
      %dma_wait3A_251 = arith.constant 0 : i32
      %dma_wait3A_252 = tpu.memref_slice %arg4[%add3A_230, %dma_wait3A_251] : memref<32768x128xf32, #tpu.memory_space<hbm>> -> memref<128x128xf32, #tpu.memory_space<hbm>>
      %dma_wait3A_253 = arith.constant 0 : i32
      %dma_wait3A_254 = arith.constant 0 : i32
      %dma_wait3A_255 = tpu.memref_slice %arg6[%run_scoped3A_231, %dma_wait3A_253, %dma_wait3A_254] : memref<2x128x128xf32, #tpu.memory_space<vmem>> -> memref<1x128x128xf32, #tpu.memory_space<vmem>>
      %dma_wait3A_256 = tpu.memref_squeeze %dma_wait3A_255 : memref<1x128x128xf32, #tpu.memory_space<vmem>> -> memref<128x128xf32, #tpu.memory_space<vmem>>
      tpu.wait_dma2 semaphore(%run_scoped3A_232 : memref<!tpu.dma_semaphore, #tpu.memory_space<semaphore_mem>>) src(%dma_wait3A_256 : memref<128x128xf32, #tpu.memory_space<vmem>>) dst(%dma_wait3A_252 : memref<128x128xf32, #tpu.memory_space<hbm>>)
      tpu.yield
    }) : () -> ()
    return
  }
}

#map = affine_map<(d0, d1) -> (0)>
module attributes {stable_mosaic.version = 14 : i64} {
  func.func @_adjacency_body(%arg0: i32, %arg1: i32, %arg2: memref<2419200xi32, #tpu.memory_space<hbm>>, %arg3: memref<2419200xi32, #tpu.memory_space<hbm>>, %arg4: memref<15120000xf32, #tpu.memory_space<hbm>>, %arg5: memref<1600xi32, #tpu.memory_space<vmem>>, %arg6: memref<1600xi32, #tpu.memory_space<vmem>>, %arg7: memref<1600xi32, #tpu.memory_space<vmem>>, %arg8: memref<1600xi32, #tpu.memory_space<vmem>>, %arg9: memref<1600xi32, #tpu.memory_space<vmem>>, %arg10: memref<1600xi32, #tpu.memory_space<vmem>>, %arg11: memref<1600xi32, #tpu.memory_space<vmem>>, %arg12: memref<1600xi32, #tpu.memory_space<vmem>>, %arg13: memref<1600xi32, #tpu.memory_space<vmem>>, %arg14: memref<1600xi32, #tpu.memory_space<vmem>>, %arg15: memref<10000xf32, #tpu.memory_space<vmem>>, %arg16: memref<10000xf32, #tpu.memory_space<vmem>>, %arg17: memref<!tpu.dma_semaphore, #tpu.memory_space<semaphore_mem>>, %arg18: memref<!tpu.dma_semaphore, #tpu.memory_space<semaphore_mem>>, %arg19: memref<!tpu.dma_semaphore, #tpu.memory_space<semaphore_mem>>, %arg20: memref<!tpu.dma_semaphore, #tpu.memory_space<semaphore_mem>>, %arg21: memref<!tpu.dma_semaphore, #tpu.memory_space<semaphore_mem>>, %arg22: memref<!tpu.dma_semaphore, #tpu.memory_space<semaphore_mem>>) attributes {dimension_semantics = [#tpu.dimension_semantics<core_parallel>, #tpu.dimension_semantics<subcore_parallel>], iteration_bounds = array<i64: 2, 16>, scalar_prefetch = 0 : i64, scratch_operands = 18 : i64, tpu.core_type = #tpu.core_type<sc_vector_subcore>, window_params = [{transform_indices = #map}, {transform_indices = #map}, {transform_indices = #map}]} {
    %mul3A = arith.constant 2 : i32
    %mul3A_0 = arith.muli %arg1, %mul3A : i32
    %add3A = arith.addi %mul3A_0, %arg0 : i32
    %mul3A_1 = arith.constant 48 : i32
    %mul3A_2 = arith.muli %add3A, %mul3A_1 : i32
    %broadcast_in_dim3A = arith.constant 0.000000e+00 : f32
    %broadcast_in_dim3A_3 = vector.broadcast %broadcast_in_dim3A : f32 to vector<16xf32>
    %broadcast_in_dim3A_4 = arith.constant 1.000000e+00 : f32
    %broadcast_in_dim3A_5 = vector.broadcast %broadcast_in_dim3A_4 : f32 to vector<16xf32>
    %scan3A = arith.constant 0 : i32
    %scan3A_6 = arith.constant 0 : i32
    %scan3A_7 = arith.constant 625 : i32
    %scan3A_8 = arith.addi %scan3A_6, %scan3A_7 : i32
    %scan3A_9 = arith.constant 1 : i32
    scf.for %scan3A_51 = %scan3A_6 to %scan3A_8 step %scan3A_9  : i32 {
      %mul3A_52 = arith.constant 16 : i32
      %mul3A_53 = arith.muli %scan3A_51, %mul3A_52 : i32
      %swap3A = arith.index_cast %mul3A_53 : i32 to index
      %swap3A_54 = tpu.vector_load %arg15[%swap3A] {strides = array<i32>} : memref<10000xf32, #tpu.memory_space<vmem>>, vector<16xf32>,
      tpu.vector_store %arg15[%swap3A], %broadcast_in_dim3A_3 {strides = array<i32>} : memref<10000xf32, #tpu.memory_space<vmem>>, vector<16xf32>,
      %swap3A_55 = arith.index_cast %mul3A_53 : i32 to index
      %swap3A_56 = tpu.vector_load %arg16[%swap3A_55] {strides = array<i32>} : memref<10000xf32, #tpu.memory_space<vmem>>, vector<16xf32>,
      tpu.vector_store %arg16[%swap3A_55], %broadcast_in_dim3A_3 {strides = array<i32>} : memref<10000xf32, #tpu.memory_space<vmem>>, vector<16xf32>,
    }
    %scan3A_10 = arith.constant 625 : i32
    %add3A_11 = arith.constant 0 : i32
    %add3A_12 = arith.addi %mul3A_2, %add3A_11 : i32
    %lt3A = arith.constant 1512 : i32
    %lt3A_13 = arith.cmpi slt, %add3A_12, %lt3A : i32
    %convert_element_type3A = arith.extui %lt3A_13 : i1 to i32
    %cond3A = arith.constant 0 : i32
    %cond3A_14 = arith.cmpi ne, %convert_element_type3A, %cond3A : i32
    scf.if %cond3A_14 {
      %mul3A_51 = arith.constant 1600 : i32
      %mul3A_52 = arith.muli %add3A_12, %mul3A_51 : i32
      %dma_start3A = tpu.memref_slice %arg2[%mul3A_52] : memref<2419200xi32, #tpu.memory_space<hbm>> -> memref<1600xi32, #tpu.memory_space<hbm>>
      %dma_start3A_53 = tpu.memref_slice %arg2[%mul3A_52] : memref<2419200xi32, #tpu.memory_space<hbm>> -> memref<1600xi32, #tpu.memory_space<hbm>>
      tpu.enqueue_dma source(%dma_start3A_53 : memref<1600xi32, #tpu.memory_space<hbm>>) target(%arg5 : memref<1600xi32, #tpu.memory_space<vmem>>) target_semaphore(%arg17 : memref<!tpu.dma_semaphore, #tpu.memory_space<semaphore_mem>>)
      %mul3A_54 = arith.constant 1600 : i32
      %mul3A_55 = arith.muli %add3A_12, %mul3A_54 : i32
      %dma_start3A_56 = tpu.memref_slice %arg3[%mul3A_55] : memref<2419200xi32, #tpu.memory_space<hbm>> -> memref<1600xi32, #tpu.memory_space<hbm>>
      %dma_start3A_57 = tpu.memref_slice %arg3[%mul3A_55] : memref<2419200xi32, #tpu.memory_space<hbm>> -> memref<1600xi32, #tpu.memory_space<hbm>>
      tpu.enqueue_dma source(%dma_start3A_57 : memref<1600xi32, #tpu.memory_space<hbm>>) target(%arg6 : memref<1600xi32, #tpu.memory_space<vmem>>) target_semaphore(%arg17 : memref<!tpu.dma_semaphore, #tpu.memory_space<semaphore_mem>>)
    } else {
    }
    %add3A_15 = arith.constant 1 : i32
    %add3A_16 = arith.addi %mul3A_2, %add3A_15 : i32
    %lt3A_17 = arith.constant 1512 : i32
    %lt3A_18 = arith.cmpi slt, %add3A_16, %lt3A_17 : i32
    %convert_element_type3A_19 = arith.extui %lt3A_18 : i1 to i32
    %cond3A_20 = arith.constant 0 : i32
    %cond3A_21 = arith.cmpi ne, %convert_element_type3A_19, %cond3A_20 : i32
    scf.if %cond3A_21 {
      %mul3A_51 = arith.constant 1600 : i32
      %mul3A_52 = arith.muli %add3A_16, %mul3A_51 : i32
      %dma_start3A = tpu.memref_slice %arg2[%mul3A_52] : memref<2419200xi32, #tpu.memory_space<hbm>> -> memref<1600xi32, #tpu.memory_space<hbm>>
      %dma_start3A_53 = tpu.memref_slice %arg2[%mul3A_52] : memref<2419200xi32, #tpu.memory_space<hbm>> -> memref<1600xi32, #tpu.memory_space<hbm>>
      tpu.enqueue_dma source(%dma_start3A_53 : memref<1600xi32, #tpu.memory_space<hbm>>) target(%arg7 : memref<1600xi32, #tpu.memory_space<vmem>>) target_semaphore(%arg18 : memref<!tpu.dma_semaphore, #tpu.memory_space<semaphore_mem>>)
      %mul3A_54 = arith.constant 1600 : i32
      %mul3A_55 = arith.muli %add3A_16, %mul3A_54 : i32
      %dma_start3A_56 = tpu.memref_slice %arg3[%mul3A_55] : memref<2419200xi32, #tpu.memory_space<hbm>> -> memref<1600xi32, #tpu.memory_space<hbm>>
      %dma_start3A_57 = tpu.memref_slice %arg3[%mul3A_55] : memref<2419200xi32, #tpu.memory_space<hbm>> -> memref<1600xi32, #tpu.memory_space<hbm>>
      tpu.enqueue_dma source(%dma_start3A_57 : memref<1600xi32, #tpu.memory_space<hbm>>) target(%arg8 : memref<1600xi32, #tpu.memory_space<vmem>>) target_semaphore(%arg18 : memref<!tpu.dma_semaphore, #tpu.memory_space<semaphore_mem>>)
    } else {
    }
    %scan3A_22 = arith.constant 0 : i32
    %scan3A_23 = arith.constant 0 : i32
    %scan3A_24 = arith.constant 12 : i32
    %scan3A_25 = arith.addi %scan3A_23, %scan3A_24 : i32
    %scan3A_26 = arith.constant 1 : i32
    scf.for %scan3A_51 = %scan3A_23 to %scan3A_25 step %scan3A_26  : i32 {
      %mul3A_52 = arith.constant 4 : i32
      %mul3A_53 = arith.muli %scan3A_51, %mul3A_52 : i32
      %add3A_54 = arith.addi %mul3A_2, %mul3A_53 : i32
      %add3A_55 = arith.constant 0 : i32
      %add3A_56 = arith.addi %add3A_54, %add3A_55 : i32
      %lt3A_57 = arith.constant 1512 : i32
      %lt3A_58 = arith.cmpi slt, %add3A_56, %lt3A_57 : i32
      %convert_element_type3A_59 = arith.extui %lt3A_58 : i1 to i32
      %cond3A_60 = arith.constant 0 : i32
      %cond3A_61 = arith.cmpi ne, %convert_element_type3A_59, %cond3A_60 : i32
      scf.if %cond3A_61 {
        %mul3A_92 = arith.constant 1600 : i32
        %mul3A_93 = arith.muli %add3A_56, %mul3A_92 : i32
        %dma_wait3A_94 = tpu.memref_slice %arg2[%mul3A_93] : memref<2419200xi32, #tpu.memory_space<hbm>> -> memref<1600xi32, #tpu.memory_space<hbm>>
        %dma_wait3A_95 = tpu.memref_slice %arg2[%mul3A_93] : memref<2419200xi32, #tpu.memory_space<hbm>> -> memref<1600xi32, #tpu.memory_space<hbm>>
        tpu.wait_dma2 semaphore(%arg17 : memref<!tpu.dma_semaphore, #tpu.memory_space<semaphore_mem>>) src(%dma_wait3A_95 : memref<1600xi32, #tpu.memory_space<hbm>>) dst(%arg5 : memref<1600xi32, #tpu.memory_space<vmem>>)
        %mul3A_96 = arith.constant 1600 : i32
        %mul3A_97 = arith.muli %add3A_56, %mul3A_96 : i32
        %dma_wait3A_98 = tpu.memref_slice %arg3[%mul3A_97] : memref<2419200xi32, #tpu.memory_space<hbm>> -> memref<1600xi32, #tpu.memory_space<hbm>>
        %dma_wait3A_99 = tpu.memref_slice %arg3[%mul3A_97] : memref<2419200xi32, #tpu.memory_space<hbm>> -> memref<1600xi32, #tpu.memory_space<hbm>>
        tpu.wait_dma2 semaphore(%arg17 : memref<!tpu.dma_semaphore, #tpu.memory_space<semaphore_mem>>) src(%dma_wait3A_99 : memref<1600xi32, #tpu.memory_space<hbm>>) dst(%arg6 : memref<1600xi32, #tpu.memory_space<vmem>>)
        %add3A_100 = arith.constant 2 : i32
        %add3A_101 = arith.addi %add3A_56, %add3A_100 : i32
        %add3A_102 = arith.constant 48 : i32
        %add3A_103 = arith.addi %mul3A_2, %add3A_102 : i32
        %min3A_104 = arith.constant 1512 : i32
        %min3A_105 = arith.minsi %add3A_103, %min3A_104 : i32
        %lt3A_106 = arith.cmpi slt, %add3A_101, %min3A_105 : i32
        %convert_element_type3A_107 = arith.extui %lt3A_106 : i1 to i32
        %cond3A_108 = arith.constant 0 : i32
        %cond3A_109 = arith.cmpi ne, %convert_element_type3A_107, %cond3A_108 : i32
        scf.if %cond3A_109 {
          %add3A_128 = arith.constant 2 : i32
          %add3A_129 = arith.addi %add3A_56, %add3A_128 : i32
          %mul3A_130 = arith.constant 1600 : i32
          %mul3A_131 = arith.muli %add3A_129, %mul3A_130 : i32
          %dma_start3A_132 = tpu.memref_slice %arg2[%mul3A_131] : memref<2419200xi32, #tpu.memory_space<hbm>> -> memref<1600xi32, #tpu.memory_space<hbm>>
          %dma_start3A_133 = tpu.memref_slice %arg2[%mul3A_131] : memref<2419200xi32, #tpu.memory_space<hbm>> -> memref<1600xi32, #tpu.memory_space<hbm>>
          tpu.enqueue_dma source(%dma_start3A_133 : memref<1600xi32, #tpu.memory_space<hbm>>) target(%arg9 : memref<1600xi32, #tpu.memory_space<vmem>>) target_semaphore(%arg19 : memref<!tpu.dma_semaphore, #tpu.memory_space<semaphore_mem>>)
          %add3A_134 = arith.constant 2 : i32
          %add3A_135 = arith.addi %add3A_56, %add3A_134 : i32
          %mul3A_136 = arith.constant 1600 : i32
          %mul3A_137 = arith.muli %add3A_135, %mul3A_136 : i32
          %dma_start3A_138 = tpu.memref_slice %arg3[%mul3A_137] : memref<2419200xi32, #tpu.memory_space<hbm>> -> memref<1600xi32, #tpu.memory_space<hbm>>
          %dma_start3A_139 = tpu.memref_slice %arg3[%mul3A_137] : memref<2419200xi32, #tpu.memory_space<hbm>> -> memref<1600xi32, #tpu.memory_space<hbm>>
          tpu.enqueue_dma source(%dma_start3A_139 : memref<1600xi32, #tpu.memory_space<hbm>>) target(%arg10 : memref<1600xi32, #tpu.memory_space<vmem>>) target_semaphore(%arg19 : memref<!tpu.dma_semaphore, #tpu.memory_space<semaphore_mem>>)
        } else {
        }
        %add3A_110 = arith.constant 2 : i32
        %add3A_111 = arith.addi %mul3A_2, %add3A_110 : i32
        %ge3A = arith.cmpi sge, %add3A_56, %add3A_111 : i32
        %convert_element_type3A_112 = arith.extui %ge3A : i1 to i32
        %cond3A_113 = arith.constant 0 : i32
        %cond3A_114 = arith.cmpi ne, %convert_element_type3A_112, %cond3A_113 : i32
        scf.if %cond3A_114 {
          %sub3A_128 = arith.constant 2 : i32
          %sub3A_129 = arith.subi %add3A_56, %sub3A_128 : i32
          %mul3A_130 = arith.constant 100 : i32
          %mul3A_131 = arith.muli %sub3A_129, %mul3A_130 : i32
          %mul3A_132 = arith.constant 100 : i32
          %mul3A_133 = arith.muli %mul3A_131, %mul3A_132 : i32
          %dma_wait3A_134 = tpu.memref_slice %arg4[%mul3A_133] : memref<15120000xf32, #tpu.memory_space<hbm>> -> memref<10000xf32, #tpu.memory_space<hbm>>
          %dma_wait3A_135 = tpu.memref_slice %arg4[%mul3A_133] : memref<15120000xf32, #tpu.memory_space<hbm>> -> memref<10000xf32, #tpu.memory_space<hbm>>
          tpu.wait_dma2 semaphore(%arg21 : memref<!tpu.dma_semaphore, #tpu.memory_space<semaphore_mem>>) src(%arg15 : memref<10000xf32, #tpu.memory_space<vmem>>) dst(%dma_wait3A_135 : memref<10000xf32, #tpu.memory_space<hbm>>)
          %scan3A_136 = arith.constant 0 : i32
          %scan3A_137 = arith.constant 0 : i32
          %scan3A_138 = arith.constant 50 : i32
          %scan3A_139 = arith.addi %scan3A_137, %scan3A_138 : i32
          %scan3A_140 = arith.constant 1 : i32
          scf.for %scan3A_142 = %scan3A_137 to %scan3A_139 step %scan3A_140  : i32 {
            %mul3A_143 = arith.constant 32 : i32
            %mul3A_144 = arith.muli %scan3A_142, %mul3A_143 : i32
            %get3A = arith.index_cast %mul3A_144 : i32 to index
            %get3A_145 = tpu.vector_load %arg13[%get3A] {strides = array<i32>} : memref<1600xi32, #tpu.memory_space<vmem>>, vector<16xi32>,
            %mul3A_146 = arith.constant 32 : i32
            %mul3A_147 = arith.muli %scan3A_142, %mul3A_146 : i32
            %add3A_148 = arith.constant 16 : i32
            %add3A_149 = arith.addi %mul3A_147, %add3A_148 : i32
            %get3A_150 = arith.index_cast %add3A_149 : i32 to index
            %get3A_151 = tpu.vector_load %arg13[%get3A_150] {strides = array<i32>} : memref<1600xi32, #tpu.memory_space<vmem>>, vector<16xi32>,
            tpu.vector_store_idx %arg15[%get3A_145], %broadcast_in_dim3A_3 : memref<10000xf32, #tpu.memory_space<vmem>>[vector<16xi32>], vector<16xf32>,
            tpu.vector_store_idx %arg15[%get3A_151], %broadcast_in_dim3A_3 : memref<10000xf32, #tpu.memory_space<vmem>>[vector<16xi32>], vector<16xf32>,
          }
          %scan3A_141 = arith.constant 50 : i32
        } else {
        }
        %mul3A_115 = arith.constant 10100 : i32
        %mul3A_116 = arith.muli %add3A_56, %mul3A_115 : i32
        %scan3A_117 = arith.constant 0 : i32
        %scan3A_118 = arith.constant 0 : i32
        %scan3A_119 = arith.constant 50 : i32
        %scan3A_120 = arith.addi %scan3A_118, %scan3A_119 : i32
        %scan3A_121 = arith.constant 1 : i32
        scf.for %scan3A_128 = %scan3A_118 to %scan3A_120 step %scan3A_121  : i32 {
          %mul3A_129 = arith.constant 32 : i32
          %mul3A_130 = arith.muli %scan3A_128, %mul3A_129 : i32
          %add3A_131 = arith.constant 0 : i32
          %add3A_132 = arith.addi %mul3A_130, %add3A_131 : i32
          %get3A = arith.index_cast %add3A_132 : i32 to index
          %get3A_133 = tpu.vector_load %arg6[%get3A] {strides = array<i32>} : memref<1600xi32, #tpu.memory_space<vmem>>, vector<16xi32>,
          %mul3A_134 = arith.constant 100 : i32
          %mul3A_135 = vector.broadcast %mul3A_134 : i32 to vector<16xi32>
          %mul3A_136 = arith.muli %get3A_133, %mul3A_135 : vector<16xi32>
          %get3A_137 = arith.index_cast %add3A_132 : i32 to index
          %get3A_138 = tpu.vector_load %arg5[%get3A_137] {strides = array<i32>} : memref<1600xi32, #tpu.memory_space<vmem>>, vector<16xi32>,
          %add3A_139 = arith.addi %mul3A_136, %get3A_138 : vector<16xi32>
          %sub3A_140 = vector.broadcast %mul3A_116 : i32 to vector<16xi32>
          %sub3A_141 = arith.subi %add3A_139, %sub3A_140 : vector<16xi32>
          %swap3A = arith.index_cast %add3A_132 : i32 to index
          %swap3A_142 = tpu.vector_load %arg13[%swap3A] {strides = array<i32>} : memref<1600xi32, #tpu.memory_space<vmem>>, vector<16xi32>,
          tpu.vector_store %arg13[%swap3A], %sub3A_141 {strides = array<i32>} : memref<1600xi32, #tpu.memory_space<vmem>>, vector<16xi32>,
          tpu.vector_store_idx %arg15[%sub3A_141], %broadcast_in_dim3A_5 {add = true} : memref<10000xf32, #tpu.memory_space<vmem>>[vector<16xi32>], vector<16xf32>,
          %mul3A_143 = arith.constant 32 : i32
          %mul3A_144 = arith.muli %scan3A_128, %mul3A_143 : i32
          %add3A_145 = arith.constant 16 : i32
          %add3A_146 = arith.addi %mul3A_144, %add3A_145 : i32
          %get3A_147 = arith.index_cast %add3A_146 : i32 to index
          %get3A_148 = tpu.vector_load %arg6[%get3A_147] {strides = array<i32>} : memref<1600xi32, #tpu.memory_space<vmem>>, vector<16xi32>,
          %mul3A_149 = arith.constant 100 : i32
          %mul3A_150 = vector.broadcast %mul3A_149 : i32 to vector<16xi32>
          %mul3A_151 = arith.muli %get3A_148, %mul3A_150 : vector<16xi32>
          %get3A_152 = arith.index_cast %add3A_146 : i32 to index
          %get3A_153 = tpu.vector_load %arg5[%get3A_152] {strides = array<i32>} : memref<1600xi32, #tpu.memory_space<vmem>>, vector<16xi32>,
          %add3A_154 = arith.addi %mul3A_151, %get3A_153 : vector<16xi32>
          %sub3A_155 = vector.broadcast %mul3A_116 : i32 to vector<16xi32>
          %sub3A_156 = arith.subi %add3A_154, %sub3A_155 : vector<16xi32>
          %swap3A_157 = arith.index_cast %add3A_146 : i32 to index
          %swap3A_158 = tpu.vector_load %arg13[%swap3A_157] {strides = array<i32>} : memref<1600xi32, #tpu.memory_space<vmem>>, vector<16xi32>,
          tpu.vector_store %arg13[%swap3A_157], %sub3A_156 {strides = array<i32>} : memref<1600xi32, #tpu.memory_space<vmem>>, vector<16xi32>,
          tpu.vector_store_idx %arg15[%sub3A_156], %broadcast_in_dim3A_5 {add = true} : memref<10000xf32, #tpu.memory_space<vmem>>[vector<16xi32>], vector<16xf32>,
        }
        %scan3A_122 = arith.constant 50 : i32
        %mul3A_123 = arith.constant 100 : i32
        %mul3A_124 = arith.muli %add3A_56, %mul3A_123 : i32
        %mul3A_125 = arith.constant 100 : i32
        %mul3A_126 = arith.muli %mul3A_124, %mul3A_125 : i32
        %dma_start3A = tpu.memref_slice %arg4[%mul3A_126] : memref<15120000xf32, #tpu.memory_space<hbm>> -> memref<10000xf32, #tpu.memory_space<hbm>>
        %dma_start3A_127 = tpu.memref_slice %arg4[%mul3A_126] : memref<15120000xf32, #tpu.memory_space<hbm>> -> memref<10000xf32, #tpu.memory_space<hbm>>
        tpu.enqueue_dma source(%arg15 : memref<10000xf32, #tpu.memory_space<vmem>>) target(%dma_start3A_127 : memref<10000xf32, #tpu.memory_space<hbm>>) target_semaphore(%arg21 : memref<!tpu.dma_semaphore, #tpu.memory_space<semaphore_mem>>)
      } else {
      }
      %mul3A_62 = arith.constant 4 : i32
      %mul3A_63 = arith.muli %scan3A_51, %mul3A_62 : i32
      %add3A_64 = arith.addi %mul3A_2, %mul3A_63 : i32
      %add3A_65 = arith.constant 1 : i32
      %add3A_66 = arith.addi %add3A_64, %add3A_65 : i32
      %lt3A_67 = arith.constant 1512 : i32
      %lt3A_68 = arith.cmpi slt, %add3A_66, %lt3A_67 : i32
      %convert_element_type3A_69 = arith.extui %lt3A_68 : i1 to i32
      %cond3A_70 = arith.constant 0 : i32
      %cond3A_71 = arith.cmpi ne, %convert_element_type3A_69, %cond3A_70 : i32
      scf.if %cond3A_71 {
        %mul3A_92 = arith.constant 1600 : i32
        %mul3A_93 = arith.muli %add3A_66, %mul3A_92 : i32
        %dma_wait3A_94 = tpu.memref_slice %arg2[%mul3A_93] : memref<2419200xi32, #tpu.memory_space<hbm>> -> memref<1600xi32, #tpu.memory_space<hbm>>
        %dma_wait3A_95 = tpu.memref_slice %arg2[%mul3A_93] : memref<2419200xi32, #tpu.memory_space<hbm>> -> memref<1600xi32, #tpu.memory_space<hbm>>
        tpu.wait_dma2 semaphore(%arg18 : memref<!tpu.dma_semaphore, #tpu.memory_space<semaphore_mem>>) src(%dma_wait3A_95 : memref<1600xi32, #tpu.memory_space<hbm>>) dst(%arg7 : memref<1600xi32, #tpu.memory_space<vmem>>)
        %mul3A_96 = arith.constant 1600 : i32
        %mul3A_97 = arith.muli %add3A_66, %mul3A_96 : i32
        %dma_wait3A_98 = tpu.memref_slice %arg3[%mul3A_97] : memref<2419200xi32, #tpu.memory_space<hbm>> -> memref<1600xi32, #tpu.memory_space<hbm>>
        %dma_wait3A_99 = tpu.memref_slice %arg3[%mul3A_97] : memref<2419200xi32, #tpu.memory_space<hbm>> -> memref<1600xi32, #tpu.memory_space<hbm>>
        tpu.wait_dma2 semaphore(%arg18 : memref<!tpu.dma_semaphore, #tpu.memory_space<semaphore_mem>>) src(%dma_wait3A_99 : memref<1600xi32, #tpu.memory_space<hbm>>) dst(%arg8 : memref<1600xi32, #tpu.memory_space<vmem>>)
        %add3A_100 = arith.constant 2 : i32
        %add3A_101 = arith.addi %add3A_66, %add3A_100 : i32
        %add3A_102 = arith.constant 48 : i32
        %add3A_103 = arith.addi %mul3A_2, %add3A_102 : i32
        %min3A_104 = arith.constant 1512 : i32
        %min3A_105 = arith.minsi %add3A_103, %min3A_104 : i32
        %lt3A_106 = arith.cmpi slt, %add3A_101, %min3A_105 : i32
        %convert_element_type3A_107 = arith.extui %lt3A_106 : i1 to i32
        %cond3A_108 = arith.constant 0 : i32
        %cond3A_109 = arith.cmpi ne, %convert_element_type3A_107, %cond3A_108 : i32
        scf.if %cond3A_109 {
          %add3A_128 = arith.constant 2 : i32
          %add3A_129 = arith.addi %add3A_66, %add3A_128 : i32
          %mul3A_130 = arith.constant 1600 : i32
          %mul3A_131 = arith.muli %add3A_129, %mul3A_130 : i32
          %dma_start3A_132 = tpu.memref_slice %arg2[%mul3A_131] : memref<2419200xi32, #tpu.memory_space<hbm>> -> memref<1600xi32, #tpu.memory_space<hbm>>
          %dma_start3A_133 = tpu.memref_slice %arg2[%mul3A_131] : memref<2419200xi32, #tpu.memory_space<hbm>> -> memref<1600xi32, #tpu.memory_space<hbm>>
          tpu.enqueue_dma source(%dma_start3A_133 : memref<1600xi32, #tpu.memory_space<hbm>>) target(%arg11 : memref<1600xi32, #tpu.memory_space<vmem>>) target_semaphore(%arg20 : memref<!tpu.dma_semaphore, #tpu.memory_space<semaphore_mem>>)
          %add3A_134 = arith.constant 2 : i32
          %add3A_135 = arith.addi %add3A_66, %add3A_134 : i32
          %mul3A_136 = arith.constant 1600 : i32
          %mul3A_137 = arith.muli %add3A_135, %mul3A_136 : i32
          %dma_start3A_138 = tpu.memref_slice %arg3[%mul3A_137] : memref<2419200xi32, #tpu.memory_space<hbm>> -> memref<1600xi32, #tpu.memory_space<hbm>>
          %dma_start3A_139 = tpu.memref_slice %arg3[%mul3A_137] : memref<2419200xi32, #tpu.memory_space<hbm>> -> memref<1600xi32, #tpu.memory_space<hbm>>
          tpu.enqueue_dma source(%dma_start3A_139 : memref<1600xi32, #tpu.memory_space<hbm>>) target(%arg12 : memref<1600xi32, #tpu.memory_space<vmem>>) target_semaphore(%arg20 : memref<!tpu.dma_semaphore, #tpu.memory_space<semaphore_mem>>)
        } else {
        }
        %add3A_110 = arith.constant 2 : i32
        %add3A_111 = arith.addi %mul3A_2, %add3A_110 : i32
        %ge3A = arith.cmpi sge, %add3A_66, %add3A_111 : i32
        %convert_element_type3A_112 = arith.extui %ge3A : i1 to i32
        %cond3A_113 = arith.constant 0 : i32
        %cond3A_114 = arith.cmpi ne, %convert_element_type3A_112, %cond3A_113 : i32
        scf.if %cond3A_114 {
          %sub3A_128 = arith.constant 2 : i32
          %sub3A_129 = arith.subi %add3A_66, %sub3A_128 : i32
          %mul3A_130 = arith.constant 100 : i32
          %mul3A_131 = arith.muli %sub3A_129, %mul3A_130 : i32
          %mul3A_132 = arith.constant 100 : i32
          %mul3A_133 = arith.muli %mul3A_131, %mul3A_132 : i32
          %dma_wait3A_134 = tpu.memref_slice %arg4[%mul3A_133] : memref<15120000xf32, #tpu.memory_space<hbm>> -> memref<10000xf32, #tpu.memory_space<hbm>>
          %dma_wait3A_135 = tpu.memref_slice %arg4[%mul3A_133] : memref<15120000xf32, #tpu.memory_space<hbm>> -> memref<10000xf32, #tpu.memory_space<hbm>>
          tpu.wait_dma2 semaphore(%arg22 : memref<!tpu.dma_semaphore, #tpu.memory_space<semaphore_mem>>) src(%arg16 : memref<10000xf32, #tpu.memory_space<vmem>>) dst(%dma_wait3A_135 : memref<10000xf32, #tpu.memory_space<hbm>>)
          %scan3A_136 = arith.constant 0 : i32
          %scan3A_137 = arith.constant 0 : i32
          %scan3A_138 = arith.constant 50 : i32
          %scan3A_139 = arith.addi %scan3A_137, %scan3A_138 : i32
          %scan3A_140 = arith.constant 1 : i32
          scf.for %scan3A_142 = %scan3A_137 to %scan3A_139 step %scan3A_140  : i32 {
            %mul3A_143 = arith.constant 32 : i32
            %mul3A_144 = arith.muli %scan3A_142, %mul3A_143 : i32
            %get3A = arith.index_cast %mul3A_144 : i32 to index
            %get3A_145 = tpu.vector_load %arg14[%get3A] {strides = array<i32>} : memref<1600xi32, #tpu.memory_space<vmem>>, vector<16xi32>,
            %mul3A_146 = arith.constant 32 : i32
            %mul3A_147 = arith.muli %scan3A_142, %mul3A_146 : i32
            %add3A_148 = arith.constant 16 : i32
            %add3A_149 = arith.addi %mul3A_147, %add3A_148 : i32
            %get3A_150 = arith.index_cast %add3A_149 : i32 to index
            %get3A_151 = tpu.vector_load %arg14[%get3A_150] {strides = array<i32>} : memref<1600xi32, #tpu.memory_space<vmem>>, vector<16xi32>,
            tpu.vector_store_idx %arg16[%get3A_145], %broadcast_in_dim3A_3 : memref<10000xf32, #tpu.memory_space<vmem>>[vector<16xi32>], vector<16xf32>,
            tpu.vector_store_idx %arg16[%get3A_151], %broadcast_in_dim3A_3 : memref<10000xf32, #tpu.memory_space<vmem>>[vector<16xi32>], vector<16xf32>,
          }
          %scan3A_141 = arith.constant 50 : i32
        } else {
        }
        %mul3A_115 = arith.constant 10100 : i32
        %mul3A_116 = arith.muli %add3A_66, %mul3A_115 : i32
        %scan3A_117 = arith.constant 0 : i32
        %scan3A_118 = arith.constant 0 : i32
        %scan3A_119 = arith.constant 50 : i32
        %scan3A_120 = arith.addi %scan3A_118, %scan3A_119 : i32
        %scan3A_121 = arith.constant 1 : i32
        scf.for %scan3A_128 = %scan3A_118 to %scan3A_120 step %scan3A_121  : i32 {
          %mul3A_129 = arith.constant 32 : i32
          %mul3A_130 = arith.muli %scan3A_128, %mul3A_129 : i32
          %add3A_131 = arith.constant 0 : i32
          %add3A_132 = arith.addi %mul3A_130, %add3A_131 : i32
          %get3A = arith.index_cast %add3A_132 : i32 to index
          %get3A_133 = tpu.vector_load %arg8[%get3A] {strides = array<i32>} : memref<1600xi32, #tpu.memory_space<vmem>>, vector<16xi32>,
          %mul3A_134 = arith.constant 100 : i32
          %mul3A_135 = vector.broadcast %mul3A_134 : i32 to vector<16xi32>
          %mul3A_136 = arith.muli %get3A_133, %mul3A_135 : vector<16xi32>
          %get3A_137 = arith.index_cast %add3A_132 : i32 to index
          %get3A_138 = tpu.vector_load %arg7[%get3A_137] {strides = array<i32>} : memref<1600xi32, #tpu.memory_space<vmem>>, vector<16xi32>,
          %add3A_139 = arith.addi %mul3A_136, %get3A_138 : vector<16xi32>
          %sub3A_140 = vector.broadcast %mul3A_116 : i32 to vector<16xi32>
          %sub3A_141 = arith.subi %add3A_139, %sub3A_140 : vector<16xi32>
          %swap3A = arith.index_cast %add3A_132 : i32 to index
          %swap3A_142 = tpu.vector_load %arg14[%swap3A] {strides = array<i32>} : memref<1600xi32, #tpu.memory_space<vmem>>, vector<16xi32>,
          tpu.vector_store %arg14[%swap3A], %sub3A_141 {strides = array<i32>} : memref<1600xi32, #tpu.memory_space<vmem>>, vector<16xi32>,
          tpu.vector_store_idx %arg16[%sub3A_141], %broadcast_in_dim3A_5 {add = true} : memref<10000xf32, #tpu.memory_space<vmem>>[vector<16xi32>], vector<16xf32>,
          %mul3A_143 = arith.constant 32 : i32
          %mul3A_144 = arith.muli %scan3A_128, %mul3A_143 : i32
          %add3A_145 = arith.constant 16 : i32
          %add3A_146 = arith.addi %mul3A_144, %add3A_145 : i32
          %get3A_147 = arith.index_cast %add3A_146 : i32 to index
          %get3A_148 = tpu.vector_load %arg8[%get3A_147] {strides = array<i32>} : memref<1600xi32, #tpu.memory_space<vmem>>, vector<16xi32>,
          %mul3A_149 = arith.constant 100 : i32
          %mul3A_150 = vector.broadcast %mul3A_149 : i32 to vector<16xi32>
          %mul3A_151 = arith.muli %get3A_148, %mul3A_150 : vector<16xi32>
          %get3A_152 = arith.index_cast %add3A_146 : i32 to index
          %get3A_153 = tpu.vector_load %arg7[%get3A_152] {strides = array<i32>} : memref<1600xi32, #tpu.memory_space<vmem>>, vector<16xi32>,
          %add3A_154 = arith.addi %mul3A_151, %get3A_153 : vector<16xi32>
          %sub3A_155 = vector.broadcast %mul3A_116 : i32 to vector<16xi32>
          %sub3A_156 = arith.subi %add3A_154, %sub3A_155 : vector<16xi32>
          %swap3A_157 = arith.index_cast %add3A_146 : i32 to index
          %swap3A_158 = tpu.vector_load %arg14[%swap3A_157] {strides = array<i32>} : memref<1600xi32, #tpu.memory_space<vmem>>, vector<16xi32>,
          tpu.vector_store %arg14[%swap3A_157], %sub3A_156 {strides = array<i32>} : memref<1600xi32, #tpu.memory_space<vmem>>, vector<16xi32>,
          tpu.vector_store_idx %arg16[%sub3A_156], %broadcast_in_dim3A_5 {add = true} : memref<10000xf32, #tpu.memory_space<vmem>>[vector<16xi32>], vector<16xf32>,
        }
        %scan3A_122 = arith.constant 50 : i32
        %mul3A_123 = arith.constant 100 : i32
        %mul3A_124 = arith.muli %add3A_66, %mul3A_123 : i32
        %mul3A_125 = arith.constant 100 : i32
        %mul3A_126 = arith.muli %mul3A_124, %mul3A_125 : i32
        %dma_start3A = tpu.memref_slice %arg4[%mul3A_126] : memref<15120000xf32, #tpu.memory_space<hbm>> -> memref<10000xf32, #tpu.memory_space<hbm>>
        %dma_start3A_127 = tpu.memref_slice %arg4[%mul3A_126] : memref<15120000xf32, #tpu.memory_space<hbm>> -> memref<10000xf32, #tpu.memory_space<hbm>>
        tpu.enqueue_dma source(%arg16 : memref<10000xf32, #tpu.memory_space<vmem>>) target(%dma_start3A_127 : memref<10000xf32, #tpu.memory_space<hbm>>) target_semaphore(%arg22 : memref<!tpu.dma_semaphore, #tpu.memory_space<semaphore_mem>>)
      } else {
      }
      %mul3A_72 = arith.constant 4 : i32
      %mul3A_73 = arith.muli %scan3A_51, %mul3A_72 : i32
      %add3A_74 = arith.addi %mul3A_2, %mul3A_73 : i32
      %add3A_75 = arith.constant 2 : i32
      %add3A_76 = arith.addi %add3A_74, %add3A_75 : i32
      %lt3A_77 = arith.constant 1512 : i32
      %lt3A_78 = arith.cmpi slt, %add3A_76, %lt3A_77 : i32
      %convert_element_type3A_79 = arith.extui %lt3A_78 : i1 to i32
      %cond3A_80 = arith.constant 0 : i32
      %cond3A_81 = arith.cmpi ne, %convert_element_type3A_79, %cond3A_80 : i32
      scf.if %cond3A_81 {
        %mul3A_92 = arith.constant 1600 : i32
        %mul3A_93 = arith.muli %add3A_76, %mul3A_92 : i32
        %dma_wait3A_94 = tpu.memref_slice %arg2[%mul3A_93] : memref<2419200xi32, #tpu.memory_space<hbm>> -> memref<1600xi32, #tpu.memory_space<hbm>>
        %dma_wait3A_95 = tpu.memref_slice %arg2[%mul3A_93] : memref<2419200xi32, #tpu.memory_space<hbm>> -> memref<1600xi32, #tpu.memory_space<hbm>>
        tpu.wait_dma2 semaphore(%arg19 : memref<!tpu.dma_semaphore, #tpu.memory_space<semaphore_mem>>) src(%dma_wait3A_95 : memref<1600xi32, #tpu.memory_space<hbm>>) dst(%arg9 : memref<1600xi32, #tpu.memory_space<vmem>>)
        %mul3A_96 = arith.constant 1600 : i32
        %mul3A_97 = arith.muli %add3A_76, %mul3A_96 : i32
        %dma_wait3A_98 = tpu.memref_slice %arg3[%mul3A_97] : memref<2419200xi32, #tpu.memory_space<hbm>> -> memref<1600xi32, #tpu.memory_space<hbm>>
        %dma_wait3A_99 = tpu.memref_slice %arg3[%mul3A_97] : memref<2419200xi32, #tpu.memory_space<hbm>> -> memref<1600xi32, #tpu.memory_space<hbm>>
        tpu.wait_dma2 semaphore(%arg19 : memref<!tpu.dma_semaphore, #tpu.memory_space<semaphore_mem>>) src(%dma_wait3A_99 : memref<1600xi32, #tpu.memory_space<hbm>>) dst(%arg10 : memref<1600xi32, #tpu.memory_space<vmem>>)
        %add3A_100 = arith.constant 2 : i32
        %add3A_101 = arith.addi %add3A_76, %add3A_100 : i32
        %add3A_102 = arith.constant 48 : i32
        %add3A_103 = arith.addi %mul3A_2, %add3A_102 : i32
        %min3A_104 = arith.constant 1512 : i32
        %min3A_105 = arith.minsi %add3A_103, %min3A_104 : i32
        %lt3A_106 = arith.cmpi slt, %add3A_101, %min3A_105 : i32
        %convert_element_type3A_107 = arith.extui %lt3A_106 : i1 to i32
        %cond3A_108 = arith.constant 0 : i32
        %cond3A_109 = arith.cmpi ne, %convert_element_type3A_107, %cond3A_108 : i32
        scf.if %cond3A_109 {
          %add3A_128 = arith.constant 2 : i32
          %add3A_129 = arith.addi %add3A_76, %add3A_128 : i32
          %mul3A_130 = arith.constant 1600 : i32
          %mul3A_131 = arith.muli %add3A_129, %mul3A_130 : i32
          %dma_start3A_132 = tpu.memref_slice %arg2[%mul3A_131] : memref<2419200xi32, #tpu.memory_space<hbm>> -> memref<1600xi32, #tpu.memory_space<hbm>>
          %dma_start3A_133 = tpu.memref_slice %arg2[%mul3A_131] : memref<2419200xi32, #tpu.memory_space<hbm>> -> memref<1600xi32, #tpu.memory_space<hbm>>
          tpu.enqueue_dma source(%dma_start3A_133 : memref<1600xi32, #tpu.memory_space<hbm>>) target(%arg5 : memref<1600xi32, #tpu.memory_space<vmem>>) target_semaphore(%arg17 : memref<!tpu.dma_semaphore, #tpu.memory_space<semaphore_mem>>)
          %add3A_134 = arith.constant 2 : i32
          %add3A_135 = arith.addi %add3A_76, %add3A_134 : i32
          %mul3A_136 = arith.constant 1600 : i32
          %mul3A_137 = arith.muli %add3A_135, %mul3A_136 : i32
          %dma_start3A_138 = tpu.memref_slice %arg3[%mul3A_137] : memref<2419200xi32, #tpu.memory_space<hbm>> -> memref<1600xi32, #tpu.memory_space<hbm>>
          %dma_start3A_139 = tpu.memref_slice %arg3[%mul3A_137] : memref<2419200xi32, #tpu.memory_space<hbm>> -> memref<1600xi32, #tpu.memory_space<hbm>>
          tpu.enqueue_dma source(%dma_start3A_139 : memref<1600xi32, #tpu.memory_space<hbm>>) target(%arg6 : memref<1600xi32, #tpu.memory_space<vmem>>) target_semaphore(%arg17 : memref<!tpu.dma_semaphore, #tpu.memory_space<semaphore_mem>>)
        } else {
        }
        %add3A_110 = arith.constant 2 : i32
        %add3A_111 = arith.addi %mul3A_2, %add3A_110 : i32
        %ge3A = arith.cmpi sge, %add3A_76, %add3A_111 : i32
        %convert_element_type3A_112 = arith.extui %ge3A : i1 to i32
        %cond3A_113 = arith.constant 0 : i32
        %cond3A_114 = arith.cmpi ne, %convert_element_type3A_112, %cond3A_113 : i32
        scf.if %cond3A_114 {
          %sub3A_128 = arith.constant 2 : i32
          %sub3A_129 = arith.subi %add3A_76, %sub3A_128 : i32
          %mul3A_130 = arith.constant 100 : i32
          %mul3A_131 = arith.muli %sub3A_129, %mul3A_130 : i32
          %mul3A_132 = arith.constant 100 : i32
          %mul3A_133 = arith.muli %mul3A_131, %mul3A_132 : i32
          %dma_wait3A_134 = tpu.memref_slice %arg4[%mul3A_133] : memref<15120000xf32, #tpu.memory_space<hbm>> -> memref<10000xf32, #tpu.memory_space<hbm>>
          %dma_wait3A_135 = tpu.memref_slice %arg4[%mul3A_133] : memref<15120000xf32, #tpu.memory_space<hbm>> -> memref<10000xf32, #tpu.memory_space<hbm>>
          tpu.wait_dma2 semaphore(%arg21 : memref<!tpu.dma_semaphore, #tpu.memory_space<semaphore_mem>>) src(%arg15 : memref<10000xf32, #tpu.memory_space<vmem>>) dst(%dma_wait3A_135 : memref<10000xf32, #tpu.memory_space<hbm>>)
          %scan3A_136 = arith.constant 0 : i32
          %scan3A_137 = arith.constant 0 : i32
          %scan3A_138 = arith.constant 50 : i32
          %scan3A_139 = arith.addi %scan3A_137, %scan3A_138 : i32
          %scan3A_140 = arith.constant 1 : i32
          scf.for %scan3A_142 = %scan3A_137 to %scan3A_139 step %scan3A_140  : i32 {
            %mul3A_143 = arith.constant 32 : i32
            %mul3A_144 = arith.muli %scan3A_142, %mul3A_143 : i32
            %get3A = arith.index_cast %mul3A_144 : i32 to index
            %get3A_145 = tpu.vector_load %arg13[%get3A] {strides = array<i32>} : memref<1600xi32, #tpu.memory_space<vmem>>, vector<16xi32>,
            %mul3A_146 = arith.constant 32 : i32
            %mul3A_147 = arith.muli %scan3A_142, %mul3A_146 : i32
            %add3A_148 = arith.constant 16 : i32
            %add3A_149 = arith.addi %mul3A_147, %add3A_148 : i32
            %get3A_150 = arith.index_cast %add3A_149 : i32 to index
            %get3A_151 = tpu.vector_load %arg13[%get3A_150] {strides = array<i32>} : memref<1600xi32, #tpu.memory_space<vmem>>, vector<16xi32>,
            tpu.vector_store_idx %arg15[%get3A_145], %broadcast_in_dim3A_3 : memref<10000xf32, #tpu.memory_space<vmem>>[vector<16xi32>], vector<16xf32>,
            tpu.vector_store_idx %arg15[%get3A_151], %broadcast_in_dim3A_3 : memref<10000xf32, #tpu.memory_space<vmem>>[vector<16xi32>], vector<16xf32>,
          }
          %scan3A_141 = arith.constant 50 : i32
        } else {
        }
        %mul3A_115 = arith.constant 10100 : i32
        %mul3A_116 = arith.muli %add3A_76, %mul3A_115 : i32
        %scan3A_117 = arith.constant 0 : i32
        %scan3A_118 = arith.constant 0 : i32
        %scan3A_119 = arith.constant 50 : i32
        %scan3A_120 = arith.addi %scan3A_118, %scan3A_119 : i32
        %scan3A_121 = arith.constant 1 : i32
        scf.for %scan3A_128 = %scan3A_118 to %scan3A_120 step %scan3A_121  : i32 {
          %mul3A_129 = arith.constant 32 : i32
          %mul3A_130 = arith.muli %scan3A_128, %mul3A_129 : i32
          %add3A_131 = arith.constant 0 : i32
          %add3A_132 = arith.addi %mul3A_130, %add3A_131 : i32
          %get3A = arith.index_cast %add3A_132 : i32 to index
          %get3A_133 = tpu.vector_load %arg10[%get3A] {strides = array<i32>} : memref<1600xi32, #tpu.memory_space<vmem>>, vector<16xi32>,
          %mul3A_134 = arith.constant 100 : i32
          %mul3A_135 = vector.broadcast %mul3A_134 : i32 to vector<16xi32>
          %mul3A_136 = arith.muli %get3A_133, %mul3A_135 : vector<16xi32>
          %get3A_137 = arith.index_cast %add3A_132 : i32 to index
          %get3A_138 = tpu.vector_load %arg9[%get3A_137] {strides = array<i32>} : memref<1600xi32, #tpu.memory_space<vmem>>, vector<16xi32>,
          %add3A_139 = arith.addi %mul3A_136, %get3A_138 : vector<16xi32>
          %sub3A_140 = vector.broadcast %mul3A_116 : i32 to vector<16xi32>
          %sub3A_141 = arith.subi %add3A_139, %sub3A_140 : vector<16xi32>
          %swap3A = arith.index_cast %add3A_132 : i32 to index
          %swap3A_142 = tpu.vector_load %arg13[%swap3A] {strides = array<i32>} : memref<1600xi32, #tpu.memory_space<vmem>>, vector<16xi32>,
          tpu.vector_store %arg13[%swap3A], %sub3A_141 {strides = array<i32>} : memref<1600xi32, #tpu.memory_space<vmem>>, vector<16xi32>,
          tpu.vector_store_idx %arg15[%sub3A_141], %broadcast_in_dim3A_5 {add = true} : memref<10000xf32, #tpu.memory_space<vmem>>[vector<16xi32>], vector<16xf32>,
          %mul3A_143 = arith.constant 32 : i32
          %mul3A_144 = arith.muli %scan3A_128, %mul3A_143 : i32
          %add3A_145 = arith.constant 16 : i32
          %add3A_146 = arith.addi %mul3A_144, %add3A_145 : i32
          %get3A_147 = arith.index_cast %add3A_146 : i32 to index
          %get3A_148 = tpu.vector_load %arg10[%get3A_147] {strides = array<i32>} : memref<1600xi32, #tpu.memory_space<vmem>>, vector<16xi32>,
          %mul3A_149 = arith.constant 100 : i32
          %mul3A_150 = vector.broadcast %mul3A_149 : i32 to vector<16xi32>
          %mul3A_151 = arith.muli %get3A_148, %mul3A_150 : vector<16xi32>
          %get3A_152 = arith.index_cast %add3A_146 : i32 to index
          %get3A_153 = tpu.vector_load %arg9[%get3A_152] {strides = array<i32>} : memref<1600xi32, #tpu.memory_space<vmem>>, vector<16xi32>,
          %add3A_154 = arith.addi %mul3A_151, %get3A_153 : vector<16xi32>
          %sub3A_155 = vector.broadcast %mul3A_116 : i32 to vector<16xi32>
          %sub3A_156 = arith.subi %add3A_154, %sub3A_155 : vector<16xi32>
          %swap3A_157 = arith.index_cast %add3A_146 : i32 to index
          %swap3A_158 = tpu.vector_load %arg13[%swap3A_157] {strides = array<i32>} : memref<1600xi32, #tpu.memory_space<vmem>>, vector<16xi32>,
          tpu.vector_store %arg13[%swap3A_157], %sub3A_156 {strides = array<i32>} : memref<1600xi32, #tpu.memory_space<vmem>>, vector<16xi32>,
          tpu.vector_store_idx %arg15[%sub3A_156], %broadcast_in_dim3A_5 {add = true} : memref<10000xf32, #tpu.memory_space<vmem>>[vector<16xi32>], vector<16xf32>,
        }
        %scan3A_122 = arith.constant 50 : i32
        %mul3A_123 = arith.constant 100 : i32
        %mul3A_124 = arith.muli %add3A_76, %mul3A_123 : i32
        %mul3A_125 = arith.constant 100 : i32
        %mul3A_126 = arith.muli %mul3A_124, %mul3A_125 : i32
        %dma_start3A = tpu.memref_slice %arg4[%mul3A_126] : memref<15120000xf32, #tpu.memory_space<hbm>> -> memref<10000xf32, #tpu.memory_space<hbm>>
        %dma_start3A_127 = tpu.memref_slice %arg4[%mul3A_126] : memref<15120000xf32, #tpu.memory_space<hbm>> -> memref<10000xf32, #tpu.memory_space<hbm>>
        tpu.enqueue_dma source(%arg15 : memref<10000xf32, #tpu.memory_space<vmem>>) target(%dma_start3A_127 : memref<10000xf32, #tpu.memory_space<hbm>>) target_semaphore(%arg21 : memref<!tpu.dma_semaphore, #tpu.memory_space<semaphore_mem>>)
      } else {
      }
      %mul3A_82 = arith.constant 4 : i32
      %mul3A_83 = arith.muli %scan3A_51, %mul3A_82 : i32
      %add3A_84 = arith.addi %mul3A_2, %mul3A_83 : i32
      %add3A_85 = arith.constant 3 : i32
      %add3A_86 = arith.addi %add3A_84, %add3A_85 : i32
      %lt3A_87 = arith.constant 1512 : i32
      %lt3A_88 = arith.cmpi slt, %add3A_86, %lt3A_87 : i32
      %convert_element_type3A_89 = arith.extui %lt3A_88 : i1 to i32
      %cond3A_90 = arith.constant 0 : i32
      %cond3A_91 = arith.cmpi ne, %convert_element_type3A_89, %cond3A_90 : i32
      scf.if %cond3A_91 {
        %mul3A_92 = arith.constant 1600 : i32
        %mul3A_93 = arith.muli %add3A_86, %mul3A_92 : i32
        %dma_wait3A_94 = tpu.memref_slice %arg2[%mul3A_93] : memref<2419200xi32, #tpu.memory_space<hbm>> -> memref<1600xi32, #tpu.memory_space<hbm>>
        %dma_wait3A_95 = tpu.memref_slice %arg2[%mul3A_93] : memref<2419200xi32, #tpu.memory_space<hbm>> -> memref<1600xi32, #tpu.memory_space<hbm>>
        tpu.wait_dma2 semaphore(%arg20 : memref<!tpu.dma_semaphore, #tpu.memory_space<semaphore_mem>>) src(%dma_wait3A_95 : memref<1600xi32, #tpu.memory_space<hbm>>) dst(%arg11 : memref<1600xi32, #tpu.memory_space<vmem>>)
        %mul3A_96 = arith.constant 1600 : i32
        %mul3A_97 = arith.muli %add3A_86, %mul3A_96 : i32
        %dma_wait3A_98 = tpu.memref_slice %arg3[%mul3A_97] : memref<2419200xi32, #tpu.memory_space<hbm>> -> memref<1600xi32, #tpu.memory_space<hbm>>
        %dma_wait3A_99 = tpu.memref_slice %arg3[%mul3A_97] : memref<2419200xi32, #tpu.memory_space<hbm>> -> memref<1600xi32, #tpu.memory_space<hbm>>
        tpu.wait_dma2 semaphore(%arg20 : memref<!tpu.dma_semaphore, #tpu.memory_space<semaphore_mem>>) src(%dma_wait3A_99 : memref<1600xi32, #tpu.memory_space<hbm>>) dst(%arg12 : memref<1600xi32, #tpu.memory_space<vmem>>)
        %add3A_100 = arith.constant 2 : i32
        %add3A_101 = arith.addi %add3A_86, %add3A_100 : i32
        %add3A_102 = arith.constant 48 : i32
        %add3A_103 = arith.addi %mul3A_2, %add3A_102 : i32
        %min3A_104 = arith.constant 1512 : i32
        %min3A_105 = arith.minsi %add3A_103, %min3A_104 : i32
        %lt3A_106 = arith.cmpi slt, %add3A_101, %min3A_105 : i32
        %convert_element_type3A_107 = arith.extui %lt3A_106 : i1 to i32
        %cond3A_108 = arith.constant 0 : i32
        %cond3A_109 = arith.cmpi ne, %convert_element_type3A_107, %cond3A_108 : i32
        scf.if %cond3A_109 {
          %add3A_128 = arith.constant 2 : i32
          %add3A_129 = arith.addi %add3A_86, %add3A_128 : i32
          %mul3A_130 = arith.constant 1600 : i32
          %mul3A_131 = arith.muli %add3A_129, %mul3A_130 : i32
          %dma_start3A_132 = tpu.memref_slice %arg2[%mul3A_131] : memref<2419200xi32, #tpu.memory_space<hbm>> -> memref<1600xi32, #tpu.memory_space<hbm>>
          %dma_start3A_133 = tpu.memref_slice %arg2[%mul3A_131] : memref<2419200xi32, #tpu.memory_space<hbm>> -> memref<1600xi32, #tpu.memory_space<hbm>>
          tpu.enqueue_dma source(%dma_start3A_133 : memref<1600xi32, #tpu.memory_space<hbm>>) target(%arg7 : memref<1600xi32, #tpu.memory_space<vmem>>) target_semaphore(%arg18 : memref<!tpu.dma_semaphore, #tpu.memory_space<semaphore_mem>>)
          %add3A_134 = arith.constant 2 : i32
          %add3A_135 = arith.addi %add3A_86, %add3A_134 : i32
          %mul3A_136 = arith.constant 1600 : i32
          %mul3A_137 = arith.muli %add3A_135, %mul3A_136 : i32
          %dma_start3A_138 = tpu.memref_slice %arg3[%mul3A_137] : memref<2419200xi32, #tpu.memory_space<hbm>> -> memref<1600xi32, #tpu.memory_space<hbm>>
          %dma_start3A_139 = tpu.memref_slice %arg3[%mul3A_137] : memref<2419200xi32, #tpu.memory_space<hbm>> -> memref<1600xi32, #tpu.memory_space<hbm>>
          tpu.enqueue_dma source(%dma_start3A_139 : memref<1600xi32, #tpu.memory_space<hbm>>) target(%arg8 : memref<1600xi32, #tpu.memory_space<vmem>>) target_semaphore(%arg18 : memref<!tpu.dma_semaphore, #tpu.memory_space<semaphore_mem>>)
        } else {
        }
        %add3A_110 = arith.constant 2 : i32
        %add3A_111 = arith.addi %mul3A_2, %add3A_110 : i32
        %ge3A = arith.cmpi sge, %add3A_86, %add3A_111 : i32
        %convert_element_type3A_112 = arith.extui %ge3A : i1 to i32
        %cond3A_113 = arith.constant 0 : i32
        %cond3A_114 = arith.cmpi ne, %convert_element_type3A_112, %cond3A_113 : i32
        scf.if %cond3A_114 {
          %sub3A_128 = arith.constant 2 : i32
          %sub3A_129 = arith.subi %add3A_86, %sub3A_128 : i32
          %mul3A_130 = arith.constant 100 : i32
          %mul3A_131 = arith.muli %sub3A_129, %mul3A_130 : i32
          %mul3A_132 = arith.constant 100 : i32
          %mul3A_133 = arith.muli %mul3A_131, %mul3A_132 : i32
          %dma_wait3A_134 = tpu.memref_slice %arg4[%mul3A_133] : memref<15120000xf32, #tpu.memory_space<hbm>> -> memref<10000xf32, #tpu.memory_space<hbm>>
          %dma_wait3A_135 = tpu.memref_slice %arg4[%mul3A_133] : memref<15120000xf32, #tpu.memory_space<hbm>> -> memref<10000xf32, #tpu.memory_space<hbm>>
          tpu.wait_dma2 semaphore(%arg22 : memref<!tpu.dma_semaphore, #tpu.memory_space<semaphore_mem>>) src(%arg16 : memref<10000xf32, #tpu.memory_space<vmem>>) dst(%dma_wait3A_135 : memref<10000xf32, #tpu.memory_space<hbm>>)
          %scan3A_136 = arith.constant 0 : i32
          %scan3A_137 = arith.constant 0 : i32
          %scan3A_138 = arith.constant 50 : i32
          %scan3A_139 = arith.addi %scan3A_137, %scan3A_138 : i32
          %scan3A_140 = arith.constant 1 : i32
          scf.for %scan3A_142 = %scan3A_137 to %scan3A_139 step %scan3A_140  : i32 {
            %mul3A_143 = arith.constant 32 : i32
            %mul3A_144 = arith.muli %scan3A_142, %mul3A_143 : i32
            %get3A = arith.index_cast %mul3A_144 : i32 to index
            %get3A_145 = tpu.vector_load %arg14[%get3A] {strides = array<i32>} : memref<1600xi32, #tpu.memory_space<vmem>>, vector<16xi32>,
            %mul3A_146 = arith.constant 32 : i32
            %mul3A_147 = arith.muli %scan3A_142, %mul3A_146 : i32
            %add3A_148 = arith.constant 16 : i32
            %add3A_149 = arith.addi %mul3A_147, %add3A_148 : i32
            %get3A_150 = arith.index_cast %add3A_149 : i32 to index
            %get3A_151 = tpu.vector_load %arg14[%get3A_150] {strides = array<i32>} : memref<1600xi32, #tpu.memory_space<vmem>>, vector<16xi32>,
            tpu.vector_store_idx %arg16[%get3A_145], %broadcast_in_dim3A_3 : memref<10000xf32, #tpu.memory_space<vmem>>[vector<16xi32>], vector<16xf32>,
            tpu.vector_store_idx %arg16[%get3A_151], %broadcast_in_dim3A_3 : memref<10000xf32, #tpu.memory_space<vmem>>[vector<16xi32>], vector<16xf32>,
          }
          %scan3A_141 = arith.constant 50 : i32
        } else {
        }
        %mul3A_115 = arith.constant 10100 : i32
        %mul3A_116 = arith.muli %add3A_86, %mul3A_115 : i32
        %scan3A_117 = arith.constant 0 : i32
        %scan3A_118 = arith.constant 0 : i32
        %scan3A_119 = arith.constant 50 : i32
        %scan3A_120 = arith.addi %scan3A_118, %scan3A_119 : i32
        %scan3A_121 = arith.constant 1 : i32
        scf.for %scan3A_128 = %scan3A_118 to %scan3A_120 step %scan3A_121  : i32 {
          %mul3A_129 = arith.constant 32 : i32
          %mul3A_130 = arith.muli %scan3A_128, %mul3A_129 : i32
          %add3A_131 = arith.constant 0 : i32
          %add3A_132 = arith.addi %mul3A_130, %add3A_131 : i32
          %get3A = arith.index_cast %add3A_132 : i32 to index
          %get3A_133 = tpu.vector_load %arg12[%get3A] {strides = array<i32>} : memref<1600xi32, #tpu.memory_space<vmem>>, vector<16xi32>,
          %mul3A_134 = arith.constant 100 : i32
          %mul3A_135 = vector.broadcast %mul3A_134 : i32 to vector<16xi32>
          %mul3A_136 = arith.muli %get3A_133, %mul3A_135 : vector<16xi32>
          %get3A_137 = arith.index_cast %add3A_132 : i32 to index
          %get3A_138 = tpu.vector_load %arg11[%get3A_137] {strides = array<i32>} : memref<1600xi32, #tpu.memory_space<vmem>>, vector<16xi32>,
          %add3A_139 = arith.addi %mul3A_136, %get3A_138 : vector<16xi32>
          %sub3A_140 = vector.broadcast %mul3A_116 : i32 to vector<16xi32>
          %sub3A_141 = arith.subi %add3A_139, %sub3A_140 : vector<16xi32>
          %swap3A = arith.index_cast %add3A_132 : i32 to index
          %swap3A_142 = tpu.vector_load %arg14[%swap3A] {strides = array<i32>} : memref<1600xi32, #tpu.memory_space<vmem>>, vector<16xi32>,
          tpu.vector_store %arg14[%swap3A], %sub3A_141 {strides = array<i32>} : memref<1600xi32, #tpu.memory_space<vmem>>, vector<16xi32>,
          tpu.vector_store_idx %arg16[%sub3A_141], %broadcast_in_dim3A_5 {add = true} : memref<10000xf32, #tpu.memory_space<vmem>>[vector<16xi32>], vector<16xf32>,
          %mul3A_143 = arith.constant 32 : i32
          %mul3A_144 = arith.muli %scan3A_128, %mul3A_143 : i32
          %add3A_145 = arith.constant 16 : i32
          %add3A_146 = arith.addi %mul3A_144, %add3A_145 : i32
          %get3A_147 = arith.index_cast %add3A_146 : i32 to index
          %get3A_148 = tpu.vector_load %arg12[%get3A_147] {strides = array<i32>} : memref<1600xi32, #tpu.memory_space<vmem>>, vector<16xi32>,
          %mul3A_149 = arith.constant 100 : i32
          %mul3A_150 = vector.broadcast %mul3A_149 : i32 to vector<16xi32>
          %mul3A_151 = arith.muli %get3A_148, %mul3A_150 : vector<16xi32>
          %get3A_152 = arith.index_cast %add3A_146 : i32 to index
          %get3A_153 = tpu.vector_load %arg11[%get3A_152] {strides = array<i32>} : memref<1600xi32, #tpu.memory_space<vmem>>, vector<16xi32>,
          %add3A_154 = arith.addi %mul3A_151, %get3A_153 : vector<16xi32>
          %sub3A_155 = vector.broadcast %mul3A_116 : i32 to vector<16xi32>
          %sub3A_156 = arith.subi %add3A_154, %sub3A_155 : vector<16xi32>
          %swap3A_157 = arith.index_cast %add3A_146 : i32 to index
          %swap3A_158 = tpu.vector_load %arg14[%swap3A_157] {strides = array<i32>} : memref<1600xi32, #tpu.memory_space<vmem>>, vector<16xi32>,
          tpu.vector_store %arg14[%swap3A_157], %sub3A_156 {strides = array<i32>} : memref<1600xi32, #tpu.memory_space<vmem>>, vector<16xi32>,
          tpu.vector_store_idx %arg16[%sub3A_156], %broadcast_in_dim3A_5 {add = true} : memref<10000xf32, #tpu.memory_space<vmem>>[vector<16xi32>], vector<16xf32>,
        }
        %scan3A_122 = arith.constant 50 : i32
        %mul3A_123 = arith.constant 100 : i32
        %mul3A_124 = arith.muli %add3A_86, %mul3A_123 : i32
        %mul3A_125 = arith.constant 100 : i32
        %mul3A_126 = arith.muli %mul3A_124, %mul3A_125 : i32
        %dma_start3A = tpu.memref_slice %arg4[%mul3A_126] : memref<15120000xf32, #tpu.memory_space<hbm>> -> memref<10000xf32, #tpu.memory_space<hbm>>
        %dma_start3A_127 = tpu.memref_slice %arg4[%mul3A_126] : memref<15120000xf32, #tpu.memory_space<hbm>> -> memref<10000xf32, #tpu.memory_space<hbm>>
        tpu.enqueue_dma source(%arg16 : memref<10000xf32, #tpu.memory_space<vmem>>) target(%dma_start3A_127 : memref<10000xf32, #tpu.memory_space<hbm>>) target_semaphore(%arg22 : memref<!tpu.dma_semaphore, #tpu.memory_space<semaphore_mem>>)
      } else {
      }
    }
    %scan3A_27 = arith.constant 12 : i32
    %sub3A = arith.constant 1512 : i32
    %sub3A_28 = arith.subi %sub3A, %mul3A_2 : i32
    %min3A = arith.constant 48 : i32
    %min3A_29 = arith.minsi %min3A, %sub3A_28 : i32
    %add3A_30 = arith.addi %mul3A_2, %min3A_29 : i32
    %sub3A_31 = arith.constant 2 : i32
    %sub3A_32 = arith.subi %add3A_30, %sub3A_31 : i32
    %add3A_33 = arith.constant 0 : i32
    %add3A_34 = arith.addi %sub3A_32, %add3A_33 : i32
    %mul3A_35 = arith.constant 100 : i32
    %mul3A_36 = arith.muli %add3A_34, %mul3A_35 : i32
    %mul3A_37 = arith.constant 100 : i32
    %mul3A_38 = arith.muli %mul3A_36, %mul3A_37 : i32
    %dma_wait3A = tpu.memref_slice %arg4[%mul3A_38] : memref<15120000xf32, #tpu.memory_space<hbm>> -> memref<10000xf32, #tpu.memory_space<hbm>>
    %dma_wait3A_39 = tpu.memref_slice %arg4[%mul3A_38] : memref<15120000xf32, #tpu.memory_space<hbm>> -> memref<10000xf32, #tpu.memory_space<hbm>>
    tpu.wait_dma2 semaphore(%arg21 : memref<!tpu.dma_semaphore, #tpu.memory_space<semaphore_mem>>) src(%arg15 : memref<10000xf32, #tpu.memory_space<vmem>>) dst(%dma_wait3A_39 : memref<10000xf32, #tpu.memory_space<hbm>>)
    %add3A_40 = arith.addi %mul3A_2, %min3A_29 : i32
    %sub3A_41 = arith.constant 2 : i32
    %sub3A_42 = arith.subi %add3A_40, %sub3A_41 : i32
    %add3A_43 = arith.constant 1 : i32
    %add3A_44 = arith.addi %sub3A_42, %add3A_43 : i32
    %mul3A_45 = arith.constant 100 : i32
    %mul3A_46 = arith.muli %add3A_44, %mul3A_45 : i32
    %mul3A_47 = arith.constant 100 : i32
    %mul3A_48 = arith.muli %mul3A_46, %mul3A_47 : i32
    %dma_wait3A_49 = tpu.memref_slice %arg4[%mul3A_48] : memref<15120000xf32, #tpu.memory_space<hbm>> -> memref<10000xf32, #tpu.memory_space<hbm>>
    %dma_wait3A_50 = tpu.memref_slice %arg4[%mul3A_48] : memref<15120000xf32, #tpu.memory_space<hbm>> -> memref<10000xf32, #tpu.memory_space<hbm>>
    tpu.wait_dma2 semaphore(%arg22 : memref<!tpu.dma_semaphore, #tpu.memory_space<semaphore_mem>>) src(%arg16 : memref<10000xf32, #tpu.memory_space<vmem>>) dst(%dma_wait3A_50 : memref<10000xf32, #tpu.memory_space<hbm>>)
    return
  }
}

module attributes {stable_mosaic.version = 14 : i64} {
  func.func @_stats_kernel(%arg0: i32, %arg1: memref<5600x7xf32, #tpu.memory_space<vmem>>, %arg2: memref<5600x100xf32, #tpu.memory_space<vmem>>, %arg3: memref<56x5600xbf16, #tpu.memory_space<vmem>>, %arg4: memref<7x64xf32, #tpu.memory_space<vmem>>, %arg5: memref<7x64xf32, #tpu.memory_space<vmem>>, %arg6: memref<1x64xf32, #tpu.memory_space<vmem>>, %arg7: memref<64x64xf32, #tpu.memory_space<vmem>>, %arg8: memref<1x64xf32, #tpu.memory_space<vmem>>, %arg9: memref<56x64xf32, #tpu.memory_space<vmem>>, %arg10: memref<56x64xf32, #tpu.memory_space<vmem>>, %arg11: memref<5600x64xf32, #tpu.memory_space<vmem>>) attributes {dimension_semantics = [#tpu.dimension_semantics<arbitrary>], iteration_bounds = array<i64: 27>, scalar_prefetch = 0 : i64, scratch_operands = 0 : i64, tpu.core_type = #tpu.core_type<tc>, window_params = [{transform_indices = @transform_0, window_bounds = array<i64: 5600, 7>}, {transform_indices = @transform_1, window_bounds = array<i64: 5600, 100>}, {pipeline_mode = #tpu.pipeline_mode<synchronous>, transform_indices = @transform_2, window_bounds = array<i64: 56, 5600>}, {pipeline_mode = #tpu.pipeline_mode<synchronous>, transform_indices = @transform_3, window_bounds = array<i64: 7, 64>}, {pipeline_mode = #tpu.pipeline_mode<synchronous>, transform_indices = @transform_4, window_bounds = array<i64: 7, 64>}, {pipeline_mode = #tpu.pipeline_mode<synchronous>, transform_indices = @transform_5, window_bounds = array<i64: 1, 64>}, {pipeline_mode = #tpu.pipeline_mode<synchronous>, transform_indices = @transform_6, window_bounds = array<i64: 64, 64>}, {pipeline_mode = #tpu.pipeline_mode<synchronous>, transform_indices = @transform_7, window_bounds = array<i64: 1, 64>}, {transform_indices = @transform_8, window_bounds = array<i64: 56, 64>}, {transform_indices = @transform_9, window_bounds = array<i64: 56, 64>}, {transform_indices = @transform_10, window_bounds = array<i64: 5600, 64>}]} {
    %get3A = arith.constant 0 : index
    %get3A_0 = arith.constant 0 : index
    %get3A_1 = vector.load %arg1[%get3A, %get3A_0] : memref<5600x7xf32, #tpu.memory_space<vmem>>, vector<5600x7xf32>
    %get3A_2 = arith.constant 0 : index
    %get3A_3 = arith.constant 0 : index
    %get3A_4 = vector.load %arg2[%get3A_2, %get3A_3] : memref<5600x100xf32, #tpu.memory_space<vmem>>, vector<5600x100xf32>
    %convert_element_type3A = arith.truncf %get3A_4 : vector<5600x100xf32> to vector<5600x100xbf16>
    %get3A_5 = arith.constant 0 : index
    %get3A_6 = arith.constant 0 : index
    %get3A_7 = vector.load %arg4[%get3A_5, %get3A_6] : memref<7x64xf32, #tpu.memory_space<vmem>>, vector<7x64xf32>
    %convert_element_type3A_8 = arith.truncf %get3A_7 : vector<7x64xf32> to vector<7x64xbf16>
    %get3A_9 = arith.constant 0 : index
    %get3A_10 = arith.constant 0 : index
    %get3A_11 = vector.load %arg5[%get3A_9, %get3A_10] : memref<7x64xf32, #tpu.memory_space<vmem>>, vector<7x64xf32>
    %convert_element_type3A_12 = arith.truncf %get3A_11 : vector<7x64xf32> to vector<7x64xbf16>
    %get3A_13 = arith.constant 0 : index
    %get3A_14 = arith.constant 0 : index
    %get3A_15 = vector.load %arg6[%get3A_13, %get3A_14] : memref<1x64xf32, #tpu.memory_space<vmem>>, vector<1x64xf32>
    %get3A_16 = arith.constant 0 : index
    %get3A_17 = arith.constant 0 : index
    %get3A_18 = vector.load %arg7[%get3A_16, %get3A_17] : memref<64x64xf32, #tpu.memory_space<vmem>>, vector<64x64xf32>
    %convert_element_type3A_19 = arith.truncf %get3A_18 : vector<64x64xf32> to vector<64x64xbf16>
    %get3A_20 = arith.constant 0 : index
    %get3A_21 = arith.constant 0 : index
    %get3A_22 = vector.load %arg8[%get3A_20, %get3A_21] : memref<1x64xf32, #tpu.memory_space<vmem>>, vector<1x64xf32>
    %convert_element_type3A_23 = arith.truncf %get3A_1 : vector<5600x7xf32> to vector<5600x7xbf16>
    %convert_element_type3A_24 = arith.extf %convert_element_type3A_23 : vector<5600x7xbf16> to vector<5600x7xf32>
    %sub3A = arith.subf %get3A_1, %convert_element_type3A_24 : vector<5600x7xf32>
    %convert_element_type3A_25 = arith.truncf %sub3A : vector<5600x7xf32> to vector<5600x7xbf16>
    %convert_element_type3A_26 = arith.extf %convert_element_type3A_25 : vector<5600x7xbf16> to vector<5600x7xf32>
    %sub3A_27 = arith.subf %sub3A, %convert_element_type3A_26 : vector<5600x7xf32>
    %convert_element_type3A_28 = arith.truncf %sub3A_27 : vector<5600x7xf32> to vector<5600x7xbf16>
    %concatenate3A = tpu.concatenate %convert_element_type3A_23, %convert_element_type3A_25, %convert_element_type3A_28 in 1 : vector<5600x7xbf16>, vector<5600x7xbf16>, vector<5600x7xbf16> -> vector<5600x21xbf16>
    %slice3A = vector.extract_strided_slice %convert_element_type3A {offsets = [0, 0], sizes = [100, 100], strides = [1, 1]} : vector<5600x100xbf16> to vector<100x100xbf16>
    %slice3A_29 = vector.extract_strided_slice %concatenate3A {offsets = [0, 0], sizes = [100, 21], strides = [1, 1]} : vector<5600x21xbf16> to vector<100x21xbf16>
    %dot_general3A = arith.constant dense<0.000000e+00> : vector<100x21xf32>
    %dot_general3A_30 = tpu.matmul %slice3A, %slice3A_29, %dot_general3A {dimension_numbers = #tpu.dot_dimension_numbers<[1], [0], [0], [1], [0, 0, 1, 1], [], []>, transpose_lhs_hint = false} : vector<100x100xbf16>, vector<100x21xbf16>, vector<100x21xf32> -> vector<100x21xf32>
    %slice3A_31 = vector.extract_strided_slice %convert_element_type3A {offsets = [100, 0], sizes = [100, 100], strides = [1, 1]} : vector<5600x100xbf16> to vector<100x100xbf16>
    %slice3A_32 = vector.extract_strided_slice %concatenate3A {offsets = [100, 0], sizes = [100, 21], strides = [1, 1]} : vector<5600x21xbf16> to vector<100x21xbf16>
    %dot_general3A_33 = arith.constant dense<0.000000e+00> : vector<100x21xf32>
    %dot_general3A_34 = tpu.matmul %slice3A_31, %slice3A_32, %dot_general3A_33 {dimension_numbers = #tpu.dot_dimension_numbers<[1], [0], [0], [1], [0, 0, 1, 1], [], []>, transpose_lhs_hint = false} : vector<100x100xbf16>, vector<100x21xbf16>, vector<100x21xf32> -> vector<100x21xf32>
    %slice3A_35 = vector.extract_strided_slice %convert_element_type3A {offsets = [200, 0], sizes = [100, 100], strides = [1, 1]} : vector<5600x100xbf16> to vector<100x100xbf16>
    %slice3A_36 = vector.extract_strided_slice %concatenate3A {offsets = [200, 0], sizes = [100, 21], strides = [1, 1]} : vector<5600x21xbf16> to vector<100x21xbf16>
    %dot_general3A_37 = arith.constant dense<0.000000e+00> : vector<100x21xf32>
    %dot_general3A_38 = tpu.matmul %slice3A_35, %slice3A_36, %dot_general3A_37 {dimension_numbers = #tpu.dot_dimension_numbers<[1], [0], [0], [1], [0, 0, 1, 1], [], []>, transpose_lhs_hint = false} : vector<100x100xbf16>, vector<100x21xbf16>, vector<100x21xf32> -> vector<100x21xf32>
    %slice3A_39 = vector.extract_strided_slice %convert_element_type3A {offsets = [300, 0], sizes = [100, 100], strides = [1, 1]} : vector<5600x100xbf16> to vector<100x100xbf16>
    %slice3A_40 = vector.extract_strided_slice %concatenate3A {offsets = [300, 0], sizes = [100, 21], strides = [1, 1]} : vector<5600x21xbf16> to vector<100x21xbf16>
    %dot_general3A_41 = arith.constant dense<0.000000e+00> : vector<100x21xf32>
    %dot_general3A_42 = tpu.matmul %slice3A_39, %slice3A_40, %dot_general3A_41 {dimension_numbers = #tpu.dot_dimension_numbers<[1], [0], [0], [1], [0, 0, 1, 1], [], []>, transpose_lhs_hint = false} : vector<100x100xbf16>, vector<100x21xbf16>, vector<100x21xf32> -> vector<100x21xf32>
    %slice3A_43 = vector.extract_strided_slice %convert_element_type3A {offsets = [400, 0], sizes = [100, 100], strides = [1, 1]} : vector<5600x100xbf16> to vector<100x100xbf16>
    %slice3A_44 = vector.extract_strided_slice %concatenate3A {offsets = [400, 0], sizes = [100, 21], strides = [1, 1]} : vector<5600x21xbf16> to vector<100x21xbf16>
    %dot_general3A_45 = arith.constant dense<0.000000e+00> : vector<100x21xf32>
    %dot_general3A_46 = tpu.matmul %slice3A_43, %slice3A_44, %dot_general3A_45 {dimension_numbers = #tpu.dot_dimension_numbers<[1], [0], [0], [1], [0, 0, 1, 1], [], []>, transpose_lhs_hint = false} : vector<100x100xbf16>, vector<100x21xbf16>, vector<100x21xf32> -> vector<100x21xf32>
    %slice3A_47 = vector.extract_strided_slice %convert_element_type3A {offsets = [500, 0], sizes = [100, 100], strides = [1, 1]} : vector<5600x100xbf16> to vector<100x100xbf16>
    %slice3A_48 = vector.extract_strided_slice %concatenate3A {offsets = [500, 0], sizes = [100, 21], strides = [1, 1]} : vector<5600x21xbf16> to vector<100x21xbf16>
    %dot_general3A_49 = arith.constant dense<0.000000e+00> : vector<100x21xf32>
    %dot_general3A_50 = tpu.matmul %slice3A_47, %slice3A_48, %dot_general3A_49 {dimension_numbers = #tpu.dot_dimension_numbers<[1], [0], [0], [1], [0, 0, 1, 1], [], []>, transpose_lhs_hint = false} : vector<100x100xbf16>, vector<100x21xbf16>, vector<100x21xf32> -> vector<100x21xf32>
    %slice3A_51 = vector.extract_strided_slice %convert_element_type3A {offsets = [600, 0], sizes = [100, 100], strides = [1, 1]} : vector<5600x100xbf16> to vector<100x100xbf16>
    %slice3A_52 = vector.extract_strided_slice %concatenate3A {offsets = [600, 0], sizes = [100, 21], strides = [1, 1]} : vector<5600x21xbf16> to vector<100x21xbf16>
    %dot_general3A_53 = arith.constant dense<0.000000e+00> : vector<100x21xf32>
    %dot_general3A_54 = tpu.matmul %slice3A_51, %slice3A_52, %dot_general3A_53 {dimension_numbers = #tpu.dot_dimension_numbers<[1], [0], [0], [1], [0, 0, 1, 1], [], []>, transpose_lhs_hint = false} : vector<100x100xbf16>, vector<100x21xbf16>, vector<100x21xf32> -> vector<100x21xf32>
    %slice3A_55 = vector.extract_strided_slice %convert_element_type3A {offsets = [700, 0], sizes = [100, 100], strides = [1, 1]} : vector<5600x100xbf16> to vector<100x100xbf16>
    %slice3A_56 = vector.extract_strided_slice %concatenate3A {offsets = [700, 0], sizes = [100, 21], strides = [1, 1]} : vector<5600x21xbf16> to vector<100x21xbf16>
    %dot_general3A_57 = arith.constant dense<0.000000e+00> : vector<100x21xf32>
    %dot_general3A_58 = tpu.matmul %slice3A_55, %slice3A_56, %dot_general3A_57 {dimension_numbers = #tpu.dot_dimension_numbers<[1], [0], [0], [1], [0, 0, 1, 1], [], []>, transpose_lhs_hint = false} : vector<100x100xbf16>, vector<100x21xbf16>, vector<100x21xf32> -> vector<100x21xf32>
    %slice3A_59 = vector.extract_strided_slice %convert_element_type3A {offsets = [800, 0], sizes = [100, 100], strides = [1, 1]} : vector<5600x100xbf16> to vector<100x100xbf16>
    %slice3A_60 = vector.extract_strided_slice %concatenate3A {offsets = [800, 0], sizes = [100, 21], strides = [1, 1]} : vector<5600x21xbf16> to vector<100x21xbf16>
    %dot_general3A_61 = arith.constant dense<0.000000e+00> : vector<100x21xf32>
    %dot_general3A_62 = tpu.matmul %slice3A_59, %slice3A_60, %dot_general3A_61 {dimension_numbers = #tpu.dot_dimension_numbers<[1], [0], [0], [1], [0, 0, 1, 1], [], []>, transpose_lhs_hint = false} : vector<100x100xbf16>, vector<100x21xbf16>, vector<100x21xf32> -> vector<100x21xf32>
    %slice3A_63 = vector.extract_strided_slice %convert_element_type3A {offsets = [900, 0], sizes = [100, 100], strides = [1, 1]} : vector<5600x100xbf16> to vector<100x100xbf16>
    %slice3A_64 = vector.extract_strided_slice %concatenate3A {offsets = [900, 0], sizes = [100, 21], strides = [1, 1]} : vector<5600x21xbf16> to vector<100x21xbf16>
    %dot_general3A_65 = arith.constant dense<0.000000e+00> : vector<100x21xf32>
    %dot_general3A_66 = tpu.matmul %slice3A_63, %slice3A_64, %dot_general3A_65 {dimension_numbers = #tpu.dot_dimension_numbers<[1], [0], [0], [1], [0, 0, 1, 1], [], []>, transpose_lhs_hint = false} : vector<100x100xbf16>, vector<100x21xbf16>, vector<100x21xf32> -> vector<100x21xf32>
    %slice3A_67 = vector.extract_strided_slice %convert_element_type3A {offsets = [1000, 0], sizes = [100, 100], strides = [1, 1]} : vector<5600x100xbf16> to vector<100x100xbf16>
    %slice3A_68 = vector.extract_strided_slice %concatenate3A {offsets = [1000, 0], sizes = [100, 21], strides = [1, 1]} : vector<5600x21xbf16> to vector<100x21xbf16>
    %dot_general3A_69 = arith.constant dense<0.000000e+00> : vector<100x21xf32>
    %dot_general3A_70 = tpu.matmul %slice3A_67, %slice3A_68, %dot_general3A_69 {dimension_numbers = #tpu.dot_dimension_numbers<[1], [0], [0], [1], [0, 0, 1, 1], [], []>, transpose_lhs_hint = false} : vector<100x100xbf16>, vector<100x21xbf16>, vector<100x21xf32> -> vector<100x21xf32>
    %slice3A_71 = vector.extract_strided_slice %convert_element_type3A {offsets = [1100, 0], sizes = [100, 100], strides = [1, 1]} : vector<5600x100xbf16> to vector<100x100xbf16>
    %slice3A_72 = vector.extract_strided_slice %concatenate3A {offsets = [1100, 0], sizes = [100, 21], strides = [1, 1]} : vector<5600x21xbf16> to vector<100x21xbf16>
    %dot_general3A_73 = arith.constant dense<0.000000e+00> : vector<100x21xf32>
    %dot_general3A_74 = tpu.matmul %slice3A_71, %slice3A_72, %dot_general3A_73 {dimension_numbers = #tpu.dot_dimension_numbers<[1], [0], [0], [1], [0, 0, 1, 1], [], []>, transpose_lhs_hint = false} : vector<100x100xbf16>, vector<100x21xbf16>, vector<100x21xf32> -> vector<100x21xf32>
    %slice3A_75 = vector.extract_strided_slice %convert_element_type3A {offsets = [1200, 0], sizes = [100, 100], strides = [1, 1]} : vector<5600x100xbf16> to vector<100x100xbf16>
    %slice3A_76 = vector.extract_strided_slice %concatenate3A {offsets = [1200, 0], sizes = [100, 21], strides = [1, 1]} : vector<5600x21xbf16> to vector<100x21xbf16>
    %dot_general3A_77 = arith.constant dense<0.000000e+00> : vector<100x21xf32>
    %dot_general3A_78 = tpu.matmul %slice3A_75, %slice3A_76, %dot_general3A_77 {dimension_numbers = #tpu.dot_dimension_numbers<[1], [0], [0], [1], [0, 0, 1, 1], [], []>, transpose_lhs_hint = false} : vector<100x100xbf16>, vector<100x21xbf16>, vector<100x21xf32> -> vector<100x21xf32>
    %slice3A_79 = vector.extract_strided_slice %convert_element_type3A {offsets = [1300, 0], sizes = [100, 100], strides = [1, 1]} : vector<5600x100xbf16> to vector<100x100xbf16>
    %slice3A_80 = vector.extract_strided_slice %concatenate3A {offsets = [1300, 0], sizes = [100, 21], strides = [1, 1]} : vector<5600x21xbf16> to vector<100x21xbf16>
    %dot_general3A_81 = arith.constant dense<0.000000e+00> : vector<100x21xf32>
    %dot_general3A_82 = tpu.matmul %slice3A_79, %slice3A_80, %dot_general3A_81 {dimension_numbers = #tpu.dot_dimension_numbers<[1], [0], [0], [1], [0, 0, 1, 1], [], []>, transpose_lhs_hint = false} : vector<100x100xbf16>, vector<100x21xbf16>, vector<100x21xf32> -> vector<100x21xf32>
    %slice3A_83 = vector.extract_strided_slice %convert_element_type3A {offsets = [1400, 0], sizes = [100, 100], strides = [1, 1]} : vector<5600x100xbf16> to vector<100x100xbf16>
    %slice3A_84 = vector.extract_strided_slice %concatenate3A {offsets = [1400, 0], sizes = [100, 21], strides = [1, 1]} : vector<5600x21xbf16> to vector<100x21xbf16>
    %dot_general3A_85 = arith.constant dense<0.000000e+00> : vector<100x21xf32>
    %dot_general3A_86 = tpu.matmul %slice3A_83, %slice3A_84, %dot_general3A_85 {dimension_numbers = #tpu.dot_dimension_numbers<[1], [0], [0], [1], [0, 0, 1, 1], [], []>, transpose_lhs_hint = false} : vector<100x100xbf16>, vector<100x21xbf16>, vector<100x21xf32> -> vector<100x21xf32>
    %slice3A_87 = vector.extract_strided_slice %convert_element_type3A {offsets = [1500, 0], sizes = [100, 100], strides = [1, 1]} : vector<5600x100xbf16> to vector<100x100xbf16>
    %slice3A_88 = vector.extract_strided_slice %concatenate3A {offsets = [1500, 0], sizes = [100, 21], strides = [1, 1]} : vector<5600x21xbf16> to vector<100x21xbf16>
    %dot_general3A_89 = arith.constant dense<0.000000e+00> : vector<100x21xf32>
    %dot_general3A_90 = tpu.matmul %slice3A_87, %slice3A_88, %dot_general3A_89 {dimension_numbers = #tpu.dot_dimension_numbers<[1], [0], [0], [1], [0, 0, 1, 1], [], []>, transpose_lhs_hint = false} : vector<100x100xbf16>, vector<100x21xbf16>, vector<100x21xf32> -> vector<100x21xf32>
    %slice3A_91 = vector.extract_strided_slice %convert_element_type3A {offsets = [1600, 0], sizes = [100, 100], strides = [1, 1]} : vector<5600x100xbf16> to vector<100x100xbf16>
    %slice3A_92 = vector.extract_strided_slice %concatenate3A {offsets = [1600, 0], sizes = [100, 21], strides = [1, 1]} : vector<5600x21xbf16> to vector<100x21xbf16>
    %dot_general3A_93 = arith.constant dense<0.000000e+00> : vector<100x21xf32>
    %dot_general3A_94 = tpu.matmul %slice3A_91, %slice3A_92, %dot_general3A_93 {dimension_numbers = #tpu.dot_dimension_numbers<[1], [0], [0], [1], [0, 0, 1, 1], [], []>, transpose_lhs_hint = false} : vector<100x100xbf16>, vector<100x21xbf16>, vector<100x21xf32> -> vector<100x21xf32>
    %slice3A_95 = vector.extract_strided_slice %convert_element_type3A {offsets = [1700, 0], sizes = [100, 100], strides = [1, 1]} : vector<5600x100xbf16> to vector<100x100xbf16>
    %slice3A_96 = vector.extract_strided_slice %concatenate3A {offsets = [1700, 0], sizes = [100, 21], strides = [1, 1]} : vector<5600x21xbf16> to vector<100x21xbf16>
    %dot_general3A_97 = arith.constant dense<0.000000e+00> : vector<100x21xf32>
    %dot_general3A_98 = tpu.matmul %slice3A_95, %slice3A_96, %dot_general3A_97 {dimension_numbers = #tpu.dot_dimension_numbers<[1], [0], [0], [1], [0, 0, 1, 1], [], []>, transpose_lhs_hint = false} : vector<100x100xbf16>, vector<100x21xbf16>, vector<100x21xf32> -> vector<100x21xf32>
    %slice3A_99 = vector.extract_strided_slice %convert_element_type3A {offsets = [1800, 0], sizes = [100, 100], strides = [1, 1]} : vector<5600x100xbf16> to vector<100x100xbf16>
    %slice3A_100 = vector.extract_strided_slice %concatenate3A {offsets = [1800, 0], sizes = [100, 21], strides = [1, 1]} : vector<5600x21xbf16> to vector<100x21xbf16>
    %dot_general3A_101 = arith.constant dense<0.000000e+00> : vector<100x21xf32>
    %dot_general3A_102 = tpu.matmul %slice3A_99, %slice3A_100, %dot_general3A_101 {dimension_numbers = #tpu.dot_dimension_numbers<[1], [0], [0], [1], [0, 0, 1, 1], [], []>, transpose_lhs_hint = false} : vector<100x100xbf16>, vector<100x21xbf16>, vector<100x21xf32> -> vector<100x21xf32>
    %slice3A_103 = vector.extract_strided_slice %convert_element_type3A {offsets = [1900, 0], sizes = [100, 100], strides = [1, 1]} : vector<5600x100xbf16> to vector<100x100xbf16>
    %slice3A_104 = vector.extract_strided_slice %concatenate3A {offsets = [1900, 0], sizes = [100, 21], strides = [1, 1]} : vector<5600x21xbf16> to vector<100x21xbf16>
    %dot_general3A_105 = arith.constant dense<0.000000e+00> : vector<100x21xf32>
    %dot_general3A_106 = tpu.matmul %slice3A_103, %slice3A_104, %dot_general3A_105 {dimension_numbers = #tpu.dot_dimension_numbers<[1], [0], [0], [1], [0, 0, 1, 1], [], []>, transpose_lhs_hint = false} : vector<100x100xbf16>, vector<100x21xbf16>, vector<100x21xf32> -> vector<100x21xf32>
    %slice3A_107 = vector.extract_strided_slice %convert_element_type3A {offsets = [2000, 0], sizes = [100, 100], strides = [1, 1]} : vector<5600x100xbf16> to vector<100x100xbf16>
    %slice3A_108 = vector.extract_strided_slice %concatenate3A {offsets = [2000, 0], sizes = [100, 21], strides = [1, 1]} : vector<5600x21xbf16> to vector<100x21xbf16>
    %dot_general3A_109 = arith.constant dense<0.000000e+00> : vector<100x21xf32>
    %dot_general3A_110 = tpu.matmul %slice3A_107, %slice3A_108, %dot_general3A_109 {dimension_numbers = #tpu.dot_dimension_numbers<[1], [0], [0], [1], [0, 0, 1, 1], [], []>, transpose_lhs_hint = false} : vector<100x100xbf16>, vector<100x21xbf16>, vector<100x21xf32> -> vector<100x21xf32>
    %slice3A_111 = vector.extract_strided_slice %convert_element_type3A {offsets = [2100, 0], sizes = [100, 100], strides = [1, 1]} : vector<5600x100xbf16> to vector<100x100xbf16>
    %slice3A_112 = vector.extract_strided_slice %concatenate3A {offsets = [2100, 0], sizes = [100, 21], strides = [1, 1]} : vector<5600x21xbf16> to vector<100x21xbf16>
    %dot_general3A_113 = arith.constant dense<0.000000e+00> : vector<100x21xf32>
    %dot_general3A_114 = tpu.matmul %slice3A_111, %slice3A_112, %dot_general3A_113 {dimension_numbers = #tpu.dot_dimension_numbers<[1], [0], [0], [1], [0, 0, 1, 1], [], []>, transpose_lhs_hint = false} : vector<100x100xbf16>, vector<100x21xbf16>, vector<100x21xf32> -> vector<100x21xf32>
    %slice3A_115 = vector.extract_strided_slice %convert_element_type3A {offsets = [2200, 0], sizes = [100, 100], strides = [1, 1]} : vector<5600x100xbf16> to vector<100x100xbf16>
    %slice3A_116 = vector.extract_strided_slice %concatenate3A {offsets = [2200, 0], sizes = [100, 21], strides = [1, 1]} : vector<5600x21xbf16> to vector<100x21xbf16>
    %dot_general3A_117 = arith.constant dense<0.000000e+00> : vector<100x21xf32>
    %dot_general3A_118 = tpu.matmul %slice3A_115, %slice3A_116, %dot_general3A_117 {dimension_numbers = #tpu.dot_dimension_numbers<[1], [0], [0], [1], [0, 0, 1, 1], [], []>, transpose_lhs_hint = false} : vector<100x100xbf16>, vector<100x21xbf16>, vector<100x21xf32> -> vector<100x21xf32>
    %slice3A_119 = vector.extract_strided_slice %convert_element_type3A {offsets = [2300, 0], sizes = [100, 100], strides = [1, 1]} : vector<5600x100xbf16> to vector<100x100xbf16>
    %slice3A_120 = vector.extract_strided_slice %concatenate3A {offsets = [2300, 0], sizes = [100, 21], strides = [1, 1]} : vector<5600x21xbf16> to vector<100x21xbf16>
    %dot_general3A_121 = arith.constant dense<0.000000e+00> : vector<100x21xf32>
    %dot_general3A_122 = tpu.matmul %slice3A_119, %slice3A_120, %dot_general3A_121 {dimension_numbers = #tpu.dot_dimension_numbers<[1], [0], [0], [1], [0, 0, 1, 1], [], []>, transpose_lhs_hint = false} : vector<100x100xbf16>, vector<100x21xbf16>, vector<100x21xf32> -> vector<100x21xf32>
    %slice3A_123 = vector.extract_strided_slice %convert_element_type3A {offsets = [2400, 0], sizes = [100, 100], strides = [1, 1]} : vector<5600x100xbf16> to vector<100x100xbf16>
    %slice3A_124 = vector.extract_strided_slice %concatenate3A {offsets = [2400, 0], sizes = [100, 21], strides = [1, 1]} : vector<5600x21xbf16> to vector<100x21xbf16>
    %dot_general3A_125 = arith.constant dense<0.000000e+00> : vector<100x21xf32>
    %dot_general3A_126 = tpu.matmul %slice3A_123, %slice3A_124, %dot_general3A_125 {dimension_numbers = #tpu.dot_dimension_numbers<[1], [0], [0], [1], [0, 0, 1, 1], [], []>, transpose_lhs_hint = false} : vector<100x100xbf16>, vector<100x21xbf16>, vector<100x21xf32> -> vector<100x21xf32>
    %slice3A_127 = vector.extract_strided_slice %convert_element_type3A {offsets = [2500, 0], sizes = [100, 100], strides = [1, 1]} : vector<5600x100xbf16> to vector<100x100xbf16>
    %slice3A_128 = vector.extract_strided_slice %concatenate3A {offsets = [2500, 0], sizes = [100, 21], strides = [1, 1]} : vector<5600x21xbf16> to vector<100x21xbf16>
    %dot_general3A_129 = arith.constant dense<0.000000e+00> : vector<100x21xf32>
    %dot_general3A_130 = tpu.matmul %slice3A_127, %slice3A_128, %dot_general3A_129 {dimension_numbers = #tpu.dot_dimension_numbers<[1], [0], [0], [1], [0, 0, 1, 1], [], []>, transpose_lhs_hint = false} : vector<100x100xbf16>, vector<100x21xbf16>, vector<100x21xf32> -> vector<100x21xf32>
    %slice3A_131 = vector.extract_strided_slice %convert_element_type3A {offsets = [2600, 0], sizes = [100, 100], strides = [1, 1]} : vector<5600x100xbf16> to vector<100x100xbf16>
    %slice3A_132 = vector.extract_strided_slice %concatenate3A {offsets = [2600, 0], sizes = [100, 21], strides = [1, 1]} : vector<5600x21xbf16> to vector<100x21xbf16>
    %dot_general3A_133 = arith.constant dense<0.000000e+00> : vector<100x21xf32>
    %dot_general3A_134 = tpu.matmul %slice3A_131, %slice3A_132, %dot_general3A_133 {dimension_numbers = #tpu.dot_dimension_numbers<[1], [0], [0], [1], [0, 0, 1, 1], [], []>, transpose_lhs_hint = false} : vector<100x100xbf16>, vector<100x21xbf16>, vector<100x21xf32> -> vector<100x21xf32>
    %slice3A_135 = vector.extract_strided_slice %convert_element_type3A {offsets = [2700, 0], sizes = [100, 100], strides = [1, 1]} : vector<5600x100xbf16> to vector<100x100xbf16>
    %slice3A_136 = vector.extract_strided_slice %concatenate3A {offsets = [2700, 0], sizes = [100, 21], strides = [1, 1]} : vector<5600x21xbf16> to vector<100x21xbf16>
    %dot_general3A_137 = arith.constant dense<0.000000e+00> : vector<100x21xf32>
    %dot_general3A_138 = tpu.matmul %slice3A_135, %slice3A_136, %dot_general3A_137 {dimension_numbers = #tpu.dot_dimension_numbers<[1], [0], [0], [1], [0, 0, 1, 1], [], []>, transpose_lhs_hint = false} : vector<100x100xbf16>, vector<100x21xbf16>, vector<100x21xf32> -> vector<100x21xf32>
    %slice3A_139 = vector.extract_strided_slice %convert_element_type3A {offsets = [2800, 0], sizes = [100, 100], strides = [1, 1]} : vector<5600x100xbf16> to vector<100x100xbf16>
    %slice3A_140 = vector.extract_strided_slice %concatenate3A {offsets = [2800, 0], sizes = [100, 21], strides = [1, 1]} : vector<5600x21xbf16> to vector<100x21xbf16>
    %dot_general3A_141 = arith.constant dense<0.000000e+00> : vector<100x21xf32>
    %dot_general3A_142 = tpu.matmul %slice3A_139, %slice3A_140, %dot_general3A_141 {dimension_numbers = #tpu.dot_dimension_numbers<[1], [0], [0], [1], [0, 0, 1, 1], [], []>, transpose_lhs_hint = false} : vector<100x100xbf16>, vector<100x21xbf16>, vector<100x21xf32> -> vector<100x21xf32>
    %slice3A_143 = vector.extract_strided_slice %convert_element_type3A {offsets = [2900, 0], sizes = [100, 100], strides = [1, 1]} : vector<5600x100xbf16> to vector<100x100xbf16>
    %slice3A_144 = vector.extract_strided_slice %concatenate3A {offsets = [2900, 0], sizes = [100, 21], strides = [1, 1]} : vector<5600x21xbf16> to vector<100x21xbf16>
    %dot_general3A_145 = arith.constant dense<0.000000e+00> : vector<100x21xf32>
    %dot_general3A_146 = tpu.matmul %slice3A_143, %slice3A_144, %dot_general3A_145 {dimension_numbers = #tpu.dot_dimension_numbers<[1], [0], [0], [1], [0, 0, 1, 1], [], []>, transpose_lhs_hint = false} : vector<100x100xbf16>, vector<100x21xbf16>, vector<100x21xf32> -> vector<100x21xf32>
    %slice3A_147 = vector.extract_strided_slice %convert_element_type3A {offsets = [3000, 0], sizes = [100, 100], strides = [1, 1]} : vector<5600x100xbf16> to vector<100x100xbf16>
    %slice3A_148 = vector.extract_strided_slice %concatenate3A {offsets = [3000, 0], sizes = [100, 21], strides = [1, 1]} : vector<5600x21xbf16> to vector<100x21xbf16>
    %dot_general3A_149 = arith.constant dense<0.000000e+00> : vector<100x21xf32>
    %dot_general3A_150 = tpu.matmul %slice3A_147, %slice3A_148, %dot_general3A_149 {dimension_numbers = #tpu.dot_dimension_numbers<[1], [0], [0], [1], [0, 0, 1, 1], [], []>, transpose_lhs_hint = false} : vector<100x100xbf16>, vector<100x21xbf16>, vector<100x21xf32> -> vector<100x21xf32>
    %slice3A_151 = vector.extract_strided_slice %convert_element_type3A {offsets = [3100, 0], sizes = [100, 100], strides = [1, 1]} : vector<5600x100xbf16> to vector<100x100xbf16>
    %slice3A_152 = vector.extract_strided_slice %concatenate3A {offsets = [3100, 0], sizes = [100, 21], strides = [1, 1]} : vector<5600x21xbf16> to vector<100x21xbf16>
    %dot_general3A_153 = arith.constant dense<0.000000e+00> : vector<100x21xf32>
    %dot_general3A_154 = tpu.matmul %slice3A_151, %slice3A_152, %dot_general3A_153 {dimension_numbers = #tpu.dot_dimension_numbers<[1], [0], [0], [1], [0, 0, 1, 1], [], []>, transpose_lhs_hint = false} : vector<100x100xbf16>, vector<100x21xbf16>, vector<100x21xf32> -> vector<100x21xf32>
    %slice3A_155 = vector.extract_strided_slice %convert_element_type3A {offsets = [3200, 0], sizes = [100, 100], strides = [1, 1]} : vector<5600x100xbf16> to vector<100x100xbf16>
    %slice3A_156 = vector.extract_strided_slice %concatenate3A {offsets = [3200, 0], sizes = [100, 21], strides = [1, 1]} : vector<5600x21xbf16> to vector<100x21xbf16>
    %dot_general3A_157 = arith.constant dense<0.000000e+00> : vector<100x21xf32>
    %dot_general3A_158 = tpu.matmul %slice3A_155, %slice3A_156, %dot_general3A_157 {dimension_numbers = #tpu.dot_dimension_numbers<[1], [0], [0], [1], [0, 0, 1, 1], [], []>, transpose_lhs_hint = false} : vector<100x100xbf16>, vector<100x21xbf16>, vector<100x21xf32> -> vector<100x21xf32>
    %slice3A_159 = vector.extract_strided_slice %convert_element_type3A {offsets = [3300, 0], sizes = [100, 100], strides = [1, 1]} : vector<5600x100xbf16> to vector<100x100xbf16>
    %slice3A_160 = vector.extract_strided_slice %concatenate3A {offsets = [3300, 0], sizes = [100, 21], strides = [1, 1]} : vector<5600x21xbf16> to vector<100x21xbf16>
    %dot_general3A_161 = arith.constant dense<0.000000e+00> : vector<100x21xf32>
    %dot_general3A_162 = tpu.matmul %slice3A_159, %slice3A_160, %dot_general3A_161 {dimension_numbers = #tpu.dot_dimension_numbers<[1], [0], [0], [1], [0, 0, 1, 1], [], []>, transpose_lhs_hint = false} : vector<100x100xbf16>, vector<100x21xbf16>, vector<100x21xf32> -> vector<100x21xf32>
    %slice3A_163 = vector.extract_strided_slice %convert_element_type3A {offsets = [3400, 0], sizes = [100, 100], strides = [1, 1]} : vector<5600x100xbf16> to vector<100x100xbf16>
    %slice3A_164 = vector.extract_strided_slice %concatenate3A {offsets = [3400, 0], sizes = [100, 21], strides = [1, 1]} : vector<5600x21xbf16> to vector<100x21xbf16>
    %dot_general3A_165 = arith.constant dense<0.000000e+00> : vector<100x21xf32>
    %dot_general3A_166 = tpu.matmul %slice3A_163, %slice3A_164, %dot_general3A_165 {dimension_numbers = #tpu.dot_dimension_numbers<[1], [0], [0], [1], [0, 0, 1, 1], [], []>, transpose_lhs_hint = false} : vector<100x100xbf16>, vector<100x21xbf16>, vector<100x21xf32> -> vector<100x21xf32>
    %slice3A_167 = vector.extract_strided_slice %convert_element_type3A {offsets = [3500, 0], sizes = [100, 100], strides = [1, 1]} : vector<5600x100xbf16> to vector<100x100xbf16>
    %slice3A_168 = vector.extract_strided_slice %concatenate3A {offsets = [3500, 0], sizes = [100, 21], strides = [1, 1]} : vector<5600x21xbf16> to vector<100x21xbf16>
    %dot_general3A_169 = arith.constant dense<0.000000e+00> : vector<100x21xf32>
    %dot_general3A_170 = tpu.matmul %slice3A_167, %slice3A_168, %dot_general3A_169 {dimension_numbers = #tpu.dot_dimension_numbers<[1], [0], [0], [1], [0, 0, 1, 1], [], []>, transpose_lhs_hint = false} : vector<100x100xbf16>, vector<100x21xbf16>, vector<100x21xf32> -> vector<100x21xf32>
    %slice3A_171 = vector.extract_strided_slice %convert_element_type3A {offsets = [3600, 0], sizes = [100, 100], strides = [1, 1]} : vector<5600x100xbf16> to vector<100x100xbf16>
    %slice3A_172 = vector.extract_strided_slice %concatenate3A {offsets = [3600, 0], sizes = [100, 21], strides = [1, 1]} : vector<5600x21xbf16> to vector<100x21xbf16>
    %dot_general3A_173 = arith.constant dense<0.000000e+00> : vector<100x21xf32>
    %dot_general3A_174 = tpu.matmul %slice3A_171, %slice3A_172, %dot_general3A_173 {dimension_numbers = #tpu.dot_dimension_numbers<[1], [0], [0], [1], [0, 0, 1, 1], [], []>, transpose_lhs_hint = false} : vector<100x100xbf16>, vector<100x21xbf16>, vector<100x21xf32> -> vector<100x21xf32>
    %slice3A_175 = vector.extract_strided_slice %convert_element_type3A {offsets = [3700, 0], sizes = [100, 100], strides = [1, 1]} : vector<5600x100xbf16> to vector<100x100xbf16>
    %slice3A_176 = vector.extract_strided_slice %concatenate3A {offsets = [3700, 0], sizes = [100, 21], strides = [1, 1]} : vector<5600x21xbf16> to vector<100x21xbf16>
    %dot_general3A_177 = arith.constant dense<0.000000e+00> : vector<100x21xf32>
    %dot_general3A_178 = tpu.matmul %slice3A_175, %slice3A_176, %dot_general3A_177 {dimension_numbers = #tpu.dot_dimension_numbers<[1], [0], [0], [1], [0, 0, 1, 1], [], []>, transpose_lhs_hint = false} : vector<100x100xbf16>, vector<100x21xbf16>, vector<100x21xf32> -> vector<100x21xf32>
    %slice3A_179 = vector.extract_strided_slice %convert_element_type3A {offsets = [3800, 0], sizes = [100, 100], strides = [1, 1]} : vector<5600x100xbf16> to vector<100x100xbf16>
    %slice3A_180 = vector.extract_strided_slice %concatenate3A {offsets = [3800, 0], sizes = [100, 21], strides = [1, 1]} : vector<5600x21xbf16> to vector<100x21xbf16>
    %dot_general3A_181 = arith.constant dense<0.000000e+00> : vector<100x21xf32>
    %dot_general3A_182 = tpu.matmul %slice3A_179, %slice3A_180, %dot_general3A_181 {dimension_numbers = #tpu.dot_dimension_numbers<[1], [0], [0], [1], [0, 0, 1, 1], [], []>, transpose_lhs_hint = false} : vector<100x100xbf16>, vector<100x21xbf16>, vector<100x21xf32> -> vector<100x21xf32>
    %slice3A_183 = vector.extract_strided_slice %convert_element_type3A {offsets = [3900, 0], sizes = [100, 100], strides = [1, 1]} : vector<5600x100xbf16> to vector<100x100xbf16>
    %slice3A_184 = vector.extract_strided_slice %concatenate3A {offsets = [3900, 0], sizes = [100, 21], strides = [1, 1]} : vector<5600x21xbf16> to vector<100x21xbf16>
    %dot_general3A_185 = arith.constant dense<0.000000e+00> : vector<100x21xf32>
    %dot_general3A_186 = tpu.matmul %slice3A_183, %slice3A_184, %dot_general3A_185 {dimension_numbers = #tpu.dot_dimension_numbers<[1], [0], [0], [1], [0, 0, 1, 1], [], []>, transpose_lhs_hint = false} : vector<100x100xbf16>, vector<100x21xbf16>, vector<100x21xf32> -> vector<100x21xf32>
    %slice3A_187 = vector.extract_strided_slice %convert_element_type3A {offsets = [4000, 0], sizes = [100, 100], strides = [1, 1]} : vector<5600x100xbf16> to vector<100x100xbf16>
    %slice3A_188 = vector.extract_strided_slice %concatenate3A {offsets = [4000, 0], sizes = [100, 21], strides = [1, 1]} : vector<5600x21xbf16> to vector<100x21xbf16>
    %dot_general3A_189 = arith.constant dense<0.000000e+00> : vector<100x21xf32>
    %dot_general3A_190 = tpu.matmul %slice3A_187, %slice3A_188, %dot_general3A_189 {dimension_numbers = #tpu.dot_dimension_numbers<[1], [0], [0], [1], [0, 0, 1, 1], [], []>, transpose_lhs_hint = false} : vector<100x100xbf16>, vector<100x21xbf16>, vector<100x21xf32> -> vector<100x21xf32>
    %slice3A_191 = vector.extract_strided_slice %convert_element_type3A {offsets = [4100, 0], sizes = [100, 100], strides = [1, 1]} : vector<5600x100xbf16> to vector<100x100xbf16>
    %slice3A_192 = vector.extract_strided_slice %concatenate3A {offsets = [4100, 0], sizes = [100, 21], strides = [1, 1]} : vector<5600x21xbf16> to vector<100x21xbf16>
    %dot_general3A_193 = arith.constant dense<0.000000e+00> : vector<100x21xf32>
    %dot_general3A_194 = tpu.matmul %slice3A_191, %slice3A_192, %dot_general3A_193 {dimension_numbers = #tpu.dot_dimension_numbers<[1], [0], [0], [1], [0, 0, 1, 1], [], []>, transpose_lhs_hint = false} : vector<100x100xbf16>, vector<100x21xbf16>, vector<100x21xf32> -> vector<100x21xf32>
    %slice3A_195 = vector.extract_strided_slice %convert_element_type3A {offsets = [4200, 0], sizes = [100, 100], strides = [1, 1]} : vector<5600x100xbf16> to vector<100x100xbf16>
    %slice3A_196 = vector.extract_strided_slice %concatenate3A {offsets = [4200, 0], sizes = [100, 21], strides = [1, 1]} : vector<5600x21xbf16> to vector<100x21xbf16>
    %dot_general3A_197 = arith.constant dense<0.000000e+00> : vector<100x21xf32>
    %dot_general3A_198 = tpu.matmul %slice3A_195, %slice3A_196, %dot_general3A_197 {dimension_numbers = #tpu.dot_dimension_numbers<[1], [0], [0], [1], [0, 0, 1, 1], [], []>, transpose_lhs_hint = false} : vector<100x100xbf16>, vector<100x21xbf16>, vector<100x21xf32> -> vector<100x21xf32>
    %slice3A_199 = vector.extract_strided_slice %convert_element_type3A {offsets = [4300, 0], sizes = [100, 100], strides = [1, 1]} : vector<5600x100xbf16> to vector<100x100xbf16>
    %slice3A_200 = vector.extract_strided_slice %concatenate3A {offsets = [4300, 0], sizes = [100, 21], strides = [1, 1]} : vector<5600x21xbf16> to vector<100x21xbf16>
    %dot_general3A_201 = arith.constant dense<0.000000e+00> : vector<100x21xf32>
    %dot_general3A_202 = tpu.matmul %slice3A_199, %slice3A_200, %dot_general3A_201 {dimension_numbers = #tpu.dot_dimension_numbers<[1], [0], [0], [1], [0, 0, 1, 1], [], []>, transpose_lhs_hint = false} : vector<100x100xbf16>, vector<100x21xbf16>, vector<100x21xf32> -> vector<100x21xf32>
    %slice3A_203 = vector.extract_strided_slice %convert_element_type3A {offsets = [4400, 0], sizes = [100, 100], strides = [1, 1]} : vector<5600x100xbf16> to vector<100x100xbf16>
    %slice3A_204 = vector.extract_strided_slice %concatenate3A {offsets = [4400, 0], sizes = [100, 21], strides = [1, 1]} : vector<5600x21xbf16> to vector<100x21xbf16>
    %dot_general3A_205 = arith.constant dense<0.000000e+00> : vector<100x21xf32>
    %dot_general3A_206 = tpu.matmul %slice3A_203, %slice3A_204, %dot_general3A_205 {dimension_numbers = #tpu.dot_dimension_numbers<[1], [0], [0], [1], [0, 0, 1, 1], [], []>, transpose_lhs_hint = false} : vector<100x100xbf16>, vector<100x21xbf16>, vector<100x21xf32> -> vector<100x21xf32>
    %slice3A_207 = vector.extract_strided_slice %convert_element_type3A {offsets = [4500, 0], sizes = [100, 100], strides = [1, 1]} : vector<5600x100xbf16> to vector<100x100xbf16>
    %slice3A_208 = vector.extract_strided_slice %concatenate3A {offsets = [4500, 0], sizes = [100, 21], strides = [1, 1]} : vector<5600x21xbf16> to vector<100x21xbf16>
    %dot_general3A_209 = arith.constant dense<0.000000e+00> : vector<100x21xf32>
    %dot_general3A_210 = tpu.matmul %slice3A_207, %slice3A_208, %dot_general3A_209 {dimension_numbers = #tpu.dot_dimension_numbers<[1], [0], [0], [1], [0, 0, 1, 1], [], []>, transpose_lhs_hint = false} : vector<100x100xbf16>, vector<100x21xbf16>, vector<100x21xf32> -> vector<100x21xf32>
    %slice3A_211 = vector.extract_strided_slice %convert_element_type3A {offsets = [4600, 0], sizes = [100, 100], strides = [1, 1]} : vector<5600x100xbf16> to vector<100x100xbf16>
    %slice3A_212 = vector.extract_strided_slice %concatenate3A {offsets = [4600, 0], sizes = [100, 21], strides = [1, 1]} : vector<5600x21xbf16> to vector<100x21xbf16>
    %dot_general3A_213 = arith.constant dense<0.000000e+00> : vector<100x21xf32>
    %dot_general3A_214 = tpu.matmul %slice3A_211, %slice3A_212, %dot_general3A_213 {dimension_numbers = #tpu.dot_dimension_numbers<[1], [0], [0], [1], [0, 0, 1, 1], [], []>, transpose_lhs_hint = false} : vector<100x100xbf16>, vector<100x21xbf16>, vector<100x21xf32> -> vector<100x21xf32>
    %slice3A_215 = vector.extract_strided_slice %convert_element_type3A {offsets = [4700, 0], sizes = [100, 100], strides = [1, 1]} : vector<5600x100xbf16> to vector<100x100xbf16>
    %slice3A_216 = vector.extract_strided_slice %concatenate3A {offsets = [4700, 0], sizes = [100, 21], strides = [1, 1]} : vector<5600x21xbf16> to vector<100x21xbf16>
    %dot_general3A_217 = arith.constant dense<0.000000e+00> : vector<100x21xf32>
    %dot_general3A_218 = tpu.matmul %slice3A_215, %slice3A_216, %dot_general3A_217 {dimension_numbers = #tpu.dot_dimension_numbers<[1], [0], [0], [1], [0, 0, 1, 1], [], []>, transpose_lhs_hint = false} : vector<100x100xbf16>, vector<100x21xbf16>, vector<100x21xf32> -> vector<100x21xf32>
    %slice3A_219 = vector.extract_strided_slice %convert_element_type3A {offsets = [4800, 0], sizes = [100, 100], strides = [1, 1]} : vector<5600x100xbf16> to vector<100x100xbf16>
    %slice3A_220 = vector.extract_strided_slice %concatenate3A {offsets = [4800, 0], sizes = [100, 21], strides = [1, 1]} : vector<5600x21xbf16> to vector<100x21xbf16>
    %dot_general3A_221 = arith.constant dense<0.000000e+00> : vector<100x21xf32>
    %dot_general3A_222 = tpu.matmul %slice3A_219, %slice3A_220, %dot_general3A_221 {dimension_numbers = #tpu.dot_dimension_numbers<[1], [0], [0], [1], [0, 0, 1, 1], [], []>, transpose_lhs_hint = false} : vector<100x100xbf16>, vector<100x21xbf16>, vector<100x21xf32> -> vector<100x21xf32>
    %slice3A_223 = vector.extract_strided_slice %convert_element_type3A {offsets = [4900, 0], sizes = [100, 100], strides = [1, 1]} : vector<5600x100xbf16> to vector<100x100xbf16>
    %slice3A_224 = vector.extract_strided_slice %concatenate3A {offsets = [4900, 0], sizes = [100, 21], strides = [1, 1]} : vector<5600x21xbf16> to vector<100x21xbf16>
    %dot_general3A_225 = arith.constant dense<0.000000e+00> : vector<100x21xf32>
    %dot_general3A_226 = tpu.matmul %slice3A_223, %slice3A_224, %dot_general3A_225 {dimension_numbers = #tpu.dot_dimension_numbers<[1], [0], [0], [1], [0, 0, 1, 1], [], []>, transpose_lhs_hint = false} : vector<100x100xbf16>, vector<100x21xbf16>, vector<100x21xf32> -> vector<100x21xf32>
    %slice3A_227 = vector.extract_strided_slice %convert_element_type3A {offsets = [5000, 0], sizes = [100, 100], strides = [1, 1]} : vector<5600x100xbf16> to vector<100x100xbf16>
    %slice3A_228 = vector.extract_strided_slice %concatenate3A {offsets = [5000, 0], sizes = [100, 21], strides = [1, 1]} : vector<5600x21xbf16> to vector<100x21xbf16>
    %dot_general3A_229 = arith.constant dense<0.000000e+00> : vector<100x21xf32>
    %dot_general3A_230 = tpu.matmul %slice3A_227, %slice3A_228, %dot_general3A_229 {dimension_numbers = #tpu.dot_dimension_numbers<[1], [0], [0], [1], [0, 0, 1, 1], [], []>, transpose_lhs_hint = false} : vector<100x100xbf16>, vector<100x21xbf16>, vector<100x21xf32> -> vector<100x21xf32>
    %slice3A_231 = vector.extract_strided_slice %convert_element_type3A {offsets = [5100, 0], sizes = [100, 100], strides = [1, 1]} : vector<5600x100xbf16> to vector<100x100xbf16>
    %slice3A_232 = vector.extract_strided_slice %concatenate3A {offsets = [5100, 0], sizes = [100, 21], strides = [1, 1]} : vector<5600x21xbf16> to vector<100x21xbf16>
    %dot_general3A_233 = arith.constant dense<0.000000e+00> : vector<100x21xf32>
    %dot_general3A_234 = tpu.matmul %slice3A_231, %slice3A_232, %dot_general3A_233 {dimension_numbers = #tpu.dot_dimension_numbers<[1], [0], [0], [1], [0, 0, 1, 1], [], []>, transpose_lhs_hint = false} : vector<100x100xbf16>, vector<100x21xbf16>, vector<100x21xf32> -> vector<100x21xf32>
    %slice3A_235 = vector.extract_strided_slice %convert_element_type3A {offsets = [5200, 0], sizes = [100, 100], strides = [1, 1]} : vector<5600x100xbf16> to vector<100x100xbf16>
    %slice3A_236 = vector.extract_strided_slice %concatenate3A {offsets = [5200, 0], sizes = [100, 21], strides = [1, 1]} : vector<5600x21xbf16> to vector<100x21xbf16>
    %dot_general3A_237 = arith.constant dense<0.000000e+00> : vector<100x21xf32>
    %dot_general3A_238 = tpu.matmul %slice3A_235, %slice3A_236, %dot_general3A_237 {dimension_numbers = #tpu.dot_dimension_numbers<[1], [0], [0], [1], [0, 0, 1, 1], [], []>, transpose_lhs_hint = false} : vector<100x100xbf16>, vector<100x21xbf16>, vector<100x21xf32> -> vector<100x21xf32>
    %slice3A_239 = vector.extract_strided_slice %convert_element_type3A {offsets = [5300, 0], sizes = [100, 100], strides = [1, 1]} : vector<5600x100xbf16> to vector<100x100xbf16>
    %slice3A_240 = vector.extract_strided_slice %concatenate3A {offsets = [5300, 0], sizes = [100, 21], strides = [1, 1]} : vector<5600x21xbf16> to vector<100x21xbf16>
    %dot_general3A_241 = arith.constant dense<0.000000e+00> : vector<100x21xf32>
    %dot_general3A_242 = tpu.matmul %slice3A_239, %slice3A_240, %dot_general3A_241 {dimension_numbers = #tpu.dot_dimension_numbers<[1], [0], [0], [1], [0, 0, 1, 1], [], []>, transpose_lhs_hint = false} : vector<100x100xbf16>, vector<100x21xbf16>, vector<100x21xf32> -> vector<100x21xf32>
    %slice3A_243 = vector.extract_strided_slice %convert_element_type3A {offsets = [5400, 0], sizes = [100, 100], strides = [1, 1]} : vector<5600x100xbf16> to vector<100x100xbf16>
    %slice3A_244 = vector.extract_strided_slice %concatenate3A {offsets = [5400, 0], sizes = [100, 21], strides = [1, 1]} : vector<5600x21xbf16> to vector<100x21xbf16>
    %dot_general3A_245 = arith.constant dense<0.000000e+00> : vector<100x21xf32>
    %dot_general3A_246 = tpu.matmul %slice3A_243, %slice3A_244, %dot_general3A_245 {dimension_numbers = #tpu.dot_dimension_numbers<[1], [0], [0], [1], [0, 0, 1, 1], [], []>, transpose_lhs_hint = false} : vector<100x100xbf16>, vector<100x21xbf16>, vector<100x21xf32> -> vector<100x21xf32>
    %slice3A_247 = vector.extract_strided_slice %convert_element_type3A {offsets = [5500, 0], sizes = [100, 100], strides = [1, 1]} : vector<5600x100xbf16> to vector<100x100xbf16>
    %slice3A_248 = vector.extract_strided_slice %concatenate3A {offsets = [5500, 0], sizes = [100, 21], strides = [1, 1]} : vector<5600x21xbf16> to vector<100x21xbf16>
    %dot_general3A_249 = arith.constant dense<0.000000e+00> : vector<100x21xf32>
    %dot_general3A_250 = tpu.matmul %slice3A_247, %slice3A_248, %dot_general3A_249 {dimension_numbers = #tpu.dot_dimension_numbers<[1], [0], [0], [1], [0, 0, 1, 1], [], []>, transpose_lhs_hint = false} : vector<100x100xbf16>, vector<100x21xbf16>, vector<100x21xf32> -> vector<100x21xf32>
    %concatenate3A_251 = tpu.concatenate %dot_general3A_30, %dot_general3A_34, %dot_general3A_38, %dot_general3A_42, %dot_general3A_46, %dot_general3A_50, %dot_general3A_54, %dot_general3A_58, %dot_general3A_62, %dot_general3A_66, %dot_general3A_70, %dot_general3A_74, %dot_general3A_78, %dot_general3A_82, %dot_general3A_86, %dot_general3A_90, %dot_general3A_94, %dot_general3A_98, %dot_general3A_102, %dot_general3A_106, %dot_general3A_110, %dot_general3A_114, %dot_general3A_118, %dot_general3A_122, %dot_general3A_126, %dot_general3A_130, %dot_general3A_134, %dot_general3A_138, %dot_general3A_142, %dot_general3A_146, %dot_general3A_150, %dot_general3A_154, %dot_general3A_158, %dot_general3A_162, %dot_general3A_166, %dot_general3A_170, %dot_general3A_174, %dot_general3A_178, %dot_general3A_182, %dot_general3A_186, %dot_general3A_190, %dot_general3A_194, %dot_general3A_198, %dot_general3A_202, %dot_general3A_206, %dot_general3A_210, %dot_general3A_214, %dot_general3A_218, %dot_general3A_222, %dot_general3A_226, %dot_general3A_230, %dot_general3A_234, %dot_general3A_238, %dot_general3A_242, %dot_general3A_246, %dot_general3A_250 in 0 : vector<100x21xf32>, vector<100x21xf32>, vector<100x21xf32>, vector<100x21xf32>, vector<100x21xf32>, vector<100x21xf32>, vector<100x21xf32>, vector<100x21xf32>, vector<100x21xf32>, vector<100x21xf32>, vector<100x21xf32>, vector<100x21xf32>, vector<100x21xf32>, vector<100x21xf32>, vector<100x21xf32>, vector<100x21xf32>, vector<100x21xf32>, vector<100x21xf32>, vector<100x21xf32>, vector<100x21xf32>, vector<100x21xf32>, vector<100x21xf32>, vector<100x21xf32>, vector<100x21xf32>, vector<100x21xf32>, vector<100x21xf32>, vector<100x21xf32>, vector<100x21xf32>, vector<100x21xf32>, vector<100x21xf32>, vector<100x21xf32>, vector<100x21xf32>, vector<100x21xf32>, vector<100x21xf32>, vector<100x21xf32>, vector<100x21xf32>, vector<100x21xf32>, vector<100x21xf32>, vector<100x21xf32>, vector<100x21xf32>, vector<100x21xf32>, vector<100x21xf32>, vector<100x21xf32>, vector<100x21xf32>, vector<100x21xf32>, vector<100x21xf32>, vector<100x21xf32>, vector<100x21xf32>, vector<100x21xf32>, vector<100x21xf32>, vector<100x21xf32>, vector<100x21xf32>, vector<100x21xf32>, vector<100x21xf32>, vector<100x21xf32>, vector<100x21xf32> -> vector<5600x21xf32>
    %slice3A_252 = vector.extract_strided_slice %concatenate3A_251 {offsets = [0, 0], sizes = [5600, 7], strides = [1, 1]} : vector<5600x21xf32> to vector<5600x7xf32>
    %slice3A_253 = vector.extract_strided_slice %concatenate3A_251 {offsets = [0, 7], sizes = [5600, 7], strides = [1, 1]} : vector<5600x21xf32> to vector<5600x7xf32>
    %add3A = arith.addf %slice3A_252, %slice3A_253 : vector<5600x7xf32>
    %slice3A_254 = vector.extract_strided_slice %concatenate3A_251 {offsets = [0, 14], sizes = [5600, 7], strides = [1, 1]} : vector<5600x21xf32> to vector<5600x7xf32>
    %add3A_255 = arith.addf %add3A, %slice3A_254 : vector<5600x7xf32>
    %convert_element_type3A_256 = arith.truncf %add3A_255 : vector<5600x7xf32> to vector<5600x7xbf16>
    %dot_general3A_257 = arith.constant dense<0.000000e+00> : vector<5600x64xf32>
    %dot_general3A_258 = tpu.matmul %convert_element_type3A_256, %convert_element_type3A_8, %dot_general3A_257 {dimension_numbers = #tpu.dot_dimension_numbers<[1], [0], [0], [1], [0, 0, 1, 1], [], []>, transpose_lhs_hint = false} : vector<5600x7xbf16>, vector<7x64xbf16>, vector<5600x64xf32> -> vector<5600x64xf32>
    %add3A_259 = vector.broadcast %get3A_15 : vector<1x64xf32> to vector<5600x64xf32>
    %add3A_260 = arith.addf %dot_general3A_258, %add3A_259 : vector<5600x64xf32>
    %dot_general3A_261 = arith.constant dense<0.000000e+00> : vector<5600x64xf32>
    %dot_general3A_262 = tpu.matmul %convert_element_type3A_23, %convert_element_type3A_12, %dot_general3A_261 {dimension_numbers = #tpu.dot_dimension_numbers<[1], [0], [0], [1], [0, 0, 1, 1], [], []>, transpose_lhs_hint = false} : vector<5600x7xbf16>, vector<7x64xbf16>, vector<5600x64xf32> -> vector<5600x64xf32>
    %add3A_263 = arith.addf %add3A_260, %dot_general3A_262 : vector<5600x64xf32>
    %convert_element_type3A_264 = arith.truncf %add3A_263 : vector<5600x64xf32> to vector<5600x64xbf16>
    %dot_general3A_265 = arith.constant dense<0.000000e+00> : vector<5600x64xf32>
    %dot_general3A_266 = tpu.matmul %convert_element_type3A_264, %convert_element_type3A_19, %dot_general3A_265 {dimension_numbers = #tpu.dot_dimension_numbers<[1], [0], [0], [1], [0, 0, 1, 1], [], []>, transpose_lhs_hint = false} : vector<5600x64xbf16>, vector<64x64xbf16>, vector<5600x64xf32> -> vector<5600x64xf32>
    %add3A_267 = vector.broadcast %get3A_22 : vector<1x64xf32> to vector<5600x64xf32>
    %add3A_268 = arith.addf %dot_general3A_266, %add3A_267 : vector<5600x64xf32>
    %max3A = arith.constant 0.000000e+00 : f32
    %max3A_269 = vector.broadcast %max3A : f32 to vector<5600x64xf32>
    %max3A_270 = arith.maximumf %add3A_268, %max3A_269 : vector<5600x64xf32>
    %get3A_271 = arith.constant 0 : index
    %get3A_272 = arith.constant 0 : index
    %get3A_273 = vector.load %arg3[%get3A_271, %get3A_272] : memref<56x5600xbf16, #tpu.memory_space<vmem>>, vector<56x5600xbf16>
    %mul3A = arith.mulf %max3A_270, %max3A_270 : vector<5600x64xf32>
    %concatenate3A_274 = tpu.concatenate %max3A_270, %mul3A in 1 : vector<5600x64xf32>, vector<5600x64xf32> -> vector<5600x128xf32>
    %convert_element_type3A_275 = arith.truncf %concatenate3A_274 : vector<5600x128xf32> to vector<5600x128xbf16>
    %convert_element_type3A_276 = arith.extf %convert_element_type3A_275 : vector<5600x128xbf16> to vector<5600x128xf32>
    %sub3A_277 = arith.subf %concatenate3A_274, %convert_element_type3A_276 : vector<5600x128xf32>
    %convert_element_type3A_278 = arith.truncf %sub3A_277 : vector<5600x128xf32> to vector<5600x128xbf16>
    %dot_general3A_279 = arith.constant dense<0.000000e+00> : vector<56x128xf32>
    %dot_general3A_280 = tpu.matmul %get3A_273, %convert_element_type3A_275, %dot_general3A_279 {dimension_numbers = #tpu.dot_dimension_numbers<[1], [0], [0], [1], [0, 0, 1, 1], [], []>, transpose_lhs_hint = false} : vector<56x5600xbf16>, vector<5600x128xbf16>, vector<56x128xf32> -> vector<56x128xf32>
    %dot_general3A_281 = arith.constant dense<0.000000e+00> : vector<56x128xf32>
    %dot_general3A_282 = tpu.matmul %get3A_273, %convert_element_type3A_278, %dot_general3A_281 {dimension_numbers = #tpu.dot_dimension_numbers<[1], [0], [0], [1], [0, 0, 1, 1], [], []>, transpose_lhs_hint = false} : vector<56x5600xbf16>, vector<5600x128xbf16>, vector<56x128xf32> -> vector<56x128xf32>
    %add3A_283 = arith.addf %dot_general3A_280, %dot_general3A_282 : vector<56x128xf32>
    %slice3A_284 = vector.extract_strided_slice %add3A_283 {offsets = [0, 0], sizes = [56, 64], strides = [1, 1]} : vector<56x128xf32> to vector<56x64xf32>
    %swap3A = arith.constant 0 : index
    %swap3A_285 = arith.constant 0 : index
    %swap3A_286 = vector.load %arg9[%swap3A, %swap3A_285] : memref<56x64xf32, #tpu.memory_space<vmem>>, vector<56x64xf32>
    tpu.vector_store %arg9[%swap3A, %swap3A_285], %slice3A_284 {strides = array<i32>} : memref<56x64xf32, #tpu.memory_space<vmem>>, vector<56x64xf32>,
    %slice3A_287 = vector.extract_strided_slice %add3A_283 {offsets = [0, 64], sizes = [56, 64], strides = [1, 1]} : vector<56x128xf32> to vector<56x64xf32>
    %swap3A_288 = arith.constant 0 : index
    %swap3A_289 = arith.constant 0 : index
    %swap3A_290 = vector.load %arg10[%swap3A_288, %swap3A_289] : memref<56x64xf32, #tpu.memory_space<vmem>>, vector<56x64xf32>
    tpu.vector_store %arg10[%swap3A_288, %swap3A_289], %slice3A_287 {strides = array<i32>} : memref<56x64xf32, #tpu.memory_space<vmem>>, vector<56x64xf32>,
    %swap3A_291 = arith.constant 0 : index
    %swap3A_292 = arith.constant 0 : index
    %swap3A_293 = vector.load %arg11[%swap3A_291, %swap3A_292] : memref<5600x64xf32, #tpu.memory_space<vmem>>, vector<5600x64xf32>
    tpu.vector_store %arg11[%swap3A_291, %swap3A_292], %max3A_270 {strides = array<i32>} : memref<5600x64xf32, #tpu.memory_space<vmem>>, vector<5600x64xf32>,
    return
  }
  func.func @transform_0(%arg0: i32) -> (i32, i32) {
    %c0_i32 = arith.constant 0 : i32
    %c0_i32_0 = arith.constant 0 : i32
    return %arg0, %c0_i32 : i32, i32
  }
  func.func @transform_1(%arg0: i32) -> (i32, i32) {
    %c0_i32 = arith.constant 0 : i32
    %c0_i32_0 = arith.constant 0 : i32
    return %arg0, %c0_i32 : i32, i32
  }
  func.func @transform_2(%arg0: i32) -> (i32, i32) {
    %c0_i32 = arith.constant 0 : i32
    %c0_i32_0 = arith.constant 0 : i32
    %c0_i32_1 = arith.constant 0 : i32
    return %c0_i32, %c0_i32_0 : i32, i32
  }
  func.func @transform_3(%arg0: i32) -> (i32, i32) {
    %c0_i32 = arith.constant 0 : i32
    %c0_i32_0 = arith.constant 0 : i32
    %c0_i32_1 = arith.constant 0 : i32
    return %c0_i32, %c0_i32_0 : i32, i32
  }
  func.func @transform_4(%arg0: i32) -> (i32, i32) {
    %c0_i32 = arith.constant 0 : i32
    %c0_i32_0 = arith.constant 0 : i32
    %c0_i32_1 = arith.constant 0 : i32
    return %c0_i32, %c0_i32_0 : i32, i32
  }
  func.func @transform_5(%arg0: i32) -> (i32, i32) {
    %c0_i32 = arith.constant 0 : i32
    %c0_i32_0 = arith.constant 0 : i32
    %c0_i32_1 = arith.constant 0 : i32
    return %c0_i32, %c0_i32_0 : i32, i32
  }
  func.func @transform_6(%arg0: i32) -> (i32, i32) {
    %c0_i32 = arith.constant 0 : i32
    %c0_i32_0 = arith.constant 0 : i32
    %c0_i32_1 = arith.constant 0 : i32
    return %c0_i32, %c0_i32_0 : i32, i32
  }
  func.func @transform_7(%arg0: i32) -> (i32, i32) {
    %c0_i32 = arith.constant 0 : i32
    %c0_i32_0 = arith.constant 0 : i32
    %c0_i32_1 = arith.constant 0 : i32
    return %c0_i32, %c0_i32_0 : i32, i32
  }
  func.func @transform_8(%arg0: i32) -> (i32, i32) {
    %c0_i32 = arith.constant 0 : i32
    %c0_i32_0 = arith.constant 0 : i32
    return %arg0, %c0_i32 : i32, i32
  }
  func.func @transform_9(%arg0: i32) -> (i32, i32) {
    %c0_i32 = arith.constant 0 : i32
    %c0_i32_0 = arith.constant 0 : i32
    return %arg0, %c0_i32 : i32, i32
  }
  func.func @transform_10(%arg0: i32) -> (i32, i32) {
    %c0_i32 = arith.constant 0 : i32
    %c0_i32_0 = arith.constant 0 : i32
    return %arg0, %c0_i32 : i32, i32
  }
}

module attributes {stable_mosaic.version = 14 : i64} {
  func.func @_bn_stats_kernel(%arg0: memref<1512x64xf32, #tpu.memory_space<vmem>>, %arg1: memref<1512x64xf32, #tpu.memory_space<vmem>>, %arg2: memref<1512x64xf32, #tpu.memory_space<vmem>>, %arg3: memref<1512x64xf32, #tpu.memory_space<vmem>>) attributes {dimension_semantics = [], scalar_prefetch = 0 : i64, scratch_operands = 0 : i64, tpu.core_type = #tpu.core_type<tc>} {
    %get3A = arith.constant 0 : index
    %get3A_0 = arith.constant 0 : index
    %get3A_1 = vector.load %arg0[%get3A, %get3A_0] : memref<1512x64xf32, #tpu.memory_space<vmem>>, vector<1512x64xf32>
    %get3A_2 = arith.constant 0 : index
    %get3A_3 = arith.constant 0 : index
    %get3A_4 = vector.load %arg1[%get3A_2, %get3A_3] : memref<1512x64xf32, #tpu.memory_space<vmem>>, vector<1512x64xf32>
    %iota3A = tpu.iota {dimensions = array<i32: 0>} : vector<16x1512xi32>
    %iota3A_5 = tpu.iota {dimensions = array<i32: 1>} : vector<16x1512xi32>
    %jit3A = arith.constant 128 : i32
    %div3A = vector.broadcast %jit3A : i32 to vector<16x1512xi32>
    %div3A_6 = arith.divsi %iota3A_5, %div3A : vector<16x1512xi32>
    %sign3A = arith.constant 0 : i32
    %sign3A_7 = vector.broadcast %sign3A : i32 to vector<16x1512xi32>
    %sign3A_8 = arith.cmpi sgt, %iota3A_5, %sign3A_7 : vector<16x1512xi32>
    %sign3A_9 = arith.extui %sign3A_8 : vector<16x1512xi1> to vector<16x1512xi32>
    %sign3A_10 = arith.constant 0 : i32
    %sign3A_11 = vector.broadcast %sign3A_10 : i32 to vector<16x1512xi32>
    %sign3A_12 = arith.cmpi slt, %iota3A_5, %sign3A_11 : vector<16x1512xi32>
    %sign3A_13 = arith.extui %sign3A_12 : vector<16x1512xi1> to vector<16x1512xi32>
    %sign3A_14 = arith.subi %sign3A_9, %sign3A_13 : vector<16x1512xi32>
    %sign3A_15 = arith.constant 0 : i32
    %sign3A_16 = arith.cmpi sgt, %jit3A, %sign3A_15 : i32
    %sign3A_17 = arith.extui %sign3A_16 : i1 to i32
    %sign3A_18 = arith.constant 0 : i32
    %sign3A_19 = arith.cmpi slt, %jit3A, %sign3A_18 : i32
    %sign3A_20 = arith.extui %sign3A_19 : i1 to i32
    %sign3A_21 = arith.subi %sign3A_17, %sign3A_20 : i32
    %ne3A = vector.broadcast %sign3A_21 : i32 to vector<16x1512xi32>
    %ne3A_22 = arith.cmpi ne, %sign3A_14, %ne3A : vector<16x1512xi32>
    %rem3A = vector.broadcast %jit3A : i32 to vector<16x1512xi32>
    %rem3A_23 = arith.remsi %iota3A_5, %rem3A : vector<16x1512xi32>
    %ne3A_24 = arith.constant 0 : i32
    %ne3A_25 = vector.broadcast %ne3A_24 : i32 to vector<16x1512xi32>
    %ne3A_26 = arith.cmpi ne, %rem3A_23, %ne3A_25 : vector<16x1512xi32>
    %and3A = arith.andi %ne3A_22, %ne3A_26 : vector<16x1512xi1>
    %sub3A = arith.constant 1 : i32
    %sub3A_27 = vector.broadcast %sub3A : i32 to vector<16x1512xi32>
    %sub3A_28 = arith.subi %div3A_6, %sub3A_27 : vector<16x1512xi32>
    %select_n3A = arith.select %and3A, %sub3A_28, %div3A_6 : vector<16x1512xi1>, vector<16x1512xi32>
    %min3A = arith.constant 10 : i32
    %min3A_29 = vector.broadcast %min3A : i32 to vector<16x1512xi32>
    %min3A_30 = arith.minsi %select_n3A, %min3A_29 : vector<16x1512xi32>
    %eq3A = arith.cmpi eq, %min3A_30, %iota3A : vector<16x1512xi32>
    %convert_element_type3A = arith.extui %eq3A : vector<16x1512xi1> to vector<16x1512xi32>
    %convert_element_type3A_31 = arith.sitofp %convert_element_type3A : vector<16x1512xi32> to vector<16x1512xf32>
    %iota3A_32 = tpu.iota {dimensions = array<i32: 0>} : vector<16x1xi32>
    %lt3A = arith.constant 10 : i32
    %lt3A_33 = vector.broadcast %lt3A : i32 to vector<16x1xi32>
    %lt3A_34 = arith.cmpi slt, %iota3A_32, %lt3A_33 : vector<16x1xi32>
    %jit3A_35 = arith.constant 1.280000e+04 : f32
    %jit3A_36 = arith.constant 2.320000e+04 : f32
    %broadcast_in_dim3A = vector.broadcast %jit3A_35 : f32 to vector<16x1xf32>
    %broadcast_in_dim3A_37 = vector.broadcast %jit3A_36 : f32 to vector<16x1xf32>
    %select_n3A_38 = arith.select %lt3A_34, %broadcast_in_dim3A, %broadcast_in_dim3A_37 : vector<16x1xi1>, vector<16x1xf32>
    %dot_general3A = arith.constant dense<0.000000e+00> : vector<16x64xf32>
    %dot_general3A_39 = tpu.matmul %convert_element_type3A_31, %get3A_1, %dot_general3A {dimension_numbers = #tpu.dot_dimension_numbers<[1], [0], [0], [1], [0, 0, 1, 1], [], []>, precision = #tpu.contract_precision<fp32>, transpose_lhs_hint = false} : vector<16x1512xf32>, vector<1512x64xf32>, vector<16x64xf32> -> vector<16x64xf32>
    %div3A_40 = vector.broadcast %select_n3A_38 : vector<16x1xf32> to vector<16x64xf32>
    %div3A_41 = arith.divf %dot_general3A_39, %div3A_40 : vector<16x64xf32>
    %dot_general3A_42 = arith.constant dense<0.000000e+00> : vector<16x64xf32>
    %dot_general3A_43 = tpu.matmul %convert_element_type3A_31, %get3A_4, %dot_general3A_42 {dimension_numbers = #tpu.dot_dimension_numbers<[1], [0], [0], [1], [0, 0, 1, 1], [], []>, precision = #tpu.contract_precision<fp32>, transpose_lhs_hint = false} : vector<16x1512xf32>, vector<1512x64xf32>, vector<16x64xf32> -> vector<16x64xf32>
    %div3A_44 = vector.broadcast %select_n3A_38 : vector<16x1xf32> to vector<16x64xf32>
    %div3A_45 = arith.divf %dot_general3A_43, %div3A_44 : vector<16x64xf32>
    %mul3A = arith.mulf %div3A_41, %div3A_41 : vector<16x64xf32>
    %sub3A_46 = arith.subf %div3A_45, %mul3A : vector<16x64xf32>
    %add3A = arith.constant 9.99999974E-6 : f32
    %add3A_47 = vector.broadcast %add3A : f32 to vector<16x64xf32>
    %add3A_48 = arith.addf %sub3A_46, %add3A_47 : vector<16x64xf32>
    %sqrt3A = math.sqrt %add3A_48 : vector<16x64xf32>
    %iota3A_49 = tpu.iota {dimensions = array<i32: 0>} : vector<1512x16xi32>
    %iota3A_50 = tpu.iota {dimensions = array<i32: 1>} : vector<1512x16xi32>
    %jit3A_51 = arith.constant 128 : i32
    %div3A_52 = vector.broadcast %jit3A_51 : i32 to vector<1512x16xi32>
    %div3A_53 = arith.divsi %iota3A_49, %div3A_52 : vector<1512x16xi32>
    %sign3A_54 = arith.constant 0 : i32
    %sign3A_55 = vector.broadcast %sign3A_54 : i32 to vector<1512x16xi32>
    %sign3A_56 = arith.cmpi sgt, %iota3A_49, %sign3A_55 : vector<1512x16xi32>
    %sign3A_57 = arith.extui %sign3A_56 : vector<1512x16xi1> to vector<1512x16xi32>
    %sign3A_58 = arith.constant 0 : i32
    %sign3A_59 = vector.broadcast %sign3A_58 : i32 to vector<1512x16xi32>
    %sign3A_60 = arith.cmpi slt, %iota3A_49, %sign3A_59 : vector<1512x16xi32>
    %sign3A_61 = arith.extui %sign3A_60 : vector<1512x16xi1> to vector<1512x16xi32>
    %sign3A_62 = arith.subi %sign3A_57, %sign3A_61 : vector<1512x16xi32>
    %sign3A_63 = arith.constant 0 : i32
    %sign3A_64 = arith.cmpi sgt, %jit3A_51, %sign3A_63 : i32
    %sign3A_65 = arith.extui %sign3A_64 : i1 to i32
    %sign3A_66 = arith.constant 0 : i32
    %sign3A_67 = arith.cmpi slt, %jit3A_51, %sign3A_66 : i32
    %sign3A_68 = arith.extui %sign3A_67 : i1 to i32
    %sign3A_69 = arith.subi %sign3A_65, %sign3A_68 : i32
    %ne3A_70 = vector.broadcast %sign3A_69 : i32 to vector<1512x16xi32>
    %ne3A_71 = arith.cmpi ne, %sign3A_62, %ne3A_70 : vector<1512x16xi32>
    %rem3A_72 = vector.broadcast %jit3A_51 : i32 to vector<1512x16xi32>
    %rem3A_73 = arith.remsi %iota3A_49, %rem3A_72 : vector<1512x16xi32>
    %ne3A_74 = arith.constant 0 : i32
    %ne3A_75 = vector.broadcast %ne3A_74 : i32 to vector<1512x16xi32>
    %ne3A_76 = arith.cmpi ne, %rem3A_73, %ne3A_75 : vector<1512x16xi32>
    %and3A_77 = arith.andi %ne3A_71, %ne3A_76 : vector<1512x16xi1>
    %sub3A_78 = arith.constant 1 : i32
    %sub3A_79 = vector.broadcast %sub3A_78 : i32 to vector<1512x16xi32>
    %sub3A_80 = arith.subi %div3A_53, %sub3A_79 : vector<1512x16xi32>
    %select_n3A_81 = arith.select %and3A_77, %sub3A_80, %div3A_53 : vector<1512x16xi1>, vector<1512x16xi32>
    %min3A_82 = arith.constant 10 : i32
    %min3A_83 = vector.broadcast %min3A_82 : i32 to vector<1512x16xi32>
    %min3A_84 = arith.minsi %select_n3A_81, %min3A_83 : vector<1512x16xi32>
    %eq3A_85 = arith.cmpi eq, %min3A_84, %iota3A_50 : vector<1512x16xi32>
    %convert_element_type3A_86 = arith.extui %eq3A_85 : vector<1512x16xi1> to vector<1512x16xi32>
    %convert_element_type3A_87 = arith.sitofp %convert_element_type3A_86 : vector<1512x16xi32> to vector<1512x16xf32>
    %dot_general3A_88 = arith.constant dense<0.000000e+00> : vector<1512x64xf32>
    %dot_general3A_89 = tpu.matmul %convert_element_type3A_87, %div3A_41, %dot_general3A_88 {dimension_numbers = #tpu.dot_dimension_numbers<[1], [0], [0], [1], [0, 0, 1, 1], [], []>, precision = #tpu.contract_precision<fp32>, transpose_lhs_hint = false} : vector<1512x16xf32>, vector<16x64xf32>, vector<1512x64xf32> -> vector<1512x64xf32>
    %swap3A = arith.constant 0 : index
    %swap3A_90 = arith.constant 0 : index
    %swap3A_91 = vector.load %arg2[%swap3A, %swap3A_90] : memref<1512x64xf32, #tpu.memory_space<vmem>>, vector<1512x64xf32>
    tpu.vector_store %arg2[%swap3A, %swap3A_90], %dot_general3A_89 {strides = array<i32>} : memref<1512x64xf32, #tpu.memory_space<vmem>>, vector<1512x64xf32>,
    %dot_general3A_92 = arith.constant dense<0.000000e+00> : vector<1512x64xf32>
    %dot_general3A_93 = tpu.matmul %convert_element_type3A_87, %sqrt3A, %dot_general3A_92 {dimension_numbers = #tpu.dot_dimension_numbers<[1], [0], [0], [1], [0, 0, 1, 1], [], []>, precision = #tpu.contract_precision<fp32>, transpose_lhs_hint = false} : vector<1512x16xf32>, vector<16x64xf32>, vector<1512x64xf32> -> vector<1512x64xf32>
    %swap3A_94 = arith.constant 0 : index
    %swap3A_95 = arith.constant 0 : index
    %swap3A_96 = vector.load %arg3[%swap3A_94, %swap3A_95] : memref<1512x64xf32, #tpu.memory_space<vmem>>, vector<1512x64xf32>
    tpu.vector_store %arg3[%swap3A_94, %swap3A_95], %dot_general3A_93 {strides = array<i32>} : memref<1512x64xf32, #tpu.memory_space<vmem>>, vector<1512x64xf32>,
    return
  }
}

module attributes {stable_mosaic.version = 14 : i64} {
  func.func @_main_kernel(%arg0: i32, %arg1: memref<5600x64xf32, #tpu.memory_space<vmem>>, %arg2: memref<5600x100xf32, #tpu.memory_space<vmem>>, %arg3: memref<56x64xf32, #tpu.memory_space<vmem>>, %arg4: memref<56x64xf32, #tpu.memory_space<vmem>>, %arg5: memref<56x5600xbf16, #tpu.memory_space<vmem>>, %arg6: memref<5600x56xbf16, #tpu.memory_space<vmem>>, %arg7: memref<5600x100xf32, #tpu.memory_space<vmem>>, %arg8: memref<5600x100xf32, #tpu.memory_space<vmem>>, %arg9: memref<1x64xf32, #tpu.memory_space<vmem>>, %arg10: memref<1x64xf32, #tpu.memory_space<vmem>>, %arg11: memref<64x1xf32, #tpu.memory_space<vmem>>, %arg12: memref<64x1xf32, #tpu.memory_space<vmem>>, %arg13: memref<1x1xf32, #tpu.memory_space<vmem>>, %arg14: memref<56x128xf32, #tpu.memory_space<vmem>>) attributes {dimension_semantics = [#tpu.dimension_semantics<arbitrary>], iteration_bounds = array<i64: 27>, scalar_prefetch = 0 : i64, scratch_operands = 0 : i64, tpu.core_type = #tpu.core_type<tc>, window_params = [{transform_indices = @transform_0, window_bounds = array<i64: 5600, 64>}, {transform_indices = @transform_1, window_bounds = array<i64: 5600, 100>}, {transform_indices = @transform_2, window_bounds = array<i64: 56, 64>}, {transform_indices = @transform_3, window_bounds = array<i64: 56, 64>}, {pipeline_mode = #tpu.pipeline_mode<synchronous>, transform_indices = @transform_4, window_bounds = array<i64: 56, 5600>}, {pipeline_mode = #tpu.pipeline_mode<synchronous>, transform_indices = @transform_5, window_bounds = array<i64: 5600, 56>}, {pipeline_mode = #tpu.pipeline_mode<synchronous>, transform_indices = @transform_6, window_bounds = array<i64: 5600, 100>}, {pipeline_mode = #tpu.pipeline_mode<synchronous>, transform_indices = @transform_7, window_bounds = array<i64: 5600, 100>}, {pipeline_mode = #tpu.pipeline_mode<synchronous>, transform_indices = @transform_8, window_bounds = array<i64: 1, 64>}, {pipeline_mode = #tpu.pipeline_mode<synchronous>, transform_indices = @transform_9, window_bounds = array<i64: 1, 64>}, {pipeline_mode = #tpu.pipeline_mode<synchronous>, transform_indices = @transform_10, window_bounds = array<i64: 64, 1>}, {pipeline_mode = #tpu.pipeline_mode<synchronous>, transform_indices = @transform_11, window_bounds = array<i64: 64, 1>}, {pipeline_mode = #tpu.pipeline_mode<synchronous>, transform_indices = @transform_12, window_bounds = array<i64: 1, 1>}, {transform_indices = @transform_13, window_bounds = array<i64: 56, 128>}]} {
    %get3A = arith.constant 0 : index
    %get3A_0 = arith.constant 0 : index
    %get3A_1 = vector.load %arg2[%get3A, %get3A_0] : memref<5600x100xf32, #tpu.memory_space<vmem>>, vector<5600x100xf32>
    %convert_element_type3A = arith.truncf %get3A_1 : vector<5600x100xf32> to vector<5600x100xbf16>
    %get3A_2 = arith.constant 0 : index
    %get3A_3 = arith.constant 0 : index
    %get3A_4 = vector.load %arg1[%get3A_2, %get3A_3] : memref<5600x64xf32, #tpu.memory_space<vmem>>, vector<5600x64xf32>
    %get3A_5 = arith.constant 0 : index
    %get3A_6 = arith.constant 0 : index
    %get3A_7 = vector.load %arg6[%get3A_5, %get3A_6] : memref<5600x56xbf16, #tpu.memory_space<vmem>>, vector<5600x56xbf16>
    %get3A_8 = arith.constant 0 : index
    %get3A_9 = arith.constant 0 : index
    %get3A_10 = vector.load %arg3[%get3A_8, %get3A_9] : memref<56x64xf32, #tpu.memory_space<vmem>>, vector<56x64xf32>
    %get3A_11 = arith.constant 0 : index
    %get3A_12 = arith.constant 0 : index
    %get3A_13 = vector.load %arg4[%get3A_11, %get3A_12] : memref<56x64xf32, #tpu.memory_space<vmem>>, vector<56x64xf32>
    %get3A_14 = arith.constant 0 : index
    %get3A_15 = arith.constant 0 : index
    %get3A_16 = vector.load %arg9[%get3A_14, %get3A_15] : memref<1x64xf32, #tpu.memory_space<vmem>>, vector<1x64xf32>
    %get3A_17 = arith.constant 0 : index
    %get3A_18 = arith.constant 0 : index
    %get3A_19 = vector.load %arg10[%get3A_17, %get3A_18] : memref<1x64xf32, #tpu.memory_space<vmem>>, vector<1x64xf32>
    %slice3A = vector.extract_strided_slice %get3A_4 {offsets = [0, 0], sizes = [100, 64], strides = [1, 1]} : vector<5600x64xf32> to vector<100x64xf32>
    %slice3A_20 = vector.extract_strided_slice %get3A_10 {offsets = [0, 0], sizes = [1, 64], strides = [1, 1]} : vector<56x64xf32> to vector<1x64xf32>
    %sub3A = vector.broadcast %slice3A_20 : vector<1x64xf32> to vector<100x64xf32>
    %sub3A_21 = arith.subf %slice3A, %sub3A : vector<100x64xf32>
    %slice3A_22 = vector.extract_strided_slice %get3A_13 {offsets = [0, 0], sizes = [1, 64], strides = [1, 1]} : vector<56x64xf32> to vector<1x64xf32>
    %div3A = vector.broadcast %slice3A_22 : vector<1x64xf32> to vector<100x64xf32>
    %div3A_23 = arith.divf %sub3A_21, %div3A : vector<100x64xf32>
    %mul3A = vector.broadcast %get3A_16 : vector<1x64xf32> to vector<100x64xf32>
    %mul3A_24 = arith.mulf %div3A_23, %mul3A : vector<100x64xf32>
    %add3A = vector.broadcast %get3A_19 : vector<1x64xf32> to vector<100x64xf32>
    %add3A_25 = arith.addf %mul3A_24, %add3A : vector<100x64xf32>
    %slice3A_26 = vector.extract_strided_slice %get3A_4 {offsets = [100, 0], sizes = [100, 64], strides = [1, 1]} : vector<5600x64xf32> to vector<100x64xf32>
    %slice3A_27 = vector.extract_strided_slice %get3A_10 {offsets = [1, 0], sizes = [1, 64], strides = [1, 1]} : vector<56x64xf32> to vector<1x64xf32>
    %sub3A_28 = vector.broadcast %slice3A_27 : vector<1x64xf32> to vector<100x64xf32>
    %sub3A_29 = arith.subf %slice3A_26, %sub3A_28 : vector<100x64xf32>
    %slice3A_30 = vector.extract_strided_slice %get3A_13 {offsets = [1, 0], sizes = [1, 64], strides = [1, 1]} : vector<56x64xf32> to vector<1x64xf32>
    %div3A_31 = vector.broadcast %slice3A_30 : vector<1x64xf32> to vector<100x64xf32>
    %div3A_32 = arith.divf %sub3A_29, %div3A_31 : vector<100x64xf32>
    %mul3A_33 = vector.broadcast %get3A_16 : vector<1x64xf32> to vector<100x64xf32>
    %mul3A_34 = arith.mulf %div3A_32, %mul3A_33 : vector<100x64xf32>
    %add3A_35 = vector.broadcast %get3A_19 : vector<1x64xf32> to vector<100x64xf32>
    %add3A_36 = arith.addf %mul3A_34, %add3A_35 : vector<100x64xf32>
    %slice3A_37 = vector.extract_strided_slice %get3A_4 {offsets = [200, 0], sizes = [100, 64], strides = [1, 1]} : vector<5600x64xf32> to vector<100x64xf32>
    %slice3A_38 = vector.extract_strided_slice %get3A_10 {offsets = [2, 0], sizes = [1, 64], strides = [1, 1]} : vector<56x64xf32> to vector<1x64xf32>
    %sub3A_39 = vector.broadcast %slice3A_38 : vector<1x64xf32> to vector<100x64xf32>
    %sub3A_40 = arith.subf %slice3A_37, %sub3A_39 : vector<100x64xf32>
    %slice3A_41 = vector.extract_strided_slice %get3A_13 {offsets = [2, 0], sizes = [1, 64], strides = [1, 1]} : vector<56x64xf32> to vector<1x64xf32>
    %div3A_42 = vector.broadcast %slice3A_41 : vector<1x64xf32> to vector<100x64xf32>
    %div3A_43 = arith.divf %sub3A_40, %div3A_42 : vector<100x64xf32>
    %mul3A_44 = vector.broadcast %get3A_16 : vector<1x64xf32> to vector<100x64xf32>
    %mul3A_45 = arith.mulf %div3A_43, %mul3A_44 : vector<100x64xf32>
    %add3A_46 = vector.broadcast %get3A_19 : vector<1x64xf32> to vector<100x64xf32>
    %add3A_47 = arith.addf %mul3A_45, %add3A_46 : vector<100x64xf32>
    %slice3A_48 = vector.extract_strided_slice %get3A_4 {offsets = [300, 0], sizes = [100, 64], strides = [1, 1]} : vector<5600x64xf32> to vector<100x64xf32>
    %slice3A_49 = vector.extract_strided_slice %get3A_10 {offsets = [3, 0], sizes = [1, 64], strides = [1, 1]} : vector<56x64xf32> to vector<1x64xf32>
    %sub3A_50 = vector.broadcast %slice3A_49 : vector<1x64xf32> to vector<100x64xf32>
    %sub3A_51 = arith.subf %slice3A_48, %sub3A_50 : vector<100x64xf32>
    %slice3A_52 = vector.extract_strided_slice %get3A_13 {offsets = [3, 0], sizes = [1, 64], strides = [1, 1]} : vector<56x64xf32> to vector<1x64xf32>
    %div3A_53 = vector.broadcast %slice3A_52 : vector<1x64xf32> to vector<100x64xf32>
    %div3A_54 = arith.divf %sub3A_51, %div3A_53 : vector<100x64xf32>
    %mul3A_55 = vector.broadcast %get3A_16 : vector<1x64xf32> to vector<100x64xf32>
    %mul3A_56 = arith.mulf %div3A_54, %mul3A_55 : vector<100x64xf32>
    %add3A_57 = vector.broadcast %get3A_19 : vector<1x64xf32> to vector<100x64xf32>
    %add3A_58 = arith.addf %mul3A_56, %add3A_57 : vector<100x64xf32>
    %slice3A_59 = vector.extract_strided_slice %get3A_4 {offsets = [400, 0], sizes = [100, 64], strides = [1, 1]} : vector<5600x64xf32> to vector<100x64xf32>
    %slice3A_60 = vector.extract_strided_slice %get3A_10 {offsets = [4, 0], sizes = [1, 64], strides = [1, 1]} : vector<56x64xf32> to vector<1x64xf32>
    %sub3A_61 = vector.broadcast %slice3A_60 : vector<1x64xf32> to vector<100x64xf32>
    %sub3A_62 = arith.subf %slice3A_59, %sub3A_61 : vector<100x64xf32>
    %slice3A_63 = vector.extract_strided_slice %get3A_13 {offsets = [4, 0], sizes = [1, 64], strides = [1, 1]} : vector<56x64xf32> to vector<1x64xf32>
    %div3A_64 = vector.broadcast %slice3A_63 : vector<1x64xf32> to vector<100x64xf32>
    %div3A_65 = arith.divf %sub3A_62, %div3A_64 : vector<100x64xf32>
    %mul3A_66 = vector.broadcast %get3A_16 : vector<1x64xf32> to vector<100x64xf32>
    %mul3A_67 = arith.mulf %div3A_65, %mul3A_66 : vector<100x64xf32>
    %add3A_68 = vector.broadcast %get3A_19 : vector<1x64xf32> to vector<100x64xf32>
    %add3A_69 = arith.addf %mul3A_67, %add3A_68 : vector<100x64xf32>
    %slice3A_70 = vector.extract_strided_slice %get3A_4 {offsets = [500, 0], sizes = [100, 64], strides = [1, 1]} : vector<5600x64xf32> to vector<100x64xf32>
    %slice3A_71 = vector.extract_strided_slice %get3A_10 {offsets = [5, 0], sizes = [1, 64], strides = [1, 1]} : vector<56x64xf32> to vector<1x64xf32>
    %sub3A_72 = vector.broadcast %slice3A_71 : vector<1x64xf32> to vector<100x64xf32>
    %sub3A_73 = arith.subf %slice3A_70, %sub3A_72 : vector<100x64xf32>
    %slice3A_74 = vector.extract_strided_slice %get3A_13 {offsets = [5, 0], sizes = [1, 64], strides = [1, 1]} : vector<56x64xf32> to vector<1x64xf32>
    %div3A_75 = vector.broadcast %slice3A_74 : vector<1x64xf32> to vector<100x64xf32>
    %div3A_76 = arith.divf %sub3A_73, %div3A_75 : vector<100x64xf32>
    %mul3A_77 = vector.broadcast %get3A_16 : vector<1x64xf32> to vector<100x64xf32>
    %mul3A_78 = arith.mulf %div3A_76, %mul3A_77 : vector<100x64xf32>
    %add3A_79 = vector.broadcast %get3A_19 : vector<1x64xf32> to vector<100x64xf32>
    %add3A_80 = arith.addf %mul3A_78, %add3A_79 : vector<100x64xf32>
    %slice3A_81 = vector.extract_strided_slice %get3A_4 {offsets = [600, 0], sizes = [100, 64], strides = [1, 1]} : vector<5600x64xf32> to vector<100x64xf32>
    %slice3A_82 = vector.extract_strided_slice %get3A_10 {offsets = [6, 0], sizes = [1, 64], strides = [1, 1]} : vector<56x64xf32> to vector<1x64xf32>
    %sub3A_83 = vector.broadcast %slice3A_82 : vector<1x64xf32> to vector<100x64xf32>
    %sub3A_84 = arith.subf %slice3A_81, %sub3A_83 : vector<100x64xf32>
    %slice3A_85 = vector.extract_strided_slice %get3A_13 {offsets = [6, 0], sizes = [1, 64], strides = [1, 1]} : vector<56x64xf32> to vector<1x64xf32>
    %div3A_86 = vector.broadcast %slice3A_85 : vector<1x64xf32> to vector<100x64xf32>
    %div3A_87 = arith.divf %sub3A_84, %div3A_86 : vector<100x64xf32>
    %mul3A_88 = vector.broadcast %get3A_16 : vector<1x64xf32> to vector<100x64xf32>
    %mul3A_89 = arith.mulf %div3A_87, %mul3A_88 : vector<100x64xf32>
    %add3A_90 = vector.broadcast %get3A_19 : vector<1x64xf32> to vector<100x64xf32>
    %add3A_91 = arith.addf %mul3A_89, %add3A_90 : vector<100x64xf32>
    %slice3A_92 = vector.extract_strided_slice %get3A_4 {offsets = [700, 0], sizes = [100, 64], strides = [1, 1]} : vector<5600x64xf32> to vector<100x64xf32>
    %slice3A_93 = vector.extract_strided_slice %get3A_10 {offsets = [7, 0], sizes = [1, 64], strides = [1, 1]} : vector<56x64xf32> to vector<1x64xf32>
    %sub3A_94 = vector.broadcast %slice3A_93 : vector<1x64xf32> to vector<100x64xf32>
    %sub3A_95 = arith.subf %slice3A_92, %sub3A_94 : vector<100x64xf32>
    %slice3A_96 = vector.extract_strided_slice %get3A_13 {offsets = [7, 0], sizes = [1, 64], strides = [1, 1]} : vector<56x64xf32> to vector<1x64xf32>
    %div3A_97 = vector.broadcast %slice3A_96 : vector<1x64xf32> to vector<100x64xf32>
    %div3A_98 = arith.divf %sub3A_95, %div3A_97 : vector<100x64xf32>
    %mul3A_99 = vector.broadcast %get3A_16 : vector<1x64xf32> to vector<100x64xf32>
    %mul3A_100 = arith.mulf %div3A_98, %mul3A_99 : vector<100x64xf32>
    %add3A_101 = vector.broadcast %get3A_19 : vector<1x64xf32> to vector<100x64xf32>
    %add3A_102 = arith.addf %mul3A_100, %add3A_101 : vector<100x64xf32>
    %slice3A_103 = vector.extract_strided_slice %get3A_4 {offsets = [800, 0], sizes = [100, 64], strides = [1, 1]} : vector<5600x64xf32> to vector<100x64xf32>
    %slice3A_104 = vector.extract_strided_slice %get3A_10 {offsets = [8, 0], sizes = [1, 64], strides = [1, 1]} : vector<56x64xf32> to vector<1x64xf32>
    %sub3A_105 = vector.broadcast %slice3A_104 : vector<1x64xf32> to vector<100x64xf32>
    %sub3A_106 = arith.subf %slice3A_103, %sub3A_105 : vector<100x64xf32>
    %slice3A_107 = vector.extract_strided_slice %get3A_13 {offsets = [8, 0], sizes = [1, 64], strides = [1, 1]} : vector<56x64xf32> to vector<1x64xf32>
    %div3A_108 = vector.broadcast %slice3A_107 : vector<1x64xf32> to vector<100x64xf32>
    %div3A_109 = arith.divf %sub3A_106, %div3A_108 : vector<100x64xf32>
    %mul3A_110 = vector.broadcast %get3A_16 : vector<1x64xf32> to vector<100x64xf32>
    %mul3A_111 = arith.mulf %div3A_109, %mul3A_110 : vector<100x64xf32>
    %add3A_112 = vector.broadcast %get3A_19 : vector<1x64xf32> to vector<100x64xf32>
    %add3A_113 = arith.addf %mul3A_111, %add3A_112 : vector<100x64xf32>
    %slice3A_114 = vector.extract_strided_slice %get3A_4 {offsets = [900, 0], sizes = [100, 64], strides = [1, 1]} : vector<5600x64xf32> to vector<100x64xf32>
    %slice3A_115 = vector.extract_strided_slice %get3A_10 {offsets = [9, 0], sizes = [1, 64], strides = [1, 1]} : vector<56x64xf32> to vector<1x64xf32>
    %sub3A_116 = vector.broadcast %slice3A_115 : vector<1x64xf32> to vector<100x64xf32>
    %sub3A_117 = arith.subf %slice3A_114, %sub3A_116 : vector<100x64xf32>
    %slice3A_118 = vector.extract_strided_slice %get3A_13 {offsets = [9, 0], sizes = [1, 64], strides = [1, 1]} : vector<56x64xf32> to vector<1x64xf32>
    %div3A_119 = vector.broadcast %slice3A_118 : vector<1x64xf32> to vector<100x64xf32>
    %div3A_120 = arith.divf %sub3A_117, %div3A_119 : vector<100x64xf32>
    %mul3A_121 = vector.broadcast %get3A_16 : vector<1x64xf32> to vector<100x64xf32>
    %mul3A_122 = arith.mulf %div3A_120, %mul3A_121 : vector<100x64xf32>
    %add3A_123 = vector.broadcast %get3A_19 : vector<1x64xf32> to vector<100x64xf32>
    %add3A_124 = arith.addf %mul3A_122, %add3A_123 : vector<100x64xf32>
    %slice3A_125 = vector.extract_strided_slice %get3A_4 {offsets = [1000, 0], sizes = [100, 64], strides = [1, 1]} : vector<5600x64xf32> to vector<100x64xf32>
    %slice3A_126 = vector.extract_strided_slice %get3A_10 {offsets = [10, 0], sizes = [1, 64], strides = [1, 1]} : vector<56x64xf32> to vector<1x64xf32>
    %sub3A_127 = vector.broadcast %slice3A_126 : vector<1x64xf32> to vector<100x64xf32>
    %sub3A_128 = arith.subf %slice3A_125, %sub3A_127 : vector<100x64xf32>
    %slice3A_129 = vector.extract_strided_slice %get3A_13 {offsets = [10, 0], sizes = [1, 64], strides = [1, 1]} : vector<56x64xf32> to vector<1x64xf32>
    %div3A_130 = vector.broadcast %slice3A_129 : vector<1x64xf32> to vector<100x64xf32>
    %div3A_131 = arith.divf %sub3A_128, %div3A_130 : vector<100x64xf32>
    %mul3A_132 = vector.broadcast %get3A_16 : vector<1x64xf32> to vector<100x64xf32>
    %mul3A_133 = arith.mulf %div3A_131, %mul3A_132 : vector<100x64xf32>
    %add3A_134 = vector.broadcast %get3A_19 : vector<1x64xf32> to vector<100x64xf32>
    %add3A_135 = arith.addf %mul3A_133, %add3A_134 : vector<100x64xf32>
    %slice3A_136 = vector.extract_strided_slice %get3A_4 {offsets = [1100, 0], sizes = [100, 64], strides = [1, 1]} : vector<5600x64xf32> to vector<100x64xf32>
    %slice3A_137 = vector.extract_strided_slice %get3A_10 {offsets = [11, 0], sizes = [1, 64], strides = [1, 1]} : vector<56x64xf32> to vector<1x64xf32>
    %sub3A_138 = vector.broadcast %slice3A_137 : vector<1x64xf32> to vector<100x64xf32>
    %sub3A_139 = arith.subf %slice3A_136, %sub3A_138 : vector<100x64xf32>
    %slice3A_140 = vector.extract_strided_slice %get3A_13 {offsets = [11, 0], sizes = [1, 64], strides = [1, 1]} : vector<56x64xf32> to vector<1x64xf32>
    %div3A_141 = vector.broadcast %slice3A_140 : vector<1x64xf32> to vector<100x64xf32>
    %div3A_142 = arith.divf %sub3A_139, %div3A_141 : vector<100x64xf32>
    %mul3A_143 = vector.broadcast %get3A_16 : vector<1x64xf32> to vector<100x64xf32>
    %mul3A_144 = arith.mulf %div3A_142, %mul3A_143 : vector<100x64xf32>
    %add3A_145 = vector.broadcast %get3A_19 : vector<1x64xf32> to vector<100x64xf32>
    %add3A_146 = arith.addf %mul3A_144, %add3A_145 : vector<100x64xf32>
    %slice3A_147 = vector.extract_strided_slice %get3A_4 {offsets = [1200, 0], sizes = [100, 64], strides = [1, 1]} : vector<5600x64xf32> to vector<100x64xf32>
    %slice3A_148 = vector.extract_strided_slice %get3A_10 {offsets = [12, 0], sizes = [1, 64], strides = [1, 1]} : vector<56x64xf32> to vector<1x64xf32>
    %sub3A_149 = vector.broadcast %slice3A_148 : vector<1x64xf32> to vector<100x64xf32>
    %sub3A_150 = arith.subf %slice3A_147, %sub3A_149 : vector<100x64xf32>
    %slice3A_151 = vector.extract_strided_slice %get3A_13 {offsets = [12, 0], sizes = [1, 64], strides = [1, 1]} : vector<56x64xf32> to vector<1x64xf32>
    %div3A_152 = vector.broadcast %slice3A_151 : vector<1x64xf32> to vector<100x64xf32>
    %div3A_153 = arith.divf %sub3A_150, %div3A_152 : vector<100x64xf32>
    %mul3A_154 = vector.broadcast %get3A_16 : vector<1x64xf32> to vector<100x64xf32>
    %mul3A_155 = arith.mulf %div3A_153, %mul3A_154 : vector<100x64xf32>
    %add3A_156 = vector.broadcast %get3A_19 : vector<1x64xf32> to vector<100x64xf32>
    %add3A_157 = arith.addf %mul3A_155, %add3A_156 : vector<100x64xf32>
    %slice3A_158 = vector.extract_strided_slice %get3A_4 {offsets = [1300, 0], sizes = [100, 64], strides = [1, 1]} : vector<5600x64xf32> to vector<100x64xf32>
    %slice3A_159 = vector.extract_strided_slice %get3A_10 {offsets = [13, 0], sizes = [1, 64], strides = [1, 1]} : vector<56x64xf32> to vector<1x64xf32>
    %sub3A_160 = vector.broadcast %slice3A_159 : vector<1x64xf32> to vector<100x64xf32>
    %sub3A_161 = arith.subf %slice3A_158, %sub3A_160 : vector<100x64xf32>
    %slice3A_162 = vector.extract_strided_slice %get3A_13 {offsets = [13, 0], sizes = [1, 64], strides = [1, 1]} : vector<56x64xf32> to vector<1x64xf32>
    %div3A_163 = vector.broadcast %slice3A_162 : vector<1x64xf32> to vector<100x64xf32>
    %div3A_164 = arith.divf %sub3A_161, %div3A_163 : vector<100x64xf32>
    %mul3A_165 = vector.broadcast %get3A_16 : vector<1x64xf32> to vector<100x64xf32>
    %mul3A_166 = arith.mulf %div3A_164, %mul3A_165 : vector<100x64xf32>
    %add3A_167 = vector.broadcast %get3A_19 : vector<1x64xf32> to vector<100x64xf32>
    %add3A_168 = arith.addf %mul3A_166, %add3A_167 : vector<100x64xf32>
    %slice3A_169 = vector.extract_strided_slice %get3A_4 {offsets = [1400, 0], sizes = [100, 64], strides = [1, 1]} : vector<5600x64xf32> to vector<100x64xf32>
    %slice3A_170 = vector.extract_strided_slice %get3A_10 {offsets = [14, 0], sizes = [1, 64], strides = [1, 1]} : vector<56x64xf32> to vector<1x64xf32>
    %sub3A_171 = vector.broadcast %slice3A_170 : vector<1x64xf32> to vector<100x64xf32>
    %sub3A_172 = arith.subf %slice3A_169, %sub3A_171 : vector<100x64xf32>
    %slice3A_173 = vector.extract_strided_slice %get3A_13 {offsets = [14, 0], sizes = [1, 64], strides = [1, 1]} : vector<56x64xf32> to vector<1x64xf32>
    %div3A_174 = vector.broadcast %slice3A_173 : vector<1x64xf32> to vector<100x64xf32>
    %div3A_175 = arith.divf %sub3A_172, %div3A_174 : vector<100x64xf32>
    %mul3A_176 = vector.broadcast %get3A_16 : vector<1x64xf32> to vector<100x64xf32>
    %mul3A_177 = arith.mulf %div3A_175, %mul3A_176 : vector<100x64xf32>
    %add3A_178 = vector.broadcast %get3A_19 : vector<1x64xf32> to vector<100x64xf32>
    %add3A_179 = arith.addf %mul3A_177, %add3A_178 : vector<100x64xf32>
    %slice3A_180 = vector.extract_strided_slice %get3A_4 {offsets = [1500, 0], sizes = [100, 64], strides = [1, 1]} : vector<5600x64xf32> to vector<100x64xf32>
    %slice3A_181 = vector.extract_strided_slice %get3A_10 {offsets = [15, 0], sizes = [1, 64], strides = [1, 1]} : vector<56x64xf32> to vector<1x64xf32>
    %sub3A_182 = vector.broadcast %slice3A_181 : vector<1x64xf32> to vector<100x64xf32>
    %sub3A_183 = arith.subf %slice3A_180, %sub3A_182 : vector<100x64xf32>
    %slice3A_184 = vector.extract_strided_slice %get3A_13 {offsets = [15, 0], sizes = [1, 64], strides = [1, 1]} : vector<56x64xf32> to vector<1x64xf32>
    %div3A_185 = vector.broadcast %slice3A_184 : vector<1x64xf32> to vector<100x64xf32>
    %div3A_186 = arith.divf %sub3A_183, %div3A_185 : vector<100x64xf32>
    %mul3A_187 = vector.broadcast %get3A_16 : vector<1x64xf32> to vector<100x64xf32>
    %mul3A_188 = arith.mulf %div3A_186, %mul3A_187 : vector<100x64xf32>
    %add3A_189 = vector.broadcast %get3A_19 : vector<1x64xf32> to vector<100x64xf32>
    %add3A_190 = arith.addf %mul3A_188, %add3A_189 : vector<100x64xf32>
    %slice3A_191 = vector.extract_strided_slice %get3A_4 {offsets = [1600, 0], sizes = [100, 64], strides = [1, 1]} : vector<5600x64xf32> to vector<100x64xf32>
    %slice3A_192 = vector.extract_strided_slice %get3A_10 {offsets = [16, 0], sizes = [1, 64], strides = [1, 1]} : vector<56x64xf32> to vector<1x64xf32>
    %sub3A_193 = vector.broadcast %slice3A_192 : vector<1x64xf32> to vector<100x64xf32>
    %sub3A_194 = arith.subf %slice3A_191, %sub3A_193 : vector<100x64xf32>
    %slice3A_195 = vector.extract_strided_slice %get3A_13 {offsets = [16, 0], sizes = [1, 64], strides = [1, 1]} : vector<56x64xf32> to vector<1x64xf32>
    %div3A_196 = vector.broadcast %slice3A_195 : vector<1x64xf32> to vector<100x64xf32>
    %div3A_197 = arith.divf %sub3A_194, %div3A_196 : vector<100x64xf32>
    %mul3A_198 = vector.broadcast %get3A_16 : vector<1x64xf32> to vector<100x64xf32>
    %mul3A_199 = arith.mulf %div3A_197, %mul3A_198 : vector<100x64xf32>
    %add3A_200 = vector.broadcast %get3A_19 : vector<1x64xf32> to vector<100x64xf32>
    %add3A_201 = arith.addf %mul3A_199, %add3A_200 : vector<100x64xf32>
    %slice3A_202 = vector.extract_strided_slice %get3A_4 {offsets = [1700, 0], sizes = [100, 64], strides = [1, 1]} : vector<5600x64xf32> to vector<100x64xf32>
    %slice3A_203 = vector.extract_strided_slice %get3A_10 {offsets = [17, 0], sizes = [1, 64], strides = [1, 1]} : vector<56x64xf32> to vector<1x64xf32>
    %sub3A_204 = vector.broadcast %slice3A_203 : vector<1x64xf32> to vector<100x64xf32>
    %sub3A_205 = arith.subf %slice3A_202, %sub3A_204 : vector<100x64xf32>
    %slice3A_206 = vector.extract_strided_slice %get3A_13 {offsets = [17, 0], sizes = [1, 64], strides = [1, 1]} : vector<56x64xf32> to vector<1x64xf32>
    %div3A_207 = vector.broadcast %slice3A_206 : vector<1x64xf32> to vector<100x64xf32>
    %div3A_208 = arith.divf %sub3A_205, %div3A_207 : vector<100x64xf32>
    %mul3A_209 = vector.broadcast %get3A_16 : vector<1x64xf32> to vector<100x64xf32>
    %mul3A_210 = arith.mulf %div3A_208, %mul3A_209 : vector<100x64xf32>
    %add3A_211 = vector.broadcast %get3A_19 : vector<1x64xf32> to vector<100x64xf32>
    %add3A_212 = arith.addf %mul3A_210, %add3A_211 : vector<100x64xf32>
    %slice3A_213 = vector.extract_strided_slice %get3A_4 {offsets = [1800, 0], sizes = [100, 64], strides = [1, 1]} : vector<5600x64xf32> to vector<100x64xf32>
    %slice3A_214 = vector.extract_strided_slice %get3A_10 {offsets = [18, 0], sizes = [1, 64], strides = [1, 1]} : vector<56x64xf32> to vector<1x64xf32>
    %sub3A_215 = vector.broadcast %slice3A_214 : vector<1x64xf32> to vector<100x64xf32>
    %sub3A_216 = arith.subf %slice3A_213, %sub3A_215 : vector<100x64xf32>
    %slice3A_217 = vector.extract_strided_slice %get3A_13 {offsets = [18, 0], sizes = [1, 64], strides = [1, 1]} : vector<56x64xf32> to vector<1x64xf32>
    %div3A_218 = vector.broadcast %slice3A_217 : vector<1x64xf32> to vector<100x64xf32>
    %div3A_219 = arith.divf %sub3A_216, %div3A_218 : vector<100x64xf32>
    %mul3A_220 = vector.broadcast %get3A_16 : vector<1x64xf32> to vector<100x64xf32>
    %mul3A_221 = arith.mulf %div3A_219, %mul3A_220 : vector<100x64xf32>
    %add3A_222 = vector.broadcast %get3A_19 : vector<1x64xf32> to vector<100x64xf32>
    %add3A_223 = arith.addf %mul3A_221, %add3A_222 : vector<100x64xf32>
    %slice3A_224 = vector.extract_strided_slice %get3A_4 {offsets = [1900, 0], sizes = [100, 64], strides = [1, 1]} : vector<5600x64xf32> to vector<100x64xf32>
    %slice3A_225 = vector.extract_strided_slice %get3A_10 {offsets = [19, 0], sizes = [1, 64], strides = [1, 1]} : vector<56x64xf32> to vector<1x64xf32>
    %sub3A_226 = vector.broadcast %slice3A_225 : vector<1x64xf32> to vector<100x64xf32>
    %sub3A_227 = arith.subf %slice3A_224, %sub3A_226 : vector<100x64xf32>
    %slice3A_228 = vector.extract_strided_slice %get3A_13 {offsets = [19, 0], sizes = [1, 64], strides = [1, 1]} : vector<56x64xf32> to vector<1x64xf32>
    %div3A_229 = vector.broadcast %slice3A_228 : vector<1x64xf32> to vector<100x64xf32>
    %div3A_230 = arith.divf %sub3A_227, %div3A_229 : vector<100x64xf32>
    %mul3A_231 = vector.broadcast %get3A_16 : vector<1x64xf32> to vector<100x64xf32>
    %mul3A_232 = arith.mulf %div3A_230, %mul3A_231 : vector<100x64xf32>
    %add3A_233 = vector.broadcast %get3A_19 : vector<1x64xf32> to vector<100x64xf32>
    %add3A_234 = arith.addf %mul3A_232, %add3A_233 : vector<100x64xf32>
    %slice3A_235 = vector.extract_strided_slice %get3A_4 {offsets = [2000, 0], sizes = [100, 64], strides = [1, 1]} : vector<5600x64xf32> to vector<100x64xf32>
    %slice3A_236 = vector.extract_strided_slice %get3A_10 {offsets = [20, 0], sizes = [1, 64], strides = [1, 1]} : vector<56x64xf32> to vector<1x64xf32>
    %sub3A_237 = vector.broadcast %slice3A_236 : vector<1x64xf32> to vector<100x64xf32>
    %sub3A_238 = arith.subf %slice3A_235, %sub3A_237 : vector<100x64xf32>
    %slice3A_239 = vector.extract_strided_slice %get3A_13 {offsets = [20, 0], sizes = [1, 64], strides = [1, 1]} : vector<56x64xf32> to vector<1x64xf32>
    %div3A_240 = vector.broadcast %slice3A_239 : vector<1x64xf32> to vector<100x64xf32>
    %div3A_241 = arith.divf %sub3A_238, %div3A_240 : vector<100x64xf32>
    %mul3A_242 = vector.broadcast %get3A_16 : vector<1x64xf32> to vector<100x64xf32>
    %mul3A_243 = arith.mulf %div3A_241, %mul3A_242 : vector<100x64xf32>
    %add3A_244 = vector.broadcast %get3A_19 : vector<1x64xf32> to vector<100x64xf32>
    %add3A_245 = arith.addf %mul3A_243, %add3A_244 : vector<100x64xf32>
    %slice3A_246 = vector.extract_strided_slice %get3A_4 {offsets = [2100, 0], sizes = [100, 64], strides = [1, 1]} : vector<5600x64xf32> to vector<100x64xf32>
    %slice3A_247 = vector.extract_strided_slice %get3A_10 {offsets = [21, 0], sizes = [1, 64], strides = [1, 1]} : vector<56x64xf32> to vector<1x64xf32>
    %sub3A_248 = vector.broadcast %slice3A_247 : vector<1x64xf32> to vector<100x64xf32>
    %sub3A_249 = arith.subf %slice3A_246, %sub3A_248 : vector<100x64xf32>
    %slice3A_250 = vector.extract_strided_slice %get3A_13 {offsets = [21, 0], sizes = [1, 64], strides = [1, 1]} : vector<56x64xf32> to vector<1x64xf32>
    %div3A_251 = vector.broadcast %slice3A_250 : vector<1x64xf32> to vector<100x64xf32>
    %div3A_252 = arith.divf %sub3A_249, %div3A_251 : vector<100x64xf32>
    %mul3A_253 = vector.broadcast %get3A_16 : vector<1x64xf32> to vector<100x64xf32>
    %mul3A_254 = arith.mulf %div3A_252, %mul3A_253 : vector<100x64xf32>
    %add3A_255 = vector.broadcast %get3A_19 : vector<1x64xf32> to vector<100x64xf32>
    %add3A_256 = arith.addf %mul3A_254, %add3A_255 : vector<100x64xf32>
    %slice3A_257 = vector.extract_strided_slice %get3A_4 {offsets = [2200, 0], sizes = [100, 64], strides = [1, 1]} : vector<5600x64xf32> to vector<100x64xf32>
    %slice3A_258 = vector.extract_strided_slice %get3A_10 {offsets = [22, 0], sizes = [1, 64], strides = [1, 1]} : vector<56x64xf32> to vector<1x64xf32>
    %sub3A_259 = vector.broadcast %slice3A_258 : vector<1x64xf32> to vector<100x64xf32>
    %sub3A_260 = arith.subf %slice3A_257, %sub3A_259 : vector<100x64xf32>
    %slice3A_261 = vector.extract_strided_slice %get3A_13 {offsets = [22, 0], sizes = [1, 64], strides = [1, 1]} : vector<56x64xf32> to vector<1x64xf32>
    %div3A_262 = vector.broadcast %slice3A_261 : vector<1x64xf32> to vector<100x64xf32>
    %div3A_263 = arith.divf %sub3A_260, %div3A_262 : vector<100x64xf32>
    %mul3A_264 = vector.broadcast %get3A_16 : vector<1x64xf32> to vector<100x64xf32>
    %mul3A_265 = arith.mulf %div3A_263, %mul3A_264 : vector<100x64xf32>
    %add3A_266 = vector.broadcast %get3A_19 : vector<1x64xf32> to vector<100x64xf32>
    %add3A_267 = arith.addf %mul3A_265, %add3A_266 : vector<100x64xf32>
    %slice3A_268 = vector.extract_strided_slice %get3A_4 {offsets = [2300, 0], sizes = [100, 64], strides = [1, 1]} : vector<5600x64xf32> to vector<100x64xf32>
    %slice3A_269 = vector.extract_strided_slice %get3A_10 {offsets = [23, 0], sizes = [1, 64], strides = [1, 1]} : vector<56x64xf32> to vector<1x64xf32>
    %sub3A_270 = vector.broadcast %slice3A_269 : vector<1x64xf32> to vector<100x64xf32>
    %sub3A_271 = arith.subf %slice3A_268, %sub3A_270 : vector<100x64xf32>
    %slice3A_272 = vector.extract_strided_slice %get3A_13 {offsets = [23, 0], sizes = [1, 64], strides = [1, 1]} : vector<56x64xf32> to vector<1x64xf32>
    %div3A_273 = vector.broadcast %slice3A_272 : vector<1x64xf32> to vector<100x64xf32>
    %div3A_274 = arith.divf %sub3A_271, %div3A_273 : vector<100x64xf32>
    %mul3A_275 = vector.broadcast %get3A_16 : vector<1x64xf32> to vector<100x64xf32>
    %mul3A_276 = arith.mulf %div3A_274, %mul3A_275 : vector<100x64xf32>
    %add3A_277 = vector.broadcast %get3A_19 : vector<1x64xf32> to vector<100x64xf32>
    %add3A_278 = arith.addf %mul3A_276, %add3A_277 : vector<100x64xf32>
    %slice3A_279 = vector.extract_strided_slice %get3A_4 {offsets = [2400, 0], sizes = [100, 64], strides = [1, 1]} : vector<5600x64xf32> to vector<100x64xf32>
    %slice3A_280 = vector.extract_strided_slice %get3A_10 {offsets = [24, 0], sizes = [1, 64], strides = [1, 1]} : vector<56x64xf32> to vector<1x64xf32>
    %sub3A_281 = vector.broadcast %slice3A_280 : vector<1x64xf32> to vector<100x64xf32>
    %sub3A_282 = arith.subf %slice3A_279, %sub3A_281 : vector<100x64xf32>
    %slice3A_283 = vector.extract_strided_slice %get3A_13 {offsets = [24, 0], sizes = [1, 64], strides = [1, 1]} : vector<56x64xf32> to vector<1x64xf32>
    %div3A_284 = vector.broadcast %slice3A_283 : vector<1x64xf32> to vector<100x64xf32>
    %div3A_285 = arith.divf %sub3A_282, %div3A_284 : vector<100x64xf32>
    %mul3A_286 = vector.broadcast %get3A_16 : vector<1x64xf32> to vector<100x64xf32>
    %mul3A_287 = arith.mulf %div3A_285, %mul3A_286 : vector<100x64xf32>
    %add3A_288 = vector.broadcast %get3A_19 : vector<1x64xf32> to vector<100x64xf32>
    %add3A_289 = arith.addf %mul3A_287, %add3A_288 : vector<100x64xf32>
    %slice3A_290 = vector.extract_strided_slice %get3A_4 {offsets = [2500, 0], sizes = [100, 64], strides = [1, 1]} : vector<5600x64xf32> to vector<100x64xf32>
    %slice3A_291 = vector.extract_strided_slice %get3A_10 {offsets = [25, 0], sizes = [1, 64], strides = [1, 1]} : vector<56x64xf32> to vector<1x64xf32>
    %sub3A_292 = vector.broadcast %slice3A_291 : vector<1x64xf32> to vector<100x64xf32>
    %sub3A_293 = arith.subf %slice3A_290, %sub3A_292 : vector<100x64xf32>
    %slice3A_294 = vector.extract_strided_slice %get3A_13 {offsets = [25, 0], sizes = [1, 64], strides = [1, 1]} : vector<56x64xf32> to vector<1x64xf32>
    %div3A_295 = vector.broadcast %slice3A_294 : vector<1x64xf32> to vector<100x64xf32>
    %div3A_296 = arith.divf %sub3A_293, %div3A_295 : vector<100x64xf32>
    %mul3A_297 = vector.broadcast %get3A_16 : vector<1x64xf32> to vector<100x64xf32>
    %mul3A_298 = arith.mulf %div3A_296, %mul3A_297 : vector<100x64xf32>
    %add3A_299 = vector.broadcast %get3A_19 : vector<1x64xf32> to vector<100x64xf32>
    %add3A_300 = arith.addf %mul3A_298, %add3A_299 : vector<100x64xf32>
    %slice3A_301 = vector.extract_strided_slice %get3A_4 {offsets = [2600, 0], sizes = [100, 64], strides = [1, 1]} : vector<5600x64xf32> to vector<100x64xf32>
    %slice3A_302 = vector.extract_strided_slice %get3A_10 {offsets = [26, 0], sizes = [1, 64], strides = [1, 1]} : vector<56x64xf32> to vector<1x64xf32>
    %sub3A_303 = vector.broadcast %slice3A_302 : vector<1x64xf32> to vector<100x64xf32>
    %sub3A_304 = arith.subf %slice3A_301, %sub3A_303 : vector<100x64xf32>
    %slice3A_305 = vector.extract_strided_slice %get3A_13 {offsets = [26, 0], sizes = [1, 64], strides = [1, 1]} : vector<56x64xf32> to vector<1x64xf32>
    %div3A_306 = vector.broadcast %slice3A_305 : vector<1x64xf32> to vector<100x64xf32>
    %div3A_307 = arith.divf %sub3A_304, %div3A_306 : vector<100x64xf32>
    %mul3A_308 = vector.broadcast %get3A_16 : vector<1x64xf32> to vector<100x64xf32>
    %mul3A_309 = arith.mulf %div3A_307, %mul3A_308 : vector<100x64xf32>
    %add3A_310 = vector.broadcast %get3A_19 : vector<1x64xf32> to vector<100x64xf32>
    %add3A_311 = arith.addf %mul3A_309, %add3A_310 : vector<100x64xf32>
    %slice3A_312 = vector.extract_strided_slice %get3A_4 {offsets = [2700, 0], sizes = [100, 64], strides = [1, 1]} : vector<5600x64xf32> to vector<100x64xf32>
    %slice3A_313 = vector.extract_strided_slice %get3A_10 {offsets = [27, 0], sizes = [1, 64], strides = [1, 1]} : vector<56x64xf32> to vector<1x64xf32>
    %sub3A_314 = vector.broadcast %slice3A_313 : vector<1x64xf32> to vector<100x64xf32>
    %sub3A_315 = arith.subf %slice3A_312, %sub3A_314 : vector<100x64xf32>
    %slice3A_316 = vector.extract_strided_slice %get3A_13 {offsets = [27, 0], sizes = [1, 64], strides = [1, 1]} : vector<56x64xf32> to vector<1x64xf32>
    %div3A_317 = vector.broadcast %slice3A_316 : vector<1x64xf32> to vector<100x64xf32>
    %div3A_318 = arith.divf %sub3A_315, %div3A_317 : vector<100x64xf32>
    %mul3A_319 = vector.broadcast %get3A_16 : vector<1x64xf32> to vector<100x64xf32>
    %mul3A_320 = arith.mulf %div3A_318, %mul3A_319 : vector<100x64xf32>
    %add3A_321 = vector.broadcast %get3A_19 : vector<1x64xf32> to vector<100x64xf32>
    %add3A_322 = arith.addf %mul3A_320, %add3A_321 : vector<100x64xf32>
    %slice3A_323 = vector.extract_strided_slice %get3A_4 {offsets = [2800, 0], sizes = [100, 64], strides = [1, 1]} : vector<5600x64xf32> to vector<100x64xf32>
    %slice3A_324 = vector.extract_strided_slice %get3A_10 {offsets = [28, 0], sizes = [1, 64], strides = [1, 1]} : vector<56x64xf32> to vector<1x64xf32>
    %sub3A_325 = vector.broadcast %slice3A_324 : vector<1x64xf32> to vector<100x64xf32>
    %sub3A_326 = arith.subf %slice3A_323, %sub3A_325 : vector<100x64xf32>
    %slice3A_327 = vector.extract_strided_slice %get3A_13 {offsets = [28, 0], sizes = [1, 64], strides = [1, 1]} : vector<56x64xf32> to vector<1x64xf32>
    %div3A_328 = vector.broadcast %slice3A_327 : vector<1x64xf32> to vector<100x64xf32>
    %div3A_329 = arith.divf %sub3A_326, %div3A_328 : vector<100x64xf32>
    %mul3A_330 = vector.broadcast %get3A_16 : vector<1x64xf32> to vector<100x64xf32>
    %mul3A_331 = arith.mulf %div3A_329, %mul3A_330 : vector<100x64xf32>
    %add3A_332 = vector.broadcast %get3A_19 : vector<1x64xf32> to vector<100x64xf32>
    %add3A_333 = arith.addf %mul3A_331, %add3A_332 : vector<100x64xf32>
    %slice3A_334 = vector.extract_strided_slice %get3A_4 {offsets = [2900, 0], sizes = [100, 64], strides = [1, 1]} : vector<5600x64xf32> to vector<100x64xf32>
    %slice3A_335 = vector.extract_strided_slice %get3A_10 {offsets = [29, 0], sizes = [1, 64], strides = [1, 1]} : vector<56x64xf32> to vector<1x64xf32>
    %sub3A_336 = vector.broadcast %slice3A_335 : vector<1x64xf32> to vector<100x64xf32>
    %sub3A_337 = arith.subf %slice3A_334, %sub3A_336 : vector<100x64xf32>
    %slice3A_338 = vector.extract_strided_slice %get3A_13 {offsets = [29, 0], sizes = [1, 64], strides = [1, 1]} : vector<56x64xf32> to vector<1x64xf32>
    %div3A_339 = vector.broadcast %slice3A_338 : vector<1x64xf32> to vector<100x64xf32>
    %div3A_340 = arith.divf %sub3A_337, %div3A_339 : vector<100x64xf32>
    %mul3A_341 = vector.broadcast %get3A_16 : vector<1x64xf32> to vector<100x64xf32>
    %mul3A_342 = arith.mulf %div3A_340, %mul3A_341 : vector<100x64xf32>
    %add3A_343 = vector.broadcast %get3A_19 : vector<1x64xf32> to vector<100x64xf32>
    %add3A_344 = arith.addf %mul3A_342, %add3A_343 : vector<100x64xf32>
    %slice3A_345 = vector.extract_strided_slice %get3A_4 {offsets = [3000, 0], sizes = [100, 64], strides = [1, 1]} : vector<5600x64xf32> to vector<100x64xf32>
    %slice3A_346 = vector.extract_strided_slice %get3A_10 {offsets = [30, 0], sizes = [1, 64], strides = [1, 1]} : vector<56x64xf32> to vector<1x64xf32>
    %sub3A_347 = vector.broadcast %slice3A_346 : vector<1x64xf32> to vector<100x64xf32>
    %sub3A_348 = arith.subf %slice3A_345, %sub3A_347 : vector<100x64xf32>
    %slice3A_349 = vector.extract_strided_slice %get3A_13 {offsets = [30, 0], sizes = [1, 64], strides = [1, 1]} : vector<56x64xf32> to vector<1x64xf32>
    %div3A_350 = vector.broadcast %slice3A_349 : vector<1x64xf32> to vector<100x64xf32>
    %div3A_351 = arith.divf %sub3A_348, %div3A_350 : vector<100x64xf32>
    %mul3A_352 = vector.broadcast %get3A_16 : vector<1x64xf32> to vector<100x64xf32>
    %mul3A_353 = arith.mulf %div3A_351, %mul3A_352 : vector<100x64xf32>
    %add3A_354 = vector.broadcast %get3A_19 : vector<1x64xf32> to vector<100x64xf32>
    %add3A_355 = arith.addf %mul3A_353, %add3A_354 : vector<100x64xf32>
    %slice3A_356 = vector.extract_strided_slice %get3A_4 {offsets = [3100, 0], sizes = [100, 64], strides = [1, 1]} : vector<5600x64xf32> to vector<100x64xf32>
    %slice3A_357 = vector.extract_strided_slice %get3A_10 {offsets = [31, 0], sizes = [1, 64], strides = [1, 1]} : vector<56x64xf32> to vector<1x64xf32>
    %sub3A_358 = vector.broadcast %slice3A_357 : vector<1x64xf32> to vector<100x64xf32>
    %sub3A_359 = arith.subf %slice3A_356, %sub3A_358 : vector<100x64xf32>
    %slice3A_360 = vector.extract_strided_slice %get3A_13 {offsets = [31, 0], sizes = [1, 64], strides = [1, 1]} : vector<56x64xf32> to vector<1x64xf32>
    %div3A_361 = vector.broadcast %slice3A_360 : vector<1x64xf32> to vector<100x64xf32>
    %div3A_362 = arith.divf %sub3A_359, %div3A_361 : vector<100x64xf32>
    %mul3A_363 = vector.broadcast %get3A_16 : vector<1x64xf32> to vector<100x64xf32>
    %mul3A_364 = arith.mulf %div3A_362, %mul3A_363 : vector<100x64xf32>
    %add3A_365 = vector.broadcast %get3A_19 : vector<1x64xf32> to vector<100x64xf32>
    %add3A_366 = arith.addf %mul3A_364, %add3A_365 : vector<100x64xf32>
    %slice3A_367 = vector.extract_strided_slice %get3A_4 {offsets = [3200, 0], sizes = [100, 64], strides = [1, 1]} : vector<5600x64xf32> to vector<100x64xf32>
    %slice3A_368 = vector.extract_strided_slice %get3A_10 {offsets = [32, 0], sizes = [1, 64], strides = [1, 1]} : vector<56x64xf32> to vector<1x64xf32>
    %sub3A_369 = vector.broadcast %slice3A_368 : vector<1x64xf32> to vector<100x64xf32>
    %sub3A_370 = arith.subf %slice3A_367, %sub3A_369 : vector<100x64xf32>
    %slice3A_371 = vector.extract_strided_slice %get3A_13 {offsets = [32, 0], sizes = [1, 64], strides = [1, 1]} : vector<56x64xf32> to vector<1x64xf32>
    %div3A_372 = vector.broadcast %slice3A_371 : vector<1x64xf32> to vector<100x64xf32>
    %div3A_373 = arith.divf %sub3A_370, %div3A_372 : vector<100x64xf32>
    %mul3A_374 = vector.broadcast %get3A_16 : vector<1x64xf32> to vector<100x64xf32>
    %mul3A_375 = arith.mulf %div3A_373, %mul3A_374 : vector<100x64xf32>
    %add3A_376 = vector.broadcast %get3A_19 : vector<1x64xf32> to vector<100x64xf32>
    %add3A_377 = arith.addf %mul3A_375, %add3A_376 : vector<100x64xf32>
    %slice3A_378 = vector.extract_strided_slice %get3A_4 {offsets = [3300, 0], sizes = [100, 64], strides = [1, 1]} : vector<5600x64xf32> to vector<100x64xf32>
    %slice3A_379 = vector.extract_strided_slice %get3A_10 {offsets = [33, 0], sizes = [1, 64], strides = [1, 1]} : vector<56x64xf32> to vector<1x64xf32>
    %sub3A_380 = vector.broadcast %slice3A_379 : vector<1x64xf32> to vector<100x64xf32>
    %sub3A_381 = arith.subf %slice3A_378, %sub3A_380 : vector<100x64xf32>
    %slice3A_382 = vector.extract_strided_slice %get3A_13 {offsets = [33, 0], sizes = [1, 64], strides = [1, 1]} : vector<56x64xf32> to vector<1x64xf32>
    %div3A_383 = vector.broadcast %slice3A_382 : vector<1x64xf32> to vector<100x64xf32>
    %div3A_384 = arith.divf %sub3A_381, %div3A_383 : vector<100x64xf32>
    %mul3A_385 = vector.broadcast %get3A_16 : vector<1x64xf32> to vector<100x64xf32>
    %mul3A_386 = arith.mulf %div3A_384, %mul3A_385 : vector<100x64xf32>
    %add3A_387 = vector.broadcast %get3A_19 : vector<1x64xf32> to vector<100x64xf32>
    %add3A_388 = arith.addf %mul3A_386, %add3A_387 : vector<100x64xf32>
    %slice3A_389 = vector.extract_strided_slice %get3A_4 {offsets = [3400, 0], sizes = [100, 64], strides = [1, 1]} : vector<5600x64xf32> to vector<100x64xf32>
    %slice3A_390 = vector.extract_strided_slice %get3A_10 {offsets = [34, 0], sizes = [1, 64], strides = [1, 1]} : vector<56x64xf32> to vector<1x64xf32>
    %sub3A_391 = vector.broadcast %slice3A_390 : vector<1x64xf32> to vector<100x64xf32>
    %sub3A_392 = arith.subf %slice3A_389, %sub3A_391 : vector<100x64xf32>
    %slice3A_393 = vector.extract_strided_slice %get3A_13 {offsets = [34, 0], sizes = [1, 64], strides = [1, 1]} : vector<56x64xf32> to vector<1x64xf32>
    %div3A_394 = vector.broadcast %slice3A_393 : vector<1x64xf32> to vector<100x64xf32>
    %div3A_395 = arith.divf %sub3A_392, %div3A_394 : vector<100x64xf32>
    %mul3A_396 = vector.broadcast %get3A_16 : vector<1x64xf32> to vector<100x64xf32>
    %mul3A_397 = arith.mulf %div3A_395, %mul3A_396 : vector<100x64xf32>
    %add3A_398 = vector.broadcast %get3A_19 : vector<1x64xf32> to vector<100x64xf32>
    %add3A_399 = arith.addf %mul3A_397, %add3A_398 : vector<100x64xf32>
    %slice3A_400 = vector.extract_strided_slice %get3A_4 {offsets = [3500, 0], sizes = [100, 64], strides = [1, 1]} : vector<5600x64xf32> to vector<100x64xf32>
    %slice3A_401 = vector.extract_strided_slice %get3A_10 {offsets = [35, 0], sizes = [1, 64], strides = [1, 1]} : vector<56x64xf32> to vector<1x64xf32>
    %sub3A_402 = vector.broadcast %slice3A_401 : vector<1x64xf32> to vector<100x64xf32>
    %sub3A_403 = arith.subf %slice3A_400, %sub3A_402 : vector<100x64xf32>
    %slice3A_404 = vector.extract_strided_slice %get3A_13 {offsets = [35, 0], sizes = [1, 64], strides = [1, 1]} : vector<56x64xf32> to vector<1x64xf32>
    %div3A_405 = vector.broadcast %slice3A_404 : vector<1x64xf32> to vector<100x64xf32>
    %div3A_406 = arith.divf %sub3A_403, %div3A_405 : vector<100x64xf32>
    %mul3A_407 = vector.broadcast %get3A_16 : vector<1x64xf32> to vector<100x64xf32>
    %mul3A_408 = arith.mulf %div3A_406, %mul3A_407 : vector<100x64xf32>
    %add3A_409 = vector.broadcast %get3A_19 : vector<1x64xf32> to vector<100x64xf32>
    %add3A_410 = arith.addf %mul3A_408, %add3A_409 : vector<100x64xf32>
    %slice3A_411 = vector.extract_strided_slice %get3A_4 {offsets = [3600, 0], sizes = [100, 64], strides = [1, 1]} : vector<5600x64xf32> to vector<100x64xf32>
    %slice3A_412 = vector.extract_strided_slice %get3A_10 {offsets = [36, 0], sizes = [1, 64], strides = [1, 1]} : vector<56x64xf32> to vector<1x64xf32>
    %sub3A_413 = vector.broadcast %slice3A_412 : vector<1x64xf32> to vector<100x64xf32>
    %sub3A_414 = arith.subf %slice3A_411, %sub3A_413 : vector<100x64xf32>
    %slice3A_415 = vector.extract_strided_slice %get3A_13 {offsets = [36, 0], sizes = [1, 64], strides = [1, 1]} : vector<56x64xf32> to vector<1x64xf32>
    %div3A_416 = vector.broadcast %slice3A_415 : vector<1x64xf32> to vector<100x64xf32>
    %div3A_417 = arith.divf %sub3A_414, %div3A_416 : vector<100x64xf32>
    %mul3A_418 = vector.broadcast %get3A_16 : vector<1x64xf32> to vector<100x64xf32>
    %mul3A_419 = arith.mulf %div3A_417, %mul3A_418 : vector<100x64xf32>
    %add3A_420 = vector.broadcast %get3A_19 : vector<1x64xf32> to vector<100x64xf32>
    %add3A_421 = arith.addf %mul3A_419, %add3A_420 : vector<100x64xf32>
    %slice3A_422 = vector.extract_strided_slice %get3A_4 {offsets = [3700, 0], sizes = [100, 64], strides = [1, 1]} : vector<5600x64xf32> to vector<100x64xf32>
    %slice3A_423 = vector.extract_strided_slice %get3A_10 {offsets = [37, 0], sizes = [1, 64], strides = [1, 1]} : vector<56x64xf32> to vector<1x64xf32>
    %sub3A_424 = vector.broadcast %slice3A_423 : vector<1x64xf32> to vector<100x64xf32>
    %sub3A_425 = arith.subf %slice3A_422, %sub3A_424 : vector<100x64xf32>
    %slice3A_426 = vector.extract_strided_slice %get3A_13 {offsets = [37, 0], sizes = [1, 64], strides = [1, 1]} : vector<56x64xf32> to vector<1x64xf32>
    %div3A_427 = vector.broadcast %slice3A_426 : vector<1x64xf32> to vector<100x64xf32>
    %div3A_428 = arith.divf %sub3A_425, %div3A_427 : vector<100x64xf32>
    %mul3A_429 = vector.broadcast %get3A_16 : vector<1x64xf32> to vector<100x64xf32>
    %mul3A_430 = arith.mulf %div3A_428, %mul3A_429 : vector<100x64xf32>
    %add3A_431 = vector.broadcast %get3A_19 : vector<1x64xf32> to vector<100x64xf32>
    %add3A_432 = arith.addf %mul3A_430, %add3A_431 : vector<100x64xf32>
    %slice3A_433 = vector.extract_strided_slice %get3A_4 {offsets = [3800, 0], sizes = [100, 64], strides = [1, 1]} : vector<5600x64xf32> to vector<100x64xf32>
    %slice3A_434 = vector.extract_strided_slice %get3A_10 {offsets = [38, 0], sizes = [1, 64], strides = [1, 1]} : vector<56x64xf32> to vector<1x64xf32>
    %sub3A_435 = vector.broadcast %slice3A_434 : vector<1x64xf32> to vector<100x64xf32>
    %sub3A_436 = arith.subf %slice3A_433, %sub3A_435 : vector<100x64xf32>
    %slice3A_437 = vector.extract_strided_slice %get3A_13 {offsets = [38, 0], sizes = [1, 64], strides = [1, 1]} : vector<56x64xf32> to vector<1x64xf32>
    %div3A_438 = vector.broadcast %slice3A_437 : vector<1x64xf32> to vector<100x64xf32>
    %div3A_439 = arith.divf %sub3A_436, %div3A_438 : vector<100x64xf32>
    %mul3A_440 = vector.broadcast %get3A_16 : vector<1x64xf32> to vector<100x64xf32>
    %mul3A_441 = arith.mulf %div3A_439, %mul3A_440 : vector<100x64xf32>
    %add3A_442 = vector.broadcast %get3A_19 : vector<1x64xf32> to vector<100x64xf32>
    %add3A_443 = arith.addf %mul3A_441, %add3A_442 : vector<100x64xf32>
    %slice3A_444 = vector.extract_strided_slice %get3A_4 {offsets = [3900, 0], sizes = [100, 64], strides = [1, 1]} : vector<5600x64xf32> to vector<100x64xf32>
    %slice3A_445 = vector.extract_strided_slice %get3A_10 {offsets = [39, 0], sizes = [1, 64], strides = [1, 1]} : vector<56x64xf32> to vector<1x64xf32>
    %sub3A_446 = vector.broadcast %slice3A_445 : vector<1x64xf32> to vector<100x64xf32>
    %sub3A_447 = arith.subf %slice3A_444, %sub3A_446 : vector<100x64xf32>
    %slice3A_448 = vector.extract_strided_slice %get3A_13 {offsets = [39, 0], sizes = [1, 64], strides = [1, 1]} : vector<56x64xf32> to vector<1x64xf32>
    %div3A_449 = vector.broadcast %slice3A_448 : vector<1x64xf32> to vector<100x64xf32>
    %div3A_450 = arith.divf %sub3A_447, %div3A_449 : vector<100x64xf32>
    %mul3A_451 = vector.broadcast %get3A_16 : vector<1x64xf32> to vector<100x64xf32>
    %mul3A_452 = arith.mulf %div3A_450, %mul3A_451 : vector<100x64xf32>
    %add3A_453 = vector.broadcast %get3A_19 : vector<1x64xf32> to vector<100x64xf32>
    %add3A_454 = arith.addf %mul3A_452, %add3A_453 : vector<100x64xf32>
    %slice3A_455 = vector.extract_strided_slice %get3A_4 {offsets = [4000, 0], sizes = [100, 64], strides = [1, 1]} : vector<5600x64xf32> to vector<100x64xf32>
    %slice3A_456 = vector.extract_strided_slice %get3A_10 {offsets = [40, 0], sizes = [1, 64], strides = [1, 1]} : vector<56x64xf32> to vector<1x64xf32>
    %sub3A_457 = vector.broadcast %slice3A_456 : vector<1x64xf32> to vector<100x64xf32>
    %sub3A_458 = arith.subf %slice3A_455, %sub3A_457 : vector<100x64xf32>
    %slice3A_459 = vector.extract_strided_slice %get3A_13 {offsets = [40, 0], sizes = [1, 64], strides = [1, 1]} : vector<56x64xf32> to vector<1x64xf32>
    %div3A_460 = vector.broadcast %slice3A_459 : vector<1x64xf32> to vector<100x64xf32>
    %div3A_461 = arith.divf %sub3A_458, %div3A_460 : vector<100x64xf32>
    %mul3A_462 = vector.broadcast %get3A_16 : vector<1x64xf32> to vector<100x64xf32>
    %mul3A_463 = arith.mulf %div3A_461, %mul3A_462 : vector<100x64xf32>
    %add3A_464 = vector.broadcast %get3A_19 : vector<1x64xf32> to vector<100x64xf32>
    %add3A_465 = arith.addf %mul3A_463, %add3A_464 : vector<100x64xf32>
    %slice3A_466 = vector.extract_strided_slice %get3A_4 {offsets = [4100, 0], sizes = [100, 64], strides = [1, 1]} : vector<5600x64xf32> to vector<100x64xf32>
    %slice3A_467 = vector.extract_strided_slice %get3A_10 {offsets = [41, 0], sizes = [1, 64], strides = [1, 1]} : vector<56x64xf32> to vector<1x64xf32>
    %sub3A_468 = vector.broadcast %slice3A_467 : vector<1x64xf32> to vector<100x64xf32>
    %sub3A_469 = arith.subf %slice3A_466, %sub3A_468 : vector<100x64xf32>
    %slice3A_470 = vector.extract_strided_slice %get3A_13 {offsets = [41, 0], sizes = [1, 64], strides = [1, 1]} : vector<56x64xf32> to vector<1x64xf32>
    %div3A_471 = vector.broadcast %slice3A_470 : vector<1x64xf32> to vector<100x64xf32>
    %div3A_472 = arith.divf %sub3A_469, %div3A_471 : vector<100x64xf32>
    %mul3A_473 = vector.broadcast %get3A_16 : vector<1x64xf32> to vector<100x64xf32>
    %mul3A_474 = arith.mulf %div3A_472, %mul3A_473 : vector<100x64xf32>
    %add3A_475 = vector.broadcast %get3A_19 : vector<1x64xf32> to vector<100x64xf32>
    %add3A_476 = arith.addf %mul3A_474, %add3A_475 : vector<100x64xf32>
    %slice3A_477 = vector.extract_strided_slice %get3A_4 {offsets = [4200, 0], sizes = [100, 64], strides = [1, 1]} : vector<5600x64xf32> to vector<100x64xf32>
    %slice3A_478 = vector.extract_strided_slice %get3A_10 {offsets = [42, 0], sizes = [1, 64], strides = [1, 1]} : vector<56x64xf32> to vector<1x64xf32>
    %sub3A_479 = vector.broadcast %slice3A_478 : vector<1x64xf32> to vector<100x64xf32>
    %sub3A_480 = arith.subf %slice3A_477, %sub3A_479 : vector<100x64xf32>
    %slice3A_481 = vector.extract_strided_slice %get3A_13 {offsets = [42, 0], sizes = [1, 64], strides = [1, 1]} : vector<56x64xf32> to vector<1x64xf32>
    %div3A_482 = vector.broadcast %slice3A_481 : vector<1x64xf32> to vector<100x64xf32>
    %div3A_483 = arith.divf %sub3A_480, %div3A_482 : vector<100x64xf32>
    %mul3A_484 = vector.broadcast %get3A_16 : vector<1x64xf32> to vector<100x64xf32>
    %mul3A_485 = arith.mulf %div3A_483, %mul3A_484 : vector<100x64xf32>
    %add3A_486 = vector.broadcast %get3A_19 : vector<1x64xf32> to vector<100x64xf32>
    %add3A_487 = arith.addf %mul3A_485, %add3A_486 : vector<100x64xf32>
    %slice3A_488 = vector.extract_strided_slice %get3A_4 {offsets = [4300, 0], sizes = [100, 64], strides = [1, 1]} : vector<5600x64xf32> to vector<100x64xf32>
    %slice3A_489 = vector.extract_strided_slice %get3A_10 {offsets = [43, 0], sizes = [1, 64], strides = [1, 1]} : vector<56x64xf32> to vector<1x64xf32>
    %sub3A_490 = vector.broadcast %slice3A_489 : vector<1x64xf32> to vector<100x64xf32>
    %sub3A_491 = arith.subf %slice3A_488, %sub3A_490 : vector<100x64xf32>
    %slice3A_492 = vector.extract_strided_slice %get3A_13 {offsets = [43, 0], sizes = [1, 64], strides = [1, 1]} : vector<56x64xf32> to vector<1x64xf32>
    %div3A_493 = vector.broadcast %slice3A_492 : vector<1x64xf32> to vector<100x64xf32>
    %div3A_494 = arith.divf %sub3A_491, %div3A_493 : vector<100x64xf32>
    %mul3A_495 = vector.broadcast %get3A_16 : vector<1x64xf32> to vector<100x64xf32>
    %mul3A_496 = arith.mulf %div3A_494, %mul3A_495 : vector<100x64xf32>
    %add3A_497 = vector.broadcast %get3A_19 : vector<1x64xf32> to vector<100x64xf32>
    %add3A_498 = arith.addf %mul3A_496, %add3A_497 : vector<100x64xf32>
    %slice3A_499 = vector.extract_strided_slice %get3A_4 {offsets = [4400, 0], sizes = [100, 64], strides = [1, 1]} : vector<5600x64xf32> to vector<100x64xf32>
    %slice3A_500 = vector.extract_strided_slice %get3A_10 {offsets = [44, 0], sizes = [1, 64], strides = [1, 1]} : vector<56x64xf32> to vector<1x64xf32>
    %sub3A_501 = vector.broadcast %slice3A_500 : vector<1x64xf32> to vector<100x64xf32>
    %sub3A_502 = arith.subf %slice3A_499, %sub3A_501 : vector<100x64xf32>
    %slice3A_503 = vector.extract_strided_slice %get3A_13 {offsets = [44, 0], sizes = [1, 64], strides = [1, 1]} : vector<56x64xf32> to vector<1x64xf32>
    %div3A_504 = vector.broadcast %slice3A_503 : vector<1x64xf32> to vector<100x64xf32>
    %div3A_505 = arith.divf %sub3A_502, %div3A_504 : vector<100x64xf32>
    %mul3A_506 = vector.broadcast %get3A_16 : vector<1x64xf32> to vector<100x64xf32>
    %mul3A_507 = arith.mulf %div3A_505, %mul3A_506 : vector<100x64xf32>
    %add3A_508 = vector.broadcast %get3A_19 : vector<1x64xf32> to vector<100x64xf32>
    %add3A_509 = arith.addf %mul3A_507, %add3A_508 : vector<100x64xf32>
    %slice3A_510 = vector.extract_strided_slice %get3A_4 {offsets = [4500, 0], sizes = [100, 64], strides = [1, 1]} : vector<5600x64xf32> to vector<100x64xf32>
    %slice3A_511 = vector.extract_strided_slice %get3A_10 {offsets = [45, 0], sizes = [1, 64], strides = [1, 1]} : vector<56x64xf32> to vector<1x64xf32>
    %sub3A_512 = vector.broadcast %slice3A_511 : vector<1x64xf32> to vector<100x64xf32>
    %sub3A_513 = arith.subf %slice3A_510, %sub3A_512 : vector<100x64xf32>
    %slice3A_514 = vector.extract_strided_slice %get3A_13 {offsets = [45, 0], sizes = [1, 64], strides = [1, 1]} : vector<56x64xf32> to vector<1x64xf32>
    %div3A_515 = vector.broadcast %slice3A_514 : vector<1x64xf32> to vector<100x64xf32>
    %div3A_516 = arith.divf %sub3A_513, %div3A_515 : vector<100x64xf32>
    %mul3A_517 = vector.broadcast %get3A_16 : vector<1x64xf32> to vector<100x64xf32>
    %mul3A_518 = arith.mulf %div3A_516, %mul3A_517 : vector<100x64xf32>
    %add3A_519 = vector.broadcast %get3A_19 : vector<1x64xf32> to vector<100x64xf32>
    %add3A_520 = arith.addf %mul3A_518, %add3A_519 : vector<100x64xf32>
    %slice3A_521 = vector.extract_strided_slice %get3A_4 {offsets = [4600, 0], sizes = [100, 64], strides = [1, 1]} : vector<5600x64xf32> to vector<100x64xf32>
    %slice3A_522 = vector.extract_strided_slice %get3A_10 {offsets = [46, 0], sizes = [1, 64], strides = [1, 1]} : vector<56x64xf32> to vector<1x64xf32>
    %sub3A_523 = vector.broadcast %slice3A_522 : vector<1x64xf32> to vector<100x64xf32>
    %sub3A_524 = arith.subf %slice3A_521, %sub3A_523 : vector<100x64xf32>
    %slice3A_525 = vector.extract_strided_slice %get3A_13 {offsets = [46, 0], sizes = [1, 64], strides = [1, 1]} : vector<56x64xf32> to vector<1x64xf32>
    %div3A_526 = vector.broadcast %slice3A_525 : vector<1x64xf32> to vector<100x64xf32>
    %div3A_527 = arith.divf %sub3A_524, %div3A_526 : vector<100x64xf32>
    %mul3A_528 = vector.broadcast %get3A_16 : vector<1x64xf32> to vector<100x64xf32>
    %mul3A_529 = arith.mulf %div3A_527, %mul3A_528 : vector<100x64xf32>
    %add3A_530 = vector.broadcast %get3A_19 : vector<1x64xf32> to vector<100x64xf32>
    %add3A_531 = arith.addf %mul3A_529, %add3A_530 : vector<100x64xf32>
    %slice3A_532 = vector.extract_strided_slice %get3A_4 {offsets = [4700, 0], sizes = [100, 64], strides = [1, 1]} : vector<5600x64xf32> to vector<100x64xf32>
    %slice3A_533 = vector.extract_strided_slice %get3A_10 {offsets = [47, 0], sizes = [1, 64], strides = [1, 1]} : vector<56x64xf32> to vector<1x64xf32>
    %sub3A_534 = vector.broadcast %slice3A_533 : vector<1x64xf32> to vector<100x64xf32>
    %sub3A_535 = arith.subf %slice3A_532, %sub3A_534 : vector<100x64xf32>
    %slice3A_536 = vector.extract_strided_slice %get3A_13 {offsets = [47, 0], sizes = [1, 64], strides = [1, 1]} : vector<56x64xf32> to vector<1x64xf32>
    %div3A_537 = vector.broadcast %slice3A_536 : vector<1x64xf32> to vector<100x64xf32>
    %div3A_538 = arith.divf %sub3A_535, %div3A_537 : vector<100x64xf32>
    %mul3A_539 = vector.broadcast %get3A_16 : vector<1x64xf32> to vector<100x64xf32>
    %mul3A_540 = arith.mulf %div3A_538, %mul3A_539 : vector<100x64xf32>
    %add3A_541 = vector.broadcast %get3A_19 : vector<1x64xf32> to vector<100x64xf32>
    %add3A_542 = arith.addf %mul3A_540, %add3A_541 : vector<100x64xf32>
    %slice3A_543 = vector.extract_strided_slice %get3A_4 {offsets = [4800, 0], sizes = [100, 64], strides = [1, 1]} : vector<5600x64xf32> to vector<100x64xf32>
    %slice3A_544 = vector.extract_strided_slice %get3A_10 {offsets = [48, 0], sizes = [1, 64], strides = [1, 1]} : vector<56x64xf32> to vector<1x64xf32>
    %sub3A_545 = vector.broadcast %slice3A_544 : vector<1x64xf32> to vector<100x64xf32>
    %sub3A_546 = arith.subf %slice3A_543, %sub3A_545 : vector<100x64xf32>
    %slice3A_547 = vector.extract_strided_slice %get3A_13 {offsets = [48, 0], sizes = [1, 64], strides = [1, 1]} : vector<56x64xf32> to vector<1x64xf32>
    %div3A_548 = vector.broadcast %slice3A_547 : vector<1x64xf32> to vector<100x64xf32>
    %div3A_549 = arith.divf %sub3A_546, %div3A_548 : vector<100x64xf32>
    %mul3A_550 = vector.broadcast %get3A_16 : vector<1x64xf32> to vector<100x64xf32>
    %mul3A_551 = arith.mulf %div3A_549, %mul3A_550 : vector<100x64xf32>
    %add3A_552 = vector.broadcast %get3A_19 : vector<1x64xf32> to vector<100x64xf32>
    %add3A_553 = arith.addf %mul3A_551, %add3A_552 : vector<100x64xf32>
    %slice3A_554 = vector.extract_strided_slice %get3A_4 {offsets = [4900, 0], sizes = [100, 64], strides = [1, 1]} : vector<5600x64xf32> to vector<100x64xf32>
    %slice3A_555 = vector.extract_strided_slice %get3A_10 {offsets = [49, 0], sizes = [1, 64], strides = [1, 1]} : vector<56x64xf32> to vector<1x64xf32>
    %sub3A_556 = vector.broadcast %slice3A_555 : vector<1x64xf32> to vector<100x64xf32>
    %sub3A_557 = arith.subf %slice3A_554, %sub3A_556 : vector<100x64xf32>
    %slice3A_558 = vector.extract_strided_slice %get3A_13 {offsets = [49, 0], sizes = [1, 64], strides = [1, 1]} : vector<56x64xf32> to vector<1x64xf32>
    %div3A_559 = vector.broadcast %slice3A_558 : vector<1x64xf32> to vector<100x64xf32>
    %div3A_560 = arith.divf %sub3A_557, %div3A_559 : vector<100x64xf32>
    %mul3A_561 = vector.broadcast %get3A_16 : vector<1x64xf32> to vector<100x64xf32>
    %mul3A_562 = arith.mulf %div3A_560, %mul3A_561 : vector<100x64xf32>
    %add3A_563 = vector.broadcast %get3A_19 : vector<1x64xf32> to vector<100x64xf32>
    %add3A_564 = arith.addf %mul3A_562, %add3A_563 : vector<100x64xf32>
    %slice3A_565 = vector.extract_strided_slice %get3A_4 {offsets = [5000, 0], sizes = [100, 64], strides = [1, 1]} : vector<5600x64xf32> to vector<100x64xf32>
    %slice3A_566 = vector.extract_strided_slice %get3A_10 {offsets = [50, 0], sizes = [1, 64], strides = [1, 1]} : vector<56x64xf32> to vector<1x64xf32>
    %sub3A_567 = vector.broadcast %slice3A_566 : vector<1x64xf32> to vector<100x64xf32>
    %sub3A_568 = arith.subf %slice3A_565, %sub3A_567 : vector<100x64xf32>
    %slice3A_569 = vector.extract_strided_slice %get3A_13 {offsets = [50, 0], sizes = [1, 64], strides = [1, 1]} : vector<56x64xf32> to vector<1x64xf32>
    %div3A_570 = vector.broadcast %slice3A_569 : vector<1x64xf32> to vector<100x64xf32>
    %div3A_571 = arith.divf %sub3A_568, %div3A_570 : vector<100x64xf32>
    %mul3A_572 = vector.broadcast %get3A_16 : vector<1x64xf32> to vector<100x64xf32>
    %mul3A_573 = arith.mulf %div3A_571, %mul3A_572 : vector<100x64xf32>
    %add3A_574 = vector.broadcast %get3A_19 : vector<1x64xf32> to vector<100x64xf32>
    %add3A_575 = arith.addf %mul3A_573, %add3A_574 : vector<100x64xf32>
    %slice3A_576 = vector.extract_strided_slice %get3A_4 {offsets = [5100, 0], sizes = [100, 64], strides = [1, 1]} : vector<5600x64xf32> to vector<100x64xf32>
    %slice3A_577 = vector.extract_strided_slice %get3A_10 {offsets = [51, 0], sizes = [1, 64], strides = [1, 1]} : vector<56x64xf32> to vector<1x64xf32>
    %sub3A_578 = vector.broadcast %slice3A_577 : vector<1x64xf32> to vector<100x64xf32>
    %sub3A_579 = arith.subf %slice3A_576, %sub3A_578 : vector<100x64xf32>
    %slice3A_580 = vector.extract_strided_slice %get3A_13 {offsets = [51, 0], sizes = [1, 64], strides = [1, 1]} : vector<56x64xf32> to vector<1x64xf32>
    %div3A_581 = vector.broadcast %slice3A_580 : vector<1x64xf32> to vector<100x64xf32>
    %div3A_582 = arith.divf %sub3A_579, %div3A_581 : vector<100x64xf32>
    %mul3A_583 = vector.broadcast %get3A_16 : vector<1x64xf32> to vector<100x64xf32>
    %mul3A_584 = arith.mulf %div3A_582, %mul3A_583 : vector<100x64xf32>
    %add3A_585 = vector.broadcast %get3A_19 : vector<1x64xf32> to vector<100x64xf32>
    %add3A_586 = arith.addf %mul3A_584, %add3A_585 : vector<100x64xf32>
    %slice3A_587 = vector.extract_strided_slice %get3A_4 {offsets = [5200, 0], sizes = [100, 64], strides = [1, 1]} : vector<5600x64xf32> to vector<100x64xf32>
    %slice3A_588 = vector.extract_strided_slice %get3A_10 {offsets = [52, 0], sizes = [1, 64], strides = [1, 1]} : vector<56x64xf32> to vector<1x64xf32>
    %sub3A_589 = vector.broadcast %slice3A_588 : vector<1x64xf32> to vector<100x64xf32>
    %sub3A_590 = arith.subf %slice3A_587, %sub3A_589 : vector<100x64xf32>
    %slice3A_591 = vector.extract_strided_slice %get3A_13 {offsets = [52, 0], sizes = [1, 64], strides = [1, 1]} : vector<56x64xf32> to vector<1x64xf32>
    %div3A_592 = vector.broadcast %slice3A_591 : vector<1x64xf32> to vector<100x64xf32>
    %div3A_593 = arith.divf %sub3A_590, %div3A_592 : vector<100x64xf32>
    %mul3A_594 = vector.broadcast %get3A_16 : vector<1x64xf32> to vector<100x64xf32>
    %mul3A_595 = arith.mulf %div3A_593, %mul3A_594 : vector<100x64xf32>
    %add3A_596 = vector.broadcast %get3A_19 : vector<1x64xf32> to vector<100x64xf32>
    %add3A_597 = arith.addf %mul3A_595, %add3A_596 : vector<100x64xf32>
    %slice3A_598 = vector.extract_strided_slice %get3A_4 {offsets = [5300, 0], sizes = [100, 64], strides = [1, 1]} : vector<5600x64xf32> to vector<100x64xf32>
    %slice3A_599 = vector.extract_strided_slice %get3A_10 {offsets = [53, 0], sizes = [1, 64], strides = [1, 1]} : vector<56x64xf32> to vector<1x64xf32>
    %sub3A_600 = vector.broadcast %slice3A_599 : vector<1x64xf32> to vector<100x64xf32>
    %sub3A_601 = arith.subf %slice3A_598, %sub3A_600 : vector<100x64xf32>
    %slice3A_602 = vector.extract_strided_slice %get3A_13 {offsets = [53, 0], sizes = [1, 64], strides = [1, 1]} : vector<56x64xf32> to vector<1x64xf32>
    %div3A_603 = vector.broadcast %slice3A_602 : vector<1x64xf32> to vector<100x64xf32>
    %div3A_604 = arith.divf %sub3A_601, %div3A_603 : vector<100x64xf32>
    %mul3A_605 = vector.broadcast %get3A_16 : vector<1x64xf32> to vector<100x64xf32>
    %mul3A_606 = arith.mulf %div3A_604, %mul3A_605 : vector<100x64xf32>
    %add3A_607 = vector.broadcast %get3A_19 : vector<1x64xf32> to vector<100x64xf32>
    %add3A_608 = arith.addf %mul3A_606, %add3A_607 : vector<100x64xf32>
    %slice3A_609 = vector.extract_strided_slice %get3A_4 {offsets = [5400, 0], sizes = [100, 64], strides = [1, 1]} : vector<5600x64xf32> to vector<100x64xf32>
    %slice3A_610 = vector.extract_strided_slice %get3A_10 {offsets = [54, 0], sizes = [1, 64], strides = [1, 1]} : vector<56x64xf32> to vector<1x64xf32>
    %sub3A_611 = vector.broadcast %slice3A_610 : vector<1x64xf32> to vector<100x64xf32>
    %sub3A_612 = arith.subf %slice3A_609, %sub3A_611 : vector<100x64xf32>
    %slice3A_613 = vector.extract_strided_slice %get3A_13 {offsets = [54, 0], sizes = [1, 64], strides = [1, 1]} : vector<56x64xf32> to vector<1x64xf32>
    %div3A_614 = vector.broadcast %slice3A_613 : vector<1x64xf32> to vector<100x64xf32>
    %div3A_615 = arith.divf %sub3A_612, %div3A_614 : vector<100x64xf32>
    %mul3A_616 = vector.broadcast %get3A_16 : vector<1x64xf32> to vector<100x64xf32>
    %mul3A_617 = arith.mulf %div3A_615, %mul3A_616 : vector<100x64xf32>
    %add3A_618 = vector.broadcast %get3A_19 : vector<1x64xf32> to vector<100x64xf32>
    %add3A_619 = arith.addf %mul3A_617, %add3A_618 : vector<100x64xf32>
    %slice3A_620 = vector.extract_strided_slice %get3A_4 {offsets = [5500, 0], sizes = [100, 64], strides = [1, 1]} : vector<5600x64xf32> to vector<100x64xf32>
    %slice3A_621 = vector.extract_strided_slice %get3A_10 {offsets = [55, 0], sizes = [1, 64], strides = [1, 1]} : vector<56x64xf32> to vector<1x64xf32>
    %sub3A_622 = vector.broadcast %slice3A_621 : vector<1x64xf32> to vector<100x64xf32>
    %sub3A_623 = arith.subf %slice3A_620, %sub3A_622 : vector<100x64xf32>
    %slice3A_624 = vector.extract_strided_slice %get3A_13 {offsets = [55, 0], sizes = [1, 64], strides = [1, 1]} : vector<56x64xf32> to vector<1x64xf32>
    %div3A_625 = vector.broadcast %slice3A_624 : vector<1x64xf32> to vector<100x64xf32>
    %div3A_626 = arith.divf %sub3A_623, %div3A_625 : vector<100x64xf32>
    %mul3A_627 = vector.broadcast %get3A_16 : vector<1x64xf32> to vector<100x64xf32>
    %mul3A_628 = arith.mulf %div3A_626, %mul3A_627 : vector<100x64xf32>
    %add3A_629 = vector.broadcast %get3A_19 : vector<1x64xf32> to vector<100x64xf32>
    %add3A_630 = arith.addf %mul3A_628, %add3A_629 : vector<100x64xf32>
    %concatenate3A = tpu.concatenate %add3A_25, %add3A_36, %add3A_47, %add3A_58, %add3A_69, %add3A_80, %add3A_91, %add3A_102, %add3A_113, %add3A_124, %add3A_135, %add3A_146, %add3A_157, %add3A_168, %add3A_179, %add3A_190, %add3A_201, %add3A_212, %add3A_223, %add3A_234, %add3A_245, %add3A_256, %add3A_267, %add3A_278, %add3A_289, %add3A_300, %add3A_311, %add3A_322, %add3A_333, %add3A_344, %add3A_355, %add3A_366, %add3A_377, %add3A_388, %add3A_399, %add3A_410, %add3A_421, %add3A_432, %add3A_443, %add3A_454, %add3A_465, %add3A_476, %add3A_487, %add3A_498, %add3A_509, %add3A_520, %add3A_531, %add3A_542, %add3A_553, %add3A_564, %add3A_575, %add3A_586, %add3A_597, %add3A_608, %add3A_619, %add3A_630 in 0 : vector<100x64xf32>, vector<100x64xf32>, vector<100x64xf32>, vector<100x64xf32>, vector<100x64xf32>, vector<100x64xf32>, vector<100x64xf32>, vector<100x64xf32>, vector<100x64xf32>, vector<100x64xf32>, vector<100x64xf32>, vector<100x64xf32>, vector<100x64xf32>, vector<100x64xf32>, vector<100x64xf32>, vector<100x64xf32>, vector<100x64xf32>, vector<100x64xf32>, vector<100x64xf32>, vector<100x64xf32>, vector<100x64xf32>, vector<100x64xf32>, vector<100x64xf32>, vector<100x64xf32>, vector<100x64xf32>, vector<100x64xf32>, vector<100x64xf32>, vector<100x64xf32>, vector<100x64xf32>, vector<100x64xf32>, vector<100x64xf32>, vector<100x64xf32>, vector<100x64xf32>, vector<100x64xf32>, vector<100x64xf32>, vector<100x64xf32>, vector<100x64xf32>, vector<100x64xf32>, vector<100x64xf32>, vector<100x64xf32>, vector<100x64xf32>, vector<100x64xf32>, vector<100x64xf32>, vector<100x64xf32>, vector<100x64xf32>, vector<100x64xf32>, vector<100x64xf32>, vector<100x64xf32>, vector<100x64xf32>, vector<100x64xf32>, vector<100x64xf32>, vector<100x64xf32>, vector<100x64xf32>, vector<100x64xf32>, vector<100x64xf32>, vector<100x64xf32> -> vector<5600x64xf32>
    %convert_element_type3A_631 = arith.truncf %concatenate3A : vector<5600x64xf32> to vector<5600x64xbf16>
    %convert_element_type3A_632 = arith.extf %convert_element_type3A_631 : vector<5600x64xbf16> to vector<5600x64xf32>
    %sub3A_633 = arith.subf %concatenate3A, %convert_element_type3A_632 : vector<5600x64xf32>
    %convert_element_type3A_634 = arith.truncf %sub3A_633 : vector<5600x64xf32> to vector<5600x64xbf16>
    %convert_element_type3A_635 = arith.extf %convert_element_type3A_634 : vector<5600x64xbf16> to vector<5600x64xf32>
    %sub3A_636 = arith.subf %sub3A_633, %convert_element_type3A_635 : vector<5600x64xf32>
    %convert_element_type3A_637 = arith.truncf %sub3A_636 : vector<5600x64xf32> to vector<5600x64xbf16>
    %concatenate3A_638 = tpu.concatenate %convert_element_type3A_631, %convert_element_type3A_634, %convert_element_type3A_637 in 1 : vector<5600x64xbf16>, vector<5600x64xbf16>, vector<5600x64xbf16> -> vector<5600x192xbf16>
    %slice3A_639 = vector.extract_strided_slice %convert_element_type3A {offsets = [0, 0], sizes = [100, 100], strides = [1, 1]} : vector<5600x100xbf16> to vector<100x100xbf16>
    %slice3A_640 = vector.extract_strided_slice %concatenate3A_638 {offsets = [0, 0], sizes = [100, 192], strides = [1, 1]} : vector<5600x192xbf16> to vector<100x192xbf16>
    %dot_general3A = arith.constant dense<0.000000e+00> : vector<100x192xf32>
    %dot_general3A_641 = tpu.matmul %slice3A_639, %slice3A_640, %dot_general3A {dimension_numbers = #tpu.dot_dimension_numbers<[1], [0], [0], [1], [0, 0, 1, 1], [], []>, transpose_lhs_hint = false} : vector<100x100xbf16>, vector<100x192xbf16>, vector<100x192xf32> -> vector<100x192xf32>
    %slice3A_642 = vector.extract_strided_slice %convert_element_type3A {offsets = [100, 0], sizes = [100, 100], strides = [1, 1]} : vector<5600x100xbf16> to vector<100x100xbf16>
    %slice3A_643 = vector.extract_strided_slice %concatenate3A_638 {offsets = [100, 0], sizes = [100, 192], strides = [1, 1]} : vector<5600x192xbf16> to vector<100x192xbf16>
    %dot_general3A_644 = arith.constant dense<0.000000e+00> : vector<100x192xf32>
    %dot_general3A_645 = tpu.matmul %slice3A_642, %slice3A_643, %dot_general3A_644 {dimension_numbers = #tpu.dot_dimension_numbers<[1], [0], [0], [1], [0, 0, 1, 1], [], []>, transpose_lhs_hint = false} : vector<100x100xbf16>, vector<100x192xbf16>, vector<100x192xf32> -> vector<100x192xf32>
    %slice3A_646 = vector.extract_strided_slice %convert_element_type3A {offsets = [200, 0], sizes = [100, 100], strides = [1, 1]} : vector<5600x100xbf16> to vector<100x100xbf16>
    %slice3A_647 = vector.extract_strided_slice %concatenate3A_638 {offsets = [200, 0], sizes = [100, 192], strides = [1, 1]} : vector<5600x192xbf16> to vector<100x192xbf16>
    %dot_general3A_648 = arith.constant dense<0.000000e+00> : vector<100x192xf32>
    %dot_general3A_649 = tpu.matmul %slice3A_646, %slice3A_647, %dot_general3A_648 {dimension_numbers = #tpu.dot_dimension_numbers<[1], [0], [0], [1], [0, 0, 1, 1], [], []>, transpose_lhs_hint = false} : vector<100x100xbf16>, vector<100x192xbf16>, vector<100x192xf32> -> vector<100x192xf32>
    %slice3A_650 = vector.extract_strided_slice %convert_element_type3A {offsets = [300, 0], sizes = [100, 100], strides = [1, 1]} : vector<5600x100xbf16> to vector<100x100xbf16>
    %slice3A_651 = vector.extract_strided_slice %concatenate3A_638 {offsets = [300, 0], sizes = [100, 192], strides = [1, 1]} : vector<5600x192xbf16> to vector<100x192xbf16>
    %dot_general3A_652 = arith.constant dense<0.000000e+00> : vector<100x192xf32>
    %dot_general3A_653 = tpu.matmul %slice3A_650, %slice3A_651, %dot_general3A_652 {dimension_numbers = #tpu.dot_dimension_numbers<[1], [0], [0], [1], [0, 0, 1, 1], [], []>, transpose_lhs_hint = false} : vector<100x100xbf16>, vector<100x192xbf16>, vector<100x192xf32> -> vector<100x192xf32>
    %slice3A_654 = vector.extract_strided_slice %convert_element_type3A {offsets = [400, 0], sizes = [100, 100], strides = [1, 1]} : vector<5600x100xbf16> to vector<100x100xbf16>
    %slice3A_655 = vector.extract_strided_slice %concatenate3A_638 {offsets = [400, 0], sizes = [100, 192], strides = [1, 1]} : vector<5600x192xbf16> to vector<100x192xbf16>
    %dot_general3A_656 = arith.constant dense<0.000000e+00> : vector<100x192xf32>
    %dot_general3A_657 = tpu.matmul %slice3A_654, %slice3A_655, %dot_general3A_656 {dimension_numbers = #tpu.dot_dimension_numbers<[1], [0], [0], [1], [0, 0, 1, 1], [], []>, transpose_lhs_hint = false} : vector<100x100xbf16>, vector<100x192xbf16>, vector<100x192xf32> -> vector<100x192xf32>
    %slice3A_658 = vector.extract_strided_slice %convert_element_type3A {offsets = [500, 0], sizes = [100, 100], strides = [1, 1]} : vector<5600x100xbf16> to vector<100x100xbf16>
    %slice3A_659 = vector.extract_strided_slice %concatenate3A_638 {offsets = [500, 0], sizes = [100, 192], strides = [1, 1]} : vector<5600x192xbf16> to vector<100x192xbf16>
    %dot_general3A_660 = arith.constant dense<0.000000e+00> : vector<100x192xf32>
    %dot_general3A_661 = tpu.matmul %slice3A_658, %slice3A_659, %dot_general3A_660 {dimension_numbers = #tpu.dot_dimension_numbers<[1], [0], [0], [1], [0, 0, 1, 1], [], []>, transpose_lhs_hint = false} : vector<100x100xbf16>, vector<100x192xbf16>, vector<100x192xf32> -> vector<100x192xf32>
    %slice3A_662 = vector.extract_strided_slice %convert_element_type3A {offsets = [600, 0], sizes = [100, 100], strides = [1, 1]} : vector<5600x100xbf16> to vector<100x100xbf16>
    %slice3A_663 = vector.extract_strided_slice %concatenate3A_638 {offsets = [600, 0], sizes = [100, 192], strides = [1, 1]} : vector<5600x192xbf16> to vector<100x192xbf16>
    %dot_general3A_664 = arith.constant dense<0.000000e+00> : vector<100x192xf32>
    %dot_general3A_665 = tpu.matmul %slice3A_662, %slice3A_663, %dot_general3A_664 {dimension_numbers = #tpu.dot_dimension_numbers<[1], [0], [0], [1], [0, 0, 1, 1], [], []>, transpose_lhs_hint = false} : vector<100x100xbf16>, vector<100x192xbf16>, vector<100x192xf32> -> vector<100x192xf32>
    %slice3A_666 = vector.extract_strided_slice %convert_element_type3A {offsets = [700, 0], sizes = [100, 100], strides = [1, 1]} : vector<5600x100xbf16> to vector<100x100xbf16>
    %slice3A_667 = vector.extract_strided_slice %concatenate3A_638 {offsets = [700, 0], sizes = [100, 192], strides = [1, 1]} : vector<5600x192xbf16> to vector<100x192xbf16>
    %dot_general3A_668 = arith.constant dense<0.000000e+00> : vector<100x192xf32>
    %dot_general3A_669 = tpu.matmul %slice3A_666, %slice3A_667, %dot_general3A_668 {dimension_numbers = #tpu.dot_dimension_numbers<[1], [0], [0], [1], [0, 0, 1, 1], [], []>, transpose_lhs_hint = false} : vector<100x100xbf16>, vector<100x192xbf16>, vector<100x192xf32> -> vector<100x192xf32>
    %slice3A_670 = vector.extract_strided_slice %convert_element_type3A {offsets = [800, 0], sizes = [100, 100], strides = [1, 1]} : vector<5600x100xbf16> to vector<100x100xbf16>
    %slice3A_671 = vector.extract_strided_slice %concatenate3A_638 {offsets = [800, 0], sizes = [100, 192], strides = [1, 1]} : vector<5600x192xbf16> to vector<100x192xbf16>
    %dot_general3A_672 = arith.constant dense<0.000000e+00> : vector<100x192xf32>
    %dot_general3A_673 = tpu.matmul %slice3A_670, %slice3A_671, %dot_general3A_672 {dimension_numbers = #tpu.dot_dimension_numbers<[1], [0], [0], [1], [0, 0, 1, 1], [], []>, transpose_lhs_hint = false} : vector<100x100xbf16>, vector<100x192xbf16>, vector<100x192xf32> -> vector<100x192xf32>
    %slice3A_674 = vector.extract_strided_slice %convert_element_type3A {offsets = [900, 0], sizes = [100, 100], strides = [1, 1]} : vector<5600x100xbf16> to vector<100x100xbf16>
    %slice3A_675 = vector.extract_strided_slice %concatenate3A_638 {offsets = [900, 0], sizes = [100, 192], strides = [1, 1]} : vector<5600x192xbf16> to vector<100x192xbf16>
    %dot_general3A_676 = arith.constant dense<0.000000e+00> : vector<100x192xf32>
    %dot_general3A_677 = tpu.matmul %slice3A_674, %slice3A_675, %dot_general3A_676 {dimension_numbers = #tpu.dot_dimension_numbers<[1], [0], [0], [1], [0, 0, 1, 1], [], []>, transpose_lhs_hint = false} : vector<100x100xbf16>, vector<100x192xbf16>, vector<100x192xf32> -> vector<100x192xf32>
    %slice3A_678 = vector.extract_strided_slice %convert_element_type3A {offsets = [1000, 0], sizes = [100, 100], strides = [1, 1]} : vector<5600x100xbf16> to vector<100x100xbf16>
    %slice3A_679 = vector.extract_strided_slice %concatenate3A_638 {offsets = [1000, 0], sizes = [100, 192], strides = [1, 1]} : vector<5600x192xbf16> to vector<100x192xbf16>
    %dot_general3A_680 = arith.constant dense<0.000000e+00> : vector<100x192xf32>
    %dot_general3A_681 = tpu.matmul %slice3A_678, %slice3A_679, %dot_general3A_680 {dimension_numbers = #tpu.dot_dimension_numbers<[1], [0], [0], [1], [0, 0, 1, 1], [], []>, transpose_lhs_hint = false} : vector<100x100xbf16>, vector<100x192xbf16>, vector<100x192xf32> -> vector<100x192xf32>
    %slice3A_682 = vector.extract_strided_slice %convert_element_type3A {offsets = [1100, 0], sizes = [100, 100], strides = [1, 1]} : vector<5600x100xbf16> to vector<100x100xbf16>
    %slice3A_683 = vector.extract_strided_slice %concatenate3A_638 {offsets = [1100, 0], sizes = [100, 192], strides = [1, 1]} : vector<5600x192xbf16> to vector<100x192xbf16>
    %dot_general3A_684 = arith.constant dense<0.000000e+00> : vector<100x192xf32>
    %dot_general3A_685 = tpu.matmul %slice3A_682, %slice3A_683, %dot_general3A_684 {dimension_numbers = #tpu.dot_dimension_numbers<[1], [0], [0], [1], [0, 0, 1, 1], [], []>, transpose_lhs_hint = false} : vector<100x100xbf16>, vector<100x192xbf16>, vector<100x192xf32> -> vector<100x192xf32>
    %slice3A_686 = vector.extract_strided_slice %convert_element_type3A {offsets = [1200, 0], sizes = [100, 100], strides = [1, 1]} : vector<5600x100xbf16> to vector<100x100xbf16>
    %slice3A_687 = vector.extract_strided_slice %concatenate3A_638 {offsets = [1200, 0], sizes = [100, 192], strides = [1, 1]} : vector<5600x192xbf16> to vector<100x192xbf16>
    %dot_general3A_688 = arith.constant dense<0.000000e+00> : vector<100x192xf32>
    %dot_general3A_689 = tpu.matmul %slice3A_686, %slice3A_687, %dot_general3A_688 {dimension_numbers = #tpu.dot_dimension_numbers<[1], [0], [0], [1], [0, 0, 1, 1], [], []>, transpose_lhs_hint = false} : vector<100x100xbf16>, vector<100x192xbf16>, vector<100x192xf32> -> vector<100x192xf32>
    %slice3A_690 = vector.extract_strided_slice %convert_element_type3A {offsets = [1300, 0], sizes = [100, 100], strides = [1, 1]} : vector<5600x100xbf16> to vector<100x100xbf16>
    %slice3A_691 = vector.extract_strided_slice %concatenate3A_638 {offsets = [1300, 0], sizes = [100, 192], strides = [1, 1]} : vector<5600x192xbf16> to vector<100x192xbf16>
    %dot_general3A_692 = arith.constant dense<0.000000e+00> : vector<100x192xf32>
    %dot_general3A_693 = tpu.matmul %slice3A_690, %slice3A_691, %dot_general3A_692 {dimension_numbers = #tpu.dot_dimension_numbers<[1], [0], [0], [1], [0, 0, 1, 1], [], []>, transpose_lhs_hint = false} : vector<100x100xbf16>, vector<100x192xbf16>, vector<100x192xf32> -> vector<100x192xf32>
    %slice3A_694 = vector.extract_strided_slice %convert_element_type3A {offsets = [1400, 0], sizes = [100, 100], strides = [1, 1]} : vector<5600x100xbf16> to vector<100x100xbf16>
    %slice3A_695 = vector.extract_strided_slice %concatenate3A_638 {offsets = [1400, 0], sizes = [100, 192], strides = [1, 1]} : vector<5600x192xbf16> to vector<100x192xbf16>
    %dot_general3A_696 = arith.constant dense<0.000000e+00> : vector<100x192xf32>
    %dot_general3A_697 = tpu.matmul %slice3A_694, %slice3A_695, %dot_general3A_696 {dimension_numbers = #tpu.dot_dimension_numbers<[1], [0], [0], [1], [0, 0, 1, 1], [], []>, transpose_lhs_hint = false} : vector<100x100xbf16>, vector<100x192xbf16>, vector<100x192xf32> -> vector<100x192xf32>
    %slice3A_698 = vector.extract_strided_slice %convert_element_type3A {offsets = [1500, 0], sizes = [100, 100], strides = [1, 1]} : vector<5600x100xbf16> to vector<100x100xbf16>
    %slice3A_699 = vector.extract_strided_slice %concatenate3A_638 {offsets = [1500, 0], sizes = [100, 192], strides = [1, 1]} : vector<5600x192xbf16> to vector<100x192xbf16>
    %dot_general3A_700 = arith.constant dense<0.000000e+00> : vector<100x192xf32>
    %dot_general3A_701 = tpu.matmul %slice3A_698, %slice3A_699, %dot_general3A_700 {dimension_numbers = #tpu.dot_dimension_numbers<[1], [0], [0], [1], [0, 0, 1, 1], [], []>, transpose_lhs_hint = false} : vector<100x100xbf16>, vector<100x192xbf16>, vector<100x192xf32> -> vector<100x192xf32>
    %slice3A_702 = vector.extract_strided_slice %convert_element_type3A {offsets = [1600, 0], sizes = [100, 100], strides = [1, 1]} : vector<5600x100xbf16> to vector<100x100xbf16>
    %slice3A_703 = vector.extract_strided_slice %concatenate3A_638 {offsets = [1600, 0], sizes = [100, 192], strides = [1, 1]} : vector<5600x192xbf16> to vector<100x192xbf16>
    %dot_general3A_704 = arith.constant dense<0.000000e+00> : vector<100x192xf32>
    %dot_general3A_705 = tpu.matmul %slice3A_702, %slice3A_703, %dot_general3A_704 {dimension_numbers = #tpu.dot_dimension_numbers<[1], [0], [0], [1], [0, 0, 1, 1], [], []>, transpose_lhs_hint = false} : vector<100x100xbf16>, vector<100x192xbf16>, vector<100x192xf32> -> vector<100x192xf32>
    %slice3A_706 = vector.extract_strided_slice %convert_element_type3A {offsets = [1700, 0], sizes = [100, 100], strides = [1, 1]} : vector<5600x100xbf16> to vector<100x100xbf16>
    %slice3A_707 = vector.extract_strided_slice %concatenate3A_638 {offsets = [1700, 0], sizes = [100, 192], strides = [1, 1]} : vector<5600x192xbf16> to vector<100x192xbf16>
    %dot_general3A_708 = arith.constant dense<0.000000e+00> : vector<100x192xf32>
    %dot_general3A_709 = tpu.matmul %slice3A_706, %slice3A_707, %dot_general3A_708 {dimension_numbers = #tpu.dot_dimension_numbers<[1], [0], [0], [1], [0, 0, 1, 1], [], []>, transpose_lhs_hint = false} : vector<100x100xbf16>, vector<100x192xbf16>, vector<100x192xf32> -> vector<100x192xf32>
    %slice3A_710 = vector.extract_strided_slice %convert_element_type3A {offsets = [1800, 0], sizes = [100, 100], strides = [1, 1]} : vector<5600x100xbf16> to vector<100x100xbf16>
    %slice3A_711 = vector.extract_strided_slice %concatenate3A_638 {offsets = [1800, 0], sizes = [100, 192], strides = [1, 1]} : vector<5600x192xbf16> to vector<100x192xbf16>
    %dot_general3A_712 = arith.constant dense<0.000000e+00> : vector<100x192xf32>
    %dot_general3A_713 = tpu.matmul %slice3A_710, %slice3A_711, %dot_general3A_712 {dimension_numbers = #tpu.dot_dimension_numbers<[1], [0], [0], [1], [0, 0, 1, 1], [], []>, transpose_lhs_hint = false} : vector<100x100xbf16>, vector<100x192xbf16>, vector<100x192xf32> -> vector<100x192xf32>
    %slice3A_714 = vector.extract_strided_slice %convert_element_type3A {offsets = [1900, 0], sizes = [100, 100], strides = [1, 1]} : vector<5600x100xbf16> to vector<100x100xbf16>
    %slice3A_715 = vector.extract_strided_slice %concatenate3A_638 {offsets = [1900, 0], sizes = [100, 192], strides = [1, 1]} : vector<5600x192xbf16> to vector<100x192xbf16>
    %dot_general3A_716 = arith.constant dense<0.000000e+00> : vector<100x192xf32>
    %dot_general3A_717 = tpu.matmul %slice3A_714, %slice3A_715, %dot_general3A_716 {dimension_numbers = #tpu.dot_dimension_numbers<[1], [0], [0], [1], [0, 0, 1, 1], [], []>, transpose_lhs_hint = false} : vector<100x100xbf16>, vector<100x192xbf16>, vector<100x192xf32> -> vector<100x192xf32>
    %slice3A_718 = vector.extract_strided_slice %convert_element_type3A {offsets = [2000, 0], sizes = [100, 100], strides = [1, 1]} : vector<5600x100xbf16> to vector<100x100xbf16>
    %slice3A_719 = vector.extract_strided_slice %concatenate3A_638 {offsets = [2000, 0], sizes = [100, 192], strides = [1, 1]} : vector<5600x192xbf16> to vector<100x192xbf16>
    %dot_general3A_720 = arith.constant dense<0.000000e+00> : vector<100x192xf32>
    %dot_general3A_721 = tpu.matmul %slice3A_718, %slice3A_719, %dot_general3A_720 {dimension_numbers = #tpu.dot_dimension_numbers<[1], [0], [0], [1], [0, 0, 1, 1], [], []>, transpose_lhs_hint = false} : vector<100x100xbf16>, vector<100x192xbf16>, vector<100x192xf32> -> vector<100x192xf32>
    %slice3A_722 = vector.extract_strided_slice %convert_element_type3A {offsets = [2100, 0], sizes = [100, 100], strides = [1, 1]} : vector<5600x100xbf16> to vector<100x100xbf16>
    %slice3A_723 = vector.extract_strided_slice %concatenate3A_638 {offsets = [2100, 0], sizes = [100, 192], strides = [1, 1]} : vector<5600x192xbf16> to vector<100x192xbf16>
    %dot_general3A_724 = arith.constant dense<0.000000e+00> : vector<100x192xf32>
    %dot_general3A_725 = tpu.matmul %slice3A_722, %slice3A_723, %dot_general3A_724 {dimension_numbers = #tpu.dot_dimension_numbers<[1], [0], [0], [1], [0, 0, 1, 1], [], []>, transpose_lhs_hint = false} : vector<100x100xbf16>, vector<100x192xbf16>, vector<100x192xf32> -> vector<100x192xf32>
    %slice3A_726 = vector.extract_strided_slice %convert_element_type3A {offsets = [2200, 0], sizes = [100, 100], strides = [1, 1]} : vector<5600x100xbf16> to vector<100x100xbf16>
    %slice3A_727 = vector.extract_strided_slice %concatenate3A_638 {offsets = [2200, 0], sizes = [100, 192], strides = [1, 1]} : vector<5600x192xbf16> to vector<100x192xbf16>
    %dot_general3A_728 = arith.constant dense<0.000000e+00> : vector<100x192xf32>
    %dot_general3A_729 = tpu.matmul %slice3A_726, %slice3A_727, %dot_general3A_728 {dimension_numbers = #tpu.dot_dimension_numbers<[1], [0], [0], [1], [0, 0, 1, 1], [], []>, transpose_lhs_hint = false} : vector<100x100xbf16>, vector<100x192xbf16>, vector<100x192xf32> -> vector<100x192xf32>
    %slice3A_730 = vector.extract_strided_slice %convert_element_type3A {offsets = [2300, 0], sizes = [100, 100], strides = [1, 1]} : vector<5600x100xbf16> to vector<100x100xbf16>
    %slice3A_731 = vector.extract_strided_slice %concatenate3A_638 {offsets = [2300, 0], sizes = [100, 192], strides = [1, 1]} : vector<5600x192xbf16> to vector<100x192xbf16>
    %dot_general3A_732 = arith.constant dense<0.000000e+00> : vector<100x192xf32>
    %dot_general3A_733 = tpu.matmul %slice3A_730, %slice3A_731, %dot_general3A_732 {dimension_numbers = #tpu.dot_dimension_numbers<[1], [0], [0], [1], [0, 0, 1, 1], [], []>, transpose_lhs_hint = false} : vector<100x100xbf16>, vector<100x192xbf16>, vector<100x192xf32> -> vector<100x192xf32>
    %slice3A_734 = vector.extract_strided_slice %convert_element_type3A {offsets = [2400, 0], sizes = [100, 100], strides = [1, 1]} : vector<5600x100xbf16> to vector<100x100xbf16>
    %slice3A_735 = vector.extract_strided_slice %concatenate3A_638 {offsets = [2400, 0], sizes = [100, 192], strides = [1, 1]} : vector<5600x192xbf16> to vector<100x192xbf16>
    %dot_general3A_736 = arith.constant dense<0.000000e+00> : vector<100x192xf32>
    %dot_general3A_737 = tpu.matmul %slice3A_734, %slice3A_735, %dot_general3A_736 {dimension_numbers = #tpu.dot_dimension_numbers<[1], [0], [0], [1], [0, 0, 1, 1], [], []>, transpose_lhs_hint = false} : vector<100x100xbf16>, vector<100x192xbf16>, vector<100x192xf32> -> vector<100x192xf32>
    %slice3A_738 = vector.extract_strided_slice %convert_element_type3A {offsets = [2500, 0], sizes = [100, 100], strides = [1, 1]} : vector<5600x100xbf16> to vector<100x100xbf16>
    %slice3A_739 = vector.extract_strided_slice %concatenate3A_638 {offsets = [2500, 0], sizes = [100, 192], strides = [1, 1]} : vector<5600x192xbf16> to vector<100x192xbf16>
    %dot_general3A_740 = arith.constant dense<0.000000e+00> : vector<100x192xf32>
    %dot_general3A_741 = tpu.matmul %slice3A_738, %slice3A_739, %dot_general3A_740 {dimension_numbers = #tpu.dot_dimension_numbers<[1], [0], [0], [1], [0, 0, 1, 1], [], []>, transpose_lhs_hint = false} : vector<100x100xbf16>, vector<100x192xbf16>, vector<100x192xf32> -> vector<100x192xf32>
    %slice3A_742 = vector.extract_strided_slice %convert_element_type3A {offsets = [2600, 0], sizes = [100, 100], strides = [1, 1]} : vector<5600x100xbf16> to vector<100x100xbf16>
    %slice3A_743 = vector.extract_strided_slice %concatenate3A_638 {offsets = [2600, 0], sizes = [100, 192], strides = [1, 1]} : vector<5600x192xbf16> to vector<100x192xbf16>
    %dot_general3A_744 = arith.constant dense<0.000000e+00> : vector<100x192xf32>
    %dot_general3A_745 = tpu.matmul %slice3A_742, %slice3A_743, %dot_general3A_744 {dimension_numbers = #tpu.dot_dimension_numbers<[1], [0], [0], [1], [0, 0, 1, 1], [], []>, transpose_lhs_hint = false} : vector<100x100xbf16>, vector<100x192xbf16>, vector<100x192xf32> -> vector<100x192xf32>
    %slice3A_746 = vector.extract_strided_slice %convert_element_type3A {offsets = [2700, 0], sizes = [100, 100], strides = [1, 1]} : vector<5600x100xbf16> to vector<100x100xbf16>
    %slice3A_747 = vector.extract_strided_slice %concatenate3A_638 {offsets = [2700, 0], sizes = [100, 192], strides = [1, 1]} : vector<5600x192xbf16> to vector<100x192xbf16>
    %dot_general3A_748 = arith.constant dense<0.000000e+00> : vector<100x192xf32>
    %dot_general3A_749 = tpu.matmul %slice3A_746, %slice3A_747, %dot_general3A_748 {dimension_numbers = #tpu.dot_dimension_numbers<[1], [0], [0], [1], [0, 0, 1, 1], [], []>, transpose_lhs_hint = false} : vector<100x100xbf16>, vector<100x192xbf16>, vector<100x192xf32> -> vector<100x192xf32>
    %slice3A_750 = vector.extract_strided_slice %convert_element_type3A {offsets = [2800, 0], sizes = [100, 100], strides = [1, 1]} : vector<5600x100xbf16> to vector<100x100xbf16>
    %slice3A_751 = vector.extract_strided_slice %concatenate3A_638 {offsets = [2800, 0], sizes = [100, 192], strides = [1, 1]} : vector<5600x192xbf16> to vector<100x192xbf16>
    %dot_general3A_752 = arith.constant dense<0.000000e+00> : vector<100x192xf32>
    %dot_general3A_753 = tpu.matmul %slice3A_750, %slice3A_751, %dot_general3A_752 {dimension_numbers = #tpu.dot_dimension_numbers<[1], [0], [0], [1], [0, 0, 1, 1], [], []>, transpose_lhs_hint = false} : vector<100x100xbf16>, vector<100x192xbf16>, vector<100x192xf32> -> vector<100x192xf32>
    %slice3A_754 = vector.extract_strided_slice %convert_element_type3A {offsets = [2900, 0], sizes = [100, 100], strides = [1, 1]} : vector<5600x100xbf16> to vector<100x100xbf16>
    %slice3A_755 = vector.extract_strided_slice %concatenate3A_638 {offsets = [2900, 0], sizes = [100, 192], strides = [1, 1]} : vector<5600x192xbf16> to vector<100x192xbf16>
    %dot_general3A_756 = arith.constant dense<0.000000e+00> : vector<100x192xf32>
    %dot_general3A_757 = tpu.matmul %slice3A_754, %slice3A_755, %dot_general3A_756 {dimension_numbers = #tpu.dot_dimension_numbers<[1], [0], [0], [1], [0, 0, 1, 1], [], []>, transpose_lhs_hint = false} : vector<100x100xbf16>, vector<100x192xbf16>, vector<100x192xf32> -> vector<100x192xf32>
    %slice3A_758 = vector.extract_strided_slice %convert_element_type3A {offsets = [3000, 0], sizes = [100, 100], strides = [1, 1]} : vector<5600x100xbf16> to vector<100x100xbf16>
    %slice3A_759 = vector.extract_strided_slice %concatenate3A_638 {offsets = [3000, 0], sizes = [100, 192], strides = [1, 1]} : vector<5600x192xbf16> to vector<100x192xbf16>
    %dot_general3A_760 = arith.constant dense<0.000000e+00> : vector<100x192xf32>
    %dot_general3A_761 = tpu.matmul %slice3A_758, %slice3A_759, %dot_general3A_760 {dimension_numbers = #tpu.dot_dimension_numbers<[1], [0], [0], [1], [0, 0, 1, 1], [], []>, transpose_lhs_hint = false} : vector<100x100xbf16>, vector<100x192xbf16>, vector<100x192xf32> -> vector<100x192xf32>
    %slice3A_762 = vector.extract_strided_slice %convert_element_type3A {offsets = [3100, 0], sizes = [100, 100], strides = [1, 1]} : vector<5600x100xbf16> to vector<100x100xbf16>
    %slice3A_763 = vector.extract_strided_slice %concatenate3A_638 {offsets = [3100, 0], sizes = [100, 192], strides = [1, 1]} : vector<5600x192xbf16> to vector<100x192xbf16>
    %dot_general3A_764 = arith.constant dense<0.000000e+00> : vector<100x192xf32>
    %dot_general3A_765 = tpu.matmul %slice3A_762, %slice3A_763, %dot_general3A_764 {dimension_numbers = #tpu.dot_dimension_numbers<[1], [0], [0], [1], [0, 0, 1, 1], [], []>, transpose_lhs_hint = false} : vector<100x100xbf16>, vector<100x192xbf16>, vector<100x192xf32> -> vector<100x192xf32>
    %slice3A_766 = vector.extract_strided_slice %convert_element_type3A {offsets = [3200, 0], sizes = [100, 100], strides = [1, 1]} : vector<5600x100xbf16> to vector<100x100xbf16>
    %slice3A_767 = vector.extract_strided_slice %concatenate3A_638 {offsets = [3200, 0], sizes = [100, 192], strides = [1, 1]} : vector<5600x192xbf16> to vector<100x192xbf16>
    %dot_general3A_768 = arith.constant dense<0.000000e+00> : vector<100x192xf32>
    %dot_general3A_769 = tpu.matmul %slice3A_766, %slice3A_767, %dot_general3A_768 {dimension_numbers = #tpu.dot_dimension_numbers<[1], [0], [0], [1], [0, 0, 1, 1], [], []>, transpose_lhs_hint = false} : vector<100x100xbf16>, vector<100x192xbf16>, vector<100x192xf32> -> vector<100x192xf32>
    %slice3A_770 = vector.extract_strided_slice %convert_element_type3A {offsets = [3300, 0], sizes = [100, 100], strides = [1, 1]} : vector<5600x100xbf16> to vector<100x100xbf16>
    %slice3A_771 = vector.extract_strided_slice %concatenate3A_638 {offsets = [3300, 0], sizes = [100, 192], strides = [1, 1]} : vector<5600x192xbf16> to vector<100x192xbf16>
    %dot_general3A_772 = arith.constant dense<0.000000e+00> : vector<100x192xf32>
    %dot_general3A_773 = tpu.matmul %slice3A_770, %slice3A_771, %dot_general3A_772 {dimension_numbers = #tpu.dot_dimension_numbers<[1], [0], [0], [1], [0, 0, 1, 1], [], []>, transpose_lhs_hint = false} : vector<100x100xbf16>, vector<100x192xbf16>, vector<100x192xf32> -> vector<100x192xf32>
    %slice3A_774 = vector.extract_strided_slice %convert_element_type3A {offsets = [3400, 0], sizes = [100, 100], strides = [1, 1]} : vector<5600x100xbf16> to vector<100x100xbf16>
    %slice3A_775 = vector.extract_strided_slice %concatenate3A_638 {offsets = [3400, 0], sizes = [100, 192], strides = [1, 1]} : vector<5600x192xbf16> to vector<100x192xbf16>
    %dot_general3A_776 = arith.constant dense<0.000000e+00> : vector<100x192xf32>
    %dot_general3A_777 = tpu.matmul %slice3A_774, %slice3A_775, %dot_general3A_776 {dimension_numbers = #tpu.dot_dimension_numbers<[1], [0], [0], [1], [0, 0, 1, 1], [], []>, transpose_lhs_hint = false} : vector<100x100xbf16>, vector<100x192xbf16>, vector<100x192xf32> -> vector<100x192xf32>
    %slice3A_778 = vector.extract_strided_slice %convert_element_type3A {offsets = [3500, 0], sizes = [100, 100], strides = [1, 1]} : vector<5600x100xbf16> to vector<100x100xbf16>
    %slice3A_779 = vector.extract_strided_slice %concatenate3A_638 {offsets = [3500, 0], sizes = [100, 192], strides = [1, 1]} : vector<5600x192xbf16> to vector<100x192xbf16>
    %dot_general3A_780 = arith.constant dense<0.000000e+00> : vector<100x192xf32>
    %dot_general3A_781 = tpu.matmul %slice3A_778, %slice3A_779, %dot_general3A_780 {dimension_numbers = #tpu.dot_dimension_numbers<[1], [0], [0], [1], [0, 0, 1, 1], [], []>, transpose_lhs_hint = false} : vector<100x100xbf16>, vector<100x192xbf16>, vector<100x192xf32> -> vector<100x192xf32>
    %slice3A_782 = vector.extract_strided_slice %convert_element_type3A {offsets = [3600, 0], sizes = [100, 100], strides = [1, 1]} : vector<5600x100xbf16> to vector<100x100xbf16>
    %slice3A_783 = vector.extract_strided_slice %concatenate3A_638 {offsets = [3600, 0], sizes = [100, 192], strides = [1, 1]} : vector<5600x192xbf16> to vector<100x192xbf16>
    %dot_general3A_784 = arith.constant dense<0.000000e+00> : vector<100x192xf32>
    %dot_general3A_785 = tpu.matmul %slice3A_782, %slice3A_783, %dot_general3A_784 {dimension_numbers = #tpu.dot_dimension_numbers<[1], [0], [0], [1], [0, 0, 1, 1], [], []>, transpose_lhs_hint = false} : vector<100x100xbf16>, vector<100x192xbf16>, vector<100x192xf32> -> vector<100x192xf32>
    %slice3A_786 = vector.extract_strided_slice %convert_element_type3A {offsets = [3700, 0], sizes = [100, 100], strides = [1, 1]} : vector<5600x100xbf16> to vector<100x100xbf16>
    %slice3A_787 = vector.extract_strided_slice %concatenate3A_638 {offsets = [3700, 0], sizes = [100, 192], strides = [1, 1]} : vector<5600x192xbf16> to vector<100x192xbf16>
    %dot_general3A_788 = arith.constant dense<0.000000e+00> : vector<100x192xf32>
    %dot_general3A_789 = tpu.matmul %slice3A_786, %slice3A_787, %dot_general3A_788 {dimension_numbers = #tpu.dot_dimension_numbers<[1], [0], [0], [1], [0, 0, 1, 1], [], []>, transpose_lhs_hint = false} : vector<100x100xbf16>, vector<100x192xbf16>, vector<100x192xf32> -> vector<100x192xf32>
    %slice3A_790 = vector.extract_strided_slice %convert_element_type3A {offsets = [3800, 0], sizes = [100, 100], strides = [1, 1]} : vector<5600x100xbf16> to vector<100x100xbf16>
    %slice3A_791 = vector.extract_strided_slice %concatenate3A_638 {offsets = [3800, 0], sizes = [100, 192], strides = [1, 1]} : vector<5600x192xbf16> to vector<100x192xbf16>
    %dot_general3A_792 = arith.constant dense<0.000000e+00> : vector<100x192xf32>
    %dot_general3A_793 = tpu.matmul %slice3A_790, %slice3A_791, %dot_general3A_792 {dimension_numbers = #tpu.dot_dimension_numbers<[1], [0], [0], [1], [0, 0, 1, 1], [], []>, transpose_lhs_hint = false} : vector<100x100xbf16>, vector<100x192xbf16>, vector<100x192xf32> -> vector<100x192xf32>
    %slice3A_794 = vector.extract_strided_slice %convert_element_type3A {offsets = [3900, 0], sizes = [100, 100], strides = [1, 1]} : vector<5600x100xbf16> to vector<100x100xbf16>
    %slice3A_795 = vector.extract_strided_slice %concatenate3A_638 {offsets = [3900, 0], sizes = [100, 192], strides = [1, 1]} : vector<5600x192xbf16> to vector<100x192xbf16>
    %dot_general3A_796 = arith.constant dense<0.000000e+00> : vector<100x192xf32>
    %dot_general3A_797 = tpu.matmul %slice3A_794, %slice3A_795, %dot_general3A_796 {dimension_numbers = #tpu.dot_dimension_numbers<[1], [0], [0], [1], [0, 0, 1, 1], [], []>, transpose_lhs_hint = false} : vector<100x100xbf16>, vector<100x192xbf16>, vector<100x192xf32> -> vector<100x192xf32>
    %slice3A_798 = vector.extract_strided_slice %convert_element_type3A {offsets = [4000, 0], sizes = [100, 100], strides = [1, 1]} : vector<5600x100xbf16> to vector<100x100xbf16>
    %slice3A_799 = vector.extract_strided_slice %concatenate3A_638 {offsets = [4000, 0], sizes = [100, 192], strides = [1, 1]} : vector<5600x192xbf16> to vector<100x192xbf16>
    %dot_general3A_800 = arith.constant dense<0.000000e+00> : vector<100x192xf32>
    %dot_general3A_801 = tpu.matmul %slice3A_798, %slice3A_799, %dot_general3A_800 {dimension_numbers = #tpu.dot_dimension_numbers<[1], [0], [0], [1], [0, 0, 1, 1], [], []>, transpose_lhs_hint = false} : vector<100x100xbf16>, vector<100x192xbf16>, vector<100x192xf32> -> vector<100x192xf32>
    %slice3A_802 = vector.extract_strided_slice %convert_element_type3A {offsets = [4100, 0], sizes = [100, 100], strides = [1, 1]} : vector<5600x100xbf16> to vector<100x100xbf16>
    %slice3A_803 = vector.extract_strided_slice %concatenate3A_638 {offsets = [4100, 0], sizes = [100, 192], strides = [1, 1]} : vector<5600x192xbf16> to vector<100x192xbf16>
    %dot_general3A_804 = arith.constant dense<0.000000e+00> : vector<100x192xf32>
    %dot_general3A_805 = tpu.matmul %slice3A_802, %slice3A_803, %dot_general3A_804 {dimension_numbers = #tpu.dot_dimension_numbers<[1], [0], [0], [1], [0, 0, 1, 1], [], []>, transpose_lhs_hint = false} : vector<100x100xbf16>, vector<100x192xbf16>, vector<100x192xf32> -> vector<100x192xf32>
    %slice3A_806 = vector.extract_strided_slice %convert_element_type3A {offsets = [4200, 0], sizes = [100, 100], strides = [1, 1]} : vector<5600x100xbf16> to vector<100x100xbf16>
    %slice3A_807 = vector.extract_strided_slice %concatenate3A_638 {offsets = [4200, 0], sizes = [100, 192], strides = [1, 1]} : vector<5600x192xbf16> to vector<100x192xbf16>
    %dot_general3A_808 = arith.constant dense<0.000000e+00> : vector<100x192xf32>
    %dot_general3A_809 = tpu.matmul %slice3A_806, %slice3A_807, %dot_general3A_808 {dimension_numbers = #tpu.dot_dimension_numbers<[1], [0], [0], [1], [0, 0, 1, 1], [], []>, transpose_lhs_hint = false} : vector<100x100xbf16>, vector<100x192xbf16>, vector<100x192xf32> -> vector<100x192xf32>
    %slice3A_810 = vector.extract_strided_slice %convert_element_type3A {offsets = [4300, 0], sizes = [100, 100], strides = [1, 1]} : vector<5600x100xbf16> to vector<100x100xbf16>
    %slice3A_811 = vector.extract_strided_slice %concatenate3A_638 {offsets = [4300, 0], sizes = [100, 192], strides = [1, 1]} : vector<5600x192xbf16> to vector<100x192xbf16>
    %dot_general3A_812 = arith.constant dense<0.000000e+00> : vector<100x192xf32>
    %dot_general3A_813 = tpu.matmul %slice3A_810, %slice3A_811, %dot_general3A_812 {dimension_numbers = #tpu.dot_dimension_numbers<[1], [0], [0], [1], [0, 0, 1, 1], [], []>, transpose_lhs_hint = false} : vector<100x100xbf16>, vector<100x192xbf16>, vector<100x192xf32> -> vector<100x192xf32>
    %slice3A_814 = vector.extract_strided_slice %convert_element_type3A {offsets = [4400, 0], sizes = [100, 100], strides = [1, 1]} : vector<5600x100xbf16> to vector<100x100xbf16>
    %slice3A_815 = vector.extract_strided_slice %concatenate3A_638 {offsets = [4400, 0], sizes = [100, 192], strides = [1, 1]} : vector<5600x192xbf16> to vector<100x192xbf16>
    %dot_general3A_816 = arith.constant dense<0.000000e+00> : vector<100x192xf32>
    %dot_general3A_817 = tpu.matmul %slice3A_814, %slice3A_815, %dot_general3A_816 {dimension_numbers = #tpu.dot_dimension_numbers<[1], [0], [0], [1], [0, 0, 1, 1], [], []>, transpose_lhs_hint = false} : vector<100x100xbf16>, vector<100x192xbf16>, vector<100x192xf32> -> vector<100x192xf32>
    %slice3A_818 = vector.extract_strided_slice %convert_element_type3A {offsets = [4500, 0], sizes = [100, 100], strides = [1, 1]} : vector<5600x100xbf16> to vector<100x100xbf16>
    %slice3A_819 = vector.extract_strided_slice %concatenate3A_638 {offsets = [4500, 0], sizes = [100, 192], strides = [1, 1]} : vector<5600x192xbf16> to vector<100x192xbf16>
    %dot_general3A_820 = arith.constant dense<0.000000e+00> : vector<100x192xf32>
    %dot_general3A_821 = tpu.matmul %slice3A_818, %slice3A_819, %dot_general3A_820 {dimension_numbers = #tpu.dot_dimension_numbers<[1], [0], [0], [1], [0, 0, 1, 1], [], []>, transpose_lhs_hint = false} : vector<100x100xbf16>, vector<100x192xbf16>, vector<100x192xf32> -> vector<100x192xf32>
    %slice3A_822 = vector.extract_strided_slice %convert_element_type3A {offsets = [4600, 0], sizes = [100, 100], strides = [1, 1]} : vector<5600x100xbf16> to vector<100x100xbf16>
    %slice3A_823 = vector.extract_strided_slice %concatenate3A_638 {offsets = [4600, 0], sizes = [100, 192], strides = [1, 1]} : vector<5600x192xbf16> to vector<100x192xbf16>
    %dot_general3A_824 = arith.constant dense<0.000000e+00> : vector<100x192xf32>
    %dot_general3A_825 = tpu.matmul %slice3A_822, %slice3A_823, %dot_general3A_824 {dimension_numbers = #tpu.dot_dimension_numbers<[1], [0], [0], [1], [0, 0, 1, 1], [], []>, transpose_lhs_hint = false} : vector<100x100xbf16>, vector<100x192xbf16>, vector<100x192xf32> -> vector<100x192xf32>
    %slice3A_826 = vector.extract_strided_slice %convert_element_type3A {offsets = [4700, 0], sizes = [100, 100], strides = [1, 1]} : vector<5600x100xbf16> to vector<100x100xbf16>
    %slice3A_827 = vector.extract_strided_slice %concatenate3A_638 {offsets = [4700, 0], sizes = [100, 192], strides = [1, 1]} : vector<5600x192xbf16> to vector<100x192xbf16>
    %dot_general3A_828 = arith.constant dense<0.000000e+00> : vector<100x192xf32>
    %dot_general3A_829 = tpu.matmul %slice3A_826, %slice3A_827, %dot_general3A_828 {dimension_numbers = #tpu.dot_dimension_numbers<[1], [0], [0], [1], [0, 0, 1, 1], [], []>, transpose_lhs_hint = false} : vector<100x100xbf16>, vector<100x192xbf16>, vector<100x192xf32> -> vector<100x192xf32>
    %slice3A_830 = vector.extract_strided_slice %convert_element_type3A {offsets = [4800, 0], sizes = [100, 100], strides = [1, 1]} : vector<5600x100xbf16> to vector<100x100xbf16>
    %slice3A_831 = vector.extract_strided_slice %concatenate3A_638 {offsets = [4800, 0], sizes = [100, 192], strides = [1, 1]} : vector<5600x192xbf16> to vector<100x192xbf16>
    %dot_general3A_832 = arith.constant dense<0.000000e+00> : vector<100x192xf32>
    %dot_general3A_833 = tpu.matmul %slice3A_830, %slice3A_831, %dot_general3A_832 {dimension_numbers = #tpu.dot_dimension_numbers<[1], [0], [0], [1], [0, 0, 1, 1], [], []>, transpose_lhs_hint = false} : vector<100x100xbf16>, vector<100x192xbf16>, vector<100x192xf32> -> vector<100x192xf32>
    %slice3A_834 = vector.extract_strided_slice %convert_element_type3A {offsets = [4900, 0], sizes = [100, 100], strides = [1, 1]} : vector<5600x100xbf16> to vector<100x100xbf16>
    %slice3A_835 = vector.extract_strided_slice %concatenate3A_638 {offsets = [4900, 0], sizes = [100, 192], strides = [1, 1]} : vector<5600x192xbf16> to vector<100x192xbf16>
    %dot_general3A_836 = arith.constant dense<0.000000e+00> : vector<100x192xf32>
    %dot_general3A_837 = tpu.matmul %slice3A_834, %slice3A_835, %dot_general3A_836 {dimension_numbers = #tpu.dot_dimension_numbers<[1], [0], [0], [1], [0, 0, 1, 1], [], []>, transpose_lhs_hint = false} : vector<100x100xbf16>, vector<100x192xbf16>, vector<100x192xf32> -> vector<100x192xf32>
    %slice3A_838 = vector.extract_strided_slice %convert_element_type3A {offsets = [5000, 0], sizes = [100, 100], strides = [1, 1]} : vector<5600x100xbf16> to vector<100x100xbf16>
    %slice3A_839 = vector.extract_strided_slice %concatenate3A_638 {offsets = [5000, 0], sizes = [100, 192], strides = [1, 1]} : vector<5600x192xbf16> to vector<100x192xbf16>
    %dot_general3A_840 = arith.constant dense<0.000000e+00> : vector<100x192xf32>
    %dot_general3A_841 = tpu.matmul %slice3A_838, %slice3A_839, %dot_general3A_840 {dimension_numbers = #tpu.dot_dimension_numbers<[1], [0], [0], [1], [0, 0, 1, 1], [], []>, transpose_lhs_hint = false} : vector<100x100xbf16>, vector<100x192xbf16>, vector<100x192xf32> -> vector<100x192xf32>
    %slice3A_842 = vector.extract_strided_slice %convert_element_type3A {offsets = [5100, 0], sizes = [100, 100], strides = [1, 1]} : vector<5600x100xbf16> to vector<100x100xbf16>
    %slice3A_843 = vector.extract_strided_slice %concatenate3A_638 {offsets = [5100, 0], sizes = [100, 192], strides = [1, 1]} : vector<5600x192xbf16> to vector<100x192xbf16>
    %dot_general3A_844 = arith.constant dense<0.000000e+00> : vector<100x192xf32>
    %dot_general3A_845 = tpu.matmul %slice3A_842, %slice3A_843, %dot_general3A_844 {dimension_numbers = #tpu.dot_dimension_numbers<[1], [0], [0], [1], [0, 0, 1, 1], [], []>, transpose_lhs_hint = false} : vector<100x100xbf16>, vector<100x192xbf16>, vector<100x192xf32> -> vector<100x192xf32>
    %slice3A_846 = vector.extract_strided_slice %convert_element_type3A {offsets = [5200, 0], sizes = [100, 100], strides = [1, 1]} : vector<5600x100xbf16> to vector<100x100xbf16>
    %slice3A_847 = vector.extract_strided_slice %concatenate3A_638 {offsets = [5200, 0], sizes = [100, 192], strides = [1, 1]} : vector<5600x192xbf16> to vector<100x192xbf16>
    %dot_general3A_848 = arith.constant dense<0.000000e+00> : vector<100x192xf32>
    %dot_general3A_849 = tpu.matmul %slice3A_846, %slice3A_847, %dot_general3A_848 {dimension_numbers = #tpu.dot_dimension_numbers<[1], [0], [0], [1], [0, 0, 1, 1], [], []>, transpose_lhs_hint = false} : vector<100x100xbf16>, vector<100x192xbf16>, vector<100x192xf32> -> vector<100x192xf32>
    %slice3A_850 = vector.extract_strided_slice %convert_element_type3A {offsets = [5300, 0], sizes = [100, 100], strides = [1, 1]} : vector<5600x100xbf16> to vector<100x100xbf16>
    %slice3A_851 = vector.extract_strided_slice %concatenate3A_638 {offsets = [5300, 0], sizes = [100, 192], strides = [1, 1]} : vector<5600x192xbf16> to vector<100x192xbf16>
    %dot_general3A_852 = arith.constant dense<0.000000e+00> : vector<100x192xf32>
    %dot_general3A_853 = tpu.matmul %slice3A_850, %slice3A_851, %dot_general3A_852 {dimension_numbers = #tpu.dot_dimension_numbers<[1], [0], [0], [1], [0, 0, 1, 1], [], []>, transpose_lhs_hint = false} : vector<100x100xbf16>, vector<100x192xbf16>, vector<100x192xf32> -> vector<100x192xf32>
    %slice3A_854 = vector.extract_strided_slice %convert_element_type3A {offsets = [5400, 0], sizes = [100, 100], strides = [1, 1]} : vector<5600x100xbf16> to vector<100x100xbf16>
    %slice3A_855 = vector.extract_strided_slice %concatenate3A_638 {offsets = [5400, 0], sizes = [100, 192], strides = [1, 1]} : vector<5600x192xbf16> to vector<100x192xbf16>
    %dot_general3A_856 = arith.constant dense<0.000000e+00> : vector<100x192xf32>
    %dot_general3A_857 = tpu.matmul %slice3A_854, %slice3A_855, %dot_general3A_856 {dimension_numbers = #tpu.dot_dimension_numbers<[1], [0], [0], [1], [0, 0, 1, 1], [], []>, transpose_lhs_hint = false} : vector<100x100xbf16>, vector<100x192xbf16>, vector<100x192xf32> -> vector<100x192xf32>
    %slice3A_858 = vector.extract_strided_slice %convert_element_type3A {offsets = [5500, 0], sizes = [100, 100], strides = [1, 1]} : vector<5600x100xbf16> to vector<100x100xbf16>
    %slice3A_859 = vector.extract_strided_slice %concatenate3A_638 {offsets = [5500, 0], sizes = [100, 192], strides = [1, 1]} : vector<5600x192xbf16> to vector<100x192xbf16>
    %dot_general3A_860 = arith.constant dense<0.000000e+00> : vector<100x192xf32>
    %dot_general3A_861 = tpu.matmul %slice3A_858, %slice3A_859, %dot_general3A_860 {dimension_numbers = #tpu.dot_dimension_numbers<[1], [0], [0], [1], [0, 0, 1, 1], [], []>, transpose_lhs_hint = false} : vector<100x100xbf16>, vector<100x192xbf16>, vector<100x192xf32> -> vector<100x192xf32>
    %concatenate3A_862 = tpu.concatenate %dot_general3A_641, %dot_general3A_645, %dot_general3A_649, %dot_general3A_653, %dot_general3A_657, %dot_general3A_661, %dot_general3A_665, %dot_general3A_669, %dot_general3A_673, %dot_general3A_677, %dot_general3A_681, %dot_general3A_685, %dot_general3A_689, %dot_general3A_693, %dot_general3A_697, %dot_general3A_701, %dot_general3A_705, %dot_general3A_709, %dot_general3A_713, %dot_general3A_717, %dot_general3A_721, %dot_general3A_725, %dot_general3A_729, %dot_general3A_733, %dot_general3A_737, %dot_general3A_741, %dot_general3A_745, %dot_general3A_749, %dot_general3A_753, %dot_general3A_757, %dot_general3A_761, %dot_general3A_765, %dot_general3A_769, %dot_general3A_773, %dot_general3A_777, %dot_general3A_781, %dot_general3A_785, %dot_general3A_789, %dot_general3A_793, %dot_general3A_797, %dot_general3A_801, %dot_general3A_805, %dot_general3A_809, %dot_general3A_813, %dot_general3A_817, %dot_general3A_821, %dot_general3A_825, %dot_general3A_829, %dot_general3A_833, %dot_general3A_837, %dot_general3A_841, %dot_general3A_845, %dot_general3A_849, %dot_general3A_853, %dot_general3A_857, %dot_general3A_861 in 0 : vector<100x192xf32>, vector<100x192xf32>, vector<100x192xf32>, vector<100x192xf32>, vector<100x192xf32>, vector<100x192xf32>, vector<100x192xf32>, vector<100x192xf32>, vector<100x192xf32>, vector<100x192xf32>, vector<100x192xf32>, vector<100x192xf32>, vector<100x192xf32>, vector<100x192xf32>, vector<100x192xf32>, vector<100x192xf32>, vector<100x192xf32>, vector<100x192xf32>, vector<100x192xf32>, vector<100x192xf32>, vector<100x192xf32>, vector<100x192xf32>, vector<100x192xf32>, vector<100x192xf32>, vector<100x192xf32>, vector<100x192xf32>, vector<100x192xf32>, vector<100x192xf32>, vector<100x192xf32>, vector<100x192xf32>, vector<100x192xf32>, vector<100x192xf32>, vector<100x192xf32>, vector<100x192xf32>, vector<100x192xf32>, vector<100x192xf32>, vector<100x192xf32>, vector<100x192xf32>, vector<100x192xf32>, vector<100x192xf32>, vector<100x192xf32>, vector<100x192xf32>, vector<100x192xf32>, vector<100x192xf32>, vector<100x192xf32>, vector<100x192xf32>, vector<100x192xf32>, vector<100x192xf32>, vector<100x192xf32>, vector<100x192xf32>, vector<100x192xf32>, vector<100x192xf32>, vector<100x192xf32>, vector<100x192xf32>, vector<100x192xf32>, vector<100x192xf32> -> vector<5600x192xf32>
    %slice3A_863 = vector.extract_strided_slice %concatenate3A_862 {offsets = [0, 0], sizes = [5600, 64], strides = [1, 1]} : vector<5600x192xf32> to vector<5600x64xf32>
    %slice3A_864 = vector.extract_strided_slice %concatenate3A_862 {offsets = [0, 64], sizes = [5600, 64], strides = [1, 1]} : vector<5600x192xf32> to vector<5600x64xf32>
    %add3A_865 = arith.addf %slice3A_863, %slice3A_864 : vector<5600x64xf32>
    %slice3A_866 = vector.extract_strided_slice %concatenate3A_862 {offsets = [0, 128], sizes = [5600, 64], strides = [1, 1]} : vector<5600x192xf32> to vector<5600x64xf32>
    %add3A_867 = arith.addf %add3A_865, %slice3A_866 : vector<5600x64xf32>
    %convert_element_type3A_868 = arith.truncf %add3A_867 : vector<5600x64xf32> to vector<5600x64xbf16>
    %get3A_869 = arith.constant 0 : index
    %get3A_870 = arith.constant 0 : index
    %get3A_871 = vector.load %arg11[%get3A_869, %get3A_870] : memref<64x1xf32, #tpu.memory_space<vmem>>, vector<64x1xf32>
    %convert_element_type3A_872 = arith.truncf %get3A_871 : vector<64x1xf32> to vector<64x1xbf16>
    %dot_general3A_873 = arith.constant dense<0.000000e+00> : vector<5600x1xf32>
    %dot_general3A_874 = tpu.matmul %convert_element_type3A_868, %convert_element_type3A_872, %dot_general3A_873 {dimension_numbers = #tpu.dot_dimension_numbers<[1], [0], [0], [1], [0, 0, 1, 1], [], []>, transpose_lhs_hint = false} : vector<5600x64xbf16>, vector<64x1xbf16>, vector<5600x1xf32> -> vector<5600x1xf32>
    %get3A_875 = arith.constant 0 : index
    %get3A_876 = arith.constant 0 : index
    %get3A_877 = vector.load %arg13[%get3A_875, %get3A_876] : memref<1x1xf32, #tpu.memory_space<vmem>>, vector<1x1xf32>
    %add3A_878 = vector.broadcast %get3A_877 : vector<1x1xf32> to vector<5600x1xf32>
    %add3A_879 = arith.addf %dot_general3A_874, %add3A_878 : vector<5600x1xf32>
    %get3A_880 = arith.constant 0 : index
    %get3A_881 = arith.constant 0 : index
    %get3A_882 = vector.load %arg12[%get3A_880, %get3A_881] : memref<64x1xf32, #tpu.memory_space<vmem>>, vector<64x1xf32>
    %convert_element_type3A_883 = arith.truncf %get3A_882 : vector<64x1xf32> to vector<64x1xbf16>
    %dot_general3A_884 = arith.constant dense<0.000000e+00> : vector<5600x1xf32>
    %dot_general3A_885 = tpu.matmul %convert_element_type3A_631, %convert_element_type3A_883, %dot_general3A_884 {dimension_numbers = #tpu.dot_dimension_numbers<[1], [0], [0], [1], [0, 0, 1, 1], [], []>, transpose_lhs_hint = false} : vector<5600x64xbf16>, vector<64x1xbf16>, vector<5600x1xf32> -> vector<5600x1xf32>
    %add3A_886 = arith.addf %add3A_879, %dot_general3A_885 : vector<5600x1xf32>
    %get3A_887 = arith.constant 0 : index
    %get3A_888 = arith.constant 0 : index
    %get3A_889 = vector.load %arg5[%get3A_887, %get3A_888] : memref<56x5600xbf16, #tpu.memory_space<vmem>>, vector<56x5600xbf16>
    %get3A_890 = arith.constant 0 : index
    %get3A_891 = arith.constant 0 : index
    %get3A_892 = vector.load %arg7[%get3A_890, %get3A_891] : memref<5600x100xf32, #tpu.memory_space<vmem>>, vector<5600x100xf32>
    %mul3A_893 = vector.broadcast %add3A_886 : vector<5600x1xf32> to vector<5600x100xf32>
    %mul3A_894 = arith.mulf %mul3A_893, %get3A_892 : vector<5600x100xf32>
    %convert_element_type3A_895 = arith.truncf %mul3A_894 : vector<5600x100xf32> to vector<5600x100xbf16>
    %convert_element_type3A_896 = arith.extf %convert_element_type3A_895 : vector<5600x100xbf16> to vector<5600x100xf32>
    %sub3A_897 = arith.subf %mul3A_894, %convert_element_type3A_896 : vector<5600x100xf32>
    %convert_element_type3A_898 = arith.truncf %sub3A_897 : vector<5600x100xf32> to vector<5600x100xbf16>
    %convert_element_type3A_899 = arith.extf %convert_element_type3A_898 : vector<5600x100xbf16> to vector<5600x100xf32>
    %sub3A_900 = arith.subf %sub3A_897, %convert_element_type3A_899 : vector<5600x100xf32>
    %convert_element_type3A_901 = arith.truncf %sub3A_900 : vector<5600x100xf32> to vector<5600x100xbf16>
    %dot_general3A_902 = arith.constant dense<0.000000e+00> : vector<56x100xf32>
    %dot_general3A_903 = tpu.matmul %get3A_889, %convert_element_type3A_895, %dot_general3A_902 {dimension_numbers = #tpu.dot_dimension_numbers<[1], [0], [0], [1], [0, 0, 1, 1], [], []>, transpose_lhs_hint = false} : vector<56x5600xbf16>, vector<5600x100xbf16>, vector<56x100xf32> -> vector<56x100xf32>
    %dot_general3A_904 = arith.constant dense<0.000000e+00> : vector<56x100xf32>
    %dot_general3A_905 = tpu.matmul %get3A_889, %convert_element_type3A_898, %dot_general3A_904 {dimension_numbers = #tpu.dot_dimension_numbers<[1], [0], [0], [1], [0, 0, 1, 1], [], []>, transpose_lhs_hint = false} : vector<56x5600xbf16>, vector<5600x100xbf16>, vector<56x100xf32> -> vector<56x100xf32>
    %add3A_906 = arith.addf %dot_general3A_903, %dot_general3A_905 : vector<56x100xf32>
    %dot_general3A_907 = arith.constant dense<0.000000e+00> : vector<56x100xf32>
    %dot_general3A_908 = tpu.matmul %get3A_889, %convert_element_type3A_901, %dot_general3A_907 {dimension_numbers = #tpu.dot_dimension_numbers<[1], [0], [0], [1], [0, 0, 1, 1], [], []>, transpose_lhs_hint = false} : vector<56x5600xbf16>, vector<5600x100xbf16>, vector<56x100xf32> -> vector<56x100xf32>
    %add3A_909 = arith.addf %add3A_906, %dot_general3A_908 : vector<56x100xf32>
    %convert_element_type3A_910 = arith.truncf %add3A_909 : vector<56x100xf32> to vector<56x100xbf16>
    %convert_element_type3A_911 = arith.extf %convert_element_type3A_910 : vector<56x100xbf16> to vector<56x100xf32>
    %sub3A_912 = arith.subf %add3A_909, %convert_element_type3A_911 : vector<56x100xf32>
    %convert_element_type3A_913 = arith.truncf %sub3A_912 : vector<56x100xf32> to vector<56x100xbf16>
    %convert_element_type3A_914 = arith.extf %convert_element_type3A_913 : vector<56x100xbf16> to vector<56x100xf32>
    %sub3A_915 = arith.subf %sub3A_912, %convert_element_type3A_914 : vector<56x100xf32>
    %convert_element_type3A_916 = arith.truncf %sub3A_915 : vector<56x100xf32> to vector<56x100xbf16>
    %dot_general3A_917 = arith.constant dense<0.000000e+00> : vector<5600x100xf32>
    %dot_general3A_918 = tpu.matmul %get3A_7, %convert_element_type3A_910, %dot_general3A_917 {dimension_numbers = #tpu.dot_dimension_numbers<[1], [0], [0], [1], [0, 0, 1, 1], [], []>, transpose_lhs_hint = false} : vector<5600x56xbf16>, vector<56x100xbf16>, vector<5600x100xf32> -> vector<5600x100xf32>
    %dot_general3A_919 = arith.constant dense<0.000000e+00> : vector<5600x100xf32>
    %dot_general3A_920 = tpu.matmul %get3A_7, %convert_element_type3A_913, %dot_general3A_919 {dimension_numbers = #tpu.dot_dimension_numbers<[1], [0], [0], [1], [0, 0, 1, 1], [], []>, transpose_lhs_hint = false} : vector<5600x56xbf16>, vector<56x100xbf16>, vector<5600x100xf32> -> vector<5600x100xf32>
    %add3A_921 = arith.addf %dot_general3A_918, %dot_general3A_920 : vector<5600x100xf32>
    %dot_general3A_922 = arith.constant dense<0.000000e+00> : vector<5600x100xf32>
    %dot_general3A_923 = tpu.matmul %get3A_7, %convert_element_type3A_916, %dot_general3A_922 {dimension_numbers = #tpu.dot_dimension_numbers<[1], [0], [0], [1], [0, 0, 1, 1], [], []>, transpose_lhs_hint = false} : vector<5600x56xbf16>, vector<56x100xbf16>, vector<5600x100xf32> -> vector<5600x100xf32>
    %add3A_924 = arith.addf %add3A_921, %dot_general3A_923 : vector<5600x100xf32>
    %gt3A = vector.broadcast %add3A_886 : vector<5600x1xf32> to vector<5600x100xf32>
    %gt3A_925 = arith.cmpf ogt, %add3A_924, %gt3A : vector<5600x100xf32>
    %convert_element_type3A_926 = arith.extui %gt3A_925 : vector<5600x100xi1> to vector<5600x100xi32>
    %convert_element_type3A_927 = arith.sitofp %convert_element_type3A_926 : vector<5600x100xi32> to vector<5600x100xf32>
    %eq3A = vector.broadcast %add3A_886 : vector<5600x1xf32> to vector<5600x100xf32>
    %eq3A_928 = arith.cmpf oeq, %add3A_924, %eq3A : vector<5600x100xf32>
    %get3A_929 = arith.constant 0 : index
    %get3A_930 = arith.constant 0 : index
    %get3A_931 = vector.load %arg8[%get3A_929, %get3A_930] : memref<5600x100xf32, #tpu.memory_space<vmem>>, vector<5600x100xf32>
    %jit3A = arith.constant 0.000000e+00 : f32
    %broadcast_in_dim3A = vector.broadcast %jit3A : f32 to vector<5600x100xf32>
    %select_n3A = arith.select %eq3A_928, %get3A_931, %broadcast_in_dim3A : vector<5600x100xi1>, vector<5600x100xf32>
    %broadcast_in_dim3A_932 = arith.constant 1.000000e+00 : bf16
    %broadcast_in_dim3A_933 = vector.broadcast %broadcast_in_dim3A_932 : bf16 to vector<100x1xbf16>
    %add3A_934 = arith.addf %convert_element_type3A_927, %select_n3A : vector<5600x100xf32>
    %convert_element_type3A_935 = arith.truncf %add3A_934 : vector<5600x100xf32> to vector<5600x100xbf16>
    %dot_general3A_936 = arith.constant dense<0.000000e+00> : vector<5600x1xf32>
    %dot_general3A_937 = tpu.matmul %convert_element_type3A_935, %broadcast_in_dim3A_933, %dot_general3A_936 {dimension_numbers = #tpu.dot_dimension_numbers<[1], [0], [0], [1], [0, 0, 1, 1], [], []>, transpose_lhs_hint = false} : vector<5600x100xbf16>, vector<100x1xbf16>, vector<5600x1xf32> -> vector<5600x1xf32>
    %lt3A = arith.constant 5.000000e+01 : f32
    %lt3A_938 = vector.broadcast %lt3A : f32 to vector<5600x1xf32>
    %lt3A_939 = arith.cmpf olt, %dot_general3A_937, %lt3A_938 : vector<5600x1xf32>
    %tanh3A = math.tanh %add3A_886 : vector<5600x1xf32>
    %jit3A_940 = arith.constant 0.000000e+00 : f32
    %broadcast_in_dim3A_941 = vector.broadcast %jit3A_940 : f32 to vector<5600x1xf32>
    %select_n3A_942 = arith.select %lt3A_939, %tanh3A, %broadcast_in_dim3A_941 : vector<5600x1xi1>, vector<5600x1xf32>
    %div3A_943 = arith.constant 5.000000e+01 : f32
    %div3A_944 = vector.broadcast %div3A_943 : f32 to vector<5600x1xf32>
    %div3A_945 = arith.divf %select_n3A_942, %div3A_944 : vector<5600x1xf32>
    %mul3A_946 = vector.broadcast %div3A_945 : vector<5600x1xf32> to vector<5600x64xf32>
    %mul3A_947 = arith.mulf %mul3A_946, %concatenate3A : vector<5600x64xf32>
    %convert_element_type3A_948 = arith.truncf %mul3A_947 : vector<5600x64xf32> to vector<5600x64xbf16>
    %convert_element_type3A_949 = arith.extf %convert_element_type3A_948 : vector<5600x64xbf16> to vector<5600x64xf32>
    %sub3A_950 = arith.subf %mul3A_947, %convert_element_type3A_949 : vector<5600x64xf32>
    %convert_element_type3A_951 = arith.truncf %sub3A_950 : vector<5600x64xf32> to vector<5600x64xbf16>
    %dot_general3A_952 = arith.constant dense<0.000000e+00> : vector<56x64xf32>
    %dot_general3A_953 = tpu.matmul %get3A_889, %convert_element_type3A_948, %dot_general3A_952 {dimension_numbers = #tpu.dot_dimension_numbers<[1], [0], [0], [1], [0, 0, 1, 1], [], []>, transpose_lhs_hint = false} : vector<56x5600xbf16>, vector<5600x64xbf16>, vector<56x64xf32> -> vector<56x64xf32>
    %dot_general3A_954 = arith.constant dense<0.000000e+00> : vector<56x64xf32>
    %dot_general3A_955 = tpu.matmul %get3A_889, %convert_element_type3A_951, %dot_general3A_954 {dimension_numbers = #tpu.dot_dimension_numbers<[1], [0], [0], [1], [0, 0, 1, 1], [], []>, transpose_lhs_hint = false} : vector<56x5600xbf16>, vector<5600x64xbf16>, vector<56x64xf32> -> vector<56x64xf32>
    %add3A_956 = arith.addf %dot_general3A_953, %dot_general3A_955 : vector<56x64xf32>
    %broadcast_in_dim3A_957 = arith.constant 0.000000e+00 : f32
    %broadcast_in_dim3A_958 = vector.broadcast %broadcast_in_dim3A_957 : f32 to vector<56x64xf32>
    %concatenate3A_959 = tpu.concatenate %add3A_956, %broadcast_in_dim3A_958 in 1 : vector<56x64xf32>, vector<56x64xf32> -> vector<56x128xf32>
    %swap3A = arith.constant 0 : index
    %swap3A_960 = arith.constant 0 : index
    %swap3A_961 = vector.load %arg14[%swap3A, %swap3A_960] : memref<56x128xf32, #tpu.memory_space<vmem>>, vector<56x128xf32>
    tpu.vector_store %arg14[%swap3A, %swap3A_960], %concatenate3A_959 {strides = array<i32>} : memref<56x128xf32, #tpu.memory_space<vmem>>, vector<56x128xf32>,
    return
  }
  func.func @transform_0(%arg0: i32) -> (i32, i32) {
    %c0_i32 = arith.constant 0 : i32
    %c0_i32_0 = arith.constant 0 : i32
    return %arg0, %c0_i32 : i32, i32
  }
  func.func @transform_1(%arg0: i32) -> (i32, i32) {
    %c0_i32 = arith.constant 0 : i32
    %c0_i32_0 = arith.constant 0 : i32
    return %arg0, %c0_i32 : i32, i32
  }
  func.func @transform_2(%arg0: i32) -> (i32, i32) {
    %c0_i32 = arith.constant 0 : i32
    %c0_i32_0 = arith.constant 0 : i32
    return %arg0, %c0_i32 : i32, i32
  }
  func.func @transform_3(%arg0: i32) -> (i32, i32) {
    %c0_i32 = arith.constant 0 : i32
    %c0_i32_0 = arith.constant 0 : i32
    return %arg0, %c0_i32 : i32, i32
  }
  func.func @transform_4(%arg0: i32) -> (i32, i32) {
    %c0_i32 = arith.constant 0 : i32
    %c0_i32_0 = arith.constant 0 : i32
    %c0_i32_1 = arith.constant 0 : i32
    return %c0_i32, %c0_i32_0 : i32, i32
  }
  func.func @transform_5(%arg0: i32) -> (i32, i32) {
    %c0_i32 = arith.constant 0 : i32
    %c0_i32_0 = arith.constant 0 : i32
    %c0_i32_1 = arith.constant 0 : i32
    return %c0_i32, %c0_i32_0 : i32, i32
  }
  func.func @transform_6(%arg0: i32) -> (i32, i32) {
    %c0_i32 = arith.constant 0 : i32
    %c0_i32_0 = arith.constant 0 : i32
    %c0_i32_1 = arith.constant 0 : i32
    return %c0_i32, %c0_i32_0 : i32, i32
  }
  func.func @transform_7(%arg0: i32) -> (i32, i32) {
    %c0_i32 = arith.constant 0 : i32
    %c0_i32_0 = arith.constant 0 : i32
    %c0_i32_1 = arith.constant 0 : i32
    return %c0_i32, %c0_i32_0 : i32, i32
  }
  func.func @transform_8(%arg0: i32) -> (i32, i32) {
    %c0_i32 = arith.constant 0 : i32
    %c0_i32_0 = arith.constant 0 : i32
    %c0_i32_1 = arith.constant 0 : i32
    return %c0_i32, %c0_i32_0 : i32, i32
  }
  func.func @transform_9(%arg0: i32) -> (i32, i32) {
    %c0_i32 = arith.constant 0 : i32
    %c0_i32_0 = arith.constant 0 : i32
    %c0_i32_1 = arith.constant 0 : i32
    return %c0_i32, %c0_i32_0 : i32, i32
  }
  func.func @transform_10(%arg0: i32) -> (i32, i32) {
    %c0_i32 = arith.constant 0 : i32
    %c0_i32_0 = arith.constant 0 : i32
    %c0_i32_1 = arith.constant 0 : i32
    return %c0_i32, %c0_i32_0 : i32, i32
  }
  func.func @transform_11(%arg0: i32) -> (i32, i32) {
    %c0_i32 = arith.constant 0 : i32
    %c0_i32_0 = arith.constant 0 : i32
    %c0_i32_1 = arith.constant 0 : i32
    return %c0_i32, %c0_i32_0 : i32, i32
  }
  func.func @transform_12(%arg0: i32) -> (i32, i32) {
    %c0_i32 = arith.constant 0 : i32
    %c0_i32_0 = arith.constant 0 : i32
    %c0_i32_1 = arith.constant 0 : i32
    return %c0_i32, %c0_i32_0 : i32, i32
  }
  func.func @transform_13(%arg0: i32) -> (i32, i32) {
    %c0_i32 = arith.constant 0 : i32
    %c0_i32_0 = arith.constant 0 : i32
    return %arg0, %c0_i32 : i32, i32
  }
}

module attributes {stable_mosaic.version = 14 : i64} {
  func.func @_decoder_kernel(%arg0: i32, %arg1: memref<2048x128xf32, #tpu.memory_space<vmem>>, %arg2: memref<2048x128xf32, #tpu.memory_space<vmem>>, %arg3: memref<4x3xf32, #tpu.memory_space<vmem>>, %arg4: memref<4x1xf32, #tpu.memory_space<vmem>>, %arg5: memref<256x64xf32, #tpu.memory_space<vmem>>, %arg6: memref<1x64xf32, #tpu.memory_space<vmem>>, %arg7: memref<64x1xf32, #tpu.memory_space<vmem>>, %arg8: memref<1x1xf32, #tpu.memory_space<vmem>>, %arg9: memref<2048x1xf32, #tpu.memory_space<vmem>>) attributes {dimension_semantics = [#tpu.dimension_semantics<arbitrary>], iteration_bounds = array<i64: 8>, scalar_prefetch = 0 : i64, scratch_operands = 0 : i64, tpu.core_type = #tpu.core_type<tc>, window_params = [{transform_indices = @transform_0, window_bounds = array<i64: 2048, 128>}, {transform_indices = @transform_1, window_bounds = array<i64: 2048, 128>}, {pipeline_mode = #tpu.pipeline_mode<synchronous>, transform_indices = @transform_2, window_bounds = array<i64: 4, 3>}, {pipeline_mode = #tpu.pipeline_mode<synchronous>, transform_indices = @transform_3, window_bounds = array<i64: 4, 1>}, {pipeline_mode = #tpu.pipeline_mode<synchronous>, transform_indices = @transform_4, window_bounds = array<i64: 256, 64>}, {pipeline_mode = #tpu.pipeline_mode<synchronous>, transform_indices = @transform_5, window_bounds = array<i64: 1, 64>}, {pipeline_mode = #tpu.pipeline_mode<synchronous>, transform_indices = @transform_6, window_bounds = array<i64: 64, 1>}, {pipeline_mode = #tpu.pipeline_mode<synchronous>, transform_indices = @transform_7, window_bounds = array<i64: 1, 1>}, {transform_indices = @transform_8, window_bounds = array<i64: 2048, 1>}]} {
    %get3A = arith.constant 0 : index
    %get3A_0 = arith.constant 0 : index
    %get3A_1 = vector.load %arg1[%get3A, %get3A_0] : memref<2048x128xf32, #tpu.memory_space<vmem>>, vector<2048x128xf32>
    %slice3A = vector.extract_strided_slice %get3A_1 {offsets = [0, 0], sizes = [2048, 64], strides = [1, 1]} : vector<2048x128xf32> to vector<2048x64xf32>
    %get3A_2 = arith.constant 0 : index
    %get3A_3 = arith.constant 0 : index
    %get3A_4 = vector.load %arg2[%get3A_2, %get3A_3] : memref<2048x128xf32, #tpu.memory_space<vmem>>, vector<2048x128xf32>
    %slice3A_5 = vector.extract_strided_slice %get3A_4 {offsets = [0, 0], sizes = [2048, 64], strides = [1, 1]} : vector<2048x128xf32> to vector<2048x64xf32>
    %concatenate3A = tpu.concatenate %slice3A, %slice3A_5 in 1 : vector<2048x64xf32>, vector<2048x64xf32> -> vector<2048x128xf32>
    %iota3A = tpu.iota {dimensions = array<i32: 0>} : vector<128x256xi32>
    %iota3A_6 = tpu.iota {dimensions = array<i32: 1>} : vector<128x256xi32>
    %jit3A = arith.constant 64 : i32
    %div3A = vector.broadcast %jit3A : i32 to vector<128x256xi32>
    %div3A_7 = arith.divsi %iota3A_6, %div3A : vector<128x256xi32>
    %sign3A = arith.constant 0 : i32
    %sign3A_8 = vector.broadcast %sign3A : i32 to vector<128x256xi32>
    %sign3A_9 = arith.cmpi sgt, %iota3A_6, %sign3A_8 : vector<128x256xi32>
    %sign3A_10 = arith.extui %sign3A_9 : vector<128x256xi1> to vector<128x256xi32>
    %sign3A_11 = arith.constant 0 : i32
    %sign3A_12 = vector.broadcast %sign3A_11 : i32 to vector<128x256xi32>
    %sign3A_13 = arith.cmpi slt, %iota3A_6, %sign3A_12 : vector<128x256xi32>
    %sign3A_14 = arith.extui %sign3A_13 : vector<128x256xi1> to vector<128x256xi32>
    %sign3A_15 = arith.subi %sign3A_10, %sign3A_14 : vector<128x256xi32>
    %sign3A_16 = arith.constant 0 : i32
    %sign3A_17 = arith.cmpi sgt, %jit3A, %sign3A_16 : i32
    %sign3A_18 = arith.extui %sign3A_17 : i1 to i32
    %sign3A_19 = arith.constant 0 : i32
    %sign3A_20 = arith.cmpi slt, %jit3A, %sign3A_19 : i32
    %sign3A_21 = arith.extui %sign3A_20 : i1 to i32
    %sign3A_22 = arith.subi %sign3A_18, %sign3A_21 : i32
    %ne3A = vector.broadcast %sign3A_22 : i32 to vector<128x256xi32>
    %ne3A_23 = arith.cmpi ne, %sign3A_15, %ne3A : vector<128x256xi32>
    %rem3A = vector.broadcast %jit3A : i32 to vector<128x256xi32>
    %rem3A_24 = arith.remsi %iota3A_6, %rem3A : vector<128x256xi32>
    %ne3A_25 = arith.constant 0 : i32
    %ne3A_26 = vector.broadcast %ne3A_25 : i32 to vector<128x256xi32>
    %ne3A_27 = arith.cmpi ne, %rem3A_24, %ne3A_26 : vector<128x256xi32>
    %and3A = arith.andi %ne3A_23, %ne3A_27 : vector<128x256xi1>
    %sub3A = arith.constant 1 : i32
    %sub3A_28 = vector.broadcast %sub3A : i32 to vector<128x256xi32>
    %sub3A_29 = arith.subi %div3A_7, %sub3A_28 : vector<128x256xi32>
    %select_n3A = arith.select %and3A, %sub3A_29, %div3A_7 : vector<128x256xi1>, vector<128x256xi32>
    %mul3A = arith.constant 64 : i32
    %mul3A_30 = vector.broadcast %mul3A : i32 to vector<128x256xi32>
    %mul3A_31 = arith.muli %select_n3A, %mul3A_30 : vector<128x256xi32>
    %sub3A_32 = arith.subi %iota3A_6, %mul3A_31 : vector<128x256xi32>
    %iota3A_33 = tpu.iota {dimensions = array<i32: 0>} : vector<4x256xi32>
    %slice3A_34 = vector.extract_strided_slice %select_n3A {offsets = [0, 0], sizes = [1, 256], strides = [1, 1]} : vector<128x256xi32> to vector<1x256xi32>
    %eq3A = vector.broadcast %slice3A_34 : vector<1x256xi32> to vector<4x256xi32>
    %eq3A_35 = arith.cmpi eq, %iota3A_33, %eq3A : vector<4x256xi32>
    %convert_element_type3A = arith.extui %eq3A_35 : vector<4x256xi1> to vector<4x256xi32>
    %convert_element_type3A_36 = arith.sitofp %convert_element_type3A : vector<4x256xi32> to vector<4x256xf32>
    %get3A_37 = arith.constant 0 : index
    %get3A_38 = arith.constant 0 : index
    %get3A_39 = vector.load %arg3[%get3A_37, %get3A_38] : memref<4x3xf32, #tpu.memory_space<vmem>>, vector<4x3xf32>
    %slice3A_40 = vector.extract_strided_slice %get3A_39 {offsets = [0, 0], sizes = [4, 1], strides = [1, 1]} : vector<4x3xf32> to vector<4x1xf32>
    %dot_general3A = arith.constant dense<0.000000e+00> : vector<1x256xf32>
    %dot_general3A_41 = tpu.matmul %slice3A_40, %convert_element_type3A_36, %dot_general3A {dimension_numbers = #tpu.dot_dimension_numbers<[0], [0], [1], [1], [0, 1, 1, 1], [], []>, precision = #tpu.contract_precision<fp32>, transpose_lhs_hint = false} : vector<4x1xf32>, vector<4x256xf32>, vector<1x256xf32> -> vector<1x256xf32>
    %slice3A_42 = vector.extract_strided_slice %get3A_39 {offsets = [0, 1], sizes = [4, 1], strides = [1, 1]} : vector<4x3xf32> to vector<4x1xf32>
    %dot_general3A_43 = arith.constant dense<0.000000e+00> : vector<1x256xf32>
    %dot_general3A_44 = tpu.matmul %slice3A_42, %convert_element_type3A_36, %dot_general3A_43 {dimension_numbers = #tpu.dot_dimension_numbers<[0], [0], [1], [1], [0, 1, 1, 1], [], []>, precision = #tpu.contract_precision<fp32>, transpose_lhs_hint = false} : vector<4x1xf32>, vector<4x256xf32>, vector<1x256xf32> -> vector<1x256xf32>
    %slice3A_45 = vector.extract_strided_slice %get3A_39 {offsets = [0, 2], sizes = [4, 1], strides = [1, 1]} : vector<4x3xf32> to vector<4x1xf32>
    %dot_general3A_46 = arith.constant dense<0.000000e+00> : vector<1x256xf32>
    %dot_general3A_47 = tpu.matmul %slice3A_45, %convert_element_type3A_36, %dot_general3A_46 {dimension_numbers = #tpu.dot_dimension_numbers<[0], [0], [1], [1], [0, 1, 1, 1], [], []>, precision = #tpu.contract_precision<fp32>, transpose_lhs_hint = false} : vector<4x1xf32>, vector<4x256xf32>, vector<1x256xf32> -> vector<1x256xf32>
    %get3A_48 = arith.constant 0 : index
    %get3A_49 = arith.constant 0 : index
    %get3A_50 = vector.load %arg4[%get3A_48, %get3A_49] : memref<4x1xf32, #tpu.memory_space<vmem>>, vector<4x1xf32>
    %dot_general3A_51 = arith.constant dense<0.000000e+00> : vector<1x256xf32>
    %dot_general3A_52 = tpu.matmul %get3A_50, %convert_element_type3A_36, %dot_general3A_51 {dimension_numbers = #tpu.dot_dimension_numbers<[0], [0], [1], [1], [0, 1, 1, 1], [], []>, precision = #tpu.contract_precision<fp32>, transpose_lhs_hint = false} : vector<4x1xf32>, vector<4x256xf32>, vector<1x256xf32> -> vector<1x256xf32>
    %broadcast_in_dim3A = arith.constant 0.000000e+00 : f32
    %broadcast_in_dim3A_53 = vector.broadcast %broadcast_in_dim3A : f32 to vector<128x256xf32>
    %mul3A_54 = arith.constant 2 : i32
    %mul3A_55 = vector.broadcast %mul3A_54 : i32 to vector<128x256xi32>
    %mul3A_56 = arith.muli %mul3A_55, %sub3A_32 : vector<128x256xi32>
    %add3A = arith.constant 0 : i32
    %add3A_57 = vector.broadcast %add3A : i32 to vector<128x256xi32>
    %add3A_58 = arith.addi %mul3A_56, %add3A_57 : vector<128x256xi32>
    %sub3A_59 = arith.constant 1 : i32
    %sub3A_60 = vector.broadcast %sub3A_59 : i32 to vector<128x256xi32>
    %sub3A_61 = arith.subi %add3A_58, %sub3A_60 : vector<128x256xi32>
    %add3A_62 = arith.constant 0 : i32
    %add3A_63 = vector.broadcast %add3A_62 : i32 to vector<128x256xi32>
    %add3A_64 = arith.addi %sub3A_61, %add3A_63 : vector<128x256xi32>
    %eq3A_65 = arith.cmpi eq, %iota3A, %add3A_64 : vector<128x256xi32>
    %convert_element_type3A_66 = arith.extui %eq3A_65 : vector<128x256xi1> to vector<128x256xi32>
    %convert_element_type3A_67 = arith.sitofp %convert_element_type3A_66 : vector<128x256xi32> to vector<128x256xf32>
    %mul3A_68 = vector.broadcast %dot_general3A_41 : vector<1x256xf32> to vector<128x256xf32>
    %mul3A_69 = arith.mulf %convert_element_type3A_67, %mul3A_68 : vector<128x256xf32>
    %add3A_70 = arith.addf %broadcast_in_dim3A_53, %mul3A_69 : vector<128x256xf32>
    %mul3A_71 = arith.constant 2 : i32
    %mul3A_72 = vector.broadcast %mul3A_71 : i32 to vector<128x256xi32>
    %mul3A_73 = arith.muli %mul3A_72, %sub3A_32 : vector<128x256xi32>
    %add3A_74 = arith.constant 1 : i32
    %add3A_75 = vector.broadcast %add3A_74 : i32 to vector<128x256xi32>
    %add3A_76 = arith.addi %mul3A_73, %add3A_75 : vector<128x256xi32>
    %sub3A_77 = arith.constant 1 : i32
    %sub3A_78 = vector.broadcast %sub3A_77 : i32 to vector<128x256xi32>
    %sub3A_79 = arith.subi %add3A_76, %sub3A_78 : vector<128x256xi32>
    %add3A_80 = arith.constant 0 : i32
    %add3A_81 = vector.broadcast %add3A_80 : i32 to vector<128x256xi32>
    %add3A_82 = arith.addi %sub3A_79, %add3A_81 : vector<128x256xi32>
    %eq3A_83 = arith.cmpi eq, %iota3A, %add3A_82 : vector<128x256xi32>
    %convert_element_type3A_84 = arith.extui %eq3A_83 : vector<128x256xi1> to vector<128x256xi32>
    %convert_element_type3A_85 = arith.sitofp %convert_element_type3A_84 : vector<128x256xi32> to vector<128x256xf32>
    %mul3A_86 = vector.broadcast %dot_general3A_44 : vector<1x256xf32> to vector<128x256xf32>
    %mul3A_87 = arith.mulf %convert_element_type3A_85, %mul3A_86 : vector<128x256xf32>
    %add3A_88 = arith.addf %add3A_70, %mul3A_87 : vector<128x256xf32>
    %mul3A_89 = arith.constant 2 : i32
    %mul3A_90 = vector.broadcast %mul3A_89 : i32 to vector<128x256xi32>
    %mul3A_91 = arith.muli %mul3A_90, %sub3A_32 : vector<128x256xi32>
    %add3A_92 = arith.constant 2 : i32
    %add3A_93 = vector.broadcast %add3A_92 : i32 to vector<128x256xi32>
    %add3A_94 = arith.addi %mul3A_91, %add3A_93 : vector<128x256xi32>
    %sub3A_95 = arith.constant 1 : i32
    %sub3A_96 = vector.broadcast %sub3A_95 : i32 to vector<128x256xi32>
    %sub3A_97 = arith.subi %add3A_94, %sub3A_96 : vector<128x256xi32>
    %add3A_98 = arith.constant 0 : i32
    %add3A_99 = vector.broadcast %add3A_98 : i32 to vector<128x256xi32>
    %add3A_100 = arith.addi %sub3A_97, %add3A_99 : vector<128x256xi32>
    %eq3A_101 = arith.cmpi eq, %iota3A, %add3A_100 : vector<128x256xi32>
    %convert_element_type3A_102 = arith.extui %eq3A_101 : vector<128x256xi1> to vector<128x256xi32>
    %convert_element_type3A_103 = arith.sitofp %convert_element_type3A_102 : vector<128x256xi32> to vector<128x256xf32>
    %mul3A_104 = vector.broadcast %dot_general3A_47 : vector<1x256xf32> to vector<128x256xf32>
    %mul3A_105 = arith.mulf %convert_element_type3A_103, %mul3A_104 : vector<128x256xf32>
    %add3A_106 = arith.addf %add3A_88, %mul3A_105 : vector<128x256xf32>
    %dot_general3A_107 = arith.constant dense<0.000000e+00> : vector<2048x256xf32>
    %dot_general3A_108 = tpu.matmul %concatenate3A, %add3A_106, %dot_general3A_107 {dimension_numbers = #tpu.dot_dimension_numbers<[1], [0], [0], [1], [0, 0, 1, 1], [], []>, transpose_lhs_hint = false} : vector<2048x128xf32>, vector<128x256xf32>, vector<2048x256xf32> -> vector<2048x256xf32>
    %broadcast_in_dim3A_109 = arith.constant 0.000000e+00 : f32
    %broadcast_in_dim3A_110 = vector.broadcast %broadcast_in_dim3A_109 : f32 to vector<128x256xf32>
    %mul3A_111 = arith.constant 2 : i32
    %mul3A_112 = vector.broadcast %mul3A_111 : i32 to vector<128x256xi32>
    %mul3A_113 = arith.muli %mul3A_112, %sub3A_32 : vector<128x256xi32>
    %add3A_114 = arith.constant 0 : i32
    %add3A_115 = vector.broadcast %add3A_114 : i32 to vector<128x256xi32>
    %add3A_116 = arith.addi %mul3A_113, %add3A_115 : vector<128x256xi32>
    %sub3A_117 = arith.constant 1 : i32
    %sub3A_118 = vector.broadcast %sub3A_117 : i32 to vector<128x256xi32>
    %sub3A_119 = arith.subi %add3A_116, %sub3A_118 : vector<128x256xi32>
    %add3A_120 = arith.constant 1 : i32
    %add3A_121 = vector.broadcast %add3A_120 : i32 to vector<128x256xi32>
    %add3A_122 = arith.addi %sub3A_119, %add3A_121 : vector<128x256xi32>
    %eq3A_123 = arith.cmpi eq, %iota3A, %add3A_122 : vector<128x256xi32>
    %convert_element_type3A_124 = arith.extui %eq3A_123 : vector<128x256xi1> to vector<128x256xi32>
    %convert_element_type3A_125 = arith.sitofp %convert_element_type3A_124 : vector<128x256xi32> to vector<128x256xf32>
    %mul3A_126 = vector.broadcast %dot_general3A_41 : vector<1x256xf32> to vector<128x256xf32>
    %mul3A_127 = arith.mulf %convert_element_type3A_125, %mul3A_126 : vector<128x256xf32>
    %add3A_128 = arith.addf %broadcast_in_dim3A_110, %mul3A_127 : vector<128x256xf32>
    %mul3A_129 = arith.constant 2 : i32
    %mul3A_130 = vector.broadcast %mul3A_129 : i32 to vector<128x256xi32>
    %mul3A_131 = arith.muli %mul3A_130, %sub3A_32 : vector<128x256xi32>
    %add3A_132 = arith.constant 1 : i32
    %add3A_133 = vector.broadcast %add3A_132 : i32 to vector<128x256xi32>
    %add3A_134 = arith.addi %mul3A_131, %add3A_133 : vector<128x256xi32>
    %sub3A_135 = arith.constant 1 : i32
    %sub3A_136 = vector.broadcast %sub3A_135 : i32 to vector<128x256xi32>
    %sub3A_137 = arith.subi %add3A_134, %sub3A_136 : vector<128x256xi32>
    %add3A_138 = arith.constant 1 : i32
    %add3A_139 = vector.broadcast %add3A_138 : i32 to vector<128x256xi32>
    %add3A_140 = arith.addi %sub3A_137, %add3A_139 : vector<128x256xi32>
    %eq3A_141 = arith.cmpi eq, %iota3A, %add3A_140 : vector<128x256xi32>
    %convert_element_type3A_142 = arith.extui %eq3A_141 : vector<128x256xi1> to vector<128x256xi32>
    %convert_element_type3A_143 = arith.sitofp %convert_element_type3A_142 : vector<128x256xi32> to vector<128x256xf32>
    %mul3A_144 = vector.broadcast %dot_general3A_44 : vector<1x256xf32> to vector<128x256xf32>
    %mul3A_145 = arith.mulf %convert_element_type3A_143, %mul3A_144 : vector<128x256xf32>
    %add3A_146 = arith.addf %add3A_128, %mul3A_145 : vector<128x256xf32>
    %mul3A_147 = arith.constant 2 : i32
    %mul3A_148 = vector.broadcast %mul3A_147 : i32 to vector<128x256xi32>
    %mul3A_149 = arith.muli %mul3A_148, %sub3A_32 : vector<128x256xi32>
    %add3A_150 = arith.constant 2 : i32
    %add3A_151 = vector.broadcast %add3A_150 : i32 to vector<128x256xi32>
    %add3A_152 = arith.addi %mul3A_149, %add3A_151 : vector<128x256xi32>
    %sub3A_153 = arith.constant 1 : i32
    %sub3A_154 = vector.broadcast %sub3A_153 : i32 to vector<128x256xi32>
    %sub3A_155 = arith.subi %add3A_152, %sub3A_154 : vector<128x256xi32>
    %add3A_156 = arith.constant 1 : i32
    %add3A_157 = vector.broadcast %add3A_156 : i32 to vector<128x256xi32>
    %add3A_158 = arith.addi %sub3A_155, %add3A_157 : vector<128x256xi32>
    %eq3A_159 = arith.cmpi eq, %iota3A, %add3A_158 : vector<128x256xi32>
    %convert_element_type3A_160 = arith.extui %eq3A_159 : vector<128x256xi1> to vector<128x256xi32>
    %convert_element_type3A_161 = arith.sitofp %convert_element_type3A_160 : vector<128x256xi32> to vector<128x256xf32>
    %mul3A_162 = vector.broadcast %dot_general3A_47 : vector<1x256xf32> to vector<128x256xf32>
    %mul3A_163 = arith.mulf %convert_element_type3A_161, %mul3A_162 : vector<128x256xf32>
    %add3A_164 = arith.addf %add3A_146, %mul3A_163 : vector<128x256xf32>
    %dot_general3A_165 = arith.constant dense<0.000000e+00> : vector<2048x256xf32>
    %dot_general3A_166 = tpu.matmul %concatenate3A, %add3A_164, %dot_general3A_165 {dimension_numbers = #tpu.dot_dimension_numbers<[1], [0], [0], [1], [0, 0, 1, 1], [], []>, transpose_lhs_hint = false} : vector<2048x128xf32>, vector<128x256xf32>, vector<2048x256xf32> -> vector<2048x256xf32>
    %max3A = arith.maximumf %dot_general3A_108, %dot_general3A_166 : vector<2048x256xf32>
    %add3A_167 = vector.broadcast %dot_general3A_52 : vector<1x256xf32> to vector<2048x256xf32>
    %add3A_168 = arith.addf %max3A, %add3A_167 : vector<2048x256xf32>
    %get3A_169 = arith.constant 0 : index
    %get3A_170 = arith.constant 0 : index
    %get3A_171 = vector.load %arg5[%get3A_169, %get3A_170] : memref<256x64xf32, #tpu.memory_space<vmem>>, vector<256x64xf32>
    %dot_general3A_172 = arith.constant dense<0.000000e+00> : vector<2048x64xf32>
    %dot_general3A_173 = tpu.matmul %add3A_168, %get3A_171, %dot_general3A_172 {dimension_numbers = #tpu.dot_dimension_numbers<[1], [0], [0], [1], [0, 0, 1, 1], [], []>, transpose_lhs_hint = false} : vector<2048x256xf32>, vector<256x64xf32>, vector<2048x64xf32> -> vector<2048x64xf32>
    %get3A_174 = arith.constant 0 : index
    %get3A_175 = arith.constant 0 : index
    %get3A_176 = vector.load %arg6[%get3A_174, %get3A_175] : memref<1x64xf32, #tpu.memory_space<vmem>>, vector<1x64xf32>
    %add3A_177 = vector.broadcast %get3A_176 : vector<1x64xf32> to vector<2048x64xf32>
    %add3A_178 = arith.addf %dot_general3A_173, %add3A_177 : vector<2048x64xf32>
    %max3A_179 = arith.constant 0.000000e+00 : f32
    %max3A_180 = vector.broadcast %max3A_179 : f32 to vector<2048x64xf32>
    %max3A_181 = arith.maximumf %add3A_178, %max3A_180 : vector<2048x64xf32>
    %get3A_182 = arith.constant 0 : index
    %get3A_183 = arith.constant 0 : index
    %get3A_184 = vector.load %arg7[%get3A_182, %get3A_183] : memref<64x1xf32, #tpu.memory_space<vmem>>, vector<64x1xf32>
    %dot_general3A_185 = arith.constant dense<0.000000e+00> : vector<2048x1xf32>
    %dot_general3A_186 = tpu.matmul %max3A_181, %get3A_184, %dot_general3A_185 {dimension_numbers = #tpu.dot_dimension_numbers<[1], [0], [0], [1], [0, 0, 1, 1], [], []>, transpose_lhs_hint = false} : vector<2048x64xf32>, vector<64x1xf32>, vector<2048x1xf32> -> vector<2048x1xf32>
    %get3A_187 = arith.constant 0 : index
    %get3A_188 = arith.constant 0 : index
    %get3A_189 = vector.load %arg8[%get3A_187, %get3A_188] : memref<1x1xf32, #tpu.memory_space<vmem>>, vector<1x1xf32>
    %add3A_190 = vector.broadcast %get3A_189 : vector<1x1xf32> to vector<2048x1xf32>
    %add3A_191 = arith.addf %dot_general3A_186, %add3A_190 : vector<2048x1xf32>
    %neg3A = arith.constant 0.000000e+00 : f32
    %neg3A_192 = vector.broadcast %neg3A : f32 to vector<2048x1xf32>
    %neg3A_193 = arith.subf %neg3A_192, %add3A_191 : vector<2048x1xf32>
    %exp3A = math.exp %neg3A_193 : vector<2048x1xf32>
    %add3A_194 = arith.constant 1.000000e+00 : f32
    %add3A_195 = vector.broadcast %add3A_194 : f32 to vector<2048x1xf32>
    %add3A_196 = arith.addf %add3A_195, %exp3A : vector<2048x1xf32>
    %div3A_197 = arith.constant 1.000000e+00 : f32
    %div3A_198 = vector.broadcast %div3A_197 : f32 to vector<2048x1xf32>
    %div3A_199 = arith.divf %div3A_198, %add3A_196 : vector<2048x1xf32>
    %swap3A = arith.constant 0 : index
    %swap3A_200 = arith.constant 0 : index
    %swap3A_201 = vector.load %arg9[%swap3A, %swap3A_200] : memref<2048x1xf32, #tpu.memory_space<vmem>>, vector<2048x1xf32>
    tpu.vector_store %arg9[%swap3A, %swap3A_200], %div3A_199 {strides = array<i32>} : memref<2048x1xf32, #tpu.memory_space<vmem>>, vector<2048x1xf32>,
    return
  }
  func.func @transform_0(%arg0: i32) -> (i32, i32) {
    %c0_i32 = arith.constant 0 : i32
    %c0_i32_0 = arith.constant 0 : i32
    return %arg0, %c0_i32 : i32, i32
  }
  func.func @transform_1(%arg0: i32) -> (i32, i32) {
    %add3A = arith.constant 8 : i32
    %add3A_0 = arith.addi %arg0, %add3A : i32
    %c0_i32 = arith.constant 0 : i32
    %c0_i32_1 = arith.constant 0 : i32
    return %add3A_0, %c0_i32 : i32, i32
  }
  func.func @transform_2(%arg0: i32) -> (i32, i32) {
    %c0_i32 = arith.constant 0 : i32
    %c0_i32_0 = arith.constant 0 : i32
    %c0_i32_1 = arith.constant 0 : i32
    return %c0_i32, %c0_i32_0 : i32, i32
  }
  func.func @transform_3(%arg0: i32) -> (i32, i32) {
    %c0_i32 = arith.constant 0 : i32
    %c0_i32_0 = arith.constant 0 : i32
    %c0_i32_1 = arith.constant 0 : i32
    return %c0_i32, %c0_i32_0 : i32, i32
  }
  func.func @transform_4(%arg0: i32) -> (i32, i32) {
    %c0_i32 = arith.constant 0 : i32
    %c0_i32_0 = arith.constant 0 : i32
    %c0_i32_1 = arith.constant 0 : i32
    return %c0_i32, %c0_i32_0 : i32, i32
  }
  func.func @transform_5(%arg0: i32) -> (i32, i32) {
    %c0_i32 = arith.constant 0 : i32
    %c0_i32_0 = arith.constant 0 : i32
    %c0_i32_1 = arith.constant 0 : i32
    return %c0_i32, %c0_i32_0 : i32, i32
  }
  func.func @transform_6(%arg0: i32) -> (i32, i32) {
    %c0_i32 = arith.constant 0 : i32
    %c0_i32_0 = arith.constant 0 : i32
    %c0_i32_1 = arith.constant 0 : i32
    return %c0_i32, %c0_i32_0 : i32, i32
  }
  func.func @transform_7(%arg0: i32) -> (i32, i32) {
    %c0_i32 = arith.constant 0 : i32
    %c0_i32_0 = arith.constant 0 : i32
    %c0_i32_1 = arith.constant 0 : i32
    return %c0_i32, %c0_i32_0 : i32, i32
  }
  func.func @transform_8(%arg0: i32) -> (i32, i32) {
    %c0_i32 = arith.constant 0 : i32
    %c0_i32_0 = arith.constant 0 : i32
    return %arg0, %c0_i32 : i32, i32
  }
}

</mosaic_0001>

<sc_bundles>
// kernel: kernel.11.cloned.1.call-start
scs
__scs_entry_jumppad:
0x0: {  	(pc) =	sbr.rel $0x88, $3  }
0x1: {  	(tag) =	ssettag $0x0;
	lr =	simm.s32 $0x1  }
0x2: {  	[smem:$0x3F8E] =	sst lr;
	_ =	strace $0xD0000000  }
0x3: {  	_ = 	snop  }
0x4: {  	_ = 	snop  }
0x5: {  	_ = 	snop  }
0x6: {  	_ = 	snop  }
0x7: {  	_ = 	snop  }
__scs_overlays_trampoline_lowered:
0x8: {  	[smem:$0x3F9D] =	sst s0  }
0x9: {  	[smem:$0x3F9E] =	sst s1  }
0xa: {  	[smem:$0x3F9F] =	sst s2  }
0xb: {  	[smem:$0x3FA0] =	sst s3  }
0xc: {  	[smem:$0x3FA1] =	sst s4  }
0xd: {  	[smem:$0x3FA2] =	sst s5  }
0xe: {  	[smem:$0x3FA3] =	sst s6  }
0xf: {  	[smem:$0x3FA4] =	sst s7  }
0x10: {  	[smem:$0x3FA5] =	sst s8  }
0x11: {  	[smem:$0x3FA6] =	sst s9;
	s0 =	simm.s32 @!p0 $0x0  }
0x12: {  	s1 =	sld [smem:$0x3F8C];
	s0 =	simm.s32 @p0 $0x1  }
0x13: {  	[smem:$0x3FA7] =	sst s0;
	s0 =	simm.s32 @!p1 $0x0  }
0x14: {  	s2 =	sld [smem:$0x3F8B];
	s0 =	simm.s32 @p1 $0x1  }
0x15: {  	[smem:$0x3FA8] =	sst s0;
	s0 =	simm.s32 @!p2 $0x0  }
0x16: {  	s3 =	sld [smem:$0x3FDB];
	s0 =	simm.s32 @p2 $0x1  }
0x17: {  	s4 =	simm.s32 $0x1BF5;
	[smem:$0x3FAA] =	sst s0  }
0x18: {  	s0 =	sld [smem:$0x3F8D];
	_ =	swait.ge [sflag:s4], $0x0  }
0x19: {  	s7 =	sld [smem:$0x3F8E]  }
0x1a: {  	s8 =	sadd.s32 $0xFFFFE003, lr  }
0x1b: {  	s9 =	sadd.s32 $0xFFFFFEF7, lr;
	s5 =	simm.s32 $0xFFFFFFFF;
	p2 =	slt.u32 s8, $0xFFFFF086  }
0x1c: {  	p1 =	slt.u32 s9, $0xF7A;
	s5 =	simm.s32 @!p2 $0x0  }
0x1d: {  	s5 =	simm.s32 @p1 $0x1;
	p0 =	seq.s32 s7, s2  }
0x1e: {  	s7 =	smul.u32 @!p0 $0xF7A, s2;
	p2 =	seq.s32 @!p0 s5, $0x0  }
0x1f: {  	s9 =	smul.u32 $0xF7A, s1;
	s8 =	simm.s32 @!p0 $0x1BF5;
	p2 =	por !p2, p0  }
0x20: {  	[sflag:s8] =	ssyncset.s32 @!p0 $0xFFFFF086;
	s6 =	sadd.s32 @!p0 s3, s7;
	s7 =	simm.s32 @!p0 $0x108  }
0x21: {  	s3 =	sadd.s32 s3, s9;
	s6 =	sadd.s32 @!p0 $0x88, s6;
	s7 =	simm.s32 @p2 $0x1082  }
0x22: {  	[simem:s7], [sflag:s8] =	dma.local @!p0 [hbm:s6], $0xF7A  }
0x23: {  	s9 =	sor.u32 $0xD0000000, s2;
	s6 =	simm.s32 $0x108;
	_ =	swait.ge @!p0 [sflag:s8], $0x0  }
0x24: {  	s3 =	sadd.s32 $0x88, s3;
	s6 =	simm.s32 @!p1 $0x1082;
	[sflag:s4] =	ssyncset.s32 $0xFFFFF086  }
0x25: {  	[simem:s6], [sflag:s4] =	dma.local [hbm:s3], $0xF7A  }
0x26: {  	[smem:$0x3F8E] =	sst s1;
	(tag) =	ssettag s2;
	_ =	strace s9  }
0x27: {  	s1 =	sld [smem:$0x3F9E]  }
0x28: {  	s2 =	sld [smem:$0x3F9F]  }
0x29: {  	s4 =	sld [smem:$0x3FA1]  }
0x2a: {  	p0 =	seq.s32 s5, $0x0;
	s5 =	sld [smem:$0x3FA2]  }
0x2b: {  	s6 =	sld [smem:$0x3FA3]  }
0x2c: {  	s7 =	sld [smem:$0x3FA4]  }
0x2d: {  	s3 =	simm.s32 $0x108;
	s8 =	sld [smem:$0x3FA5]  }
0x2e: {  	s3 =	simm.s32 @!p0 $0x1082;
	s9 =	sld [smem:$0x3FA6]  }
0x2f: {  	lr =	sadd.s32 s0, s3;
	s0 =	sld [smem:$0x3F9D]  }
0x30: {  	s3 =	sld [smem:$0x3FA0]  }
0x31: {  	[smem:$0x3FA9] =	sst s10  }
0x32: {  	s10 =	sld [smem:$0x3FA7];
	_ =	sdelay $0x3  }
0x33: {  	p0 =	seq.s32 s10, $0x1;
	s10 =	sld [smem:$0x3FA9];
	_ =	sdelay $0x3  }
0x34: {  	[smem:$0x3FA9] =	sst s10  }
0x35: {  	s10 =	sld [smem:$0x3FA8];
	_ =	sdelay $0x3  }
0x36: {  	p1 =	seq.s32 s10, $0x1;
	s10 =	sld [smem:$0x3FA9];
	_ =	sdelay $0x3  }
0x37: {  	[smem:$0x3FA9] =	sst s10  }
0x38: {  	s10 =	sld [smem:$0x3FAA]  }
0x39: {  	_ = 	snop;
	(pc) =	sbr.ind lr, $3  }
0x3a: {  	_ = 	snop  }
0x3b: {  	_ = 	snop  }
0x3c: {  	p2 =	seq.s32 s10, $0x1;
	s10 =	sld [smem:$0x3FA9]  }
0x3d: {  	_ =	shalt  }
0x3e: {  	_ =	shalt  }
0x3f: {  	_ =	shalt  }
0x40: {  	_ =	shalt  }
0x41: {  	_ =	shalt  }
0x42: {  	_ =	shalt  }
0x43: {  	_ =	shalt  }
0x44: {  	_ =	shalt  }
0x45: {  	_ =	shalt  }
0x46: {  	_ =	shalt  }
0x47: {  	_ =	shalt  }
0x48: {  	_ =	shalt  }
0x49: {  	_ =	shalt  }
0x4a: {  	_ =	shalt  }
0x4b: {  	_ =	shalt  }
0x4c: {  	_ =	shalt  }
0x4d: {  	_ =	shalt  }
0x4e: {  	_ =	shalt  }
0x4f: {  	_ =	shalt  }
0x50: {  	_ =	shalt  }
0x51: {  	_ =	shalt  }
0x52: {  	_ =	shalt  }
0x53: {  	_ =	shalt  }
0x54: {  	_ =	shalt  }
0x55: {  	_ =	shalt  }
0x56: {  	_ =	shalt  }
0x57: {  	_ =	shalt  }
0x58: {  	_ =	shalt  }
0x59: {  	_ =	shalt  }
0x5a: {  	_ =	shalt  }
0x5b: {  	_ =	shalt  }
0x5c: {  	_ =	shalt  }
0x5d: {  	_ =	shalt  }
0x5e: {  	_ =	shalt  }
0x5f: {  	_ =	shalt  }
0x60: {  	_ =	shalt  }
0x61: {  	_ =	shalt  }
0x62: {  	_ =	shalt  }
0x63: {  	_ =	shalt  }
0x64: {  	_ =	shalt  }
0x65: {  	_ =	shalt  }
0x66: {  	_ =	shalt  }
0x67: {  	_ =	shalt  }
0x68: {  	_ =	shalt  }
0x69: {  	_ =	shalt  }
0x6a: {  	_ =	shalt  }
0x6b: {  	_ =	shalt  }
0x6c: {  	_ =	shalt  }
0x6d: {  	_ =	shalt  }
0x6e: {  	_ =	shalt  }
0x6f: {  	_ =	shalt  }
0x70: {  	_ =	shalt  }
0x71: {  	_ =	shalt  }
0x72: {  	_ =	shalt  }
0x73: {  	_ =	shalt  }
0x74: {  	_ =	shalt  }
0x75: {  	_ =	shalt  }
0x76: {  	_ =	shalt  }
0x77: {  	_ =	shalt  }
0x78: {  	_ =	shalt  }
0x79: {  	_ =	shalt  }
0x7a: {  	_ =	shalt  }
0x7b: {  	_ =	shalt  }
0x7c: {  	_ =	shalt  }
0x7d: {  	_ =	shalt  }
0x7e: {  	_ =	shalt  }
0x7f: {  	_ =	shalt  }
0x80: {  	_ =	shalt  }
0x81: {  	_ =	shalt  }
0x82: {  	_ =	shalt  }
0x83: {  	_ =	shalt  }
0x84: {  	_ =	shalt  }
0x85: {  	_ =	shalt  }
0x86: {  	_ =	shalt  }
0x87: {  	_ =	shalt  }
.Lfunc_end0:
.L_simem_size_0:
called_computation.1_lowered:
.L_overlay_start_0:
0x88: {  	s2 =	sld [smem:$0x3FD9]  }
0x89: {  	s3 =	sld [smem:$0x3FFE];
	_ =	sdelay $0x1  }
0x8a: {  	s1 =	srdreg.scid  }
0x8b: {  	s0 =	sand.u32 $0x1, s1  }
0x8c: {  	s16 =	sshll.u32 s0, $0xA;
	s2 =	sadd.s32 s3, s2  }
0x8d: {  	s2 =	sadd.s32 s2, s16  }
0x8e: {  	[smem:$0x3FB5] =	sst s2  }
0x8f: {  	_ = 	snop  }
0x90: {  	(tm) =	ssettm $0x1  }
0x91: {  	s17 =	sld [smem:$0x3FFB];
	_ =	sdelay $0x3  }
0x92: {  	_ =	strace s17  }
0x93: {  	s2 =	sld [smem:$0x3FFC];
	_ =	sdelay $0x3  }
0x94: {  	_ =	strace s2  }
0x95: {  	s2 =	sld [smem:$0x3FFD];
	_ =	sdelay $0x3  }
0x96: {  	_ =	strace s2  }
0x97: {  	_ =	strace $0x8FFFFFFF  }
0x98: {  	s18 =	sld [smem:$0x3FDB];
	_ =	sdelay $0x1  }
0x99: {  	s19 =	simm.s32 $_scs_section_size  }
0x9a: {  	s4 =	simm.s32 $_size__tile_overlayer_lowered;
	s5 =	simm.s32 $_tile_overlayer_lowered  }
0x9b: {  	s22 =	simm.s32 $0x1BFF;
	s21 =	sshll.u32 s5, $0x1;
	s2 =	sadd.s32 s19, s18  }
0x9c: {  	s6 =	simm.s32 $0x0;
	s20 =	sshll.u32 s4, $0x1;
	s4 =	sadd.s32 s21, s2  }
0x9d: {  	[timem:s6], [sflag:s22] =	dma.local [hbm:s4], s20  }
0x9e: {  	_ =	swait.ge [sflag:s22], s20  }
0x9f: {  	s3 =	ssub.s32 $0x0, s20;
	[sflag:s22] =	ssyncset.done $0x0  }
0xa0: {  	[sflag:s22] =	ssyncadd.s32 s3;
	_ =	sdelay $0x1  }
0xa1: {  	s23 =	simm.s32 $0x1B8B  }
0xa2: {  	_ =	swait.ge [sflag:s23], $0x1  }
0xa3: {  	[sflag:s23] =	ssyncset.done $0x0  }
0xa4: {  	s25 =	simm.s32 $0x1B8E;
	s24 =	sld [smem:$0x3FFE];
	[sflag:s23] =	ssyncadd.s32 $0xFFFFFFFF  }
0xa5: {  	s26 =	simm.s32 $execute0_lowered;
	[smem:$0x3FD2] =	sst s25  }
0xa6: {  	s4 =	sshll.u32 s26, $0x1;
	_ =	strace $0x80000049;
	[dreg:$0x1] =	wrdreg $0xFFFFFFFF  }
0xa7: {  	s28 =	simm.s32 $_size_execute0_lowered;
	s2 =	sadd.s32 s2, s4;
	[dreg:$0x0] =	wrdreg $0x0  }
0xa8: {  	s4 =	sshll.u32 s28, $0x1;
	[dreg:$0x2] =	wrdreg s2  }
0xa9: {  	[dreg:$0x3] =	wrdreg s4  }
0xaa: {  	[dreg:$0x4] =	wrdreg $0xC0  }
0xab: {  	_ =	task [dreg:s6], $0x5FFFF  }
0xac: {  	[dreg:$0x1] =	wrdreg $0xFFFFFFFF  }
0xad: {  	[dreg:$0x0] =	wrdreg $0x60  }
0xae: {  	[dreg:$0x2] =	wrdreg s24  }
0xaf: {  	[dreg:$0x3] =	wrdreg $0x9  }
0xb0: {  	_ =	task.clear_ibuf [dreg:s6], $0x4FFFF;
	_ =	strace $0x90000049  }
0xb1: {  	s29 =	simm.s32 $0x9;
	_ =	strace $0x8000004B  }
0xb2: {  	_ =	swait.ge [sflag:s29], $0x1  }
0xb3: {  	[sflag:s29] =	ssyncadd.s32 $0xFFFFFFFF  }
0xb4: {  	_ =	strace $0x9000004B  }
0xb5: {  	_ =	sfence  }
0xb6: {  	s30 =	sld [smem:$0x0];
	_ =	sdelay $0x2  }
0xb7: {  	s31 =	sshll.u32 s1, $0xD;
	s1 =	sshrl.u32 s1, $0x2  }
0xb8: {  	s3 =	sand.u32 $0x4000, s31;
	s1 =	sadd.s32 s1, s30  }
0xb9: {  	s0 =	sor.u32 s3, s0;
	s1 =	sshll.u32 s1, $0x11  }
0xba: {  	s0 =	sor.u32 s1, s0  }
0xbb: {  	s0 =	sadd.s32 $0x8F2B, s0  }
0xbc: {  	[sflag:s0] =	ssyncadd.remote.s32 $0x1  }
0xbd: {  	_ =	sfence.sel $0xFFFF  }
0xbe: {  	[dreg:$0x0] =	wrdreg $0xFFFFFFFF;
	(pc) =	sbr.abs _section_cstart, $3  }
0xbf: {  	[dreg:$0x1] =	wrdreg $0xFFFFFFFF  }
0xc0: {  	_ =	task.clear_ibuf [dreg:s6], $0x2FFFF;
	_ =	strace $0x9FFFFFFF  }
0xc1: {  	(tm) =	ssettm $0x7FFFFFFF  }
tec
execute0_lowered:
.L_overlay_start_1:
0x0: {  	(tag) =	ssettag $0x1  }
0x1: {  	s1 =	srdreg.scid;
	s0 =	stileid.u32  }
0x2: {  	s22 =	sand.u32 $0x1, s1;
	s31 =	sshll.u32 s0, $0x1  }
0x3: {  	s9 =	rddreg [dreg:$0x0];
	s10 =	sor.u32 s22, s31  }
0x4: {  	s2 =	simm.s32 $0x0;
	s1 =	rddreg [dreg:$0x1];
	s3 =	sshll.u32 s10, $0x7  }
0x5: {  	[smem:$0x7FF] =	sst s2;
	s3 =	sadd.s32 s3, s9  }
0x6: {  	_ =	strace $0x8000004A;
	s4 =	sadd.s32 $0x4B2800, s3;
	s3 =	simm.s32 $0x2  }
0x7: {  	[tilespmem:s2], [sflag:$0x2] =	stream.linear.gather [hbm4b:s4+s2], $0x400, $0x38;
	[tilespmem:$0x8400] =	vst v63  }
0x8: {  	_ =	swait.ge [sflag:s3], $0x400  }
0x9: {  	s6 =	simm.s32 $0x80;
	s7 =	simm.s32 $0x400;
	[sflag:s3] =	ssyncset.done $0x0  }
0xa: {  	s8 =	simm.s32 $0x1;
	s5 =	sadd.s32 $0x2A00, s9;
	[sflag:s3] =	ssyncadd.s32 $0xFFFFFC00  }
0xb: {  	[tilespmem:s7], [sflag:$0x1] =	stream.indirect.gather [hbm4b:s5+s6], $0x80, s2, s6, $0xb8;
	[tilespmem:$0x8400] =	vst v63  }
0xc: {  	s10 =	sshll.u32 s10, $0xE;
	_ =	swait.ge [sflag:s8], $0x4000  }
0xd: {  	s23 =	sadd.s32 s10, s9;
	[sflag:s8] =	ssyncset.done $0x0  }
0xe: {  	s9 =	sadd.s32 $0x8A00, s23;
	[sflag:s8] =	ssyncadd.s32 $0xFFFFC000  }
0xf: {  	[hbm4b:s9+s2] =	stream.linear.scatter [tilespmem:s7], [sflag:$0x2], $0x4000, $0x38;
	[tilespmem:$0x8400] =	vst v63  }
0x10: {  	_ =	swait.ge [sflag:s3], $0x4000  }
0x11: {  	[sflag:s3] =	ssyncset.done $0x0  }
0x12: {  	s10 =	simm.s32 $0x4400;
	[sflag:s3] =	ssyncadd.s32 $0xFFFFC000  }
0x13: {  	[tilespmem:s10], [sflag:$0x1] =	stream.indirect.gather [hbm4b:s5+s6], $0x80, s6, s6, $0xb8;
	[tilespmem:$0x8400] =	vst v63  }
0x14: {  	_ =	swait.ge [sflag:s8], $0x4000  }
0x15: {  	[sflag:s8] =	ssyncset.done $0x0  }
0x16: {  	s11 =	sadd.s32 $0x9200, s23;
	[sflag:s8] =	ssyncadd.s32 $0xFFFFC000  }
0x17: {  	[hbm4b:s11+s2] =	stream.linear.scatter [tilespmem:s10], [sflag:$0x2], $0x4000, $0x38;
	[tilespmem:$0x8400] =	vst v63  }
0x18: {  	_ =	swait.ge [sflag:s3], $0x4000  }
0x19: {  	[sflag:s3] =	ssyncset.done $0x0  }
0x1a: {  	s12 =	simm.s32 $0x100;
	[sflag:s3] =	ssyncadd.s32 $0xFFFFC000  }
0x1b: {  	[tilespmem:s7], [sflag:$0x1] =	stream.indirect.gather [hbm4b:s5+s6], $0x80, s12, s6, $0xb8;
	[tilespmem:$0x8400] =	vst v63  }
0x1c: {  	_ =	swait.ge [sflag:s8], $0x4000  }
0x1d: {  	[sflag:s8] =	ssyncset.done $0x0  }
0x1e: {  	s13 =	sadd.s32 $0x9A00, s23;
	[sflag:s8] =	ssyncadd.s32 $0xFFFFC000  }
0x1f: {  	[hbm4b:s13+s2] =	stream.linear.scatter [tilespmem:s7], [sflag:$0x2], $0x4000, $0x38;
	[tilespmem:$0x8400] =	vst v63  }
0x20: {  	_ =	swait.ge [sflag:s3], $0x4000  }
0x21: {  	[sflag:s3] =	ssyncset.done $0x0  }
0x22: {  	s14 =	simm.s32 $0x180;
	[sflag:s3] =	ssyncadd.s32 $0xFFFFC000  }
0x23: {  	[tilespmem:s10], [sflag:$0x1] =	stream.indirect.gather [hbm4b:s5+s6], $0x80, s14, s6, $0xb8;
	[tilespmem:$0x8400] =	vst v63  }
0x24: {  	_ =	swait.ge [sflag:s8], $0x4000  }
0x25: {  	[sflag:s8] =	ssyncset.done $0x0  }
0x26: {  	s15 =	sadd.s32 $0xA200, s23;
	[sflag:s8] =	ssyncadd.s32 $0xFFFFC000  }
0x27: {  	[hbm4b:s15+s2] =	stream.linear.scatter [tilespmem:s10], [sflag:$0x2], $0x4000, $0x38;
	[tilespmem:$0x8400] =	vst v63  }
0x28: {  	_ =	swait.ge [sflag:s3], $0x4000  }
0x29: {  	[sflag:s3] =	ssyncset.done $0x0  }
0x2a: {  	s16 =	simm.s32 $0x200;
	[sflag:s3] =	ssyncadd.s32 $0xFFFFC000  }
0x2b: {  	[tilespmem:s7], [sflag:$0x1] =	stream.indirect.gather [hbm4b:s5+s6], $0x80, s16, s6, $0xb8;
	[tilespmem:$0x8400] =	vst v63  }
0x2c: {  	_ =	swait.ge [sflag:s8], $0x4000  }
0x2d: {  	[sflag:s8] =	ssyncset.done $0x0  }
0x2e: {  	s17 =	sadd.s32 $0xAA00, s23;
	[sflag:s8] =	ssyncadd.s32 $0xFFFFC000  }
0x2f: {  	[hbm4b:s17+s2] =	stream.linear.scatter [tilespmem:s7], [sflag:$0x2], $0x4000, $0x38;
	[tilespmem:$0x8400] =	vst v63  }
0x30: {  	_ =	swait.ge [sflag:s3], $0x4000  }
0x31: {  	[sflag:s3] =	ssyncset.done $0x0  }
0x32: {  	s18 =	simm.s32 $0x280;
	[sflag:s3] =	ssyncadd.s32 $0xFFFFC000  }
0x33: {  	[tilespmem:s10], [sflag:$0x1] =	stream.indirect.gather [hbm4b:s5+s6], $0x80, s18, s6, $0xb8;
	[tilespmem:$0x8400] =	vst v63  }
0x34: {  	_ =	swait.ge [sflag:s8], $0x4000  }
0x35: {  	[sflag:s8] =	ssyncset.done $0x0  }
0x36: {  	s19 =	sadd.s32 $0xB200, s23;
	[sflag:s8] =	ssyncadd.s32 $0xFFFFC000  }
0x37: {  	[hbm4b:s19+s2] =	stream.linear.scatter [tilespmem:s10], [sflag:$0x2], $0x4000, $0x38;
	[tilespmem:$0x8400] =	vst v63  }
0x38: {  	_ =	swait.ge [sflag:s3], $0x4000  }
0x39: {  	[sflag:s3] =	ssyncset.done $0x0  }
0x3a: {  	s20 =	simm.s32 $0x300;
	[sflag:s3] =	ssyncadd.s32 $0xFFFFC000  }
0x3b: {  	[tilespmem:s7], [sflag:$0x1] =	stream.indirect.gather [hbm4b:s5+s6], $0x80, s20, s6, $0xb8;
	[tilespmem:$0x8400] =	vst v63  }
0x3c: {  	_ =	swait.ge [sflag:s8], $0x4000  }
0x3d: {  	[sflag:s8] =	ssyncset.done $0x0  }
0x3e: {  	s24 =	ssub.s32 $0x2, s22;
	s21 =	sadd.s32 $0xBA00, s23;
	[sflag:s8] =	ssyncadd.s32 $0xFFFFC000  }
0x3f: {  	[hbm4b:s21+s2] =	stream.linear.scatter [tilespmem:s7], [sflag:$0x2], $0x4000, $0x38;
	[tilespmem:$0x8400] =	vst v63  }
0x40: {  	s25 =	sshrl.u32 s24, $0x1;
	_ =	swait.ge [sflag:s3], $0x4000  }
0x41: {  	s24 =	ssub.s32 s24, s25;
	[sflag:s3] =	ssyncset.done $0x0  }
0x42: {  	s22 =	simm.s32 $0x380;
	s24 =	smax.u32 s24, $0x1;
	[sflag:s3] =	ssyncadd.s32 $0xFFFFC000  }
0x43: {  	[tilespmem:s10], [sflag:$0x1] =	stream.indirect.gather [hbm4b:s5+s6], $0x80, s22, s6, $0xb8;
	[tilespmem:$0x8400] =	vst v63  }
0x44: {  	p0 =	sne.s32 s24, $0x1;
	_ =	swait.ge [sflag:s8], $0x4000  }
.Ltmp0:
0x45: {  	[sflag:s8] =	ssyncset.done $0x0;
	(pc) =	sbr.rel @!p0 .LBB2_2-.Ltmp0, $4  }
0x46: {  	s23 =	sadd.s32 $0xC200, s23;
	[sflag:s8] =	ssyncadd.s32 $0xFFFFC000  }
0x47: {  	[hbm4b:s23+s2] =	stream.linear.scatter [tilespmem:s10], [sflag:$0x2], $0x4000, $0x38;
	[tilespmem:$0x8400] =	vst v63  }
0x48: {  	_ =	swait.ge [sflag:s3], $0x4000  }
0x49: {  	s24 =	sadd.s32 $0xFFFFFFFF, s24;
	[sflag:s3] =	ssyncset.done $0x0  }
.LBB2_1:
0x4a: {  	p0 =	sne.s32 s24, $0x1;
	s24 =	sadd.s32 $0xFFFFFFFF, s24;
	[sflag:s3] =	ssyncadd.s32 $0xFFFFC000  }
0x4b: {  	[tilespmem:s2], [sflag:$0x2] =	stream.linear.gather [hbm4b:s4+s2], $0x400, $0x38;
	[tilespmem:$0x8400] =	vst v63  }
0x4c: {  	_ =	swait.ge [sflag:s3], $0x400  }
0x4d: {  	[sflag:s3] =	ssyncset.done $0x0  }
0x4e: {  	[sflag:s3] =	ssyncadd.s32 $0xFFFFFC00  }
0x4f: {  	[tilespmem:s7], [sflag:$0x1] =	stream.indirect.gather [hbm4b:s5+s6], $0x80, s2, s6, $0xb8;
	[tilespmem:$0x8400] =	vst v63  }
0x50: {  	_ =	swait.ge [sflag:s8], $0x4000  }
0x51: {  	[sflag:s8] =	ssyncset.done $0x0  }
0x52: {  	[sflag:s8] =	ssyncadd.s32 $0xFFFFC000  }
0x53: {  	[hbm4b:s9+s2] =	stream.linear.scatter [tilespmem:s7], [sflag:$0x2], $0x4000, $0x38;
	[tilespmem:$0x8400] =	vst v63  }
0x54: {  	_ =	swait.ge [sflag:s3], $0x4000  }
0x55: {  	[sflag:s3] =	ssyncset.done $0x0  }
0x56: {  	[sflag:s3] =	ssyncadd.s32 $0xFFFFC000  }
0x57: {  	[tilespmem:s10], [sflag:$0x1] =	stream.indirect.gather [hbm4b:s5+s6], $0x80, s6, s6, $0xb8;
	[tilespmem:$0x8400] =	vst v63  }
0x58: {  	_ =	swait.ge [sflag:s8], $0x4000  }
0x59: {  	[sflag:s8] =	ssyncset.done $0x0  }
0x5a: {  	[sflag:s8] =	ssyncadd.s32 $0xFFFFC000  }
0x5b: {  	[hbm4b:s11+s2] =	stream.linear.scatter [tilespmem:s10], [sflag:$0x2], $0x4000, $0x38;
	[tilespmem:$0x8400] =	vst v63  }
0x5c: {  	_ =	swait.ge [sflag:s3], $0x4000  }
0x5d: {  	[sflag:s3] =	ssyncset.done $0x0  }
0x5e: {  	[sflag:s3] =	ssyncadd.s32 $0xFFFFC000  }
0x5f: {  	[tilespmem:s7], [sflag:$0x1] =	stream.indirect.gather [hbm4b:s5+s6], $0x80, s12, s6, $0xb8;
	[tilespmem:$0x8400] =	vst v63  }
0x60: {  	_ =	swait.ge [sflag:s8], $0x4000  }
0x61: {  	[sflag:s8] =	ssyncset.done $0x0  }
0x62: {  	[sflag:s8] =	ssyncadd.s32 $0xFFFFC000  }
0x63: {  	[hbm4b:s13+s2] =	stream.linear.scatter [tilespmem:s7], [sflag:$0x2], $0x4000, $0x38;
	[tilespmem:$0x8400] =	vst v63  }
0x64: {  	_ =	swait.ge [sflag:s3], $0x4000  }
0x65: {  	[sflag:s3] =	ssyncset.done $0x0  }
0x66: {  	[sflag:s3] =	ssyncadd.s32 $0xFFFFC000  }
0x67: {  	[tilespmem:s10], [sflag:$0x1] =	stream.indirect.gather [hbm4b:s5+s6], $0x80, s14, s6, $0xb8;
	[tilespmem:$0x8400] =	vst v63  }
0x68: {  	_ =	swait.ge [sflag:s8], $0x4000  }
0x69: {  	[sflag:s8] =	ssyncset.done $0x0  }
0x6a: {  	[sflag:s8] =	ssyncadd.s32 $0xFFFFC000  }
0x6b: {  	[hbm4b:s15+s2] =	stream.linear.scatter [tilespmem:s10], [sflag:$0x2], $0x4000, $0x38;
	[tilespmem:$0x8400] =	vst v63  }
0x6c: {  	_ =	swait.ge [sflag:s3], $0x4000  }
0x6d: {  	[sflag:s3] =	ssyncset.done $0x0  }
0x6e: {  	[sflag:s3] =	ssyncadd.s32 $0xFFFFC000  }
0x6f: {  	[tilespmem:s7], [sflag:$0x1] =	stream.indirect.gather [hbm4b:s5+s6], $0x80, s16, s6, $0xb8;
	[tilespmem:$0x8400] =	vst v63  }
0x70: {  	_ =	swait.ge [sflag:s8], $0x4000  }
0x71: {  	[sflag:s8] =	ssyncset.done $0x0  }
0x72: {  	[sflag:s8] =	ssyncadd.s32 $0xFFFFC000  }
0x73: {  	[hbm4b:s17+s2] =	stream.linear.scatter [tilespmem:s7], [sflag:$0x2], $0x4000, $0x38;
	[tilespmem:$0x8400] =	vst v63  }
0x74: {  	_ =	swait.ge [sflag:s3], $0x4000  }
0x75: {  	[sflag:s3] =	ssyncset.done $0x0  }
0x76: {  	[sflag:s3] =	ssyncadd.s32 $0xFFFFC000  }
0x77: {  	[tilespmem:s10], [sflag:$0x1] =	stream.indirect.gather [hbm4b:s5+s6], $0x80, s18, s6, $0xb8;
	[tilespmem:$0x8400] =	vst v63  }
0x78: {  	_ =	swait.ge [sflag:s8], $0x4000  }
0x79: {  	[sflag:s8] =	ssyncset.done $0x0  }
0x7a: {  	[sflag:s8] =	ssyncadd.s32 $0xFFFFC000  }
0x7b: {  	[hbm4b:s19+s2] =	stream.linear.scatter [tilespmem:s10], [sflag:$0x2], $0x4000, $0x38;
	[tilespmem:$0x8400] =	vst v63  }
0x7c: {  	_ =	swait.ge [sflag:s3], $0x4000  }
0x7d: {  	[sflag:s3] =	ssyncset.done $0x0  }
0x7e: {  	[sflag:s3] =	ssyncadd.s32 $0xFFFFC000  }
0x7f: {  	[tilespmem:s7], [sflag:$0x1] =	stream.indirect.gather [hbm4b:s5+s6], $0x80, s20, s6, $0xb8;
	[tilespmem:$0x8400] =	vst v63  }
0x80: {  	_ =	swait.ge [sflag:s8], $0x4000  }
0x81: {  	[sflag:s8] =	ssyncset.done $0x0  }
0x82: {  	[sflag:s8] =	ssyncadd.s32 $0xFFFFC000  }
0x83: {  	[hbm4b:s21+s2] =	stream.linear.scatter [tilespmem:s7], [sflag:$0x2], $0x4000, $0x38;
	[tilespmem:$0x8400] =	vst v63  }
0x84: {  	_ =	swait.ge [sflag:s3], $0x4000  }
0x85: {  	[sflag:s3] =	ssyncset.done $0x0  }
0x86: {  	[sflag:s3] =	ssyncadd.s32 $0xFFFFC000  }
0x87: {  	[tilespmem:s10], [sflag:$0x1] =	stream.indirect.gather [hbm4b:s5+s6], $0x80, s22, s6, $0xb8;
	[tilespmem:$0x8400] =	vst v63  }
0x88: {  	_ =	swait.ge [sflag:s8], $0x4000  }
.Ltmp1:
0x89: {  	[sflag:s8] =	ssyncset.done $0x0;
	(pc) =	sbr.rel @p0 .LBB2_1-.Ltmp1, $4  }
0x8a: {  	[sflag:s8] =	ssyncadd.s32 $0xFFFFC000  }
0x8b: {  	[hbm4b:s23+s2] =	stream.linear.scatter [tilespmem:s10], [sflag:$0x2], $0x4000, $0x38;
	[tilespmem:$0x8400] =	vst v63  }
0x8c: {  	_ =	swait.ge [sflag:s3], $0x4000  }
0x8d: {  	[sflag:s3] =	ssyncset.done $0x0  }
.LBB2_2:
0x8e: {  	[sflag:s3] =	ssyncadd.s32 $0xFFFFC000  }
0x8f: {  	_ =	sfence.sel $0x180000  }
0x90: {  	[bflag:$0x0] =	sbarrier.arrive $0xFFFF  }
0x91: {  	p0 =	sne.s32 s0, $0x0;
	_ =	strace $0x9000004A  }
0x92: {  	s0 =	sadd.s32 @!p0 $0x100000, s1;
	[bflag:$0x2] =	sbarrier.arrive $0xFFFF  }
0x93: {  	[sflag:s0] =	ssyncadd.tile.s32 @!p0 $0x1;
	_ =	shalt  }
.Lfunc_end2:
_tile_overlayer_lowered:
.L_overlay_start_2:
0x94: {  	(tag) =	ssettag $0x2  }
0x95: {  	s0 =	rddreg [dreg:$0x0];
	s2 =	stileid.u32  }
0x96: {  	s1 =	rddreg [dreg:$0x1];
	p0 =	sne.s32 s2, $0x0  }
0x97: {  	s3 =	rddreg [dreg:$0x2];
	[bflag:$0x3] =	sbarrier.arrive $0xFFFF;
	s2 =	simm.s32 @!p0 $0x1C02  }
0x98: {  	[timem:s3], [sflag:s2] =	dma.local @!p0 [hbm:s0], s1  }
0x99: {  	s0 =	simm.s32 @!p0 $0x2  }
0x9a: {  	_ =	swait.ge @!p0 [sflag:s0], s1  }
0x9b: {  	s1 =	ssub.s32 @!p0 $0x0, s1;
	[sflag:s0] =	ssyncset.done @!p0 $0x0  }
0x9c: {  	[sflag:s0] =	ssyncadd.s32 @!p0 s1  }
0x9d: {  	[bflag:$0x3] =	sbarrier.arrive $0xFFFF  }
0x9e: {  	_ =	shalt  }

// kernel: kernel.8.cloned.1.call-start
scs
__scs_entry_jumppad:
0x0: {  	(pc) =	sbr.rel $0x88, $3  }
0x1: {  	(tag) =	ssettag $0x0;
	lr =	simm.s32 $0x1  }
0x2: {  	[smem:$0x3F8E] =	sst lr;
	_ =	strace $0xD0000000  }
0x3: {  	_ = 	snop  }
0x4: {  	_ = 	snop  }
0x5: {  	_ = 	snop  }
0x6: {  	_ = 	snop  }
0x7: {  	_ = 	snop  }
__scs_overlays_trampoline_lowered:
0x8: {  	[smem:$0x3F9D] =	sst s0  }
0x9: {  	[smem:$0x3F9E] =	sst s1  }
0xa: {  	[smem:$0x3F9F] =	sst s2  }
0xb: {  	[smem:$0x3FA0] =	sst s3  }
0xc: {  	[smem:$0x3FA1] =	sst s4  }
0xd: {  	[smem:$0x3FA2] =	sst s5  }
0xe: {  	[smem:$0x3FA3] =	sst s6  }
0xf: {  	[smem:$0x3FA4] =	sst s7  }
0x10: {  	[smem:$0x3FA5] =	sst s8  }
0x11: {  	[smem:$0x3FA6] =	sst s9;
	s0 =	simm.s32 @!p0 $0x0  }
0x12: {  	s1 =	sld [smem:$0x3F8C];
	s0 =	simm.s32 @p0 $0x1  }
0x13: {  	[smem:$0x3FA7] =	sst s0;
	s0 =	simm.s32 @!p1 $0x0  }
0x14: {  	s2 =	sld [smem:$0x3F8B];
	s0 =	simm.s32 @p1 $0x1  }
0x15: {  	[smem:$0x3FA8] =	sst s0;
	s0 =	simm.s32 @!p2 $0x0  }
0x16: {  	s3 =	sld [smem:$0x3FDB];
	s0 =	simm.s32 @p2 $0x1  }
0x17: {  	s4 =	simm.s32 $0x1BF5;
	[smem:$0x3FAA] =	sst s0  }
0x18: {  	s0 =	sld [smem:$0x3F8D];
	_ =	swait.ge [sflag:s4], $0x0  }
0x19: {  	s7 =	sld [smem:$0x3F8E]  }
0x1a: {  	s8 =	sadd.s32 $0xFFFFE003, lr  }
0x1b: {  	s9 =	sadd.s32 $0xFFFFFEF7, lr;
	s5 =	simm.s32 $0xFFFFFFFF;
	p2 =	slt.u32 s8, $0xFFFFF086  }
0x1c: {  	p1 =	slt.u32 s9, $0xF7A;
	s5 =	simm.s32 @!p2 $0x0  }
0x1d: {  	s5 =	simm.s32 @p1 $0x1;
	p0 =	seq.s32 s7, s2  }
0x1e: {  	s7 =	smul.u32 @!p0 $0xF7A, s2;
	p2 =	seq.s32 @!p0 s5, $0x0  }
0x1f: {  	s9 =	smul.u32 $0xF7A, s1;
	s8 =	simm.s32 @!p0 $0x1BF5;
	p2 =	por !p2, p0  }
0x20: {  	[sflag:s8] =	ssyncset.s32 @!p0 $0xFFFFF086;
	s6 =	sadd.s32 @!p0 s3, s7;
	s7 =	simm.s32 @!p0 $0x108  }
0x21: {  	s3 =	sadd.s32 s3, s9;
	s6 =	sadd.s32 @!p0 $0x88, s6;
	s7 =	simm.s32 @p2 $0x1082  }
0x22: {  	[simem:s7], [sflag:s8] =	dma.local @!p0 [hbm:s6], $0xF7A  }
0x23: {  	s9 =	sor.u32 $0xD0000000, s2;
	s6 =	simm.s32 $0x108;
	_ =	swait.ge @!p0 [sflag:s8], $0x0  }
0x24: {  	s3 =	sadd.s32 $0x88, s3;
	s6 =	simm.s32 @!p1 $0x1082;
	[sflag:s4] =	ssyncset.s32 $0xFFFFF086  }
0x25: {  	[simem:s6], [sflag:s4] =	dma.local [hbm:s3], $0xF7A  }
0x26: {  	[smem:$0x3F8E] =	sst s1;
	(tag) =	ssettag s2;
	_ =	strace s9  }
0x27: {  	s1 =	sld [smem:$0x3F9E]  }
0x28: {  	s2 =	sld [smem:$0x3F9F]  }
0x29: {  	s4 =	sld [smem:$0x3FA1]  }
0x2a: {  	p0 =	seq.s32 s5, $0x0;
	s5 =	sld [smem:$0x3FA2]  }
0x2b: {  	s6 =	sld [smem:$0x3FA3]  }
0x2c: {  	s7 =	sld [smem:$0x3FA4]  }
0x2d: {  	s3 =	simm.s32 $0x108;
	s8 =	sld [smem:$0x3FA5]  }
0x2e: {  	s3 =	simm.s32 @!p0 $0x1082;
	s9 =	sld [smem:$0x3FA6]  }
0x2f: {  	lr =	sadd.s32 s0, s3;
	s0 =	sld [smem:$0x3F9D]  }
0x30: {  	s3 =	sld [smem:$0x3FA0]  }
0x31: {  	[smem:$0x3FA9] =	sst s10  }
0x32: {  	s10 =	sld [smem:$0x3FA7];
	_ =	sdelay $0x3  }
0x33: {  	p0 =	seq.s32 s10, $0x1;
	s10 =	sld [smem:$0x3FA9];
	_ =	sdelay $0x3  }
0x34: {  	[smem:$0x3FA9] =	sst s10  }
0x35: {  	s10 =	sld [smem:$0x3FA8];
	_ =	sdelay $0x3  }
0x36: {  	p1 =	seq.s32 s10, $0x1;
	s10 =	sld [smem:$0x3FA9];
	_ =	sdelay $0x3  }
0x37: {  	[smem:$0x3FA9] =	sst s10  }
0x38: {  	s10 =	sld [smem:$0x3FAA]  }
0x39: {  	_ = 	snop;
	(pc) =	sbr.ind lr, $3  }
0x3a: {  	_ = 	snop  }
0x3b: {  	_ = 	snop  }
0x3c: {  	p2 =	seq.s32 s10, $0x1;
	s10 =	sld [smem:$0x3FA9]  }
0x3d: {  	_ =	shalt  }
0x3e: {  	_ =	shalt  }
0x3f: {  	_ =	shalt  }
0x40: {  	_ =	shalt  }
0x41: {  	_ =	shalt  }
0x42: {  	_ =	shalt  }
0x43: {  	_ =	shalt  }
0x44: {  	_ =	shalt  }
0x45: {  	_ =	shalt  }
0x46: {  	_ =	shalt  }
0x47: {  	_ =	shalt  }
0x48: {  	_ =	shalt  }
0x49: {  	_ =	shalt  }
0x4a: {  	_ =	shalt  }
0x4b: {  	_ =	shalt  }
0x4c: {  	_ =	shalt  }
0x4d: {  	_ =	shalt  }
0x4e: {  	_ =	shalt  }
0x4f: {  	_ =	shalt  }
0x50: {  	_ =	shalt  }
0x51: {  	_ =	shalt  }
0x52: {  	_ =	shalt  }
0x53: {  	_ =	shalt  }
0x54: {  	_ =	shalt  }
0x55: {  	_ =	shalt  }
0x56: {  	_ =	shalt  }
0x57: {  	_ =	shalt  }
0x58: {  	_ =	shalt  }
0x59: {  	_ =	shalt  }
0x5a: {  	_ =	shalt  }
0x5b: {  	_ =	shalt  }
0x5c: {  	_ =	shalt  }
0x5d: {  	_ =	shalt  }
0x5e: {  	_ =	shalt  }
0x5f: {  	_ =	shalt  }
0x60: {  	_ =	shalt  }
0x61: {  	_ =	shalt  }
0x62: {  	_ =	shalt  }
0x63: {  	_ =	shalt  }
0x64: {  	_ =	shalt  }
0x65: {  	_ =	shalt  }
0x66: {  	_ =	shalt  }
0x67: {  	_ =	shalt  }
0x68: {  	_ =	shalt  }
0x69: {  	_ =	shalt  }
0x6a: {  	_ =	shalt  }
0x6b: {  	_ =	shalt  }
0x6c: {  	_ =	shalt  }
0x6d: {  	_ =	shalt  }
0x6e: {  	_ =	shalt  }
0x6f: {  	_ =	shalt  }
0x70: {  	_ =	shalt  }
0x71: {  	_ =	shalt  }
0x72: {  	_ =	shalt  }
0x73: {  	_ =	shalt  }
0x74: {  	_ =	shalt  }
0x75: {  	_ =	shalt  }
0x76: {  	_ =	shalt  }
0x77: {  	_ =	shalt  }
0x78: {  	_ =	shalt  }
0x79: {  	_ =	shalt  }
0x7a: {  	_ =	shalt  }
0x7b: {  	_ =	shalt  }
0x7c: {  	_ =	shalt  }
0x7d: {  	_ =	shalt  }
0x7e: {  	_ =	shalt  }
0x7f: {  	_ =	shalt  }
0x80: {  	_ =	shalt  }
0x81: {  	_ =	shalt  }
0x82: {  	_ =	shalt  }
0x83: {  	_ =	shalt  }
0x84: {  	_ =	shalt  }
0x85: {  	_ =	shalt  }
0x86: {  	_ =	shalt  }
0x87: {  	_ =	shalt  }
.Lfunc_end0:
.L_simem_size_0:
called_computation_lowered:
.L_overlay_start_0:
0x88: {  	s2 =	sld [smem:$0x3FD9]  }
0x89: {  	s3 =	sld [smem:$0x3FFE];
	_ =	sdelay $0x1  }
0x8a: {  	s1 =	srdreg.scid  }
0x8b: {  	s0 =	sand.u32 $0x1, s1  }
0x8c: {  	s16 =	sshll.u32 s0, $0xA;
	s2 =	sadd.s32 s3, s2  }
0x8d: {  	s2 =	sadd.s32 s2, s16  }
0x8e: {  	[smem:$0x3FB5] =	sst s2  }
0x8f: {  	_ = 	snop  }
0x90: {  	(tm) =	ssettm $0x1  }
0x91: {  	s17 =	sld [smem:$0x3FFB];
	_ =	sdelay $0x3  }
0x92: {  	_ =	strace s17  }
0x93: {  	s2 =	sld [smem:$0x3FFC];
	_ =	sdelay $0x3  }
0x94: {  	_ =	strace s2  }
0x95: {  	s2 =	sld [smem:$0x3FFD];
	_ =	sdelay $0x3  }
0x96: {  	_ =	strace s2  }
0x97: {  	_ =	strace $0x8FFFFFFF  }
0x98: {  	s18 =	sld [smem:$0x3FDB];
	_ =	sdelay $0x1  }
0x99: {  	s19 =	simm.s32 $_scs_section_size  }
0x9a: {  	s4 =	simm.s32 $_size__tile_overlayer_lowered;
	s5 =	simm.s32 $_tile_overlayer_lowered  }
0x9b: {  	s22 =	simm.s32 $0x1BFF;
	s21 =	sshll.u32 s5, $0x1;
	s2 =	sadd.s32 s19, s18  }
0x9c: {  	s6 =	simm.s32 $0x0;
	s20 =	sshll.u32 s4, $0x1;
	s4 =	sadd.s32 s21, s2  }
0x9d: {  	[timem:s6], [sflag:s22] =	dma.local [hbm:s4], s20  }
0x9e: {  	_ =	swait.ge [sflag:s22], s20  }
0x9f: {  	s3 =	ssub.s32 $0x0, s20;
	[sflag:s22] =	ssyncset.done $0x0  }
0xa0: {  	[sflag:s22] =	ssyncadd.s32 s3;
	_ =	sdelay $0x1  }
0xa1: {  	s23 =	simm.s32 $0x1B8B  }
0xa2: {  	_ =	swait.ge [sflag:s23], $0x1  }
0xa3: {  	[sflag:s23] =	ssyncset.done $0x0  }
0xa4: {  	s25 =	simm.s32 $0x1B8E;
	s24 =	sld [smem:$0x3FFE];
	[sflag:s23] =	ssyncadd.s32 $0xFFFFFFFF  }
0xa5: {  	s26 =	simm.s32 $execute0_lowered;
	[smem:$0x3FD2] =	sst s25  }
0xa6: {  	s4 =	sshll.u32 s26, $0x1;
	_ =	strace $0x80000046;
	[dreg:$0x1] =	wrdreg $0xFFFFFFFF  }
0xa7: {  	s28 =	simm.s32 $_size_execute0_lowered;
	s2 =	sadd.s32 s2, s4;
	[dreg:$0x0] =	wrdreg $0x0  }
0xa8: {  	s4 =	sshll.u32 s28, $0x1;
	[dreg:$0x2] =	wrdreg s2  }
0xa9: {  	[dreg:$0x3] =	wrdreg s4  }
0xaa: {  	[dreg:$0x4] =	wrdreg $0xC0  }
0xab: {  	_ =	task [dreg:s6], $0x5FFFF  }
0xac: {  	[dreg:$0x1] =	wrdreg $0xFFFFFFFF  }
0xad: {  	[dreg:$0x0] =	wrdreg $0x60  }
0xae: {  	[dreg:$0x2] =	wrdreg s24  }
0xaf: {  	[dreg:$0x3] =	wrdreg $0x9  }
0xb0: {  	_ =	task.clear_ibuf [dreg:s6], $0x4FFFF;
	_ =	strace $0x90000046  }
0xb1: {  	s29 =	simm.s32 $0x9;
	_ =	strace $0x80000048  }
0xb2: {  	_ =	swait.ge [sflag:s29], $0x1  }
0xb3: {  	[sflag:s29] =	ssyncadd.s32 $0xFFFFFFFF  }
0xb4: {  	_ =	strace $0x90000048  }
0xb5: {  	_ =	sfence  }
0xb6: {  	s30 =	sld [smem:$0x0];
	_ =	sdelay $0x2  }
0xb7: {  	s31 =	sshll.u32 s1, $0xD;
	s1 =	sshrl.u32 s1, $0x2  }
0xb8: {  	s3 =	sand.u32 $0x4000, s31;
	s1 =	sadd.s32 s1, s30  }
0xb9: {  	s0 =	sor.u32 s3, s0;
	s1 =	sshll.u32 s1, $0x11  }
0xba: {  	s0 =	sor.u32 s1, s0  }
0xbb: {  	s0 =	sadd.s32 $0x8F2B, s0  }
0xbc: {  	[sflag:s0] =	ssyncadd.remote.s32 $0x1  }
0xbd: {  	_ =	sfence.sel $0xFFFF  }
0xbe: {  	[dreg:$0x0] =	wrdreg $0xFFFFFFFF;
	(pc) =	sbr.abs _section_cstart, $3  }
0xbf: {  	[dreg:$0x1] =	wrdreg $0xFFFFFFFF  }
0xc0: {  	_ =	task.clear_ibuf [dreg:s6], $0x2FFFF;
	_ =	strace $0x9FFFFFFF  }
0xc1: {  	(tm) =	ssettm $0x7FFFFFFF  }
tec
execute0_lowered:
.L_overlay_start_1:
0x0: {  	(tag) =	ssettag $0x1  }
0x1: {  	s0 =	rddreg [dreg:$0x0]  }
0x2: {  	s2 =	simm.s32 $0x0;
	s3 =	srdreg.scid;
	s1 =	stileid.u32  }
0x3: {  	s13 =	simm.s32 $0x680;
	s14 =	simm.s32 $0xD00;
	s15 =	simm.s32 $0x1380  }
0x4: {  	s16 =	simm.s32 $0x1;
	s17 =	simm.s32 $0x4100;
	s18 =	simm.s32 $0x2  }
0x5: {  	s19 =	simm.s32 $0x6880;
	s6 =	sand.u32 $0x1, s3;
	s29 =	sshll.u32 s1, $0x1  }
0x6: {  	s20 =	simm.s32 $0x3;
	s21 =	simm.s32 $0x5;
	s7 =	sor.u32 s6, s29  }
0x7: {  	s22 =	simm.s32 $0x4;
	s23 =	simm.s32 $0x6;
	s8 =	smul.u32 $0x12C00, s7  }
0x8: {  	s24 =	simm.s32 $0x0;
	[smem:$0x7FF] =	sst s2;
	s9 =	smul.u32 $0x2580, s7  }
0x9: {  	s3 =	sadd.s32 $0x4C800, s0;
	s30 =	ssub.s32 $0x2, s6;
	s6 =	smul.u32 $0x30, s7  }
.Ltmp0:
0xa: {  	s4 =	sadd.s32 $0x2A00, s0;
	s10 =	sshrl.u32 s30, $0x1;
	(pc) =	sbr.rel .LBB2_1-.Ltmp0, $4  }
0xb: {  	s5 =	sadd.s32 $0x96600, s0;
	_ =	strace $0x80000047;
	s0 =	ssub.s32 s30, s10  }
0xc: {  	s8 =	sshrl.u32 s8, $0x3;
	s7 =	sadd.s32 s3, s9;
	s11 =	smin.u32 s6, $0x5B8  }
0xd: {  	s12 =	smax.u32 s0, $0x1;
	s31 =	sadd.s32 $0xC8, s8;
	s8 =	sadd.s32 s4, s9  }
0xe: {  	v0 =	vimm.f32 $0.0e+00;
	v1 =	vimm.f32 $1.000000000e+00;
	s11 =	sadd.s32 $0x30, s11;
	s9 =	sadd.s32 s3, s31;
	s10 =	sadd.s32 s4, s31  }
.LBB2_27:
0xf: {  	s24 =	sadd.s32 $0x1, s24  }
0x10: {  	_ =	swait.ge [sflag:s21], $0x2710;
	p0 =	sne.s32 s24, s12  }
.Ltmp1:
0x11: {  	[sflag:s21] =	ssyncset.done $0x0;
	(pc) =	sbr.rel @!p0 .LBB2_28-.Ltmp1, $4  }
0x12: {  	[sflag:s21] =	ssyncadd.s32 $0xFFFFD8F0  }
0x13: {  	_ =	swait.ge [sflag:s23], $0x2710  }
0x14: {  	[sflag:s23] =	ssyncset.done $0x0  }
0x15: {  	[sflag:s23] =	ssyncadd.s32 $0xFFFFD8F0  }
.LBB2_1:
0x16: {  	s0 =	simm.s32 $0x40;
	s25 =	simm.s32 $0x0  }
.LBB2_2:
0x17: {  	p0 =	sne.s32 s0, $0x9C00;
	[tilespmem:s25+$0x4100] =	vst v0;
	s26 =	smov.u32 s0;
	s0 =	sadd.s32 $0x40, s0  }
.Ltmp2:
0x18: {  	[tilespmem:s25+$0x6880] =	vst v0;
	(pc) =	sbr.rel @p0 .LBB2_2-.Ltmp2, $2  }
0x19: {  	_ =	sdelay $0x2  }
0x1a: {  	s25 =	sshra.s32 s26, $0x2  }
0x1b: {  	[tilespmem:s25+$0x4100] =	vst v0  }
0x1c: {  	[tilespmem:s25+$0x6880] =	vst v0;
	s25 =	simm.s32 $0x0  }
0x1d: {  	[tilespmem:s25], [sflag:$0x1] =	stream.linear.gather [hbm4b:s7+s25], $0x640, $0x38;
	[tilespmem:$0x9000] =	vst v63  }
0x1e: {  	_ = 	snop  }
0x1f: {  	[tilespmem:s13], [sflag:$0x1] =	stream.linear.gather [hbm4b:s8+s25], $0x640, $0x38;
	[tilespmem:$0x9000] =	vst v63  }
.Ltmp3:
0x20: {  	_ = 	snop;
	(pc) =	sbr.rel .LBB2_4-.Ltmp3, $4  }
0x21: {  	_ = 	snop  }
0x22: {  	[tilespmem:s14], [sflag:$0x2] =	stream.linear.gather [hbm4b:s9+s25], $0x640, $0x38;
	[tilespmem:$0x9000] =	vst v63  }
0x23: {  	_ = 	snop  }
0x24: {  	[tilespmem:s15], [sflag:$0x2] =	stream.linear.gather [hbm4b:s10+s25], $0x640, $0x38;
	[tilespmem:$0x9000] =	vst v63  }
.LBB2_26:
0x25: {  	s25 =	sadd.s32 $0x1, s25  }
0x26: {  	p0 =	sne.s32 s25, $0xC  }
.Ltmp4:
0x27: {  	_ = 	snop;
	(pc) =	sbr.rel @!p0 .LBB2_27-.Ltmp4, $1  }
0x28: {  	_ =	sdelay $0x3  }
.LBB2_4:
0x29: {  	s0 =	sshll.u32 s25, $0x2  }
0x2a: {  	s26 =	sadd.s32 s6, s0  }
0x2b: {  	p0 =	sgt.u32 s26, $0x5E7  }
.Ltmp5:
0x2c: {  	_ = 	snop;
	(pc) =	sbr.rel @p0 .LBB2_26-.Ltmp5, $1  }
0x2d: {  	_ =	sdelay $0x3  }
0x2e: {  	_ =	swait.ge [sflag:s16], $0x640  }
0x2f: {  	s28 =	sor.u32 $0x2, s26;
	[sflag:s16] =	ssyncset.done $0x0  }
0x30: {  	p0 =	sge.u32 s28, s11;
	[sflag:s16] =	ssyncadd.s32 $0xFFFFF9C0  }
0x31: {  	s0 =	smul.u32 @!p0 $0xC8, s28;
	_ =	swait.ge [sflag:s16], $0x640  }
0x32: {  	s30 =	simm.s32 @!p0 $0x0;
	[sflag:s16] =	ssyncset.done $0x0  }
0x33: {  	s31 =	simm.s32 @!p0 $0x1A00;
	s29 =	sadd.s32 @!p0 s3, s0;
	[sflag:s16] =	ssyncadd.s32 $0xFFFFF9C0  }
0x34: {  	[tilespmem:s31], [sflag:$0x3] =	stream.linear.gather @!p0 [hbm4b:s29+s30], $0x640, $0x38;
	[tilespmem:$0x9000] =	vst v63  }
0x35: {  	s0 =	sadd.s32 @!p0 s4, s0;
	s29 =	simm.s32 @!p0 $0x2080  }
0x36: {  	[tilespmem:s29], [sflag:$0x3] =	stream.linear.gather @!p0 [hbm4b:s0+s30], $0x640, $0x38;
	[tilespmem:$0x9000] =	vst v63  }
0x37: {  	p0 =	seq.s32 s25, $0x0  }
.Ltmp6:
0x38: {  	_ = 	snop;
	(pc) =	sbr.rel @p0 .LBB2_9-.Ltmp6, $1  }
0x39: {  	_ =	sdelay $0x3  }
0x3a: {  	_ =	swait.ge [sflag:s21], $0x2710  }
0x3b: {  	[sflag:s21] =	ssyncset.done $0x0  }
0x3c: {  	s29 =	simm.s32 $0x0;
	[sflag:s21] =	ssyncadd.s32 $0xFFFFD8F0  }
0x3d: {  	s0 =	simm.s32 $0x80;
	v2 =	vld [tilespmem:s29+$0x3400]  }
.LBB2_7:
0x3e: {  	p1 =	sne.s32 s0, $0x1880;
	v3 =	vld [tilespmem:s29+$0x3410];
	_ =	sdelay $0x4  }
.Ltmp7:
0x3f: {  	(pc) =	sbr.rel @p1 .LBB2_7-.Ltmp7, $4  }
0x40: {  	_ = 	snop  }
0x41: {  	[tilespmem:v2+s17+$0x0] =	vst.idx.msk $0xffff, v0  }
0x42: {  	s29 =	sshra.s32 s0, $0x2;
	[tilespmem:v3+s17+$0x0] =	vst.idx.msk $0xffff, v0  }
0x43: {  	s0 =	sadd.s32 $0x80, s0;
	v2 =	vld [tilespmem:s29+$0x3400]  }
0x44: {  	_ = 	snop  }
0x45: {  	v3 =	vld [tilespmem:s29+$0x3410];
	_ =	sdelay $0x6  }
0x46: {  	[tilespmem:v2+s17+$0x0] =	vst.idx.msk $0xffff, v0  }
0x47: {  	[tilespmem:v3+s17+$0x0] =	vst.idx.msk $0xffff, v0  }
.LBB2_9:
0x48: {  	s0 =	simm.s32 $0x0  }
0x49: {  	v3 =	vld [tilespmem:s0+$0x680]  }
0x4a: {  	v4 =	vld [tilespmem:s0+$0x0];
	_ =	sdelay $0x1  }
0x4b: {  	s29 =	smul.u32 $0xFFFFD88C, s26;
	_ =	sdelay $0x1  }
0x4c: {  	v2 =	vmov s29;
	v3 =	vmul.u32 $0x64, v3  }
0x4d: {  	v4 =	vadd.s32 v2, v4  }
0x4e: {  	v3 =	vadd.s32 v3, v4;
	_ =	sdelay $0x3  }
0x4f: {  	[tilespmem:s0+$0x3400] =	vst v3  }
0x50: {  	[tilespmem:v3+s17+$0x0] =	vst.idx.add.f32.msk $0xffff, v1  }
0x51: {  	v3 =	vld [tilespmem:s0+$0x690]  }
0x52: {  	v4 =	vld [tilespmem:s0+$0x10];
	_ =	sdelay $0x3  }
0x53: {  	v3 =	vmul.u32 $0x64, v3  }
0x54: {  	v4 =	vadd.s32 v2, v4  }
0x55: {  	v3 =	vadd.s32 v3, v4  }
0x56: {  	s30 =	simm.s32 $0x100;
	s29 =	simm.s32 $0x80;
	[tilespmem:s0+$0x3410] =	vst v3  }
.LBB2_10:
0x57: {  	_ =	sdelay $0x1  }
0x58: {  	p1 =	sne.s32 s30, $0x1880  }
0x59: {  	s0 =	sshra.s32 s29, $0x2;
	[tilespmem:v3+s17+$0x0] =	vst.idx.add.f32.msk $0xffff, v1;
	s29 =	smov.u32 s30;
	s30 =	sadd.s32 $0x80, s30  }
0x5a: {  	v3 =	vld [tilespmem:s0+$0x680]  }
0x5b: {  	v4 =	vld [tilespmem:s0+$0x0];
	_ =	sdelay $0x3  }
0x5c: {  	v3 =	vmul.u32 $0x64, v3  }
0x5d: {  	v4 =	vadd.s32 v2, v4  }
0x5e: {  	v3 =	vadd.s32 v3, v4;
	_ =	sdelay $0x3  }
0x5f: {  	[tilespmem:s0+$0x3400] =	vst v3  }
0x60: {  	[tilespmem:v3+s17+$0x0] =	vst.idx.add.f32.msk $0xffff, v1  }
0x61: {  	v3 =	vld [tilespmem:s0+$0x690]  }
0x62: {  	v4 =	vld [tilespmem:s0+$0x10];
	_ =	sdelay $0x2  }
.Ltmp8:
0x63: {  	(pc) =	sbr.rel @p1 .LBB2_10-.Ltmp8, $4  }
0x64: {  	v3 =	vmul.u32 $0x64, v3  }
0x65: {  	v4 =	vadd.s32 v2, v4  }
0x66: {  	v3 =	vadd.s32 v3, v4  }
0x67: {  	[tilespmem:s0+$0x3410] =	vst v3  }
0x68: {  	_ =	sdelay $0x3  }
0x69: {  	s0 =	sshra.s32 s29, $0x2;
	[tilespmem:v3+s17+$0x0] =	vst.idx.add.f32.msk $0xffff, v1  }
0x6a: {  	v3 =	vld [tilespmem:s0+$0x680]  }
0x6b: {  	v4 =	vld [tilespmem:s0+$0x0];
	_ =	sdelay $0x3  }
0x6c: {  	v3 =	vmul.u32 $0x64, v3  }
0x6d: {  	v4 =	vadd.s32 v2, v4  }
0x6e: {  	v3 =	vadd.s32 v3, v4;
	_ =	sdelay $0x3  }
0x6f: {  	[tilespmem:s0+$0x3400] =	vst v3  }
0x70: {  	[tilespmem:v3+s17+$0x0] =	vst.idx.add.f32.msk $0xffff, v1  }
0x71: {  	v3 =	vld [tilespmem:s0+$0x690]  }
0x72: {  	v63 =	vld [tilespmem:s0+$0x10];
	_ =	sdelay $0x3  }
0x73: {  	v3 =	vmul.u32 $0x64, v3  }
0x74: {  	v2 =	vadd.s32 v2, v63  }
0x75: {  	v2 =	vadd.s32 v3, v2;
	_ =	sdelay $0x2  }
0x76: {  	s29 =	smul.u32 $0x4E2, s26  }
0x77: {  	[tilespmem:s0+$0x3410] =	vst v2  }
0x78: {  	s31 =	sadd.s32 s5, s29;
	[tilespmem:v2+s17+$0x0] =	vst.idx.add.f32.msk $0xffff, v1  }
0x79: {  	[hbm4b:s31+s2] =	stream.linear.scatter [tilespmem:s17], [sflag:$0x5], $0x2710, $0x38;
	[tilespmem:$0x9000] =	vst v63  }
0x7a: {  	_ =	swait.ge [sflag:s18], $0x640  }
0x7b: {  	s29 =	sor.u32 $0x3, s26;
	[sflag:s18] =	ssyncset.done $0x0  }
0x7c: {  	p1 =	sge.u32 s29, s11;
	[sflag:s18] =	ssyncadd.s32 $0xFFFFF9C0  }
0x7d: {  	s0 =	smul.u32 @!p1 $0xC8, s29;
	_ =	swait.ge [sflag:s18], $0x640  }
.Ltmp9:
0x7e: {  	s1 =	simm.s32 @!p1 $0x2700;
	[sflag:s18] =	ssyncset.done $0x0;
	(pc) =	sbr.rel @p0 .LBB2_15-.Ltmp9, $4  }
0x7f: {  	s30 =	sadd.s32 @!p1 s3, s0;
	s31 =	simm.s32 @!p1 $0x0;
	[sflag:s18] =	ssyncadd.s32 $0xFFFFF9C0  }
0x80: {  	[tilespmem:s1], [sflag:$0x4] =	stream.linear.gather @!p1 [hbm4b:s30+s31], $0x640, $0x38;
	[tilespmem:$0x9000] =	vst v63  }
0x81: {  	s0 =	sadd.s32 @!p1 s4, s0;
	s1 =	simm.s32 @!p1 $0x2D80  }
0x82: {  	[tilespmem:s1], [sflag:$0x4] =	stream.linear.gather @!p1 [hbm4b:s0+s31], $0x640, $0x38;
	[tilespmem:$0x9000] =	vst v63  }
0x83: {  	_ =	swait.ge [sflag:s23], $0x2710  }
0x84: {  	[sflag:s23] =	ssyncset.done $0x0  }
0x85: {  	s30 =	simm.s32 $0x0;
	[sflag:s23] =	ssyncadd.s32 $0xFFFFD8F0  }
0x86: {  	s0 =	simm.s32 $0x80;
	v2 =	vld [tilespmem:s30+$0x3A80]  }
.LBB2_13:
0x87: {  	p0 =	sne.s32 s0, $0x1880;
	v3 =	vld [tilespmem:s30+$0x3A90];
	_ =	sdelay $0x4  }
.Ltmp10:
0x88: {  	(pc) =	sbr.rel @p0 .LBB2_13-.Ltmp10, $4  }
0x89: {  	_ = 	snop  }
0x8a: {  	[tilespmem:v2+s19+$0x0] =	vst.idx.msk $0xffff, v0  }
0x8b: {  	s30 =	sshra.s32 s0, $0x2;
	[tilespmem:v3+s19+$0x0] =	vst.idx.msk $0xffff, v0  }
0x8c: {  	s0 =	sadd.s32 $0x80, s0;
	v2 =	vld [tilespmem:s30+$0x3A80]  }
0x8d: {  	_ = 	snop  }
0x8e: {  	v3 =	vld [tilespmem:s30+$0x3A90];
	_ =	sdelay $0x6  }
0x8f: {  	[tilespmem:v2+s19+$0x0] =	vst.idx.msk $0xffff, v0  }
0x90: {  	[tilespmem:v3+s19+$0x0] =	vst.idx.msk $0xffff, v0  }
.LBB2_15:
0x91: {  	s1 =	simm.s32 $0x0  }
0x92: {  	v3 =	vld [tilespmem:s1+$0x1380]  }
0x93: {  	v4 =	vld [tilespmem:s1+$0xD00]  }
0x94: {  	s30 =	sor.u32 $0x1, s26  }
0x95: {  	s0 =	smul.u32 $0xFFFFD88C, s30;
	_ =	sdelay $0x1  }
0x96: {  	v2 =	vmov s0;
	v3 =	vmul.u32 $0x64, v3  }
0x97: {  	v4 =	vadd.s32 v2, v4  }
0x98: {  	v3 =	vadd.s32 v3, v4;
	_ =	sdelay $0x3  }
0x99: {  	[tilespmem:s1+$0x3A80] =	vst v3  }
0x9a: {  	[tilespmem:v3+s19+$0x0] =	vst.idx.add.f32.msk $0xffff, v1  }
0x9b: {  	v3 =	vld [tilespmem:s1+$0x1390]  }
0x9c: {  	v4 =	vld [tilespmem:s1+$0xD10];
	_ =	sdelay $0x3  }
0x9d: {  	v3 =	vmul.u32 $0x64, v3  }
0x9e: {  	v4 =	vadd.s32 v2, v4  }
0x9f: {  	v3 =	vadd.s32 v3, v4  }
0xa0: {  	s31 =	simm.s32 $0x80;
	s0 =	simm.s32 $0x100;
	[tilespmem:s1+$0x3A90] =	vst v3  }
.LBB2_16:
0xa1: {  	_ =	sdelay $0x1  }
0xa2: {  	p0 =	sne.s32 s0, $0x1880  }
0xa3: {  	s1 =	sshra.s32 s31, $0x2;
	[tilespmem:v3+s19+$0x0] =	vst.idx.add.f32.msk $0xffff, v1;
	s31 =	smov.u32 s0;
	s0 =	sadd.s32 $0x80, s0  }
0xa4: {  	v3 =	vld [tilespmem:s1+$0x1380]  }
0xa5: {  	v4 =	vld [tilespmem:s1+$0xD00];
	_ =	sdelay $0x3  }
0xa6: {  	v3 =	vmul.u32 $0x64, v3  }
0xa7: {  	v4 =	vadd.s32 v2, v4  }
0xa8: {  	v3 =	vadd.s32 v3, v4;
	_ =	sdelay $0x3  }
0xa9: {  	[tilespmem:s1+$0x3A80] =	vst v3  }
0xaa: {  	[tilespmem:v3+s19+$0x0] =	vst.idx.add.f32.msk $0xffff, v1  }
0xab: {  	v3 =	vld [tilespmem:s1+$0x1390]  }
0xac: {  	v4 =	vld [tilespmem:s1+$0xD10];
	_ =	sdelay $0x2  }
.Ltmp11:
0xad: {  	(pc) =	sbr.rel @p0 .LBB2_16-.Ltmp11, $4  }
0xae: {  	v3 =	vmul.u32 $0x64, v3  }
0xaf: {  	v4 =	vadd.s32 v2, v4  }
0xb0: {  	v3 =	vadd.s32 v3, v4  }
0xb1: {  	[tilespmem:s1+$0x3A90] =	vst v3  }
0xb2: {  	_ =	sdelay $0x3  }
0xb3: {  	s0 =	sshra.s32 s31, $0x2;
	[tilespmem:v3+s19+$0x0] =	vst.idx.add.f32.msk $0xffff, v1  }
0xb4: {  	v3 =	vld [tilespmem:s0+$0x1380]  }
0xb5: {  	v4 =	vld [tilespmem:s0+$0xD00];
	_ =	sdelay $0x3  }
0xb6: {  	v3 =	vmul.u32 $0x64, v3  }
0xb7: {  	v4 =	vadd.s32 v2, v4  }
0xb8: {  	v3 =	vadd.s32 v3, v4;
	_ =	sdelay $0x3  }
0xb9: {  	[tilespmem:s0+$0x3A80] =	vst v3  }
0xba: {  	[tilespmem:v3+s19+$0x0] =	vst.idx.add.f32.msk $0xffff, v1  }
0xbb: {  	v3 =	vld [tilespmem:s0+$0x1390]  }
0xbc: {  	v63 =	vld [tilespmem:s0+$0xD10];
	_ =	sdelay $0x3  }
0xbd: {  	v3 =	vmul.u32 $0x64, v3  }
0xbe: {  	v2 =	vadd.s32 v2, v63  }
0xbf: {  	v2 =	vadd.s32 v3, v2;
	_ =	sdelay $0x2  }
0xc0: {  	s1 =	smul.u32 $0x4E2, s30  }
0xc1: {  	[tilespmem:s0+$0x3A90] =	vst v2  }
0xc2: {  	s31 =	sadd.s32 s5, s1;
	[tilespmem:v2+s19+$0x0] =	vst.idx.add.f32.msk $0xffff, v1  }
0xc3: {  	[hbm4b:s31+s2] =	stream.linear.scatter [tilespmem:s19], [sflag:$0x6], $0x2710, $0x38;
	[tilespmem:$0x9000] =	vst v63  }
0xc4: {  	_ =	swait.ge [sflag:s20], $0x640  }
0xc5: {  	s0 =	sadd.s32 $0x4, s26;
	[sflag:s20] =	ssyncset.done $0x0  }
0xc6: {  	p0 =	sge.u32 s0, s11;
	[sflag:s20] =	ssyncadd.s32 $0xFFFFF9C0  }
0xc7: {  	s0 =	smul.u32 @!p0 $0xC8, s0;
	_ =	swait.ge [sflag:s20], $0x640  }
0xc8: {  	[sflag:s20] =	ssyncset.done $0x0  }
0xc9: {  	s30 =	simm.s32 @!p0 $0x0;
	s1 =	sadd.s32 @!p0 s3, s0;
	[sflag:s20] =	ssyncadd.s32 $0xFFFFF9C0  }
0xca: {  	[tilespmem:s30], [sflag:$0x1] =	stream.linear.gather @!p0 [hbm4b:s1+s30], $0x640, $0x38;
	[tilespmem:$0x9000] =	vst v63  }
0xcb: {  	s0 =	sadd.s32 @!p0 s4, s0;
	s1 =	simm.s32 @!p0 $0x680  }
0xcc: {  	[tilespmem:s1], [sflag:$0x1] =	stream.linear.gather @!p0 [hbm4b:s0+s30], $0x640, $0x38;
	[tilespmem:$0x9000] =	vst v63  }
0xcd: {  	_ =	swait.ge [sflag:s21], $0x2710  }
0xce: {  	[sflag:s21] =	ssyncset.done $0x0  }
0xcf: {  	s30 =	simm.s32 $0x0;
	[sflag:s21] =	ssyncadd.s32 $0xFFFFD8F0  }
0xd0: {  	s0 =	simm.s32 $0x80;
	v2 =	vld [tilespmem:s30+$0x3400]  }
.LBB2_18:
0xd1: {  	p0 =	sne.s32 s0, $0x1880;
	v3 =	vld [tilespmem:s30+$0x3410];
	_ =	sdelay $0x4  }
.Ltmp12:
0xd2: {  	(pc) =	sbr.rel @p0 .LBB2_18-.Ltmp12, $4  }
0xd3: {  	_ = 	snop  }
0xd4: {  	[tilespmem:v2+s17+$0x0] =	vst.idx.msk $0xffff, v0  }
0xd5: {  	s30 =	sshra.s32 s0, $0x2;
	[tilespmem:v3+s17+$0x0] =	vst.idx.msk $0xffff, v0  }
0xd6: {  	s0 =	sadd.s32 $0x80, s0;
	v2 =	vld [tilespmem:s30+$0x3400]  }
0xd7: {  	_ = 	snop  }
0xd8: {  	v3 =	vld [tilespmem:s30+$0x3410];
	_ =	sdelay $0x6  }
0xd9: {  	[tilespmem:v2+s17+$0x0] =	vst.idx.msk $0xffff, v0  }
0xda: {  	s1 =	simm.s32 $0x0;
	[tilespmem:v3+s17+$0x0] =	vst.idx.msk $0xffff, v0  }
0xdb: {  	v3 =	vld [tilespmem:s1+$0x2080]  }
0xdc: {  	v4 =	vld [tilespmem:s1+$0x1A00];
	_ =	sdelay $0x1  }
0xdd: {  	s0 =	smul.u32 $0xFFFFD88C, s28;
	_ =	sdelay $0x1  }
0xde: {  	v2 =	vmov s0;
	v3 =	vmul.u32 $0x64, v3  }
0xdf: {  	v4 =	vadd.s32 v2, v4  }
0xe0: {  	v3 =	vadd.s32 v3, v4;
	_ =	sdelay $0x3  }
0xe1: {  	[tilespmem:s1+$0x3400] =	vst v3  }
0xe2: {  	[tilespmem:v3+s17+$0x0] =	vst.idx.add.f32.msk $0xffff, v1  }
0xe3: {  	v3 =	vld [tilespmem:s1+$0x2090]  }
0xe4: {  	v4 =	vld [tilespmem:s1+$0x1A10];
	_ =	sdelay $0x3  }
0xe5: {  	v3 =	vmul.u32 $0x64, v3  }
0xe6: {  	v4 =	vadd.s32 v2, v4  }
0xe7: {  	v3 =	vadd.s32 v3, v4  }
0xe8: {  	s30 =	simm.s32 $0x80;
	s0 =	simm.s32 $0x100;
	[tilespmem:s1+$0x3410] =	vst v3  }
.LBB2_20:
0xe9: {  	_ =	sdelay $0x1  }
0xea: {  	p0 =	sne.s32 s0, $0x1880  }
0xeb: {  	s1 =	sshra.s32 s30, $0x2;
	[tilespmem:v3+s17+$0x0] =	vst.idx.add.f32.msk $0xffff, v1;
	s30 =	smov.u32 s0;
	s0 =	sadd.s32 $0x80, s0  }
0xec: {  	v3 =	vld [tilespmem:s1+$0x2080]  }
0xed: {  	v4 =	vld [tilespmem:s1+$0x1A00];
	_ =	sdelay $0x3  }
0xee: {  	v3 =	vmul.u32 $0x64, v3  }
0xef: {  	v4 =	vadd.s32 v2, v4  }
0xf0: {  	v3 =	vadd.s32 v3, v4;
	_ =	sdelay $0x3  }
0xf1: {  	[tilespmem:s1+$0x3400] =	vst v3  }
0xf2: {  	[tilespmem:v3+s17+$0x0] =	vst.idx.add.f32.msk $0xffff, v1  }
0xf3: {  	v3 =	vld [tilespmem:s1+$0x2090]  }
0xf4: {  	v4 =	vld [tilespmem:s1+$0x1A10];
	_ =	sdelay $0x2  }
.Ltmp13:
0xf5: {  	(pc) =	sbr.rel @p0 .LBB2_20-.Ltmp13, $4  }
0xf6: {  	v3 =	vmul.u32 $0x64, v3  }
0xf7: {  	v4 =	vadd.s32 v2, v4  }
0xf8: {  	v3 =	vadd.s32 v3, v4  }
0xf9: {  	[tilespmem:s1+$0x3410] =	vst v3  }
0xfa: {  	_ =	sdelay $0x3  }
0xfb: {  	s0 =	sshra.s32 s30, $0x2;
	[tilespmem:v3+s17+$0x0] =	vst.idx.add.f32.msk $0xffff, v1  }
0xfc: {  	v3 =	vld [tilespmem:s0+$0x2080]  }
0xfd: {  	v4 =	vld [tilespmem:s0+$0x1A00];
	_ =	sdelay $0x3  }
0xfe: {  	v3 =	vmul.u32 $0x64, v3  }
0xff: {  	v4 =	vadd.s32 v2, v4  }
0x100: {  	v3 =	vadd.s32 v3, v4;
	_ =	sdelay $0x3  }
0x101: {  	[tilespmem:s0+$0x3400] =	vst v3  }
0x102: {  	[tilespmem:v3+s17+$0x0] =	vst.idx.add.f32.msk $0xffff, v1  }
0x103: {  	v3 =	vld [tilespmem:s0+$0x2090]  }
0x104: {  	v63 =	vld [tilespmem:s0+$0x1A10];
	_ =	sdelay $0x3  }
0x105: {  	v3 =	vmul.u32 $0x64, v3  }
0x106: {  	v2 =	vadd.s32 v2, v63  }
0x107: {  	v2 =	vadd.s32 v3, v2;
	_ =	sdelay $0x2  }
0x108: {  	s1 =	smul.u32 $0x4E2, s28  }
0x109: {  	[tilespmem:s0+$0x3410] =	vst v2  }
0x10a: {  	s31 =	sadd.s32 s5, s1;
	[tilespmem:v2+s17+$0x0] =	vst.idx.add.f32.msk $0xffff, v1  }
0x10b: {  	[hbm4b:s31+s2] =	stream.linear.scatter [tilespmem:s17], [sflag:$0x5], $0x2710, $0x38;
	[tilespmem:$0x9000] =	vst v63  }
0x10c: {  	_ =	swait.ge [sflag:s22], $0x640  }
0x10d: {  	s0 =	sadd.s32 $0x5, s26;
	[sflag:s22] =	ssyncset.done $0x0  }
0x10e: {  	p0 =	sge.u32 s0, s11;
	[sflag:s22] =	ssyncadd.s32 $0xFFFFF9C0  }
0x10f: {  	s0 =	smul.u32 @!p0 $0xC8, s0;
	_ =	swait.ge [sflag:s22], $0x640  }
0x110: {  	s26 =	simm.s32 @!p0 $0x0;
	[sflag:s22] =	ssyncset.done $0x0  }
0x111: {  	s28 =	simm.s32 @!p0 $0xD00;
	s1 =	sadd.s32 @!p0 s3, s0;
	[sflag:s22] =	ssyncadd.s32 $0xFFFFF9C0  }
0x112: {  	[tilespmem:s28], [sflag:$0x2] =	stream.linear.gather @!p0 [hbm4b:s1+s26], $0x640, $0x38;
	[tilespmem:$0x9000] =	vst v63  }
0x113: {  	s0 =	sadd.s32 @!p0 s4, s0;
	s1 =	simm.s32 @!p0 $0x1380  }
0x114: {  	[tilespmem:s1], [sflag:$0x2] =	stream.linear.gather @!p0 [hbm4b:s0+s26], $0x640, $0x38;
	[tilespmem:$0x9000] =	vst v63  }
0x115: {  	_ =	swait.ge [sflag:s23], $0x2710  }
0x116: {  	[sflag:s23] =	ssyncset.done $0x0  }
0x117: {  	s26 =	simm.s32 $0x0;
	[sflag:s23] =	ssyncadd.s32 $0xFFFFD8F0  }
0x118: {  	s0 =	simm.s32 $0x80;
	v2 =	vld [tilespmem:s26+$0x3A80]  }
.LBB2_22:
0x119: {  	p0 =	sne.s32 s0, $0x1880;
	v3 =	vld [tilespmem:s26+$0x3A90];
	_ =	sdelay $0x4  }
.Ltmp14:
0x11a: {  	(pc) =	sbr.rel @p0 .LBB2_22-.Ltmp14, $4  }
0x11b: {  	_ = 	snop  }
0x11c: {  	[tilespmem:v2+s19+$0x0] =	vst.idx.msk $0xffff, v0  }
0x11d: {  	s26 =	sshra.s32 s0, $0x2;
	[tilespmem:v3+s19+$0x0] =	vst.idx.msk $0xffff, v0  }
0x11e: {  	s0 =	sadd.s32 $0x80, s0;
	v2 =	vld [tilespmem:s26+$0x3A80]  }
0x11f: {  	_ = 	snop  }
0x120: {  	v3 =	vld [tilespmem:s26+$0x3A90];
	_ =	sdelay $0x6  }
0x121: {  	[tilespmem:v2+s19+$0x0] =	vst.idx.msk $0xffff, v0  }
0x122: {  	s1 =	simm.s32 $0x0;
	[tilespmem:v3+s19+$0x0] =	vst.idx.msk $0xffff, v0  }
0x123: {  	v3 =	vld [tilespmem:s1+$0x2D80]  }
0x124: {  	v4 =	vld [tilespmem:s1+$0x2700];
	_ =	sdelay $0x1  }
0x125: {  	s0 =	smul.u32 $0xFFFFD88C, s29;
	_ =	sdelay $0x1  }
0x126: {  	v2 =	vmov s0;
	v3 =	vmul.u32 $0x64, v3  }
0x127: {  	v4 =	vadd.s32 v2, v4  }
0x128: {  	v3 =	vadd.s32 v3, v4;
	_ =	sdelay $0x3  }
0x129: {  	[tilespmem:s1+$0x3A80] =	vst v3  }
0x12a: {  	[tilespmem:v3+s19+$0x0] =	vst.idx.add.f32.msk $0xffff, v1  }
0x12b: {  	v3 =	vld [tilespmem:s1+$0x2D90]  }
0x12c: {  	v4 =	vld [tilespmem:s1+$0x2710];
	_ =	sdelay $0x3  }
0x12d: {  	v3 =	vmul.u32 $0x64, v3  }
0x12e: {  	v4 =	vadd.s32 v2, v4  }
0x12f: {  	v3 =	vadd.s32 v3, v4  }
0x130: {  	s26 =	simm.s32 $0x80;
	s0 =	simm.s32 $0x100;
	[tilespmem:s1+$0x3A90] =	vst v3  }
.LBB2_24:
0x131: {  	_ =	sdelay $0x1  }
0x132: {  	p0 =	sne.s32 s0, $0x1880  }
0x133: {  	s1 =	sshra.s32 s26, $0x2;
	[tilespmem:v3+s19+$0x0] =	vst.idx.add.f32.msk $0xffff, v1;
	s26 =	smov.u32 s0;
	s0 =	sadd.s32 $0x80, s0  }
0x134: {  	v3 =	vld [tilespmem:s1+$0x2D80]  }
0x135: {  	v4 =	vld [tilespmem:s1+$0x2700];
	_ =	sdelay $0x3  }
0x136: {  	v3 =	vmul.u32 $0x64, v3  }
0x137: {  	v4 =	vadd.s32 v2, v4  }
0x138: {  	v3 =	vadd.s32 v3, v4;
	_ =	sdelay $0x3  }
0x139: {  	[tilespmem:s1+$0x3A80] =	vst v3  }
0x13a: {  	[tilespmem:v3+s19+$0x0] =	vst.idx.add.f32.msk $0xffff, v1  }
0x13b: {  	v3 =	vld [tilespmem:s1+$0x2D90]  }
0x13c: {  	v4 =	vld [tilespmem:s1+$0x2710];
	_ =	sdelay $0x2  }
.Ltmp15:
0x13d: {  	(pc) =	sbr.rel @p0 .LBB2_24-.Ltmp15, $4  }
0x13e: {  	v3 =	vmul.u32 $0x64, v3  }
0x13f: {  	v4 =	vadd.s32 v2, v4  }
0x140: {  	v3 =	vadd.s32 v3, v4  }
0x141: {  	[tilespmem:s1+$0x3A90] =	vst v3  }
0x142: {  	_ =	sdelay $0x3  }
0x143: {  	s0 =	sshra.s32 s26, $0x2;
	[tilespmem:v3+s19+$0x0] =	vst.idx.add.f32.msk $0xffff, v1  }
0x144: {  	v3 =	vld [tilespmem:s0+$0x2D80]  }
0x145: {  	v4 =	vld [tilespmem:s0+$0x2700];
	_ =	sdelay $0x3  }
0x146: {  	v3 =	vmul.u32 $0x64, v3  }
0x147: {  	v4 =	vadd.s32 v2, v4  }
0x148: {  	v3 =	vadd.s32 v3, v4;
	_ =	sdelay $0x3  }
0x149: {  	[tilespmem:s0+$0x3A80] =	vst v3  }
0x14a: {  	[tilespmem:v3+s19+$0x0] =	vst.idx.add.f32.msk $0xffff, v1  }
0x14b: {  	v3 =	vld [tilespmem:s0+$0x2D90]  }
0x14c: {  	v63 =	vld [tilespmem:s0+$0x2710];
	_ =	sdelay $0x3  }
0x14d: {  	v3 =	vmul.u32 $0x64, v3  }
0x14e: {  	v2 =	vadd.s32 v2, v63  }
0x14f: {  	v2 =	vadd.s32 v3, v2;
	_ =	sdelay $0x1  }
.Ltmp16:
0x150: {  	_ = 	snop;
	(pc) =	sbr.rel .LBB2_26-.Ltmp16, $4  }
0x151: {  	s1 =	smul.u32 $0x4E2, s29  }
0x152: {  	[tilespmem:s0+$0x3A90] =	vst v2  }
0x153: {  	s31 =	sadd.s32 s5, s1;
	[tilespmem:v2+s19+$0x0] =	vst.idx.add.f32.msk $0xffff, v1  }
0x154: {  	[hbm4b:s31+s2] =	stream.linear.scatter [tilespmem:s19], [sflag:$0x6], $0x2710, $0x38;
	[tilespmem:$0x9000] =	vst v63  }
.LBB2_28:
0x155: {  	_ =	sfence.sel $0x180000  }
0x156: {  	[bflag:$0x0] =	sbarrier.arrive $0xFFFF  }
0x157: {  	_ =	strace $0x90000047  }
0x158: {  	s0 =	stileid.u32;
	[bflag:$0x2] =	sbarrier.arrive $0xFFFF  }
0x159: {  	p0 =	sne.s32 s0, $0x0;
	s0 =	rddreg [dreg:$0x1]  }
0x15a: {  	s0 =	sadd.s32 @!p0 $0x100000, s0  }
0x15b: {  	[sflag:s0] =	ssyncadd.tile.s32 @!p0 $0x1;
	_ =	shalt  }
.Lfunc_end2:
_tile_overlayer_lowered:
.L_overlay_start_2:
0x15c: {  	(tag) =	ssettag $0x2  }
0x15d: {  	s0 =	rddreg [dreg:$0x0];
	s2 =	stileid.u32  }
0x15e: {  	s1 =	rddreg [dreg:$0x1];
	p0 =	sne.s32 s2, $0x0  }
0x15f: {  	s3 =	rddreg [dreg:$0x2];
	[bflag:$0x3] =	sbarrier.arrive $0xFFFF;
	s2 =	simm.s32 @!p0 $0x1C07  }
0x160: {  	[timem:s3], [sflag:s2] =	dma.local @!p0 [hbm:s0], s1  }
0x161: {  	s0 =	simm.s32 @!p0 $0x7  }
0x162: {  	_ =	swait.ge @!p0 [sflag:s0], s1  }
0x163: {  	s1 =	ssub.s32 @!p0 $0x0, s1;
	[sflag:s0] =	ssyncset.done @!p0 $0x0  }
0x164: {  	[sflag:s0] =	ssyncadd.s32 @!p0 s1  }
0x165: {  	[bflag:$0x3] =	sbarrier.arrive $0xFFFF  }
0x166: {  	_ =	shalt  }

</sc_bundles>
